<compile_context>
chip_gen: v7x
topology: tpu7x:2x2x1
jax: 0.10.2.dev20260603
libtpu: 0.0.44.dev20260713+nightly
codegen_flags: <defaults>
</compile_context>

<pallas_src>
import functools

import jax
import jax.numpy as jnp
from jax import lax
from jax.experimental import pallas as pl
from jax.experimental.pallas import tpu as pltpu
from jax.experimental.pallas import tpu_sc as plsc

DIM = 64
B = 16384
NEG = 20
NC, NS = 2, 16
NW = NC * NS
NB = B // NW
NNEG = NB * NEG
NLOOK = NB + NNEG
CHUNK = 256
NCHUNK = NLOOK // CHUNK
NBUF = 5
NROUND = (NCHUNK + NBUF - 1) // NBUF
GR = 128


def _dot16(a_ref, a_rows, b_ref, b_rows):
    dvec = jnp.zeros((16,), jnp.int32)
    accs = [jnp.zeros((16,), jnp.float32) for _ in range(4)]
    for d in range(DIM):
        accs[d % 4] = accs[d % 4] + (plsc.load_gather(a_ref, [a_rows, dvec])
                                     * plsc.load_gather(b_ref, [b_rows, dvec]))
        dvec = dvec + 1
    return (accs[0] + accs[1]) + (accs[2] + accs[3])


def _sc_body(center_hbm, context_hbm, negflat_hbm, tbl_hbm,
             pos_out, neg_out,
             idx_c, idx_k, vc, bufs, chunk_s, sems, semP):
    wid = lax.axis_index("s") * NC + lax.axis_index("c")
    base = wid * NB
    nbase = wid * NNEG

    pltpu.sync_copy(center_hbm.at[pl.ds(base, NB)], idx_c)
    pltpu.sync_copy(context_hbm.at[pl.ds(base, NB)], idx_k.at[pl.ds(0, NB)])
    pltpu.sync_copy(negflat_hbm.at[pl.ds(nbase, NNEG)], idx_k.at[pl.ds(NB, NNEG)])

    def dbl_c(t, carry):
        for u in range(4):
            sl = pl.ds(t * 64 + u * 16, 16)
            idx_c[sl] = idx_c[sl] * 2
        return carry
    lax.fori_loop(0, NB // 64, dbl_c, 0)

    def dbl_k(t, carry):
        for u in range(4):
            sl = pl.ds(t * 64 + u * 16, 16)
            idx_k[sl] = idx_k[sl] * 2 + 1
        return carry
    lax.fori_loop(0, NLOOK // 64, dbl_k, 0)

    vc_copies = []
    for t in range(NB // GR):
        sl = pl.ds(t * GR, GR)
        vc_copies.append(pltpu.async_copy(tbl_hbm.at[idx_c.at[sl]], vc.at[sl], semP))

    def start_chunk(ci, buf, sem):
        off = ci * CHUNK
        for o in (0, GR):
            pltpu.async_copy(tbl_hbm.at[idx_k.at[pl.ds(off + o, GR)]],
                             buf.at[pl.ds(o, GR)], sem)

    def wait_chunk(buf, sem):
        pltpu.make_async_copy(tbl_hbm.at[pl.ds(0, CHUNK)], buf, sem).wait()

    for b in range(NBUF - 1):
        start_chunk(b, bufs[b], sems[b])

    for c in vc_copies:
        c.wait()

    lane = lax.iota(jnp.int32, 16)

    def compute_chunk(ci, buf, sbuf):
        def g_body(g, carry):
            rvec = g * 16 + lane
            rgl = ci * CHUNK + rvec
            brow = jnp.where(rgl < NB, rgl, (rgl - NB) // NEG)
            sbuf[pl.ds(g * 16, 16)] = _dot16(buf, rvec, vc, brow)
            return carry
        lax.fori_loop(0, CHUNK // 16, g_body, 0)

    def flush_scores(ci, sbuf):
        @pl.when(ci < NB // CHUNK)
        def _():
            pltpu.sync_copy(sbuf, pos_out.at[pl.ds(base + ci * CHUNK, CHUNK)])

        @pl.when(ci >= NB // CHUNK)
        def _():
            pltpu.sync_copy(
                sbuf, neg_out.at[pl.ds(nbase + (ci - NB // CHUNK) * CHUNK, CHUNK)])

    def round_body(r, carry):
        for b in range(NBUF):
            ci = r * NBUF + b

            @pl.when(ci < NCHUNK)
            def _():
                wait_chunk(bufs[b], sems[b])

                @pl.when(ci + NBUF - 1 < NCHUNK)
                def _():
                    start_chunk(ci + NBUF - 1, bufs[b - 1], sems[b - 1])
                compute_chunk(ci, bufs[b], chunk_s)
                flush_scores(ci, chunk_s)
        return carry

    lax.fori_loop(0, NROUND, round_body, 0)


def _sc_entry(center_hbm, context_hbm, negflat_hbm, tbl_hbm,
              pos_out, neg_out,
              idx_c, idx_k, vc, b0, b1, b2, b3, b4, chunk_s,
              s0, s1, s2, s3, s4, semP):
    _sc_body(center_hbm, context_hbm, negflat_hbm, tbl_hbm,
             pos_out, neg_out, idx_c, idx_k, vc,
             [b0, b1, b2, b3, b4], chunk_s,
             [s0, s1, s2, s3, s4], semP)


_sc_scores = pl.kernel(
    _sc_entry,
    out_type=(jax.ShapeDtypeStruct((B,), jnp.float32),
              jax.ShapeDtypeStruct((B * NEG,), jnp.float32)),
    mesh=plsc.VectorSubcoreMesh(core_axis_name="c", subcore_axis_name="s"),
    scratch_types=[
        pltpu.VMEM((NB,), jnp.int32),
        pltpu.VMEM((NLOOK,), jnp.int32),
        pltpu.VMEM((NB, DIM), jnp.float32),
        pltpu.VMEM((CHUNK, DIM), jnp.float32),
        pltpu.VMEM((CHUNK, DIM), jnp.float32),
        pltpu.VMEM((CHUNK, DIM), jnp.float32),
        pltpu.VMEM((CHUNK, DIM), jnp.float32),
        pltpu.VMEM((CHUNK, DIM), jnp.float32),
        pltpu.VMEM((CHUNK,), jnp.float32),
        pltpu.SemaphoreType.DMA,
        pltpu.SemaphoreType.DMA,
        pltpu.SemaphoreType.DMA,
        pltpu.SemaphoreType.DMA,
        pltpu.SemaphoreType.DMA,
        pltpu.SemaphoreType.DMA,
    ],
    compiler_params=pltpu.CompilerParams(needs_layout_passes=False,
                                         use_tc_tiling_on_sc=False),
)


VOCAB = 1000000
TRB = 1024


def _tr_body(c_ref, x_ref, out_ref):
    out_ref[:, 0:DIM] = c_ref[...].T
    out_ref[:, DIM:2 * DIM] = x_ref[...].T


_tc_transpose = pl.pallas_call(
    _tr_body,
    grid=((VOCAB + TRB - 1) // TRB,),
    in_specs=[pl.BlockSpec((DIM, TRB), lambda i: (0, i)),
              pl.BlockSpec((DIM, TRB), lambda i: (0, i))],
    out_specs=pl.BlockSpec((TRB, 128), lambda i: (i, 0)),
    out_shape=jax.ShapeDtypeStruct((VOCAB, 128), jnp.float32),
)


def _to_table(embc, embx):
    return _tc_transpose(embc.T, embx.T).reshape(2 * VOCAB, DIM)


def _logsig(x):
    return jnp.minimum(x, 0.0) - jnp.log1p(jnp.exp(-jnp.abs(x)))


def _loss_body(pos_ref, neg_ref, out_ref):
    loss = -jnp.sum(_logsig(pos_ref[...])) - jnp.sum(_logsig(-neg_ref[...]))
    out_ref[0, 0] = loss


_tc_loss = pl.pallas_call(
    _loss_body,
    out_shape=jax.ShapeDtypeStruct((1, 1), jnp.float32),
    out_specs=pl.BlockSpec(memory_space=pltpu.SMEM),
)


def kernel(center_word, context_word, negative_samples, emb_center, emb_context):
    neg_flat = negative_samples.reshape(-1)
    pos_s, neg_s = _sc_scores(center_word, context_word, neg_flat,
                              _to_table(emb_center, emb_context))
    loss = _tc_loss(pos_s.reshape(B // 128, 128), neg_s.reshape(B * NEG // 128, 128))
    return loss[0, 0]

# --- scband reference (transcript-rebuilt; emitter-appended) ---
"""Pipeline reference for scband-skip-gram-27539330302011 (READ-ONLY COPY).

The authoritative reference and input builder live on the scoring server;
editing this copy changes nothing except your own understanding.
"""

import jax, jax.numpy as jnp
import numpy as np

VOCAB = 1000000
DIM = 64
BATCH = 16384
NEG = 20


def setup_inputs(seed: int = 0) -> dict:
    key = jax.random.key(seed)
    k1, k2, k3, k4, k5 = jax.random.split(key, 5)
    center_word = jax.random.randint(k1, (BATCH,), 0, VOCAB, dtype=jnp.int64 if jax.config.jax_enable_x64 else jnp.int32)
    context_word = jax.random.randint(k2, (BATCH,), 0, VOCAB, dtype=jnp.int64 if jax.config.jax_enable_x64 else jnp.int32)
    negative_samples = jax.random.randint(k3, (BATCH, NEG), 0, VOCAB, dtype=jnp.int64 if jax.config.jax_enable_x64 else jnp.int32)
    emb_center = jax.random.normal(k4, (VOCAB, DIM), dtype=jnp.float32)
    emb_context = jax.random.normal(k5, (VOCAB, DIM), dtype=jnp.float32)
    return {
        "center_word": center_word,
        "context_word": context_word,
        "negative_samples": negative_samples,
        "emb_center": emb_center,
        "emb_context": emb_context,
    }


def reference(center_word, context_word, negative_samples, emb_center, emb_context):
    # v_c = embedding_center(center_word)  -> gather
    v_c = jnp.take(emb_center, center_word, axis=0)            # [B, D]
    # u_o = embedding_context(context_word)
    u_o = jnp.take(emb_context, context_word, axis=0)          # [B, D]
    # positive part: -sum(logsigmoid(sum(v_c * u_o, dim=1)))
    pos_score = jnp.sum(v_c * u_o, axis=1)                     # [B]
    loss = -jnp.sum(jax.nn.log_sigmoid(pos_score))
    # negative part: ns = embedding_context(negative_samples)  -> [B, K, D]
    ns = jnp.take(emb_context, negative_samples, axis=0)       # [B, K, D]
    # bmm(ns, v_c[:, :, None]) -> [B, K, 1]
    neg_score = jnp.einsum('bkd,bd->bk', ns, v_c)[..., None]   # [B, K, 1]
    loss_ns = jnp.sum(jax.nn.log_sigmoid(-neg_score))
    return loss - loss_ns


if False:  # reference __main__ guard neutralized (emitter)
    out = reference(**setup_inputs())
    print(out)

if __name__ == "__main__":
    import jax
    _d = setup_inputs()
    print(jax.jit(kernel)(*tuple(_d.values())))

</pallas_src>

<mosaic_0001>
#map = affine_map<(d0, d1) -> (0)>
#map1 = affine_map<(d0, d1) -> (0, 0)>
module attributes {stable_mosaic.version = 14 : i64} {
  func.func @_sc_entry(%arg0: i32, %arg1: i32, %arg2: memref<16384xi32, #tpu.memory_space<hbm>>, %arg3: memref<16384xi32, #tpu.memory_space<hbm>>, %arg4: memref<327680xi32, #tpu.memory_space<hbm>>, %arg5: memref<2000000x64xf32, #tpu.memory_space<hbm>>, %arg6: memref<16384xf32, #tpu.memory_space<hbm>>, %arg7: memref<327680xf32, #tpu.memory_space<hbm>>, %arg8: memref<512xi32, #tpu.memory_space<vmem>>, %arg9: memref<10752xi32, #tpu.memory_space<vmem>>, %arg10: memref<512x64xf32, #tpu.memory_space<vmem>>, %arg11: memref<256x64xf32, #tpu.memory_space<vmem>>, %arg12: memref<256x64xf32, #tpu.memory_space<vmem>>, %arg13: memref<256x64xf32, #tpu.memory_space<vmem>>, %arg14: memref<256x64xf32, #tpu.memory_space<vmem>>, %arg15: memref<256x64xf32, #tpu.memory_space<vmem>>, %arg16: memref<256xf32, #tpu.memory_space<vmem>>, %arg17: memref<!tpu.dma_semaphore, #tpu.memory_space<semaphore_mem>>, %arg18: memref<!tpu.dma_semaphore, #tpu.memory_space<semaphore_mem>>, %arg19: memref<!tpu.dma_semaphore, #tpu.memory_space<semaphore_mem>>, %arg20: memref<!tpu.dma_semaphore, #tpu.memory_space<semaphore_mem>>, %arg21: memref<!tpu.dma_semaphore, #tpu.memory_space<semaphore_mem>>, %arg22: memref<!tpu.dma_semaphore, #tpu.memory_space<semaphore_mem>>) attributes {dimension_semantics = [#tpu.dimension_semantics<core_parallel>, #tpu.dimension_semantics<subcore_parallel>], iteration_bounds = array<i64: 2, 16>, scalar_prefetch = 0 : i64, scratch_operands = 15 : i64, tpu.core_type = #tpu.core_type<sc_vector_subcore>, window_params = [{transform_indices = #map}, {transform_indices = #map}, {transform_indices = #map}, {transform_indices = #map1}, {transform_indices = #map}, {transform_indices = #map}]} {
    %mul3A = arith.constant 2 : i32
    %mul3A_0 = arith.muli %arg1, %mul3A : i32
    %add3A = arith.addi %mul3A_0, %arg0 : i32
    %mul3A_1 = arith.constant 512 : i32
    %mul3A_2 = arith.muli %add3A, %mul3A_1 : i32
    %mul3A_3 = arith.constant 10240 : i32
    %mul3A_4 = arith.muli %add3A, %mul3A_3 : i32
    "tpu.region"() ({
      %run_scoped3A = tpu.sem_alloc : memref<!tpu.dma_semaphore, #tpu.memory_space<semaphore_mem>>
      %dma_start3A_148 = tpu.memref_slice %arg2[%mul3A_2] : memref<16384xi32, #tpu.memory_space<hbm>> -> memref<512xi32, #tpu.memory_space<hbm>>
      %dma_start3A_149 = tpu.memref_slice %arg2[%mul3A_2] : memref<16384xi32, #tpu.memory_space<hbm>> -> memref<512xi32, #tpu.memory_space<hbm>>
      tpu.enqueue_dma source(%dma_start3A_149 : memref<512xi32, #tpu.memory_space<hbm>>) target(%arg8 : memref<512xi32, #tpu.memory_space<vmem>>) target_semaphore(%run_scoped3A : memref<!tpu.dma_semaphore, #tpu.memory_space<semaphore_mem>>)
      %dma_wait3A_150 = tpu.memref_slice %arg2[%mul3A_2] : memref<16384xi32, #tpu.memory_space<hbm>> -> memref<512xi32, #tpu.memory_space<hbm>>
      %dma_wait3A_151 = tpu.memref_slice %arg2[%mul3A_2] : memref<16384xi32, #tpu.memory_space<hbm>> -> memref<512xi32, #tpu.memory_space<hbm>>
      tpu.wait_dma2 semaphore(%run_scoped3A : memref<!tpu.dma_semaphore, #tpu.memory_space<semaphore_mem>>) src(%dma_wait3A_151 : memref<512xi32, #tpu.memory_space<hbm>>) dst(%arg8 : memref<512xi32, #tpu.memory_space<vmem>>)
      tpu.yield
    }) : () -> ()
    "tpu.region"() ({
      %run_scoped3A = tpu.sem_alloc : memref<!tpu.dma_semaphore, #tpu.memory_space<semaphore_mem>>
      %dma_start3A_148 = arith.constant 0 : i32
      %dma_start3A_149 = tpu.memref_slice %arg9[%dma_start3A_148] : memref<10752xi32, #tpu.memory_space<vmem>> -> memref<512xi32, #tpu.memory_space<vmem>>
      %dma_start3A_150 = tpu.memref_slice %arg3[%mul3A_2] : memref<16384xi32, #tpu.memory_space<hbm>> -> memref<512xi32, #tpu.memory_space<hbm>>
      %dma_start3A_151 = arith.constant 0 : i32
      %dma_start3A_152 = tpu.memref_slice %arg9[%dma_start3A_151] : memref<10752xi32, #tpu.memory_space<vmem>> -> memref<512xi32, #tpu.memory_space<vmem>>
      %dma_start3A_153 = tpu.memref_slice %arg3[%mul3A_2] : memref<16384xi32, #tpu.memory_space<hbm>> -> memref<512xi32, #tpu.memory_space<hbm>>
      tpu.enqueue_dma source(%dma_start3A_153 : memref<512xi32, #tpu.memory_space<hbm>>) target(%dma_start3A_152 : memref<512xi32, #tpu.memory_space<vmem>>) target_semaphore(%run_scoped3A : memref<!tpu.dma_semaphore, #tpu.memory_space<semaphore_mem>>)
      %dma_wait3A_154 = arith.constant 0 : i32
      %dma_wait3A_155 = tpu.memref_slice %arg9[%dma_wait3A_154] : memref<10752xi32, #tpu.memory_space<vmem>> -> memref<512xi32, #tpu.memory_space<vmem>>
      %dma_wait3A_156 = tpu.memref_slice %arg3[%mul3A_2] : memref<16384xi32, #tpu.memory_space<hbm>> -> memref<512xi32, #tpu.memory_space<hbm>>
      %dma_wait3A_157 = arith.constant 0 : i32
      %dma_wait3A_158 = tpu.memref_slice %arg9[%dma_wait3A_157] : memref<10752xi32, #tpu.memory_space<vmem>> -> memref<512xi32, #tpu.memory_space<vmem>>
      %dma_wait3A_159 = tpu.memref_slice %arg3[%mul3A_2] : memref<16384xi32, #tpu.memory_space<hbm>> -> memref<512xi32, #tpu.memory_space<hbm>>
      tpu.wait_dma2 semaphore(%run_scoped3A : memref<!tpu.dma_semaphore, #tpu.memory_space<semaphore_mem>>) src(%dma_wait3A_159 : memref<512xi32, #tpu.memory_space<hbm>>) dst(%dma_wait3A_158 : memref<512xi32, #tpu.memory_space<vmem>>)
      tpu.yield
    }) : () -> ()
    "tpu.region"() ({
      %run_scoped3A = tpu.sem_alloc : memref<!tpu.dma_semaphore, #tpu.memory_space<semaphore_mem>>
      %dma_start3A_148 = arith.constant 512 : i32
      %dma_start3A_149 = tpu.memref_slice %arg9[%dma_start3A_148] : memref<10752xi32, #tpu.memory_space<vmem>> -> memref<10240xi32, #tpu.memory_space<vmem>>
      %dma_start3A_150 = tpu.memref_slice %arg4[%mul3A_4] : memref<327680xi32, #tpu.memory_space<hbm>> -> memref<10240xi32, #tpu.memory_space<hbm>>
      %dma_start3A_151 = arith.constant 512 : i32
      %dma_start3A_152 = tpu.memref_slice %arg9[%dma_start3A_151] : memref<10752xi32, #tpu.memory_space<vmem>> -> memref<10240xi32, #tpu.memory_space<vmem>>
      %dma_start3A_153 = tpu.memref_slice %arg4[%mul3A_4] : memref<327680xi32, #tpu.memory_space<hbm>> -> memref<10240xi32, #tpu.memory_space<hbm>>
      tpu.enqueue_dma source(%dma_start3A_153 : memref<10240xi32, #tpu.memory_space<hbm>>) target(%dma_start3A_152 : memref<10240xi32, #tpu.memory_space<vmem>>) target_semaphore(%run_scoped3A : memref<!tpu.dma_semaphore, #tpu.memory_space<semaphore_mem>>)
      %dma_wait3A_154 = arith.constant 512 : i32
      %dma_wait3A_155 = tpu.memref_slice %arg9[%dma_wait3A_154] : memref<10752xi32, #tpu.memory_space<vmem>> -> memref<10240xi32, #tpu.memory_space<vmem>>
      %dma_wait3A_156 = tpu.memref_slice %arg4[%mul3A_4] : memref<327680xi32, #tpu.memory_space<hbm>> -> memref<10240xi32, #tpu.memory_space<hbm>>
      %dma_wait3A_157 = arith.constant 512 : i32
      %dma_wait3A_158 = tpu.memref_slice %arg9[%dma_wait3A_157] : memref<10752xi32, #tpu.memory_space<vmem>> -> memref<10240xi32, #tpu.memory_space<vmem>>
      %dma_wait3A_159 = tpu.memref_slice %arg4[%mul3A_4] : memref<327680xi32, #tpu.memory_space<hbm>> -> memref<10240xi32, #tpu.memory_space<hbm>>
      tpu.wait_dma2 semaphore(%run_scoped3A : memref<!tpu.dma_semaphore, #tpu.memory_space<semaphore_mem>>) src(%dma_wait3A_159 : memref<10240xi32, #tpu.memory_space<hbm>>) dst(%dma_wait3A_158 : memref<10240xi32, #tpu.memory_space<vmem>>)
      tpu.yield
    }) : () -> ()
    %scan3A = arith.constant 0 : i32
    %scan3A_5 = arith.constant 0 : i32
    %scan3A_6 = arith.constant 8 : i32
    %scan3A_7 = arith.addi %scan3A_5, %scan3A_6 : i32
    %scan3A_8 = arith.constant 1 : i32
    scf.for %scan3A_148 = %scan3A_5 to %scan3A_7 step %scan3A_8  : i32 {
      %mul3A_149 = arith.constant 64 : i32
      %mul3A_150 = arith.muli %scan3A_148, %mul3A_149 : i32
      %add3A_151 = arith.constant 0 : i32
      %add3A_152 = arith.addi %mul3A_150, %add3A_151 : i32
      %get3A = arith.index_cast %add3A_152 : i32 to index
      %get3A_153 = tpu.vector_load %arg8[%get3A] {strides = array<i32>} : memref<512xi32, #tpu.memory_space<vmem>>, vector<16xi32>,
      %mul3A_154 = arith.constant 2 : i32
      %mul3A_155 = vector.broadcast %mul3A_154 : i32 to vector<16xi32>
      %mul3A_156 = arith.muli %get3A_153, %mul3A_155 : vector<16xi32>
      %swap3A = arith.index_cast %add3A_152 : i32 to index
      %swap3A_157 = tpu.vector_load %arg8[%swap3A] {strides = array<i32>} : memref<512xi32, #tpu.memory_space<vmem>>, vector<16xi32>,
      tpu.vector_store %arg8[%swap3A], %mul3A_156 {strides = array<i32>} : memref<512xi32, #tpu.memory_space<vmem>>, vector<16xi32>,
      %mul3A_158 = arith.constant 64 : i32
      %mul3A_159 = arith.muli %scan3A_148, %mul3A_158 : i32
      %add3A_160 = arith.constant 16 : i32
      %add3A_161 = arith.addi %mul3A_159, %add3A_160 : i32
      %get3A_162 = arith.index_cast %add3A_161 : i32 to index
      %get3A_163 = tpu.vector_load %arg8[%get3A_162] {strides = array<i32>} : memref<512xi32, #tpu.memory_space<vmem>>, vector<16xi32>,
      %mul3A_164 = arith.constant 2 : i32
      %mul3A_165 = vector.broadcast %mul3A_164 : i32 to vector<16xi32>
      %mul3A_166 = arith.muli %get3A_163, %mul3A_165 : vector<16xi32>
      %swap3A_167 = arith.index_cast %add3A_161 : i32 to index
      %swap3A_168 = tpu.vector_load %arg8[%swap3A_167] {strides = array<i32>} : memref<512xi32, #tpu.memory_space<vmem>>, vector<16xi32>,
      tpu.vector_store %arg8[%swap3A_167], %mul3A_166 {strides = array<i32>} : memref<512xi32, #tpu.memory_space<vmem>>, vector<16xi32>,
      %mul3A_169 = arith.constant 64 : i32
      %mul3A_170 = arith.muli %scan3A_148, %mul3A_169 : i32
      %add3A_171 = arith.constant 32 : i32
      %add3A_172 = arith.addi %mul3A_170, %add3A_171 : i32
      %get3A_173 = arith.index_cast %add3A_172 : i32 to index
      %get3A_174 = tpu.vector_load %arg8[%get3A_173] {strides = array<i32>} : memref<512xi32, #tpu.memory_space<vmem>>, vector<16xi32>,
      %mul3A_175 = arith.constant 2 : i32
      %mul3A_176 = vector.broadcast %mul3A_175 : i32 to vector<16xi32>
      %mul3A_177 = arith.muli %get3A_174, %mul3A_176 : vector<16xi32>
      %swap3A_178 = arith.index_cast %add3A_172 : i32 to index
      %swap3A_179 = tpu.vector_load %arg8[%swap3A_178] {strides = array<i32>} : memref<512xi32, #tpu.memory_space<vmem>>, vector<16xi32>,
      tpu.vector_store %arg8[%swap3A_178], %mul3A_177 {strides = array<i32>} : memref<512xi32, #tpu.memory_space<vmem>>, vector<16xi32>,
      %mul3A_180 = arith.constant 64 : i32
      %mul3A_181 = arith.muli %scan3A_148, %mul3A_180 : i32
      %add3A_182 = arith.constant 48 : i32
      %add3A_183 = arith.addi %mul3A_181, %add3A_182 : i32
      %get3A_184 = arith.index_cast %add3A_183 : i32 to index
      %get3A_185 = tpu.vector_load %arg8[%get3A_184] {strides = array<i32>} : memref<512xi32, #tpu.memory_space<vmem>>, vector<16xi32>,
      %mul3A_186 = arith.constant 2 : i32
      %mul3A_187 = vector.broadcast %mul3A_186 : i32 to vector<16xi32>
      %mul3A_188 = arith.muli %get3A_185, %mul3A_187 : vector<16xi32>
      %swap3A_189 = arith.index_cast %add3A_183 : i32 to index
      %swap3A_190 = tpu.vector_load %arg8[%swap3A_189] {strides = array<i32>} : memref<512xi32, #tpu.memory_space<vmem>>, vector<16xi32>,
      tpu.vector_store %arg8[%swap3A_189], %mul3A_188 {strides = array<i32>} : memref<512xi32, #tpu.memory_space<vmem>>, vector<16xi32>,
    }
    %scan3A_9 = arith.constant 8 : i32
    %scan3A_10 = arith.constant 0 : i32
    %scan3A_11 = arith.constant 0 : i32
    %scan3A_12 = arith.constant 168 : i32
    %scan3A_13 = arith.addi %scan3A_11, %scan3A_12 : i32
    %scan3A_14 = arith.constant 1 : i32
    scf.for %scan3A_148 = %scan3A_11 to %scan3A_13 step %scan3A_14  : i32 {
      %mul3A_149 = arith.constant 64 : i32
      %mul3A_150 = arith.muli %scan3A_148, %mul3A_149 : i32
      %add3A_151 = arith.constant 0 : i32
      %add3A_152 = arith.addi %mul3A_150, %add3A_151 : i32
      %get3A = arith.index_cast %add3A_152 : i32 to index
      %get3A_153 = tpu.vector_load %arg9[%get3A] {strides = array<i32>} : memref<10752xi32, #tpu.memory_space<vmem>>, vector<16xi32>,
      %mul3A_154 = arith.constant 2 : i32
      %mul3A_155 = vector.broadcast %mul3A_154 : i32 to vector<16xi32>
      %mul3A_156 = arith.muli %get3A_153, %mul3A_155 : vector<16xi32>
      %add3A_157 = arith.constant 1 : i32
      %add3A_158 = vector.broadcast %add3A_157 : i32 to vector<16xi32>
      %add3A_159 = arith.addi %mul3A_156, %add3A_158 : vector<16xi32>
      %swap3A = arith.index_cast %add3A_152 : i32 to index
      %swap3A_160 = tpu.vector_load %arg9[%swap3A] {strides = array<i32>} : memref<10752xi32, #tpu.memory_space<vmem>>, vector<16xi32>,
      tpu.vector_store %arg9[%swap3A], %add3A_159 {strides = array<i32>} : memref<10752xi32, #tpu.memory_space<vmem>>, vector<16xi32>,
      %mul3A_161 = arith.constant 64 : i32
      %mul3A_162 = arith.muli %scan3A_148, %mul3A_161 : i32
      %add3A_163 = arith.constant 16 : i32
      %add3A_164 = arith.addi %mul3A_162, %add3A_163 : i32
      %get3A_165 = arith.index_cast %add3A_164 : i32 to index
      %get3A_166 = tpu.vector_load %arg9[%get3A_165] {strides = array<i32>} : memref<10752xi32, #tpu.memory_space<vmem>>, vector<16xi32>,
      %mul3A_167 = arith.constant 2 : i32
      %mul3A_168 = vector.broadcast %mul3A_167 : i32 to vector<16xi32>
      %mul3A_169 = arith.muli %get3A_166, %mul3A_168 : vector<16xi32>
      %add3A_170 = arith.constant 1 : i32
      %add3A_171 = vector.broadcast %add3A_170 : i32 to vector<16xi32>
      %add3A_172 = arith.addi %mul3A_169, %add3A_171 : vector<16xi32>
      %swap3A_173 = arith.index_cast %add3A_164 : i32 to index
      %swap3A_174 = tpu.vector_load %arg9[%swap3A_173] {strides = array<i32>} : memref<10752xi32, #tpu.memory_space<vmem>>, vector<16xi32>,
      tpu.vector_store %arg9[%swap3A_173], %add3A_172 {strides = array<i32>} : memref<10752xi32, #tpu.memory_space<vmem>>, vector<16xi32>,
      %mul3A_175 = arith.constant 64 : i32
      %mul3A_176 = arith.muli %scan3A_148, %mul3A_175 : i32
      %add3A_177 = arith.constant 32 : i32
      %add3A_178 = arith.addi %mul3A_176, %add3A_177 : i32
      %get3A_179 = arith.index_cast %add3A_178 : i32 to index
      %get3A_180 = tpu.vector_load %arg9[%get3A_179] {strides = array<i32>} : memref<10752xi32, #tpu.memory_space<vmem>>, vector<16xi32>,
      %mul3A_181 = arith.constant 2 : i32
      %mul3A_182 = vector.broadcast %mul3A_181 : i32 to vector<16xi32>
      %mul3A_183 = arith.muli %get3A_180, %mul3A_182 : vector<16xi32>
      %add3A_184 = arith.constant 1 : i32
      %add3A_185 = vector.broadcast %add3A_184 : i32 to vector<16xi32>
      %add3A_186 = arith.addi %mul3A_183, %add3A_185 : vector<16xi32>
      %swap3A_187 = arith.index_cast %add3A_178 : i32 to index
      %swap3A_188 = tpu.vector_load %arg9[%swap3A_187] {strides = array<i32>} : memref<10752xi32, #tpu.memory_space<vmem>>, vector<16xi32>,
      tpu.vector_store %arg9[%swap3A_187], %add3A_186 {strides = array<i32>} : memref<10752xi32, #tpu.memory_space<vmem>>, vector<16xi32>,
      %mul3A_189 = arith.constant 64 : i32
      %mul3A_190 = arith.muli %scan3A_148, %mul3A_189 : i32
      %add3A_191 = arith.constant 48 : i32
      %add3A_192 = arith.addi %mul3A_190, %add3A_191 : i32
      %get3A_193 = arith.index_cast %add3A_192 : i32 to index
      %get3A_194 = tpu.vector_load %arg9[%get3A_193] {strides = array<i32>} : memref<10752xi32, #tpu.memory_space<vmem>>, vector<16xi32>,
      %mul3A_195 = arith.constant 2 : i32
      %mul3A_196 = vector.broadcast %mul3A_195 : i32 to vector<16xi32>
      %mul3A_197 = arith.muli %get3A_194, %mul3A_196 : vector<16xi32>
      %add3A_198 = arith.constant 1 : i32
      %add3A_199 = vector.broadcast %add3A_198 : i32 to vector<16xi32>
      %add3A_200 = arith.addi %mul3A_197, %add3A_199 : vector<16xi32>
      %swap3A_201 = arith.index_cast %add3A_192 : i32 to index
      %swap3A_202 = tpu.vector_load %arg9[%swap3A_201] {strides = array<i32>} : memref<10752xi32, #tpu.memory_space<vmem>>, vector<16xi32>,
      tpu.vector_store %arg9[%swap3A_201], %add3A_200 {strides = array<i32>} : memref<10752xi32, #tpu.memory_space<vmem>>, vector<16xi32>,
    }
    %scan3A_15 = arith.constant 168 : i32
    %dma_start3A = arith.constant 0 : i32
    %dma_start3A_16 = arith.constant 0 : i32
    %dma_start3A_17 = tpu.memref_slice %arg10[%dma_start3A, %dma_start3A_16] : memref<512x64xf32, #tpu.memory_space<vmem>> -> memref<128x64xf32, #tpu.memory_space<vmem>>
    %dma_start3A_18 = arith.constant 0 : i32
    %dma_start3A_19 = tpu.memref_slice %arg8[%dma_start3A_18] : memref<512xi32, #tpu.memory_space<vmem>> -> memref<128xi32, #tpu.memory_space<vmem>>
    %dma_start3A_20 = arith.constant 0 : i32
    %dma_start3A_21 = arith.constant 0 : i32
    %dma_start3A_22 = tpu.memref_slice %arg5[%dma_start3A_20, %dma_start3A_21] : memref<2000000x64xf32, #tpu.memory_space<hbm>> -> memref<2000000x64xf32, #tpu.memory_space<hbm>>
    tpu.enqueue_indirect_dma source(%dma_start3A_22 : memref<2000000x64xf32, #tpu.memory_space<hbm>>) target(%dma_start3A_17 : memref<128x64xf32, #tpu.memory_space<vmem>>) offsets(%dma_start3A_19 : memref<128xi32, #tpu.memory_space<vmem>>) semaphore(%arg22 : memref<!tpu.dma_semaphore, #tpu.memory_space<semaphore_mem>>)
    %dma_start3A_23 = arith.constant 128 : i32
    %dma_start3A_24 = arith.constant 0 : i32
    %dma_start3A_25 = tpu.memref_slice %arg10[%dma_start3A_23, %dma_start3A_24] : memref<512x64xf32, #tpu.memory_space<vmem>> -> memref<128x64xf32, #tpu.memory_space<vmem>>
    %dma_start3A_26 = arith.constant 128 : i32
    %dma_start3A_27 = tpu.memref_slice %arg8[%dma_start3A_26] : memref<512xi32, #tpu.memory_space<vmem>> -> memref<128xi32, #tpu.memory_space<vmem>>
    %dma_start3A_28 = arith.constant 0 : i32
    %dma_start3A_29 = arith.constant 0 : i32
    %dma_start3A_30 = tpu.memref_slice %arg5[%dma_start3A_28, %dma_start3A_29] : memref<2000000x64xf32, #tpu.memory_space<hbm>> -> memref<2000000x64xf32, #tpu.memory_space<hbm>>
    tpu.enqueue_indirect_dma source(%dma_start3A_30 : memref<2000000x64xf32, #tpu.memory_space<hbm>>) target(%dma_start3A_25 : memref<128x64xf32, #tpu.memory_space<vmem>>) offsets(%dma_start3A_27 : memref<128xi32, #tpu.memory_space<vmem>>) semaphore(%arg22 : memref<!tpu.dma_semaphore, #tpu.memory_space<semaphore_mem>>)
    %dma_start3A_31 = arith.constant 256 : i32
    %dma_start3A_32 = arith.constant 0 : i32
    %dma_start3A_33 = tpu.memref_slice %arg10[%dma_start3A_31, %dma_start3A_32] : memref<512x64xf32, #tpu.memory_space<vmem>> -> memref<128x64xf32, #tpu.memory_space<vmem>>
    %dma_start3A_34 = arith.constant 256 : i32
    %dma_start3A_35 = tpu.memref_slice %arg8[%dma_start3A_34] : memref<512xi32, #tpu.memory_space<vmem>> -> memref<128xi32, #tpu.memory_space<vmem>>
    %dma_start3A_36 = arith.constant 0 : i32
    %dma_start3A_37 = arith.constant 0 : i32
    %dma_start3A_38 = tpu.memref_slice %arg5[%dma_start3A_36, %dma_start3A_37] : memref<2000000x64xf32, #tpu.memory_space<hbm>> -> memref<2000000x64xf32, #tpu.memory_space<hbm>>
    tpu.enqueue_indirect_dma source(%dma_start3A_38 : memref<2000000x64xf32, #tpu.memory_space<hbm>>) target(%dma_start3A_33 : memref<128x64xf32, #tpu.memory_space<vmem>>) offsets(%dma_start3A_35 : memref<128xi32, #tpu.memory_space<vmem>>) semaphore(%arg22 : memref<!tpu.dma_semaphore, #tpu.memory_space<semaphore_mem>>)
    %dma_start3A_39 = arith.constant 384 : i32
    %dma_start3A_40 = arith.constant 0 : i32
    %dma_start3A_41 = tpu.memref_slice %arg10[%dma_start3A_39, %dma_start3A_40] : memref<512x64xf32, #tpu.memory_space<vmem>> -> memref<128x64xf32, #tpu.memory_space<vmem>>
    %dma_start3A_42 = arith.constant 384 : i32
    %dma_start3A_43 = tpu.memref_slice %arg8[%dma_start3A_42] : memref<512xi32, #tpu.memory_space<vmem>> -> memref<128xi32, #tpu.memory_space<vmem>>
    %dma_start3A_44 = arith.constant 0 : i32
    %dma_start3A_45 = arith.constant 0 : i32
    %dma_start3A_46 = tpu.memref_slice %arg5[%dma_start3A_44, %dma_start3A_45] : memref<2000000x64xf32, #tpu.memory_space<hbm>> -> memref<2000000x64xf32, #tpu.memory_space<hbm>>
    tpu.enqueue_indirect_dma source(%dma_start3A_46 : memref<2000000x64xf32, #tpu.memory_space<hbm>>) target(%dma_start3A_41 : memref<128x64xf32, #tpu.memory_space<vmem>>) offsets(%dma_start3A_43 : memref<128xi32, #tpu.memory_space<vmem>>) semaphore(%arg22 : memref<!tpu.dma_semaphore, #tpu.memory_space<semaphore_mem>>)
    %dma_start3A_47 = arith.constant 0 : i32
    %dma_start3A_48 = arith.constant 0 : i32
    %dma_start3A_49 = tpu.memref_slice %arg11[%dma_start3A_47, %dma_start3A_48] : memref<256x64xf32, #tpu.memory_space<vmem>> -> memref<128x64xf32, #tpu.memory_space<vmem>>
    %dma_start3A_50 = arith.constant 0 : i32
    %dma_start3A_51 = tpu.memref_slice %arg9[%dma_start3A_50] : memref<10752xi32, #tpu.memory_space<vmem>> -> memref<128xi32, #tpu.memory_space<vmem>>
    %dma_start3A_52 = arith.constant 0 : i32
    %dma_start3A_53 = arith.constant 0 : i32
    %dma_start3A_54 = tpu.memref_slice %arg5[%dma_start3A_52, %dma_start3A_53] : memref<2000000x64xf32, #tpu.memory_space<hbm>> -> memref<2000000x64xf32, #tpu.memory_space<hbm>>
    tpu.enqueue_indirect_dma source(%dma_start3A_54 : memref<2000000x64xf32, #tpu.memory_space<hbm>>) target(%dma_start3A_49 : memref<128x64xf32, #tpu.memory_space<vmem>>) offsets(%dma_start3A_51 : memref<128xi32, #tpu.memory_space<vmem>>) semaphore(%arg17 : memref<!tpu.dma_semaphore, #tpu.memory_space<semaphore_mem>>)
    %dma_start3A_55 = arith.constant 128 : i32
    %dma_start3A_56 = arith.constant 0 : i32
    %dma_start3A_57 = tpu.memref_slice %arg11[%dma_start3A_55, %dma_start3A_56] : memref<256x64xf32, #tpu.memory_space<vmem>> -> memref<128x64xf32, #tpu.memory_space<vmem>>
    %dma_start3A_58 = arith.constant 128 : i32
    %dma_start3A_59 = tpu.memref_slice %arg9[%dma_start3A_58] : memref<10752xi32, #tpu.memory_space<vmem>> -> memref<128xi32, #tpu.memory_space<vmem>>
    %dma_start3A_60 = arith.constant 0 : i32
    %dma_start3A_61 = arith.constant 0 : i32
    %dma_start3A_62 = tpu.memref_slice %arg5[%dma_start3A_60, %dma_start3A_61] : memref<2000000x64xf32, #tpu.memory_space<hbm>> -> memref<2000000x64xf32, #tpu.memory_space<hbm>>
    tpu.enqueue_indirect_dma source(%dma_start3A_62 : memref<2000000x64xf32, #tpu.memory_space<hbm>>) target(%dma_start3A_57 : memref<128x64xf32, #tpu.memory_space<vmem>>) offsets(%dma_start3A_59 : memref<128xi32, #tpu.memory_space<vmem>>) semaphore(%arg17 : memref<!tpu.dma_semaphore, #tpu.memory_space<semaphore_mem>>)
    %dma_start3A_63 = arith.constant 0 : i32
    %dma_start3A_64 = arith.constant 0 : i32
    %dma_start3A_65 = tpu.memref_slice %arg12[%dma_start3A_63, %dma_start3A_64] : memref<256x64xf32, #tpu.memory_space<vmem>> -> memref<128x64xf32, #tpu.memory_space<vmem>>
    %dma_start3A_66 = arith.constant 256 : i32
    %dma_start3A_67 = tpu.memref_slice %arg9[%dma_start3A_66] : memref<10752xi32, #tpu.memory_space<vmem>> -> memref<128xi32, #tpu.memory_space<vmem>>
    %dma_start3A_68 = arith.constant 0 : i32
    %dma_start3A_69 = arith.constant 0 : i32
    %dma_start3A_70 = tpu.memref_slice %arg5[%dma_start3A_68, %dma_start3A_69] : memref<2000000x64xf32, #tpu.memory_space<hbm>> -> memref<2000000x64xf32, #tpu.memory_space<hbm>>
    tpu.enqueue_indirect_dma source(%dma_start3A_70 : memref<2000000x64xf32, #tpu.memory_space<hbm>>) target(%dma_start3A_65 : memref<128x64xf32, #tpu.memory_space<vmem>>) offsets(%dma_start3A_67 : memref<128xi32, #tpu.memory_space<vmem>>) semaphore(%arg18 : memref<!tpu.dma_semaphore, #tpu.memory_space<semaphore_mem>>)
    %dma_start3A_71 = arith.constant 128 : i32
    %dma_start3A_72 = arith.constant 0 : i32
    %dma_start3A_73 = tpu.memref_slice %arg12[%dma_start3A_71, %dma_start3A_72] : memref<256x64xf32, #tpu.memory_space<vmem>> -> memref<128x64xf32, #tpu.memory_space<vmem>>
    %dma_start3A_74 = arith.constant 384 : i32
    %dma_start3A_75 = tpu.memref_slice %arg9[%dma_start3A_74] : memref<10752xi32, #tpu.memory_space<vmem>> -> memref<128xi32, #tpu.memory_space<vmem>>
    %dma_start3A_76 = arith.constant 0 : i32
    %dma_start3A_77 = arith.constant 0 : i32
    %dma_start3A_78 = tpu.memref_slice %arg5[%dma_start3A_76, %dma_start3A_77] : memref<2000000x64xf32, #tpu.memory_space<hbm>> -> memref<2000000x64xf32, #tpu.memory_space<hbm>>
    tpu.enqueue_indirect_dma source(%dma_start3A_78 : memref<2000000x64xf32, #tpu.memory_space<hbm>>) target(%dma_start3A_73 : memref<128x64xf32, #tpu.memory_space<vmem>>) offsets(%dma_start3A_75 : memref<128xi32, #tpu.memory_space<vmem>>) semaphore(%arg18 : memref<!tpu.dma_semaphore, #tpu.memory_space<semaphore_mem>>)
    %dma_start3A_79 = arith.constant 0 : i32
    %dma_start3A_80 = arith.constant 0 : i32
    %dma_start3A_81 = tpu.memref_slice %arg13[%dma_start3A_79, %dma_start3A_80] : memref<256x64xf32, #tpu.memory_space<vmem>> -> memref<128x64xf32, #tpu.memory_space<vmem>>
    %dma_start3A_82 = arith.constant 512 : i32
    %dma_start3A_83 = tpu.memref_slice %arg9[%dma_start3A_82] : memref<10752xi32, #tpu.memory_space<vmem>> -> memref<128xi32, #tpu.memory_space<vmem>>
    %dma_start3A_84 = arith.constant 0 : i32
    %dma_start3A_85 = arith.constant 0 : i32
    %dma_start3A_86 = tpu.memref_slice %arg5[%dma_start3A_84, %dma_start3A_85] : memref<2000000x64xf32, #tpu.memory_space<hbm>> -> memref<2000000x64xf32, #tpu.memory_space<hbm>>
    tpu.enqueue_indirect_dma source(%dma_start3A_86 : memref<2000000x64xf32, #tpu.memory_space<hbm>>) target(%dma_start3A_81 : memref<128x64xf32, #tpu.memory_space<vmem>>) offsets(%dma_start3A_83 : memref<128xi32, #tpu.memory_space<vmem>>) semaphore(%arg19 : memref<!tpu.dma_semaphore, #tpu.memory_space<semaphore_mem>>)
    %dma_start3A_87 = arith.constant 128 : i32
    %dma_start3A_88 = arith.constant 0 : i32
    %dma_start3A_89 = tpu.memref_slice %arg13[%dma_start3A_87, %dma_start3A_88] : memref<256x64xf32, #tpu.memory_space<vmem>> -> memref<128x64xf32, #tpu.memory_space<vmem>>
    %dma_start3A_90 = arith.constant 640 : i32
    %dma_start3A_91 = tpu.memref_slice %arg9[%dma_start3A_90] : memref<10752xi32, #tpu.memory_space<vmem>> -> memref<128xi32, #tpu.memory_space<vmem>>
    %dma_start3A_92 = arith.constant 0 : i32
    %dma_start3A_93 = arith.constant 0 : i32
    %dma_start3A_94 = tpu.memref_slice %arg5[%dma_start3A_92, %dma_start3A_93] : memref<2000000x64xf32, #tpu.memory_space<hbm>> -> memref<2000000x64xf32, #tpu.memory_space<hbm>>
    tpu.enqueue_indirect_dma source(%dma_start3A_94 : memref<2000000x64xf32, #tpu.memory_space<hbm>>) target(%dma_start3A_89 : memref<128x64xf32, #tpu.memory_space<vmem>>) offsets(%dma_start3A_91 : memref<128xi32, #tpu.memory_space<vmem>>) semaphore(%arg19 : memref<!tpu.dma_semaphore, #tpu.memory_space<semaphore_mem>>)
    %dma_start3A_95 = arith.constant 0 : i32
    %dma_start3A_96 = arith.constant 0 : i32
    %dma_start3A_97 = tpu.memref_slice %arg14[%dma_start3A_95, %dma_start3A_96] : memref<256x64xf32, #tpu.memory_space<vmem>> -> memref<128x64xf32, #tpu.memory_space<vmem>>
    %dma_start3A_98 = arith.constant 768 : i32
    %dma_start3A_99 = tpu.memref_slice %arg9[%dma_start3A_98] : memref<10752xi32, #tpu.memory_space<vmem>> -> memref<128xi32, #tpu.memory_space<vmem>>
    %dma_start3A_100 = arith.constant 0 : i32
    %dma_start3A_101 = arith.constant 0 : i32
    %dma_start3A_102 = tpu.memref_slice %arg5[%dma_start3A_100, %dma_start3A_101] : memref<2000000x64xf32, #tpu.memory_space<hbm>> -> memref<2000000x64xf32, #tpu.memory_space<hbm>>
    tpu.enqueue_indirect_dma source(%dma_start3A_102 : memref<2000000x64xf32, #tpu.memory_space<hbm>>) target(%dma_start3A_97 : memref<128x64xf32, #tpu.memory_space<vmem>>) offsets(%dma_start3A_99 : memref<128xi32, #tpu.memory_space<vmem>>) semaphore(%arg20 : memref<!tpu.dma_semaphore, #tpu.memory_space<semaphore_mem>>)
    %dma_start3A_103 = arith.constant 128 : i32
    %dma_start3A_104 = arith.constant 0 : i32
    %dma_start3A_105 = tpu.memref_slice %arg14[%dma_start3A_103, %dma_start3A_104] : memref<256x64xf32, #tpu.memory_space<vmem>> -> memref<128x64xf32, #tpu.memory_space<vmem>>
    %dma_start3A_106 = arith.constant 896 : i32
    %dma_start3A_107 = tpu.memref_slice %arg9[%dma_start3A_106] : memref<10752xi32, #tpu.memory_space<vmem>> -> memref<128xi32, #tpu.memory_space<vmem>>
    %dma_start3A_108 = arith.constant 0 : i32
    %dma_start3A_109 = arith.constant 0 : i32
    %dma_start3A_110 = tpu.memref_slice %arg5[%dma_start3A_108, %dma_start3A_109] : memref<2000000x64xf32, #tpu.memory_space<hbm>> -> memref<2000000x64xf32, #tpu.memory_space<hbm>>
    tpu.enqueue_indirect_dma source(%dma_start3A_110 : memref<2000000x64xf32, #tpu.memory_space<hbm>>) target(%dma_start3A_105 : memref<128x64xf32, #tpu.memory_space<vmem>>) offsets(%dma_start3A_107 : memref<128xi32, #tpu.memory_space<vmem>>) semaphore(%arg20 : memref<!tpu.dma_semaphore, #tpu.memory_space<semaphore_mem>>)
    %dma_wait3A = arith.constant 0 : i32
    %dma_wait3A_111 = arith.constant 0 : i32
    %dma_wait3A_112 = tpu.memref_slice %arg10[%dma_wait3A, %dma_wait3A_111] : memref<512x64xf32, #tpu.memory_space<vmem>> -> memref<128x64xf32, #tpu.memory_space<vmem>>
    %dma_wait3A_113 = arith.constant 0 : i32
    %dma_wait3A_114 = tpu.memref_slice %arg8[%dma_wait3A_113] : memref<512xi32, #tpu.memory_space<vmem>> -> memref<128xi32, #tpu.memory_space<vmem>>
    %dma_wait3A_115 = arith.constant 0 : i32
    %dma_wait3A_116 = arith.constant 0 : i32
    %dma_wait3A_117 = tpu.memref_slice %arg5[%dma_wait3A_115, %dma_wait3A_116] : memref<2000000x64xf32, #tpu.memory_space<hbm>> -> memref<2000000x64xf32, #tpu.memory_space<hbm>>
    tpu.wait_indirect_dma semaphore(%arg22 : memref<!tpu.dma_semaphore, #tpu.memory_space<semaphore_mem>>) src(%dma_wait3A_117 : memref<2000000x64xf32, #tpu.memory_space<hbm>>) dst(%dma_wait3A_112 : memref<128x64xf32, #tpu.memory_space<vmem>>)
    %dma_wait3A_118 = arith.constant 128 : i32
    %dma_wait3A_119 = arith.constant 0 : i32
    %dma_wait3A_120 = tpu.memref_slice %arg10[%dma_wait3A_118, %dma_wait3A_119] : memref<512x64xf32, #tpu.memory_space<vmem>> -> memref<128x64xf32, #tpu.memory_space<vmem>>
    %dma_wait3A_121 = arith.constant 128 : i32
    %dma_wait3A_122 = tpu.memref_slice %arg8[%dma_wait3A_121] : memref<512xi32, #tpu.memory_space<vmem>> -> memref<128xi32, #tpu.memory_space<vmem>>
    %dma_wait3A_123 = arith.constant 0 : i32
    %dma_wait3A_124 = arith.constant 0 : i32
    %dma_wait3A_125 = tpu.memref_slice %arg5[%dma_wait3A_123, %dma_wait3A_124] : memref<2000000x64xf32, #tpu.memory_space<hbm>> -> memref<2000000x64xf32, #tpu.memory_space<hbm>>
    tpu.wait_indirect_dma semaphore(%arg22 : memref<!tpu.dma_semaphore, #tpu.memory_space<semaphore_mem>>) src(%dma_wait3A_125 : memref<2000000x64xf32, #tpu.memory_space<hbm>>) dst(%dma_wait3A_120 : memref<128x64xf32, #tpu.memory_space<vmem>>)
    %dma_wait3A_126 = arith.constant 256 : i32
    %dma_wait3A_127 = arith.constant 0 : i32
    %dma_wait3A_128 = tpu.memref_slice %arg10[%dma_wait3A_126, %dma_wait3A_127] : memref<512x64xf32, #tpu.memory_space<vmem>> -> memref<128x64xf32, #tpu.memory_space<vmem>>
    %dma_wait3A_129 = arith.constant 256 : i32
    %dma_wait3A_130 = tpu.memref_slice %arg8[%dma_wait3A_129] : memref<512xi32, #tpu.memory_space<vmem>> -> memref<128xi32, #tpu.memory_space<vmem>>
    %dma_wait3A_131 = arith.constant 0 : i32
    %dma_wait3A_132 = arith.constant 0 : i32
    %dma_wait3A_133 = tpu.memref_slice %arg5[%dma_wait3A_131, %dma_wait3A_132] : memref<2000000x64xf32, #tpu.memory_space<hbm>> -> memref<2000000x64xf32, #tpu.memory_space<hbm>>
    tpu.wait_indirect_dma semaphore(%arg22 : memref<!tpu.dma_semaphore, #tpu.memory_space<semaphore_mem>>) src(%dma_wait3A_133 : memref<2000000x64xf32, #tpu.memory_space<hbm>>) dst(%dma_wait3A_128 : memref<128x64xf32, #tpu.memory_space<vmem>>)
    %dma_wait3A_134 = arith.constant 384 : i32
    %dma_wait3A_135 = arith.constant 0 : i32
    %dma_wait3A_136 = tpu.memref_slice %arg10[%dma_wait3A_134, %dma_wait3A_135] : memref<512x64xf32, #tpu.memory_space<vmem>> -> memref<128x64xf32, #tpu.memory_space<vmem>>
    %dma_wait3A_137 = arith.constant 384 : i32
    %dma_wait3A_138 = tpu.memref_slice %arg8[%dma_wait3A_137] : memref<512xi32, #tpu.memory_space<vmem>> -> memref<128xi32, #tpu.memory_space<vmem>>
    %dma_wait3A_139 = arith.constant 0 : i32
    %dma_wait3A_140 = arith.constant 0 : i32
    %dma_wait3A_141 = tpu.memref_slice %arg5[%dma_wait3A_139, %dma_wait3A_140] : memref<2000000x64xf32, #tpu.memory_space<hbm>> -> memref<2000000x64xf32, #tpu.memory_space<hbm>>
    tpu.wait_indirect_dma semaphore(%arg22 : memref<!tpu.dma_semaphore, #tpu.memory_space<semaphore_mem>>) src(%dma_wait3A_141 : memref<2000000x64xf32, #tpu.memory_space<hbm>>) dst(%dma_wait3A_136 : memref<128x64xf32, #tpu.memory_space<vmem>>)
    %iota3A = tpu.iota {dimensions = array<i32: 0>} : vector<16xi32>
    %scan3A_142 = arith.constant 0 : i32
    %scan3A_143 = arith.constant 0 : i32
    %scan3A_144 = arith.constant 9 : i32
    %scan3A_145 = arith.addi %scan3A_143, %scan3A_144 : i32
    %scan3A_146 = arith.constant 1 : i32
    scf.for %scan3A_148 = %scan3A_143 to %scan3A_145 step %scan3A_146  : i32 {
      %mul3A_149 = arith.constant 5 : i32
      %mul3A_150 = arith.muli %scan3A_148, %mul3A_149 : i32
      %add3A_151 = arith.constant 0 : i32
      %add3A_152 = arith.addi %mul3A_150, %add3A_151 : i32
      %lt3A = arith.constant 42 : i32
      %lt3A_153 = arith.cmpi slt, %add3A_152, %lt3A : i32
      %convert_element_type3A = arith.extui %lt3A_153 : i1 to i32
      %cond3A = arith.constant 0 : i32
      %cond3A_154 = arith.cmpi ne, %convert_element_type3A, %cond3A : i32
      scf.if %cond3A_154 {
        %dma_wait3A_191 = arith.constant 0 : i32
        %dma_wait3A_192 = arith.constant 0 : i32
        %dma_wait3A_193 = tpu.memref_slice %arg5[%dma_wait3A_191, %dma_wait3A_192] : memref<2000000x64xf32, #tpu.memory_space<hbm>> -> memref<256x64xf32, #tpu.memory_space<hbm>>
        %dma_wait3A_194 = arith.constant 0 : i32
        %dma_wait3A_195 = arith.constant 0 : i32
        %dma_wait3A_196 = tpu.memref_slice %arg5[%dma_wait3A_194, %dma_wait3A_195] : memref<2000000x64xf32, #tpu.memory_space<hbm>> -> memref<256x64xf32, #tpu.memory_space<hbm>>
        tpu.wait_dma2 semaphore(%arg17 : memref<!tpu.dma_semaphore, #tpu.memory_space<semaphore_mem>>) src(%dma_wait3A_196 : memref<256x64xf32, #tpu.memory_space<hbm>>) dst(%arg11 : memref<256x64xf32, #tpu.memory_space<vmem>>)
        %add3A_197 = arith.constant 5 : i32
        %add3A_198 = arith.addi %add3A_152, %add3A_197 : i32
        %sub3A = arith.constant 1 : i32
        %sub3A_199 = arith.subi %add3A_198, %sub3A : i32
        %lt3A_200 = arith.constant 42 : i32
        %lt3A_201 = arith.cmpi slt, %sub3A_199, %lt3A_200 : i32
        %convert_element_type3A_202 = arith.extui %lt3A_201 : i1 to i32
        %cond3A_203 = arith.constant 0 : i32
        %cond3A_204 = arith.cmpi ne, %convert_element_type3A_202, %cond3A_203 : i32
        scf.if %cond3A_204 {
          %add3A_220 = arith.constant 5 : i32
          %add3A_221 = arith.addi %add3A_152, %add3A_220 : i32
          %sub3A_222 = arith.constant 1 : i32
          %sub3A_223 = arith.subi %add3A_221, %sub3A_222 : i32
          %mul3A_224 = arith.constant 256 : i32
          %mul3A_225 = arith.muli %sub3A_223, %mul3A_224 : i32
          %add3A_226 = arith.constant 0 : i32
          %add3A_227 = arith.addi %mul3A_225, %add3A_226 : i32
          %dma_start3A_228 = arith.constant 0 : i32
          %dma_start3A_229 = arith.constant 0 : i32
          %dma_start3A_230 = tpu.memref_slice %arg15[%dma_start3A_228, %dma_start3A_229] : memref<256x64xf32, #tpu.memory_space<vmem>> -> memref<128x64xf32, #tpu.memory_space<vmem>>
          %dma_start3A_231 = tpu.memref_slice %arg9[%add3A_227] : memref<10752xi32, #tpu.memory_space<vmem>> -> memref<128xi32, #tpu.memory_space<vmem>>
          %dma_start3A_232 = arith.constant 0 : i32
          %dma_start3A_233 = arith.constant 0 : i32
          %dma_start3A_234 = tpu.memref_slice %arg5[%dma_start3A_232, %dma_start3A_233] : memref<2000000x64xf32, #tpu.memory_space<hbm>> -> memref<2000000x64xf32, #tpu.memory_space<hbm>>
          tpu.enqueue_indirect_dma source(%dma_start3A_234 : memref<2000000x64xf32, #tpu.memory_space<hbm>>) target(%dma_start3A_230 : memref<128x64xf32, #tpu.memory_space<vmem>>) offsets(%dma_start3A_231 : memref<128xi32, #tpu.memory_space<vmem>>) semaphore(%arg21 : memref<!tpu.dma_semaphore, #tpu.memory_space<semaphore_mem>>)
          %add3A_235 = arith.constant 128 : i32
          %add3A_236 = arith.addi %mul3A_225, %add3A_235 : i32
          %dma_start3A_237 = arith.constant 128 : i32
          %dma_start3A_238 = arith.constant 0 : i32
          %dma_start3A_239 = tpu.memref_slice %arg15[%dma_start3A_237, %dma_start3A_238] : memref<256x64xf32, #tpu.memory_space<vmem>> -> memref<128x64xf32, #tpu.memory_space<vmem>>
          %dma_start3A_240 = tpu.memref_slice %arg9[%add3A_236] : memref<10752xi32, #tpu.memory_space<vmem>> -> memref<128xi32, #tpu.memory_space<vmem>>
          %dma_start3A_241 = arith.constant 0 : i32
          %dma_start3A_242 = arith.constant 0 : i32
          %dma_start3A_243 = tpu.memref_slice %arg5[%dma_start3A_241, %dma_start3A_242] : memref<2000000x64xf32, #tpu.memory_space<hbm>> -> memref<2000000x64xf32, #tpu.memory_space<hbm>>
          tpu.enqueue_indirect_dma source(%dma_start3A_243 : memref<2000000x64xf32, #tpu.memory_space<hbm>>) target(%dma_start3A_239 : memref<128x64xf32, #tpu.memory_space<vmem>>) offsets(%dma_start3A_240 : memref<128xi32, #tpu.memory_space<vmem>>) semaphore(%arg21 : memref<!tpu.dma_semaphore, #tpu.memory_space<semaphore_mem>>)
        } else {
        }
        %scan3A_205 = arith.constant 0 : i32
        %scan3A_206 = arith.constant 0 : i32
        %scan3A_207 = arith.constant 16 : i32
        %scan3A_208 = arith.addi %scan3A_206, %scan3A_207 : i32
        %scan3A_209 = arith.constant 1 : i32
        scf.for %scan3A_220 = %scan3A_206 to %scan3A_208 step %scan3A_209  : i32 {
          %mul3A_221 = arith.constant 16 : i32
          %mul3A_222 = arith.muli %scan3A_220, %mul3A_221 : i32
          %add3A_223 = vector.broadcast %mul3A_222 : i32 to vector<16xi32>
          %add3A_224 = arith.addi %add3A_223, %iota3A : vector<16xi32>
          %mul3A_225 = arith.constant 256 : i32
          %mul3A_226 = arith.muli %add3A_152, %mul3A_225 : i32
          %add3A_227 = vector.broadcast %mul3A_226 : i32 to vector<16xi32>
          %add3A_228 = arith.addi %add3A_227, %add3A_224 : vector<16xi32>
          %lt3A_229 = arith.constant 512 : i32
          %lt3A_230 = vector.broadcast %lt3A_229 : i32 to vector<16xi32>
          %lt3A_231 = arith.cmpi slt, %add3A_228, %lt3A_230 : vector<16xi32>
          %sub3A_232 = arith.constant 512 : i32
          %sub3A_233 = vector.broadcast %sub3A_232 : i32 to vector<16xi32>
          %sub3A_234 = arith.subi %add3A_228, %sub3A_233 : vector<16xi32>
          %jit3A = arith.constant 20 : i32
          %div3A = vector.broadcast %jit3A : i32 to vector<16xi32>
          %div3A_235 = arith.divsi %sub3A_234, %div3A : vector<16xi32>
          %sign3A = arith.constant 0 : i32
          %sign3A_236 = vector.broadcast %sign3A : i32 to vector<16xi32>
          %sign3A_237 = arith.cmpi sgt, %sub3A_234, %sign3A_236 : vector<16xi32>
          %sign3A_238 = arith.extui %sign3A_237 : vector<16xi1> to vector<16xi32>
          %sign3A_239 = arith.constant 0 : i32
          %sign3A_240 = vector.broadcast %sign3A_239 : i32 to vector<16xi32>
          %sign3A_241 = arith.cmpi slt, %sub3A_234, %sign3A_240 : vector<16xi32>
          %sign3A_242 = arith.extui %sign3A_241 : vector<16xi1> to vector<16xi32>
          %sign3A_243 = arith.subi %sign3A_238, %sign3A_242 : vector<16xi32>
          %sign3A_244 = arith.constant 0 : i32
          %sign3A_245 = arith.cmpi sgt, %jit3A, %sign3A_244 : i32
          %sign3A_246 = arith.extui %sign3A_245 : i1 to i32
          %sign3A_247 = arith.constant 0 : i32
          %sign3A_248 = arith.cmpi slt, %jit3A, %sign3A_247 : i32
          %sign3A_249 = arith.extui %sign3A_248 : i1 to i32
          %sign3A_250 = arith.subi %sign3A_246, %sign3A_249 : i32
          %ne3A = vector.broadcast %sign3A_250 : i32 to vector<16xi32>
          %ne3A_251 = arith.cmpi ne, %sign3A_243, %ne3A : vector<16xi32>
          %rem3A = vector.broadcast %jit3A : i32 to vector<16xi32>
          %rem3A_252 = arith.remsi %sub3A_234, %rem3A : vector<16xi32>
          %ne3A_253 = arith.constant 0 : i32
          %ne3A_254 = vector.broadcast %ne3A_253 : i32 to vector<16xi32>
          %ne3A_255 = arith.cmpi ne, %rem3A_252, %ne3A_254 : vector<16xi32>
          %and3A = arith.andi %ne3A_251, %ne3A_255 : vector<16xi1>
          %sub3A_256 = arith.constant 1 : i32
          %sub3A_257 = vector.broadcast %sub3A_256 : i32 to vector<16xi32>
          %sub3A_258 = arith.subi %div3A_235, %sub3A_257 : vector<16xi32>
          %select_n3A = arith.select %and3A, %sub3A_258, %div3A_235 : vector<16xi1>, vector<16xi32>
          %select_n3A_259 = arith.select %lt3A_231, %add3A_228, %select_n3A : vector<16xi1>, vector<16xi32>
          %broadcast_in_dim3A = arith.constant 0 : i32
          %broadcast_in_dim3A_260 = vector.broadcast %broadcast_in_dim3A : i32 to vector<16xi32>
          %broadcast_in_dim3A_261 = arith.constant 0.000000e+00 : f32
          %broadcast_in_dim3A_262 = vector.broadcast %broadcast_in_dim3A_261 : f32 to vector<16xf32>
          %broadcast_in_dim3A_263 = arith.constant 0.000000e+00 : f32
          %broadcast_in_dim3A_264 = vector.broadcast %broadcast_in_dim3A_263 : f32 to vector<16xf32>
          %broadcast_in_dim3A_265 = arith.constant 0.000000e+00 : f32
          %broadcast_in_dim3A_266 = vector.broadcast %broadcast_in_dim3A_265 : f32 to vector<16xf32>
          %broadcast_in_dim3A_267 = arith.constant 0.000000e+00 : f32
          %broadcast_in_dim3A_268 = vector.broadcast %broadcast_in_dim3A_267 : f32 to vector<16xf32>
          %gather3A = tpu.vector_load_idx %arg11[%add3A_224, %broadcast_in_dim3A_260] : memref<256x64xf32, #tpu.memory_space<vmem>>[vector<16xi32>, vector<16xi32>], vector<16xf32>,
          %gather3A_269 = tpu.vector_load_idx %arg10[%select_n3A_259, %broadcast_in_dim3A_260] : memref<512x64xf32, #tpu.memory_space<vmem>>[vector<16xi32>, vector<16xi32>], vector<16xf32>,
          %mul3A_270 = arith.mulf %gather3A, %gather3A_269 : vector<16xf32>
          %add3A_271 = arith.addf %broadcast_in_dim3A_262, %mul3A_270 : vector<16xf32>
          %add3A_272 = arith.constant 1 : i32
          %add3A_273 = vector.broadcast %add3A_272 : i32 to vector<16xi32>
          %add3A_274 = arith.addi %broadcast_in_dim3A_260, %add3A_273 : vector<16xi32>
          %gather3A_275 = tpu.vector_load_idx %arg11[%add3A_224, %add3A_274] : memref<256x64xf32, #tpu.memory_space<vmem>>[vector<16xi32>, vector<16xi32>], vector<16xf32>,
          %gather3A_276 = tpu.vector_load_idx %arg10[%select_n3A_259, %add3A_274] : memref<512x64xf32, #tpu.memory_space<vmem>>[vector<16xi32>, vector<16xi32>], vector<16xf32>,
          %mul3A_277 = arith.mulf %gather3A_275, %gather3A_276 : vector<16xf32>
          %add3A_278 = arith.addf %broadcast_in_dim3A_264, %mul3A_277 : vector<16xf32>
          %add3A_279 = arith.constant 1 : i32
          %add3A_280 = vector.broadcast %add3A_279 : i32 to vector<16xi32>
          %add3A_281 = arith.addi %add3A_274, %add3A_280 : vector<16xi32>
          %gather3A_282 = tpu.vector_load_idx %arg11[%add3A_224, %add3A_281] : memref<256x64xf32, #tpu.memory_space<vmem>>[vector<16xi32>, vector<16xi32>], vector<16xf32>,
          %gather3A_283 = tpu.vector_load_idx %arg10[%select_n3A_259, %add3A_281] : memref<512x64xf32, #tpu.memory_space<vmem>>[vector<16xi32>, vector<16xi32>], vector<16xf32>,
          %mul3A_284 = arith.mulf %gather3A_282, %gather3A_283 : vector<16xf32>
          %add3A_285 = arith.addf %broadcast_in_dim3A_266, %mul3A_284 : vector<16xf32>
          %add3A_286 = arith.constant 1 : i32
          %add3A_287 = vector.broadcast %add3A_286 : i32 to vector<16xi32>
          %add3A_288 = arith.addi %add3A_281, %add3A_287 : vector<16xi32>
          %gather3A_289 = tpu.vector_load_idx %arg11[%add3A_224, %add3A_288] : memref<256x64xf32, #tpu.memory_space<vmem>>[vector<16xi32>, vector<16xi32>], vector<16xf32>,
          %gather3A_290 = tpu.vector_load_idx %arg10[%select_n3A_259, %add3A_288] : memref<512x64xf32, #tpu.memory_space<vmem>>[vector<16xi32>, vector<16xi32>], vector<16xf32>,
          %mul3A_291 = arith.mulf %gather3A_289, %gather3A_290 : vector<16xf32>
          %add3A_292 = arith.addf %broadcast_in_dim3A_268, %mul3A_291 : vector<16xf32>
          %add3A_293 = arith.constant 1 : i32
          %add3A_294 = vector.broadcast %add3A_293 : i32 to vector<16xi32>
          %add3A_295 = arith.addi %add3A_288, %add3A_294 : vector<16xi32>
          %gather3A_296 = tpu.vector_load_idx %arg11[%add3A_224, %add3A_295] : memref<256x64xf32, #tpu.memory_space<vmem>>[vector<16xi32>, vector<16xi32>], vector<16xf32>,
          %gather3A_297 = tpu.vector_load_idx %arg10[%select_n3A_259, %add3A_295] : memref<512x64xf32, #tpu.memory_space<vmem>>[vector<16xi32>, vector<16xi32>], vector<16xf32>,
          %mul3A_298 = arith.mulf %gather3A_296, %gather3A_297 : vector<16xf32>
          %add3A_299 = arith.addf %add3A_271, %mul3A_298 : vector<16xf32>
          %add3A_300 = arith.constant 1 : i32
          %add3A_301 = vector.broadcast %add3A_300 : i32 to vector<16xi32>
          %add3A_302 = arith.addi %add3A_295, %add3A_301 : vector<16xi32>
          %gather3A_303 = tpu.vector_load_idx %arg11[%add3A_224, %add3A_302] : memref<256x64xf32, #tpu.memory_space<vmem>>[vector<16xi32>, vector<16xi32>], vector<16xf32>,
          %gather3A_304 = tpu.vector_load_idx %arg10[%select_n3A_259, %add3A_302] : memref<512x64xf32, #tpu.memory_space<vmem>>[vector<16xi32>, vector<16xi32>], vector<16xf32>,
          %mul3A_305 = arith.mulf %gather3A_303, %gather3A_304 : vector<16xf32>
          %add3A_306 = arith.addf %add3A_278, %mul3A_305 : vector<16xf32>
          %add3A_307 = arith.constant 1 : i32
          %add3A_308 = vector.broadcast %add3A_307 : i32 to vector<16xi32>
          %add3A_309 = arith.addi %add3A_302, %add3A_308 : vector<16xi32>
          %gather3A_310 = tpu.vector_load_idx %arg11[%add3A_224, %add3A_309] : memref<256x64xf32, #tpu.memory_space<vmem>>[vector<16xi32>, vector<16xi32>], vector<16xf32>,
          %gather3A_311 = tpu.vector_load_idx %arg10[%select_n3A_259, %add3A_309] : memref<512x64xf32, #tpu.memory_space<vmem>>[vector<16xi32>, vector<16xi32>], vector<16xf32>,
          %mul3A_312 = arith.mulf %gather3A_310, %gather3A_311 : vector<16xf32>
          %add3A_313 = arith.addf %add3A_285, %mul3A_312 : vector<16xf32>
          %add3A_314 = arith.constant 1 : i32
          %add3A_315 = vector.broadcast %add3A_314 : i32 to vector<16xi32>
          %add3A_316 = arith.addi %add3A_309, %add3A_315 : vector<16xi32>
          %gather3A_317 = tpu.vector_load_idx %arg11[%add3A_224, %add3A_316] : memref<256x64xf32, #tpu.memory_space<vmem>>[vector<16xi32>, vector<16xi32>], vector<16xf32>,
          %gather3A_318 = tpu.vector_load_idx %arg10[%select_n3A_259, %add3A_316] : memref<512x64xf32, #tpu.memory_space<vmem>>[vector<16xi32>, vector<16xi32>], vector<16xf32>,
          %mul3A_319 = arith.mulf %gather3A_317, %gather3A_318 : vector<16xf32>
          %add3A_320 = arith.addf %add3A_292, %mul3A_319 : vector<16xf32>
          %add3A_321 = arith.constant 1 : i32
          %add3A_322 = vector.broadcast %add3A_321 : i32 to vector<16xi32>
          %add3A_323 = arith.addi %add3A_316, %add3A_322 : vector<16xi32>
          %gather3A_324 = tpu.vector_load_idx %arg11[%add3A_224, %add3A_323] : memref<256x64xf32, #tpu.memory_space<vmem>>[vector<16xi32>, vector<16xi32>], vector<16xf32>,
          %gather3A_325 = tpu.vector_load_idx %arg10[%select_n3A_259, %add3A_323] : memref<512x64xf32, #tpu.memory_space<vmem>>[vector<16xi32>, vector<16xi32>], vector<16xf32>,
          %mul3A_326 = arith.mulf %gather3A_324, %gather3A_325 : vector<16xf32>
          %add3A_327 = arith.addf %add3A_299, %mul3A_326 : vector<16xf32>
          %add3A_328 = arith.constant 1 : i32
          %add3A_329 = vector.broadcast %add3A_328 : i32 to vector<16xi32>
          %add3A_330 = arith.addi %add3A_323, %add3A_329 : vector<16xi32>
          %gather3A_331 = tpu.vector_load_idx %arg11[%add3A_224, %add3A_330] : memref<256x64xf32, #tpu.memory_space<vmem>>[vector<16xi32>, vector<16xi32>], vector<16xf32>,
          %gather3A_332 = tpu.vector_load_idx %arg10[%select_n3A_259, %add3A_330] : memref<512x64xf32, #tpu.memory_space<vmem>>[vector<16xi32>, vector<16xi32>], vector<16xf32>,
          %mul3A_333 = arith.mulf %gather3A_331, %gather3A_332 : vector<16xf32>
          %add3A_334 = arith.addf %add3A_306, %mul3A_333 : vector<16xf32>
          %add3A_335 = arith.constant 1 : i32
          %add3A_336 = vector.broadcast %add3A_335 : i32 to vector<16xi32>
          %add3A_337 = arith.addi %add3A_330, %add3A_336 : vector<16xi32>
          %gather3A_338 = tpu.vector_load_idx %arg11[%add3A_224, %add3A_337] : memref<256x64xf32, #tpu.memory_space<vmem>>[vector<16xi32>, vector<16xi32>], vector<16xf32>,
          %gather3A_339 = tpu.vector_load_idx %arg10[%select_n3A_259, %add3A_337] : memref<512x64xf32, #tpu.memory_space<vmem>>[vector<16xi32>, vector<16xi32>], vector<16xf32>,
          %mul3A_340 = arith.mulf %gather3A_338, %gather3A_339 : vector<16xf32>
          %add3A_341 = arith.addf %add3A_313, %mul3A_340 : vector<16xf32>
          %add3A_342 = arith.constant 1 : i32
          %add3A_343 = vector.broadcast %add3A_342 : i32 to vector<16xi32>
          %add3A_344 = arith.addi %add3A_337, %add3A_343 : vector<16xi32>
          %gather3A_345 = tpu.vector_load_idx %arg11[%add3A_224, %add3A_344] : memref<256x64xf32, #tpu.memory_space<vmem>>[vector<16xi32>, vector<16xi32>], vector<16xf32>,
          %gather3A_346 = tpu.vector_load_idx %arg10[%select_n3A_259, %add3A_344] : memref<512x64xf32, #tpu.memory_space<vmem>>[vector<16xi32>, vector<16xi32>], vector<16xf32>,
          %mul3A_347 = arith.mulf %gather3A_345, %gather3A_346 : vector<16xf32>
          %add3A_348 = arith.addf %add3A_320, %mul3A_347 : vector<16xf32>
          %add3A_349 = arith.constant 1 : i32
          %add3A_350 = vector.broadcast %add3A_349 : i32 to vector<16xi32>
          %add3A_351 = arith.addi %add3A_344, %add3A_350 : vector<16xi32>
          %gather3A_352 = tpu.vector_load_idx %arg11[%add3A_224, %add3A_351] : memref<256x64xf32, #tpu.memory_space<vmem>>[vector<16xi32>, vector<16xi32>], vector<16xf32>,
          %gather3A_353 = tpu.vector_load_idx %arg10[%select_n3A_259, %add3A_351] : memref<512x64xf32, #tpu.memory_space<vmem>>[vector<16xi32>, vector<16xi32>], vector<16xf32>,
          %mul3A_354 = arith.mulf %gather3A_352, %gather3A_353 : vector<16xf32>
          %add3A_355 = arith.addf %add3A_327, %mul3A_354 : vector<16xf32>
          %add3A_356 = arith.constant 1 : i32
          %add3A_357 = vector.broadcast %add3A_356 : i32 to vector<16xi32>
          %add3A_358 = arith.addi %add3A_351, %add3A_357 : vector<16xi32>
          %gather3A_359 = tpu.vector_load_idx %arg11[%add3A_224, %add3A_358] : memref<256x64xf32, #tpu.memory_space<vmem>>[vector<16xi32>, vector<16xi32>], vector<16xf32>,
          %gather3A_360 = tpu.vector_load_idx %arg10[%select_n3A_259, %add3A_358] : memref<512x64xf32, #tpu.memory_space<vmem>>[vector<16xi32>, vector<16xi32>], vector<16xf32>,
          %mul3A_361 = arith.mulf %gather3A_359, %gather3A_360 : vector<16xf32>
          %add3A_362 = arith.addf %add3A_334, %mul3A_361 : vector<16xf32>
          %add3A_363 = arith.constant 1 : i32
          %add3A_364 = vector.broadcast %add3A_363 : i32 to vector<16xi32>
          %add3A_365 = arith.addi %add3A_358, %add3A_364 : vector<16xi32>
          %gather3A_366 = tpu.vector_load_idx %arg11[%add3A_224, %add3A_365] : memref<256x64xf32, #tpu.memory_space<vmem>>[vector<16xi32>, vector<16xi32>], vector<16xf32>,
          %gather3A_367 = tpu.vector_load_idx %arg10[%select_n3A_259, %add3A_365] : memref<512x64xf32, #tpu.memory_space<vmem>>[vector<16xi32>, vector<16xi32>], vector<16xf32>,
          %mul3A_368 = arith.mulf %gather3A_366, %gather3A_367 : vector<16xf32>
          %add3A_369 = arith.addf %add3A_341, %mul3A_368 : vector<16xf32>
          %add3A_370 = arith.constant 1 : i32
          %add3A_371 = vector.broadcast %add3A_370 : i32 to vector<16xi32>
          %add3A_372 = arith.addi %add3A_365, %add3A_371 : vector<16xi32>
          %gather3A_373 = tpu.vector_load_idx %arg11[%add3A_224, %add3A_372] : memref<256x64xf32, #tpu.memory_space<vmem>>[vector<16xi32>, vector<16xi32>], vector<16xf32>,
          %gather3A_374 = tpu.vector_load_idx %arg10[%select_n3A_259, %add3A_372] : memref<512x64xf32, #tpu.memory_space<vmem>>[vector<16xi32>, vector<16xi32>], vector<16xf32>,
          %mul3A_375 = arith.mulf %gather3A_373, %gather3A_374 : vector<16xf32>
          %add3A_376 = arith.addf %add3A_348, %mul3A_375 : vector<16xf32>
          %add3A_377 = arith.constant 1 : i32
          %add3A_378 = vector.broadcast %add3A_377 : i32 to vector<16xi32>
          %add3A_379 = arith.addi %add3A_372, %add3A_378 : vector<16xi32>
          %gather3A_380 = tpu.vector_load_idx %arg11[%add3A_224, %add3A_379] : memref<256x64xf32, #tpu.memory_space<vmem>>[vector<16xi32>, vector<16xi32>], vector<16xf32>,
          %gather3A_381 = tpu.vector_load_idx %arg10[%select_n3A_259, %add3A_379] : memref<512x64xf32, #tpu.memory_space<vmem>>[vector<16xi32>, vector<16xi32>], vector<16xf32>,
          %mul3A_382 = arith.mulf %gather3A_380, %gather3A_381 : vector<16xf32>
          %add3A_383 = arith.addf %add3A_355, %mul3A_382 : vector<16xf32>
          %add3A_384 = arith.constant 1 : i32
          %add3A_385 = vector.broadcast %add3A_384 : i32 to vector<16xi32>
          %add3A_386 = arith.addi %add3A_379, %add3A_385 : vector<16xi32>
          %gather3A_387 = tpu.vector_load_idx %arg11[%add3A_224, %add3A_386] : memref<256x64xf32, #tpu.memory_space<vmem>>[vector<16xi32>, vector<16xi32>], vector<16xf32>,
          %gather3A_388 = tpu.vector_load_idx %arg10[%select_n3A_259, %add3A_386] : memref<512x64xf32, #tpu.memory_space<vmem>>[vector<16xi32>, vector<16xi32>], vector<16xf32>,
          %mul3A_389 = arith.mulf %gather3A_387, %gather3A_388 : vector<16xf32>
          %add3A_390 = arith.addf %add3A_362, %mul3A_389 : vector<16xf32>
          %add3A_391 = arith.constant 1 : i32
          %add3A_392 = vector.broadcast %add3A_391 : i32 to vector<16xi32>
          %add3A_393 = arith.addi %add3A_386, %add3A_392 : vector<16xi32>
          %gather3A_394 = tpu.vector_load_idx %arg11[%add3A_224, %add3A_393] : memref<256x64xf32, #tpu.memory_space<vmem>>[vector<16xi32>, vector<16xi32>], vector<16xf32>,
          %gather3A_395 = tpu.vector_load_idx %arg10[%select_n3A_259, %add3A_393] : memref<512x64xf32, #tpu.memory_space<vmem>>[vector<16xi32>, vector<16xi32>], vector<16xf32>,
          %mul3A_396 = arith.mulf %gather3A_394, %gather3A_395 : vector<16xf32>
          %add3A_397 = arith.addf %add3A_369, %mul3A_396 : vector<16xf32>
          %add3A_398 = arith.constant 1 : i32
          %add3A_399 = vector.broadcast %add3A_398 : i32 to vector<16xi32>
          %add3A_400 = arith.addi %add3A_393, %add3A_399 : vector<16xi32>
          %gather3A_401 = tpu.vector_load_idx %arg11[%add3A_224, %add3A_400] : memref<256x64xf32, #tpu.memory_space<vmem>>[vector<16xi32>, vector<16xi32>], vector<16xf32>,
          %gather3A_402 = tpu.vector_load_idx %arg10[%select_n3A_259, %add3A_400] : memref<512x64xf32, #tpu.memory_space<vmem>>[vector<16xi32>, vector<16xi32>], vector<16xf32>,
          %mul3A_403 = arith.mulf %gather3A_401, %gather3A_402 : vector<16xf32>
          %add3A_404 = arith.addf %add3A_376, %mul3A_403 : vector<16xf32>
          %add3A_405 = arith.constant 1 : i32
          %add3A_406 = vector.broadcast %add3A_405 : i32 to vector<16xi32>
          %add3A_407 = arith.addi %add3A_400, %add3A_406 : vector<16xi32>
          %gather3A_408 = tpu.vector_load_idx %arg11[%add3A_224, %add3A_407] : memref<256x64xf32, #tpu.memory_space<vmem>>[vector<16xi32>, vector<16xi32>], vector<16xf32>,
          %gather3A_409 = tpu.vector_load_idx %arg10[%select_n3A_259, %add3A_407] : memref<512x64xf32, #tpu.memory_space<vmem>>[vector<16xi32>, vector<16xi32>], vector<16xf32>,
          %mul3A_410 = arith.mulf %gather3A_408, %gather3A_409 : vector<16xf32>
          %add3A_411 = arith.addf %add3A_383, %mul3A_410 : vector<16xf32>
          %add3A_412 = arith.constant 1 : i32
          %add3A_413 = vector.broadcast %add3A_412 : i32 to vector<16xi32>
          %add3A_414 = arith.addi %add3A_407, %add3A_413 : vector<16xi32>
          %gather3A_415 = tpu.vector_load_idx %arg11[%add3A_224, %add3A_414] : memref<256x64xf32, #tpu.memory_space<vmem>>[vector<16xi32>, vector<16xi32>], vector<16xf32>,
          %gather3A_416 = tpu.vector_load_idx %arg10[%select_n3A_259, %add3A_414] : memref<512x64xf32, #tpu.memory_space<vmem>>[vector<16xi32>, vector<16xi32>], vector<16xf32>,
          %mul3A_417 = arith.mulf %gather3A_415, %gather3A_416 : vector<16xf32>
          %add3A_418 = arith.addf %add3A_390, %mul3A_417 : vector<16xf32>
          %add3A_419 = arith.constant 1 : i32
          %add3A_420 = vector.broadcast %add3A_419 : i32 to vector<16xi32>
          %add3A_421 = arith.addi %add3A_414, %add3A_420 : vector<16xi32>
          %gather3A_422 = tpu.vector_load_idx %arg11[%add3A_224, %add3A_421] : memref<256x64xf32, #tpu.memory_space<vmem>>[vector<16xi32>, vector<16xi32>], vector<16xf32>,
          %gather3A_423 = tpu.vector_load_idx %arg10[%select_n3A_259, %add3A_421] : memref<512x64xf32, #tpu.memory_space<vmem>>[vector<16xi32>, vector<16xi32>], vector<16xf32>,
          %mul3A_424 = arith.mulf %gather3A_422, %gather3A_423 : vector<16xf32>
          %add3A_425 = arith.addf %add3A_397, %mul3A_424 : vector<16xf32>
          %add3A_426 = arith.constant 1 : i32
          %add3A_427 = vector.broadcast %add3A_426 : i32 to vector<16xi32>
          %add3A_428 = arith.addi %add3A_421, %add3A_427 : vector<16xi32>
          %gather3A_429 = tpu.vector_load_idx %arg11[%add3A_224, %add3A_428] : memref<256x64xf32, #tpu.memory_space<vmem>>[vector<16xi32>, vector<16xi32>], vector<16xf32>,
          %gather3A_430 = tpu.vector_load_idx %arg10[%select_n3A_259, %add3A_428] : memref<512x64xf32, #tpu.memory_space<vmem>>[vector<16xi32>, vector<16xi32>], vector<16xf32>,
          %mul3A_431 = arith.mulf %gather3A_429, %gather3A_430 : vector<16xf32>
          %add3A_432 = arith.addf %add3A_404, %mul3A_431 : vector<16xf32>
          %add3A_433 = arith.constant 1 : i32
          %add3A_434 = vector.broadcast %add3A_433 : i32 to vector<16xi32>
          %add3A_435 = arith.addi %add3A_428, %add3A_434 : vector<16xi32>
          %gather3A_436 = tpu.vector_load_idx %arg11[%add3A_224, %add3A_435] : memref<256x64xf32, #tpu.memory_space<vmem>>[vector<16xi32>, vector<16xi32>], vector<16xf32>,
          %gather3A_437 = tpu.vector_load_idx %arg10[%select_n3A_259, %add3A_435] : memref<512x64xf32, #tpu.memory_space<vmem>>[vector<16xi32>, vector<16xi32>], vector<16xf32>,
          %mul3A_438 = arith.mulf %gather3A_436, %gather3A_437 : vector<16xf32>
          %add3A_439 = arith.addf %add3A_411, %mul3A_438 : vector<16xf32>
          %add3A_440 = arith.constant 1 : i32
          %add3A_441 = vector.broadcast %add3A_440 : i32 to vector<16xi32>
          %add3A_442 = arith.addi %add3A_435, %add3A_441 : vector<16xi32>
          %gather3A_443 = tpu.vector_load_idx %arg11[%add3A_224, %add3A_442] : memref<256x64xf32, #tpu.memory_space<vmem>>[vector<16xi32>, vector<16xi32>], vector<16xf32>,
          %gather3A_444 = tpu.vector_load_idx %arg10[%select_n3A_259, %add3A_442] : memref<512x64xf32, #tpu.memory_space<vmem>>[vector<16xi32>, vector<16xi32>], vector<16xf32>,
          %mul3A_445 = arith.mulf %gather3A_443, %gather3A_444 : vector<16xf32>
          %add3A_446 = arith.addf %add3A_418, %mul3A_445 : vector<16xf32>
          %add3A_447 = arith.constant 1 : i32
          %add3A_448 = vector.broadcast %add3A_447 : i32 to vector<16xi32>
          %add3A_449 = arith.addi %add3A_442, %add3A_448 : vector<16xi32>
          %gather3A_450 = tpu.vector_load_idx %arg11[%add3A_224, %add3A_449] : memref<256x64xf32, #tpu.memory_space<vmem>>[vector<16xi32>, vector<16xi32>], vector<16xf32>,
          %gather3A_451 = tpu.vector_load_idx %arg10[%select_n3A_259, %add3A_449] : memref<512x64xf32, #tpu.memory_space<vmem>>[vector<16xi32>, vector<16xi32>], vector<16xf32>,
          %mul3A_452 = arith.mulf %gather3A_450, %gather3A_451 : vector<16xf32>
          %add3A_453 = arith.addf %add3A_425, %mul3A_452 : vector<16xf32>
          %add3A_454 = arith.constant 1 : i32
          %add3A_455 = vector.broadcast %add3A_454 : i32 to vector<16xi32>
          %add3A_456 = arith.addi %add3A_449, %add3A_455 : vector<16xi32>
          %gather3A_457 = tpu.vector_load_idx %arg11[%add3A_224, %add3A_456] : memref<256x64xf32, #tpu.memory_space<vmem>>[vector<16xi32>, vector<16xi32>], vector<16xf32>,
          %gather3A_458 = tpu.vector_load_idx %arg10[%select_n3A_259, %add3A_456] : memref<512x64xf32, #tpu.memory_space<vmem>>[vector<16xi32>, vector<16xi32>], vector<16xf32>,
          %mul3A_459 = arith.mulf %gather3A_457, %gather3A_458 : vector<16xf32>
          %add3A_460 = arith.addf %add3A_432, %mul3A_459 : vector<16xf32>
          %add3A_461 = arith.constant 1 : i32
          %add3A_462 = vector.broadcast %add3A_461 : i32 to vector<16xi32>
          %add3A_463 = arith.addi %add3A_456, %add3A_462 : vector<16xi32>
          %gather3A_464 = tpu.vector_load_idx %arg11[%add3A_224, %add3A_463] : memref<256x64xf32, #tpu.memory_space<vmem>>[vector<16xi32>, vector<16xi32>], vector<16xf32>,
          %gather3A_465 = tpu.vector_load_idx %arg10[%select_n3A_259, %add3A_463] : memref<512x64xf32, #tpu.memory_space<vmem>>[vector<16xi32>, vector<16xi32>], vector<16xf32>,
          %mul3A_466 = arith.mulf %gather3A_464, %gather3A_465 : vector<16xf32>
          %add3A_467 = arith.addf %add3A_439, %mul3A_466 : vector<16xf32>
          %add3A_468 = arith.constant 1 : i32
          %add3A_469 = vector.broadcast %add3A_468 : i32 to vector<16xi32>
          %add3A_470 = arith.addi %add3A_463, %add3A_469 : vector<16xi32>
          %gather3A_471 = tpu.vector_load_idx %arg11[%add3A_224, %add3A_470] : memref<256x64xf32, #tpu.memory_space<vmem>>[vector<16xi32>, vector<16xi32>], vector<16xf32>,
          %gather3A_472 = tpu.vector_load_idx %arg10[%select_n3A_259, %add3A_470] : memref<512x64xf32, #tpu.memory_space<vmem>>[vector<16xi32>, vector<16xi32>], vector<16xf32>,
          %mul3A_473 = arith.mulf %gather3A_471, %gather3A_472 : vector<16xf32>
          %add3A_474 = arith.addf %add3A_446, %mul3A_473 : vector<16xf32>
          %add3A_475 = arith.constant 1 : i32
          %add3A_476 = vector.broadcast %add3A_475 : i32 to vector<16xi32>
          %add3A_477 = arith.addi %add3A_470, %add3A_476 : vector<16xi32>
          %gather3A_478 = tpu.vector_load_idx %arg11[%add3A_224, %add3A_477] : memref<256x64xf32, #tpu.memory_space<vmem>>[vector<16xi32>, vector<16xi32>], vector<16xf32>,
          %gather3A_479 = tpu.vector_load_idx %arg10[%select_n3A_259, %add3A_477] : memref<512x64xf32, #tpu.memory_space<vmem>>[vector<16xi32>, vector<16xi32>], vector<16xf32>,
          %mul3A_480 = arith.mulf %gather3A_478, %gather3A_479 : vector<16xf32>
          %add3A_481 = arith.addf %add3A_453, %mul3A_480 : vector<16xf32>
          %add3A_482 = arith.constant 1 : i32
          %add3A_483 = vector.broadcast %add3A_482 : i32 to vector<16xi32>
          %add3A_484 = arith.addi %add3A_477, %add3A_483 : vector<16xi32>
          %gather3A_485 = tpu.vector_load_idx %arg11[%add3A_224, %add3A_484] : memref<256x64xf32, #tpu.memory_space<vmem>>[vector<16xi32>, vector<16xi32>], vector<16xf32>,
          %gather3A_486 = tpu.vector_load_idx %arg10[%select_n3A_259, %add3A_484] : memref<512x64xf32, #tpu.memory_space<vmem>>[vector<16xi32>, vector<16xi32>], vector<16xf32>,
          %mul3A_487 = arith.mulf %gather3A_485, %gather3A_486 : vector<16xf32>
          %add3A_488 = arith.addf %add3A_460, %mul3A_487 : vector<16xf32>
          %add3A_489 = arith.constant 1 : i32
          %add3A_490 = vector.broadcast %add3A_489 : i32 to vector<16xi32>
          %add3A_491 = arith.addi %add3A_484, %add3A_490 : vector<16xi32>
          %gather3A_492 = tpu.vector_load_idx %arg11[%add3A_224, %add3A_491] : memref<256x64xf32, #tpu.memory_space<vmem>>[vector<16xi32>, vector<16xi32>], vector<16xf32>,
          %gather3A_493 = tpu.vector_load_idx %arg10[%select_n3A_259, %add3A_491] : memref<512x64xf32, #tpu.memory_space<vmem>>[vector<16xi32>, vector<16xi32>], vector<16xf32>,
          %mul3A_494 = arith.mulf %gather3A_492, %gather3A_493 : vector<16xf32>
          %add3A_495 = arith.addf %add3A_467, %mul3A_494 : vector<16xf32>
          %add3A_496 = arith.constant 1 : i32
          %add3A_497 = vector.broadcast %add3A_496 : i32 to vector<16xi32>
          %add3A_498 = arith.addi %add3A_491, %add3A_497 : vector<16xi32>
          %gather3A_499 = tpu.vector_load_idx %arg11[%add3A_224, %add3A_498] : memref<256x64xf32, #tpu.memory_space<vmem>>[vector<16xi32>, vector<16xi32>], vector<16xf32>,
          %gather3A_500 = tpu.vector_load_idx %arg10[%select_n3A_259, %add3A_498] : memref<512x64xf32, #tpu.memory_space<vmem>>[vector<16xi32>, vector<16xi32>], vector<16xf32>,
          %mul3A_501 = arith.mulf %gather3A_499, %gather3A_500 : vector<16xf32>
          %add3A_502 = arith.addf %add3A_474, %mul3A_501 : vector<16xf32>
          %add3A_503 = arith.constant 1 : i32
          %add3A_504 = vector.broadcast %add3A_503 : i32 to vector<16xi32>
          %add3A_505 = arith.addi %add3A_498, %add3A_504 : vector<16xi32>
          %gather3A_506 = tpu.vector_load_idx %arg11[%add3A_224, %add3A_505] : memref<256x64xf32, #tpu.memory_space<vmem>>[vector<16xi32>, vector<16xi32>], vector<16xf32>,
          %gather3A_507 = tpu.vector_load_idx %arg10[%select_n3A_259, %add3A_505] : memref<512x64xf32, #tpu.memory_space<vmem>>[vector<16xi32>, vector<16xi32>], vector<16xf32>,
          %mul3A_508 = arith.mulf %gather3A_506, %gather3A_507 : vector<16xf32>
          %add3A_509 = arith.addf %add3A_481, %mul3A_508 : vector<16xf32>
          %add3A_510 = arith.constant 1 : i32
          %add3A_511 = vector.broadcast %add3A_510 : i32 to vector<16xi32>
          %add3A_512 = arith.addi %add3A_505, %add3A_511 : vector<16xi32>
          %gather3A_513 = tpu.vector_load_idx %arg11[%add3A_224, %add3A_512] : memref<256x64xf32, #tpu.memory_space<vmem>>[vector<16xi32>, vector<16xi32>], vector<16xf32>,
          %gather3A_514 = tpu.vector_load_idx %arg10[%select_n3A_259, %add3A_512] : memref<512x64xf32, #tpu.memory_space<vmem>>[vector<16xi32>, vector<16xi32>], vector<16xf32>,
          %mul3A_515 = arith.mulf %gather3A_513, %gather3A_514 : vector<16xf32>
          %add3A_516 = arith.addf %add3A_488, %mul3A_515 : vector<16xf32>
          %add3A_517 = arith.constant 1 : i32
          %add3A_518 = vector.broadcast %add3A_517 : i32 to vector<16xi32>
          %add3A_519 = arith.addi %add3A_512, %add3A_518 : vector<16xi32>
          %gather3A_520 = tpu.vector_load_idx %arg11[%add3A_224, %add3A_519] : memref<256x64xf32, #tpu.memory_space<vmem>>[vector<16xi32>, vector<16xi32>], vector<16xf32>,
          %gather3A_521 = tpu.vector_load_idx %arg10[%select_n3A_259, %add3A_519] : memref<512x64xf32, #tpu.memory_space<vmem>>[vector<16xi32>, vector<16xi32>], vector<16xf32>,
          %mul3A_522 = arith.mulf %gather3A_520, %gather3A_521 : vector<16xf32>
          %add3A_523 = arith.addf %add3A_495, %mul3A_522 : vector<16xf32>
          %add3A_524 = arith.constant 1 : i32
          %add3A_525 = vector.broadcast %add3A_524 : i32 to vector<16xi32>
          %add3A_526 = arith.addi %add3A_519, %add3A_525 : vector<16xi32>
          %gather3A_527 = tpu.vector_load_idx %arg11[%add3A_224, %add3A_526] : memref<256x64xf32, #tpu.memory_space<vmem>>[vector<16xi32>, vector<16xi32>], vector<16xf32>,
          %gather3A_528 = tpu.vector_load_idx %arg10[%select_n3A_259, %add3A_526] : memref<512x64xf32, #tpu.memory_space<vmem>>[vector<16xi32>, vector<16xi32>], vector<16xf32>,
          %mul3A_529 = arith.mulf %gather3A_527, %gather3A_528 : vector<16xf32>
          %add3A_530 = arith.addf %add3A_502, %mul3A_529 : vector<16xf32>
          %add3A_531 = arith.constant 1 : i32
          %add3A_532 = vector.broadcast %add3A_531 : i32 to vector<16xi32>
          %add3A_533 = arith.addi %add3A_526, %add3A_532 : vector<16xi32>
          %gather3A_534 = tpu.vector_load_idx %arg11[%add3A_224, %add3A_533] : memref<256x64xf32, #tpu.memory_space<vmem>>[vector<16xi32>, vector<16xi32>], vector<16xf32>,
          %gather3A_535 = tpu.vector_load_idx %arg10[%select_n3A_259, %add3A_533] : memref<512x64xf32, #tpu.memory_space<vmem>>[vector<16xi32>, vector<16xi32>], vector<16xf32>,
          %mul3A_536 = arith.mulf %gather3A_534, %gather3A_535 : vector<16xf32>
          %add3A_537 = arith.addf %add3A_509, %mul3A_536 : vector<16xf32>
          %add3A_538 = arith.constant 1 : i32
          %add3A_539 = vector.broadcast %add3A_538 : i32 to vector<16xi32>
          %add3A_540 = arith.addi %add3A_533, %add3A_539 : vector<16xi32>
          %gather3A_541 = tpu.vector_load_idx %arg11[%add3A_224, %add3A_540] : memref<256x64xf32, #tpu.memory_space<vmem>>[vector<16xi32>, vector<16xi32>], vector<16xf32>,
          %gather3A_542 = tpu.vector_load_idx %arg10[%select_n3A_259, %add3A_540] : memref<512x64xf32, #tpu.memory_space<vmem>>[vector<16xi32>, vector<16xi32>], vector<16xf32>,
          %mul3A_543 = arith.mulf %gather3A_541, %gather3A_542 : vector<16xf32>
          %add3A_544 = arith.addf %add3A_516, %mul3A_543 : vector<16xf32>
          %add3A_545 = arith.constant 1 : i32
          %add3A_546 = vector.broadcast %add3A_545 : i32 to vector<16xi32>
          %add3A_547 = arith.addi %add3A_540, %add3A_546 : vector<16xi32>
          %gather3A_548 = tpu.vector_load_idx %arg11[%add3A_224, %add3A_547] : memref<256x64xf32, #tpu.memory_space<vmem>>[vector<16xi32>, vector<16xi32>], vector<16xf32>,
          %gather3A_549 = tpu.vector_load_idx %arg10[%select_n3A_259, %add3A_547] : memref<512x64xf32, #tpu.memory_space<vmem>>[vector<16xi32>, vector<16xi32>], vector<16xf32>,
          %mul3A_550 = arith.mulf %gather3A_548, %gather3A_549 : vector<16xf32>
          %add3A_551 = arith.addf %add3A_523, %mul3A_550 : vector<16xf32>
          %add3A_552 = arith.constant 1 : i32
          %add3A_553 = vector.broadcast %add3A_552 : i32 to vector<16xi32>
          %add3A_554 = arith.addi %add3A_547, %add3A_553 : vector<16xi32>
          %gather3A_555 = tpu.vector_load_idx %arg11[%add3A_224, %add3A_554] : memref<256x64xf32, #tpu.memory_space<vmem>>[vector<16xi32>, vector<16xi32>], vector<16xf32>,
          %gather3A_556 = tpu.vector_load_idx %arg10[%select_n3A_259, %add3A_554] : memref<512x64xf32, #tpu.memory_space<vmem>>[vector<16xi32>, vector<16xi32>], vector<16xf32>,
          %mul3A_557 = arith.mulf %gather3A_555, %gather3A_556 : vector<16xf32>
          %add3A_558 = arith.addf %add3A_530, %mul3A_557 : vector<16xf32>
          %add3A_559 = arith.constant 1 : i32
          %add3A_560 = vector.broadcast %add3A_559 : i32 to vector<16xi32>
          %add3A_561 = arith.addi %add3A_554, %add3A_560 : vector<16xi32>
          %gather3A_562 = tpu.vector_load_idx %arg11[%add3A_224, %add3A_561] : memref<256x64xf32, #tpu.memory_space<vmem>>[vector<16xi32>, vector<16xi32>], vector<16xf32>,
          %gather3A_563 = tpu.vector_load_idx %arg10[%select_n3A_259, %add3A_561] : memref<512x64xf32, #tpu.memory_space<vmem>>[vector<16xi32>, vector<16xi32>], vector<16xf32>,
          %mul3A_564 = arith.mulf %gather3A_562, %gather3A_563 : vector<16xf32>
          %add3A_565 = arith.addf %add3A_537, %mul3A_564 : vector<16xf32>
          %add3A_566 = arith.constant 1 : i32
          %add3A_567 = vector.broadcast %add3A_566 : i32 to vector<16xi32>
          %add3A_568 = arith.addi %add3A_561, %add3A_567 : vector<16xi32>
          %gather3A_569 = tpu.vector_load_idx %arg11[%add3A_224, %add3A_568] : memref<256x64xf32, #tpu.memory_space<vmem>>[vector<16xi32>, vector<16xi32>], vector<16xf32>,
          %gather3A_570 = tpu.vector_load_idx %arg10[%select_n3A_259, %add3A_568] : memref<512x64xf32, #tpu.memory_space<vmem>>[vector<16xi32>, vector<16xi32>], vector<16xf32>,
          %mul3A_571 = arith.mulf %gather3A_569, %gather3A_570 : vector<16xf32>
          %add3A_572 = arith.addf %add3A_544, %mul3A_571 : vector<16xf32>
          %add3A_573 = arith.constant 1 : i32
          %add3A_574 = vector.broadcast %add3A_573 : i32 to vector<16xi32>
          %add3A_575 = arith.addi %add3A_568, %add3A_574 : vector<16xi32>
          %gather3A_576 = tpu.vector_load_idx %arg11[%add3A_224, %add3A_575] : memref<256x64xf32, #tpu.memory_space<vmem>>[vector<16xi32>, vector<16xi32>], vector<16xf32>,
          %gather3A_577 = tpu.vector_load_idx %arg10[%select_n3A_259, %add3A_575] : memref<512x64xf32, #tpu.memory_space<vmem>>[vector<16xi32>, vector<16xi32>], vector<16xf32>,
          %mul3A_578 = arith.mulf %gather3A_576, %gather3A_577 : vector<16xf32>
          %add3A_579 = arith.addf %add3A_551, %mul3A_578 : vector<16xf32>
          %add3A_580 = arith.constant 1 : i32
          %add3A_581 = vector.broadcast %add3A_580 : i32 to vector<16xi32>
          %add3A_582 = arith.addi %add3A_575, %add3A_581 : vector<16xi32>
          %gather3A_583 = tpu.vector_load_idx %arg11[%add3A_224, %add3A_582] : memref<256x64xf32, #tpu.memory_space<vmem>>[vector<16xi32>, vector<16xi32>], vector<16xf32>,
          %gather3A_584 = tpu.vector_load_idx %arg10[%select_n3A_259, %add3A_582] : memref<512x64xf32, #tpu.memory_space<vmem>>[vector<16xi32>, vector<16xi32>], vector<16xf32>,
          %mul3A_585 = arith.mulf %gather3A_583, %gather3A_584 : vector<16xf32>
          %add3A_586 = arith.addf %add3A_558, %mul3A_585 : vector<16xf32>
          %add3A_587 = arith.constant 1 : i32
          %add3A_588 = vector.broadcast %add3A_587 : i32 to vector<16xi32>
          %add3A_589 = arith.addi %add3A_582, %add3A_588 : vector<16xi32>
          %gather3A_590 = tpu.vector_load_idx %arg11[%add3A_224, %add3A_589] : memref<256x64xf32, #tpu.memory_space<vmem>>[vector<16xi32>, vector<16xi32>], vector<16xf32>,
          %gather3A_591 = tpu.vector_load_idx %arg10[%select_n3A_259, %add3A_589] : memref<512x64xf32, #tpu.memory_space<vmem>>[vector<16xi32>, vector<16xi32>], vector<16xf32>,
          %mul3A_592 = arith.mulf %gather3A_590, %gather3A_591 : vector<16xf32>
          %add3A_593 = arith.addf %add3A_565, %mul3A_592 : vector<16xf32>
          %add3A_594 = arith.constant 1 : i32
          %add3A_595 = vector.broadcast %add3A_594 : i32 to vector<16xi32>
          %add3A_596 = arith.addi %add3A_589, %add3A_595 : vector<16xi32>
          %gather3A_597 = tpu.vector_load_idx %arg11[%add3A_224, %add3A_596] : memref<256x64xf32, #tpu.memory_space<vmem>>[vector<16xi32>, vector<16xi32>], vector<16xf32>,
          %gather3A_598 = tpu.vector_load_idx %arg10[%select_n3A_259, %add3A_596] : memref<512x64xf32, #tpu.memory_space<vmem>>[vector<16xi32>, vector<16xi32>], vector<16xf32>,
          %mul3A_599 = arith.mulf %gather3A_597, %gather3A_598 : vector<16xf32>
          %add3A_600 = arith.addf %add3A_572, %mul3A_599 : vector<16xf32>
          %add3A_601 = arith.constant 1 : i32
          %add3A_602 = vector.broadcast %add3A_601 : i32 to vector<16xi32>
          %add3A_603 = arith.addi %add3A_596, %add3A_602 : vector<16xi32>
          %gather3A_604 = tpu.vector_load_idx %arg11[%add3A_224, %add3A_603] : memref<256x64xf32, #tpu.memory_space<vmem>>[vector<16xi32>, vector<16xi32>], vector<16xf32>,
          %gather3A_605 = tpu.vector_load_idx %arg10[%select_n3A_259, %add3A_603] : memref<512x64xf32, #tpu.memory_space<vmem>>[vector<16xi32>, vector<16xi32>], vector<16xf32>,
          %mul3A_606 = arith.mulf %gather3A_604, %gather3A_605 : vector<16xf32>
          %add3A_607 = arith.addf %add3A_579, %mul3A_606 : vector<16xf32>
          %add3A_608 = arith.constant 1 : i32
          %add3A_609 = vector.broadcast %add3A_608 : i32 to vector<16xi32>
          %add3A_610 = arith.addi %add3A_603, %add3A_609 : vector<16xi32>
          %gather3A_611 = tpu.vector_load_idx %arg11[%add3A_224, %add3A_610] : memref<256x64xf32, #tpu.memory_space<vmem>>[vector<16xi32>, vector<16xi32>], vector<16xf32>,
          %gather3A_612 = tpu.vector_load_idx %arg10[%select_n3A_259, %add3A_610] : memref<512x64xf32, #tpu.memory_space<vmem>>[vector<16xi32>, vector<16xi32>], vector<16xf32>,
          %mul3A_613 = arith.mulf %gather3A_611, %gather3A_612 : vector<16xf32>
          %add3A_614 = arith.addf %add3A_586, %mul3A_613 : vector<16xf32>
          %add3A_615 = arith.constant 1 : i32
          %add3A_616 = vector.broadcast %add3A_615 : i32 to vector<16xi32>
          %add3A_617 = arith.addi %add3A_610, %add3A_616 : vector<16xi32>
          %gather3A_618 = tpu.vector_load_idx %arg11[%add3A_224, %add3A_617] : memref<256x64xf32, #tpu.memory_space<vmem>>[vector<16xi32>, vector<16xi32>], vector<16xf32>,
          %gather3A_619 = tpu.vector_load_idx %arg10[%select_n3A_259, %add3A_617] : memref<512x64xf32, #tpu.memory_space<vmem>>[vector<16xi32>, vector<16xi32>], vector<16xf32>,
          %mul3A_620 = arith.mulf %gather3A_618, %gather3A_619 : vector<16xf32>
          %add3A_621 = arith.addf %add3A_593, %mul3A_620 : vector<16xf32>
          %add3A_622 = arith.constant 1 : i32
          %add3A_623 = vector.broadcast %add3A_622 : i32 to vector<16xi32>
          %add3A_624 = arith.addi %add3A_617, %add3A_623 : vector<16xi32>
          %gather3A_625 = tpu.vector_load_idx %arg11[%add3A_224, %add3A_624] : memref<256x64xf32, #tpu.memory_space<vmem>>[vector<16xi32>, vector<16xi32>], vector<16xf32>,
          %gather3A_626 = tpu.vector_load_idx %arg10[%select_n3A_259, %add3A_624] : memref<512x64xf32, #tpu.memory_space<vmem>>[vector<16xi32>, vector<16xi32>], vector<16xf32>,
          %mul3A_627 = arith.mulf %gather3A_625, %gather3A_626 : vector<16xf32>
          %add3A_628 = arith.addf %add3A_600, %mul3A_627 : vector<16xf32>
          %add3A_629 = arith.constant 1 : i32
          %add3A_630 = vector.broadcast %add3A_629 : i32 to vector<16xi32>
          %add3A_631 = arith.addi %add3A_624, %add3A_630 : vector<16xi32>
          %gather3A_632 = tpu.vector_load_idx %arg11[%add3A_224, %add3A_631] : memref<256x64xf32, #tpu.memory_space<vmem>>[vector<16xi32>, vector<16xi32>], vector<16xf32>,
          %gather3A_633 = tpu.vector_load_idx %arg10[%select_n3A_259, %add3A_631] : memref<512x64xf32, #tpu.memory_space<vmem>>[vector<16xi32>, vector<16xi32>], vector<16xf32>,
          %mul3A_634 = arith.mulf %gather3A_632, %gather3A_633 : vector<16xf32>
          %add3A_635 = arith.addf %add3A_607, %mul3A_634 : vector<16xf32>
          %add3A_636 = arith.constant 1 : i32
          %add3A_637 = vector.broadcast %add3A_636 : i32 to vector<16xi32>
          %add3A_638 = arith.addi %add3A_631, %add3A_637 : vector<16xi32>
          %gather3A_639 = tpu.vector_load_idx %arg11[%add3A_224, %add3A_638] : memref<256x64xf32, #tpu.memory_space<vmem>>[vector<16xi32>, vector<16xi32>], vector<16xf32>,
          %gather3A_640 = tpu.vector_load_idx %arg10[%select_n3A_259, %add3A_638] : memref<512x64xf32, #tpu.memory_space<vmem>>[vector<16xi32>, vector<16xi32>], vector<16xf32>,
          %mul3A_641 = arith.mulf %gather3A_639, %gather3A_640 : vector<16xf32>
          %add3A_642 = arith.addf %add3A_614, %mul3A_641 : vector<16xf32>
          %add3A_643 = arith.constant 1 : i32
          %add3A_644 = vector.broadcast %add3A_643 : i32 to vector<16xi32>
          %add3A_645 = arith.addi %add3A_638, %add3A_644 : vector<16xi32>
          %gather3A_646 = tpu.vector_load_idx %arg11[%add3A_224, %add3A_645] : memref<256x64xf32, #tpu.memory_space<vmem>>[vector<16xi32>, vector<16xi32>], vector<16xf32>,
          %gather3A_647 = tpu.vector_load_idx %arg10[%select_n3A_259, %add3A_645] : memref<512x64xf32, #tpu.memory_space<vmem>>[vector<16xi32>, vector<16xi32>], vector<16xf32>,
          %mul3A_648 = arith.mulf %gather3A_646, %gather3A_647 : vector<16xf32>
          %add3A_649 = arith.addf %add3A_621, %mul3A_648 : vector<16xf32>
          %add3A_650 = arith.constant 1 : i32
          %add3A_651 = vector.broadcast %add3A_650 : i32 to vector<16xi32>
          %add3A_652 = arith.addi %add3A_645, %add3A_651 : vector<16xi32>
          %gather3A_653 = tpu.vector_load_idx %arg11[%add3A_224, %add3A_652] : memref<256x64xf32, #tpu.memory_space<vmem>>[vector<16xi32>, vector<16xi32>], vector<16xf32>,
          %gather3A_654 = tpu.vector_load_idx %arg10[%select_n3A_259, %add3A_652] : memref<512x64xf32, #tpu.memory_space<vmem>>[vector<16xi32>, vector<16xi32>], vector<16xf32>,
          %mul3A_655 = arith.mulf %gather3A_653, %gather3A_654 : vector<16xf32>
          %add3A_656 = arith.addf %add3A_628, %mul3A_655 : vector<16xf32>
          %add3A_657 = arith.constant 1 : i32
          %add3A_658 = vector.broadcast %add3A_657 : i32 to vector<16xi32>
          %add3A_659 = arith.addi %add3A_652, %add3A_658 : vector<16xi32>
          %gather3A_660 = tpu.vector_load_idx %arg11[%add3A_224, %add3A_659] : memref<256x64xf32, #tpu.memory_space<vmem>>[vector<16xi32>, vector<16xi32>], vector<16xf32>,
          %gather3A_661 = tpu.vector_load_idx %arg10[%select_n3A_259, %add3A_659] : memref<512x64xf32, #tpu.memory_space<vmem>>[vector<16xi32>, vector<16xi32>], vector<16xf32>,
          %mul3A_662 = arith.mulf %gather3A_660, %gather3A_661 : vector<16xf32>
          %add3A_663 = arith.addf %add3A_635, %mul3A_662 : vector<16xf32>
          %add3A_664 = arith.constant 1 : i32
          %add3A_665 = vector.broadcast %add3A_664 : i32 to vector<16xi32>
          %add3A_666 = arith.addi %add3A_659, %add3A_665 : vector<16xi32>
          %gather3A_667 = tpu.vector_load_idx %arg11[%add3A_224, %add3A_666] : memref<256x64xf32, #tpu.memory_space<vmem>>[vector<16xi32>, vector<16xi32>], vector<16xf32>,
          %gather3A_668 = tpu.vector_load_idx %arg10[%select_n3A_259, %add3A_666] : memref<512x64xf32, #tpu.memory_space<vmem>>[vector<16xi32>, vector<16xi32>], vector<16xf32>,
          %mul3A_669 = arith.mulf %gather3A_667, %gather3A_668 : vector<16xf32>
          %add3A_670 = arith.addf %add3A_642, %mul3A_669 : vector<16xf32>
          %add3A_671 = arith.constant 1 : i32
          %add3A_672 = vector.broadcast %add3A_671 : i32 to vector<16xi32>
          %add3A_673 = arith.addi %add3A_666, %add3A_672 : vector<16xi32>
          %gather3A_674 = tpu.vector_load_idx %arg11[%add3A_224, %add3A_673] : memref<256x64xf32, #tpu.memory_space<vmem>>[vector<16xi32>, vector<16xi32>], vector<16xf32>,
          %gather3A_675 = tpu.vector_load_idx %arg10[%select_n3A_259, %add3A_673] : memref<512x64xf32, #tpu.memory_space<vmem>>[vector<16xi32>, vector<16xi32>], vector<16xf32>,
          %mul3A_676 = arith.mulf %gather3A_674, %gather3A_675 : vector<16xf32>
          %add3A_677 = arith.addf %add3A_649, %mul3A_676 : vector<16xf32>
          %add3A_678 = arith.constant 1 : i32
          %add3A_679 = vector.broadcast %add3A_678 : i32 to vector<16xi32>
          %add3A_680 = arith.addi %add3A_673, %add3A_679 : vector<16xi32>
          %gather3A_681 = tpu.vector_load_idx %arg11[%add3A_224, %add3A_680] : memref<256x64xf32, #tpu.memory_space<vmem>>[vector<16xi32>, vector<16xi32>], vector<16xf32>,
          %gather3A_682 = tpu.vector_load_idx %arg10[%select_n3A_259, %add3A_680] : memref<512x64xf32, #tpu.memory_space<vmem>>[vector<16xi32>, vector<16xi32>], vector<16xf32>,
          %mul3A_683 = arith.mulf %gather3A_681, %gather3A_682 : vector<16xf32>
          %add3A_684 = arith.addf %add3A_656, %mul3A_683 : vector<16xf32>
          %add3A_685 = arith.constant 1 : i32
          %add3A_686 = vector.broadcast %add3A_685 : i32 to vector<16xi32>
          %add3A_687 = arith.addi %add3A_680, %add3A_686 : vector<16xi32>
          %gather3A_688 = tpu.vector_load_idx %arg11[%add3A_224, %add3A_687] : memref<256x64xf32, #tpu.memory_space<vmem>>[vector<16xi32>, vector<16xi32>], vector<16xf32>,
          %gather3A_689 = tpu.vector_load_idx %arg10[%select_n3A_259, %add3A_687] : memref<512x64xf32, #tpu.memory_space<vmem>>[vector<16xi32>, vector<16xi32>], vector<16xf32>,
          %mul3A_690 = arith.mulf %gather3A_688, %gather3A_689 : vector<16xf32>
          %add3A_691 = arith.addf %add3A_663, %mul3A_690 : vector<16xf32>
          %add3A_692 = arith.constant 1 : i32
          %add3A_693 = vector.broadcast %add3A_692 : i32 to vector<16xi32>
          %add3A_694 = arith.addi %add3A_687, %add3A_693 : vector<16xi32>
          %gather3A_695 = tpu.vector_load_idx %arg11[%add3A_224, %add3A_694] : memref<256x64xf32, #tpu.memory_space<vmem>>[vector<16xi32>, vector<16xi32>], vector<16xf32>,
          %gather3A_696 = tpu.vector_load_idx %arg10[%select_n3A_259, %add3A_694] : memref<512x64xf32, #tpu.memory_space<vmem>>[vector<16xi32>, vector<16xi32>], vector<16xf32>,
          %mul3A_697 = arith.mulf %gather3A_695, %gather3A_696 : vector<16xf32>
          %add3A_698 = arith.addf %add3A_670, %mul3A_697 : vector<16xf32>
          %add3A_699 = arith.constant 1 : i32
          %add3A_700 = vector.broadcast %add3A_699 : i32 to vector<16xi32>
          %add3A_701 = arith.addi %add3A_694, %add3A_700 : vector<16xi32>
          %gather3A_702 = tpu.vector_load_idx %arg11[%add3A_224, %add3A_701] : memref<256x64xf32, #tpu.memory_space<vmem>>[vector<16xi32>, vector<16xi32>], vector<16xf32>,
          %gather3A_703 = tpu.vector_load_idx %arg10[%select_n3A_259, %add3A_701] : memref<512x64xf32, #tpu.memory_space<vmem>>[vector<16xi32>, vector<16xi32>], vector<16xf32>,
          %mul3A_704 = arith.mulf %gather3A_702, %gather3A_703 : vector<16xf32>
          %add3A_705 = arith.addf %add3A_677, %mul3A_704 : vector<16xf32>
          %add3A_706 = arith.constant 1 : i32
          %add3A_707 = vector.broadcast %add3A_706 : i32 to vector<16xi32>
          %add3A_708 = arith.addi %add3A_701, %add3A_707 : vector<16xi32>
          %gather3A_709 = tpu.vector_load_idx %arg11[%add3A_224, %add3A_708] : memref<256x64xf32, #tpu.memory_space<vmem>>[vector<16xi32>, vector<16xi32>], vector<16xf32>,
          %gather3A_710 = tpu.vector_load_idx %arg10[%select_n3A_259, %add3A_708] : memref<512x64xf32, #tpu.memory_space<vmem>>[vector<16xi32>, vector<16xi32>], vector<16xf32>,
          %mul3A_711 = arith.mulf %gather3A_709, %gather3A_710 : vector<16xf32>
          %add3A_712 = arith.addf %add3A_684, %mul3A_711 : vector<16xf32>
          %add3A_713 = arith.constant 1 : i32
          %add3A_714 = vector.broadcast %add3A_713 : i32 to vector<16xi32>
          %add3A_715 = arith.addi %add3A_708, %add3A_714 : vector<16xi32>
          %add3A_716 = arith.addf %add3A_691, %add3A_698 : vector<16xf32>
          %add3A_717 = arith.addf %add3A_705, %add3A_712 : vector<16xf32>
          %add3A_718 = arith.addf %add3A_716, %add3A_717 : vector<16xf32>
          %mul3A_719 = arith.constant 16 : i32
          %mul3A_720 = arith.muli %scan3A_220, %mul3A_719 : i32
          %swap3A = arith.index_cast %mul3A_720 : i32 to index
          %swap3A_721 = tpu.vector_load %arg16[%swap3A] {strides = array<i32>} : memref<256xf32, #tpu.memory_space<vmem>>, vector<16xf32>,
          tpu.vector_store %arg16[%swap3A], %add3A_718 {strides = array<i32>} : memref<256xf32, #tpu.memory_space<vmem>>, vector<16xf32>,
        }
        %scan3A_210 = arith.constant 16 : i32
        %lt3A_211 = arith.constant 2 : i32
        %lt3A_212 = arith.cmpi slt, %add3A_152, %lt3A_211 : i32
        %convert_element_type3A_213 = arith.extui %lt3A_212 : i1 to i32
        %cond3A_214 = arith.constant 0 : i32
        %cond3A_215 = arith.cmpi ne, %convert_element_type3A_213, %cond3A_214 : i32
        scf.if %cond3A_215 {
          %mul3A_220 = arith.constant 256 : i32
          %mul3A_221 = arith.muli %add3A_152, %mul3A_220 : i32
          %add3A_222 = arith.addi %mul3A_2, %mul3A_221 : i32
          "tpu.region"() ({
            %run_scoped3A = tpu.sem_alloc : memref<!tpu.dma_semaphore, #tpu.memory_space<semaphore_mem>>
            %dma_start3A_223 = tpu.memref_slice %arg6[%add3A_222] : memref<16384xf32, #tpu.memory_space<hbm>> -> memref<256xf32, #tpu.memory_space<hbm>>
            %dma_start3A_224 = tpu.memref_slice %arg6[%add3A_222] : memref<16384xf32, #tpu.memory_space<hbm>> -> memref<256xf32, #tpu.memory_space<hbm>>
            tpu.enqueue_dma source(%arg16 : memref<256xf32, #tpu.memory_space<vmem>>) target(%dma_start3A_224 : memref<256xf32, #tpu.memory_space<hbm>>) target_semaphore(%run_scoped3A : memref<!tpu.dma_semaphore, #tpu.memory_space<semaphore_mem>>)
            %dma_wait3A_225 = tpu.memref_slice %arg6[%add3A_222] : memref<16384xf32, #tpu.memory_space<hbm>> -> memref<256xf32, #tpu.memory_space<hbm>>
            %dma_wait3A_226 = tpu.memref_slice %arg6[%add3A_222] : memref<16384xf32, #tpu.memory_space<hbm>> -> memref<256xf32, #tpu.memory_space<hbm>>
            tpu.wait_dma2 semaphore(%run_scoped3A : memref<!tpu.dma_semaphore, #tpu.memory_space<semaphore_mem>>) src(%arg16 : memref<256xf32, #tpu.memory_space<vmem>>) dst(%dma_wait3A_226 : memref<256xf32, #tpu.memory_space<hbm>>)
            tpu.yield
          }) : () -> ()
        } else {
        }
        %ge3A = arith.constant 2 : i32
        %ge3A_216 = arith.cmpi sge, %add3A_152, %ge3A : i32
        %convert_element_type3A_217 = arith.extui %ge3A_216 : i1 to i32
        %cond3A_218 = arith.constant 0 : i32
        %cond3A_219 = arith.cmpi ne, %convert_element_type3A_217, %cond3A_218 : i32
        scf.if %cond3A_219 {
          %sub3A_220 = arith.constant 2 : i32
          %sub3A_221 = arith.subi %add3A_152, %sub3A_220 : i32
          %mul3A_222 = arith.constant 256 : i32
          %mul3A_223 = arith.muli %sub3A_221, %mul3A_222 : i32
          %add3A_224 = arith.addi %mul3A_4, %mul3A_223 : i32
          "tpu.region"() ({
            %run_scoped3A = tpu.sem_alloc : memref<!tpu.dma_semaphore, #tpu.memory_space<semaphore_mem>>
            %dma_start3A_225 = tpu.memref_slice %arg7[%add3A_224] : memref<327680xf32, #tpu.memory_space<hbm>> -> memref<256xf32, #tpu.memory_space<hbm>>
            %dma_start3A_226 = tpu.memref_slice %arg7[%add3A_224] : memref<327680xf32, #tpu.memory_space<hbm>> -> memref<256xf32, #tpu.memory_space<hbm>>
            tpu.enqueue_dma source(%arg16 : memref<256xf32, #tpu.memory_space<vmem>>) target(%dma_start3A_226 : memref<256xf32, #tpu.memory_space<hbm>>) target_semaphore(%run_scoped3A : memref<!tpu.dma_semaphore, #tpu.memory_space<semaphore_mem>>)
            %dma_wait3A_227 = tpu.memref_slice %arg7[%add3A_224] : memref<327680xf32, #tpu.memory_space<hbm>> -> memref<256xf32, #tpu.memory_space<hbm>>
            %dma_wait3A_228 = tpu.memref_slice %arg7[%add3A_224] : memref<327680xf32, #tpu.memory_space<hbm>> -> memref<256xf32, #tpu.memory_space<hbm>>
            tpu.wait_dma2 semaphore(%run_scoped3A : memref<!tpu.dma_semaphore, #tpu.memory_space<semaphore_mem>>) src(%arg16 : memref<256xf32, #tpu.memory_space<vmem>>) dst(%dma_wait3A_228 : memref<256xf32, #tpu.memory_space<hbm>>)
            tpu.yield
          }) : () -> ()
        } else {
        }
      } else {
      }
      %mul3A_155 = arith.constant 5 : i32
      %mul3A_156 = arith.muli %scan3A_148, %mul3A_155 : i32
      %add3A_157 = arith.constant 1 : i32
      %add3A_158 = arith.addi %mul3A_156, %add3A_157 : i32
      %lt3A_159 = arith.constant 42 : i32
      %lt3A_160 = arith.cmpi slt, %add3A_158, %lt3A_159 : i32
      %convert_element_type3A_161 = arith.extui %lt3A_160 : i1 to i32
      %cond3A_162 = arith.constant 0 : i32
      %cond3A_163 = arith.cmpi ne, %convert_element_type3A_161, %cond3A_162 : i32
      scf.if %cond3A_163 {
        %dma_wait3A_191 = arith.constant 0 : i32
        %dma_wait3A_192 = arith.constant 0 : i32
        %dma_wait3A_193 = tpu.memref_slice %arg5[%dma_wait3A_191, %dma_wait3A_192] : memref<2000000x64xf32, #tpu.memory_space<hbm>> -> memref<256x64xf32, #tpu.memory_space<hbm>>
        %dma_wait3A_194 = arith.constant 0 : i32
        %dma_wait3A_195 = arith.constant 0 : i32
        %dma_wait3A_196 = tpu.memref_slice %arg5[%dma_wait3A_194, %dma_wait3A_195] : memref<2000000x64xf32, #tpu.memory_space<hbm>> -> memref<256x64xf32, #tpu.memory_space<hbm>>
        tpu.wait_dma2 semaphore(%arg18 : memref<!tpu.dma_semaphore, #tpu.memory_space<semaphore_mem>>) src(%dma_wait3A_196 : memref<256x64xf32, #tpu.memory_space<hbm>>) dst(%arg12 : memref<256x64xf32, #tpu.memory_space<vmem>>)
        %add3A_197 = arith.constant 5 : i32
        %add3A_198 = arith.addi %add3A_158, %add3A_197 : i32
        %sub3A = arith.constant 1 : i32
        %sub3A_199 = arith.subi %add3A_198, %sub3A : i32
        %lt3A_200 = arith.constant 42 : i32
        %lt3A_201 = arith.cmpi slt, %sub3A_199, %lt3A_200 : i32
        %convert_element_type3A_202 = arith.extui %lt3A_201 : i1 to i32
        %cond3A_203 = arith.constant 0 : i32
        %cond3A_204 = arith.cmpi ne, %convert_element_type3A_202, %cond3A_203 : i32
        scf.if %cond3A_204 {
          %add3A_220 = arith.constant 5 : i32
          %add3A_221 = arith.addi %add3A_158, %add3A_220 : i32
          %sub3A_222 = arith.constant 1 : i32
          %sub3A_223 = arith.subi %add3A_221, %sub3A_222 : i32
          %mul3A_224 = arith.constant 256 : i32
          %mul3A_225 = arith.muli %sub3A_223, %mul3A_224 : i32
          %add3A_226 = arith.constant 0 : i32
          %add3A_227 = arith.addi %mul3A_225, %add3A_226 : i32
          %dma_start3A_228 = arith.constant 0 : i32
          %dma_start3A_229 = arith.constant 0 : i32
          %dma_start3A_230 = tpu.memref_slice %arg11[%dma_start3A_228, %dma_start3A_229] : memref<256x64xf32, #tpu.memory_space<vmem>> -> memref<128x64xf32, #tpu.memory_space<vmem>>
          %dma_start3A_231 = tpu.memref_slice %arg9[%add3A_227] : memref<10752xi32, #tpu.memory_space<vmem>> -> memref<128xi32, #tpu.memory_space<vmem>>
          %dma_start3A_232 = arith.constant 0 : i32
          %dma_start3A_233 = arith.constant 0 : i32
          %dma_start3A_234 = tpu.memref_slice %arg5[%dma_start3A_232, %dma_start3A_233] : memref<2000000x64xf32, #tpu.memory_space<hbm>> -> memref<2000000x64xf32, #tpu.memory_space<hbm>>
          tpu.enqueue_indirect_dma source(%dma_start3A_234 : memref<2000000x64xf32, #tpu.memory_space<hbm>>) target(%dma_start3A_230 : memref<128x64xf32, #tpu.memory_space<vmem>>) offsets(%dma_start3A_231 : memref<128xi32, #tpu.memory_space<vmem>>) semaphore(%arg17 : memref<!tpu.dma_semaphore, #tpu.memory_space<semaphore_mem>>)
          %add3A_235 = arith.constant 128 : i32
          %add3A_236 = arith.addi %mul3A_225, %add3A_235 : i32
          %dma_start3A_237 = arith.constant 128 : i32
          %dma_start3A_238 = arith.constant 0 : i32
          %dma_start3A_239 = tpu.memref_slice %arg11[%dma_start3A_237, %dma_start3A_238] : memref<256x64xf32, #tpu.memory_space<vmem>> -> memref<128x64xf32, #tpu.memory_space<vmem>>
          %dma_start3A_240 = tpu.memref_slice %arg9[%add3A_236] : memref<10752xi32, #tpu.memory_space<vmem>> -> memref<128xi32, #tpu.memory_space<vmem>>
          %dma_start3A_241 = arith.constant 0 : i32
          %dma_start3A_242 = arith.constant 0 : i32
          %dma_start3A_243 = tpu.memref_slice %arg5[%dma_start3A_241, %dma_start3A_242] : memref<2000000x64xf32, #tpu.memory_space<hbm>> -> memref<2000000x64xf32, #tpu.memory_space<hbm>>
          tpu.enqueue_indirect_dma source(%dma_start3A_243 : memref<2000000x64xf32, #tpu.memory_space<hbm>>) target(%dma_start3A_239 : memref<128x64xf32, #tpu.memory_space<vmem>>) offsets(%dma_start3A_240 : memref<128xi32, #tpu.memory_space<vmem>>) semaphore(%arg17 : memref<!tpu.dma_semaphore, #tpu.memory_space<semaphore_mem>>)
        } else {
        }
        %scan3A_205 = arith.constant 0 : i32
        %scan3A_206 = arith.constant 0 : i32
        %scan3A_207 = arith.constant 16 : i32
        %scan3A_208 = arith.addi %scan3A_206, %scan3A_207 : i32
        %scan3A_209 = arith.constant 1 : i32
        scf.for %scan3A_220 = %scan3A_206 to %scan3A_208 step %scan3A_209  : i32 {
          %mul3A_221 = arith.constant 16 : i32
          %mul3A_222 = arith.muli %scan3A_220, %mul3A_221 : i32
          %add3A_223 = vector.broadcast %mul3A_222 : i32 to vector<16xi32>
          %add3A_224 = arith.addi %add3A_223, %iota3A : vector<16xi32>
          %mul3A_225 = arith.constant 256 : i32
          %mul3A_226 = arith.muli %add3A_158, %mul3A_225 : i32
          %add3A_227 = vector.broadcast %mul3A_226 : i32 to vector<16xi32>
          %add3A_228 = arith.addi %add3A_227, %add3A_224 : vector<16xi32>
          %lt3A_229 = arith.constant 512 : i32
          %lt3A_230 = vector.broadcast %lt3A_229 : i32 to vector<16xi32>
          %lt3A_231 = arith.cmpi slt, %add3A_228, %lt3A_230 : vector<16xi32>
          %sub3A_232 = arith.constant 512 : i32
          %sub3A_233 = vector.broadcast %sub3A_232 : i32 to vector<16xi32>
          %sub3A_234 = arith.subi %add3A_228, %sub3A_233 : vector<16xi32>
          %jit3A = arith.constant 20 : i32
          %div3A = vector.broadcast %jit3A : i32 to vector<16xi32>
          %div3A_235 = arith.divsi %sub3A_234, %div3A : vector<16xi32>
          %sign3A = arith.constant 0 : i32
          %sign3A_236 = vector.broadcast %sign3A : i32 to vector<16xi32>
          %sign3A_237 = arith.cmpi sgt, %sub3A_234, %sign3A_236 : vector<16xi32>
          %sign3A_238 = arith.extui %sign3A_237 : vector<16xi1> to vector<16xi32>
          %sign3A_239 = arith.constant 0 : i32
          %sign3A_240 = vector.broadcast %sign3A_239 : i32 to vector<16xi32>
          %sign3A_241 = arith.cmpi slt, %sub3A_234, %sign3A_240 : vector<16xi32>
          %sign3A_242 = arith.extui %sign3A_241 : vector<16xi1> to vector<16xi32>
          %sign3A_243 = arith.subi %sign3A_238, %sign3A_242 : vector<16xi32>
          %sign3A_244 = arith.constant 0 : i32
          %sign3A_245 = arith.cmpi sgt, %jit3A, %sign3A_244 : i32
          %sign3A_246 = arith.extui %sign3A_245 : i1 to i32
          %sign3A_247 = arith.constant 0 : i32
          %sign3A_248 = arith.cmpi slt, %jit3A, %sign3A_247 : i32
          %sign3A_249 = arith.extui %sign3A_248 : i1 to i32
          %sign3A_250 = arith.subi %sign3A_246, %sign3A_249 : i32
          %ne3A = vector.broadcast %sign3A_250 : i32 to vector<16xi32>
          %ne3A_251 = arith.cmpi ne, %sign3A_243, %ne3A : vector<16xi32>
          %rem3A = vector.broadcast %jit3A : i32 to vector<16xi32>
          %rem3A_252 = arith.remsi %sub3A_234, %rem3A : vector<16xi32>
          %ne3A_253 = arith.constant 0 : i32
          %ne3A_254 = vector.broadcast %ne3A_253 : i32 to vector<16xi32>
          %ne3A_255 = arith.cmpi ne, %rem3A_252, %ne3A_254 : vector<16xi32>
          %and3A = arith.andi %ne3A_251, %ne3A_255 : vector<16xi1>
          %sub3A_256 = arith.constant 1 : i32
          %sub3A_257 = vector.broadcast %sub3A_256 : i32 to vector<16xi32>
          %sub3A_258 = arith.subi %div3A_235, %sub3A_257 : vector<16xi32>
          %select_n3A = arith.select %and3A, %sub3A_258, %div3A_235 : vector<16xi1>, vector<16xi32>
          %select_n3A_259 = arith.select %lt3A_231, %add3A_228, %select_n3A : vector<16xi1>, vector<16xi32>
          %broadcast_in_dim3A = arith.constant 0 : i32
          %broadcast_in_dim3A_260 = vector.broadcast %broadcast_in_dim3A : i32 to vector<16xi32>
          %broadcast_in_dim3A_261 = arith.constant 0.000000e+00 : f32
          %broadcast_in_dim3A_262 = vector.broadcast %broadcast_in_dim3A_261 : f32 to vector<16xf32>
          %broadcast_in_dim3A_263 = arith.constant 0.000000e+00 : f32
          %broadcast_in_dim3A_264 = vector.broadcast %broadcast_in_dim3A_263 : f32 to vector<16xf32>
          %broadcast_in_dim3A_265 = arith.constant 0.000000e+00 : f32
          %broadcast_in_dim3A_266 = vector.broadcast %broadcast_in_dim3A_265 : f32 to vector<16xf32>
          %broadcast_in_dim3A_267 = arith.constant 0.000000e+00 : f32
          %broadcast_in_dim3A_268 = vector.broadcast %broadcast_in_dim3A_267 : f32 to vector<16xf32>
          %gather3A = tpu.vector_load_idx %arg12[%add3A_224, %broadcast_in_dim3A_260] : memref<256x64xf32, #tpu.memory_space<vmem>>[vector<16xi32>, vector<16xi32>], vector<16xf32>,
          %gather3A_269 = tpu.vector_load_idx %arg10[%select_n3A_259, %broadcast_in_dim3A_260] : memref<512x64xf32, #tpu.memory_space<vmem>>[vector<16xi32>, vector<16xi32>], vector<16xf32>,
          %mul3A_270 = arith.mulf %gather3A, %gather3A_269 : vector<16xf32>
          %add3A_271 = arith.addf %broadcast_in_dim3A_262, %mul3A_270 : vector<16xf32>
          %add3A_272 = arith.constant 1 : i32
          %add3A_273 = vector.broadcast %add3A_272 : i32 to vector<16xi32>
          %add3A_274 = arith.addi %broadcast_in_dim3A_260, %add3A_273 : vector<16xi32>
          %gather3A_275 = tpu.vector_load_idx %arg12[%add3A_224, %add3A_274] : memref<256x64xf32, #tpu.memory_space<vmem>>[vector<16xi32>, vector<16xi32>], vector<16xf32>,
          %gather3A_276 = tpu.vector_load_idx %arg10[%select_n3A_259, %add3A_274] : memref<512x64xf32, #tpu.memory_space<vmem>>[vector<16xi32>, vector<16xi32>], vector<16xf32>,
          %mul3A_277 = arith.mulf %gather3A_275, %gather3A_276 : vector<16xf32>
          %add3A_278 = arith.addf %broadcast_in_dim3A_264, %mul3A_277 : vector<16xf32>
          %add3A_279 = arith.constant 1 : i32
          %add3A_280 = vector.broadcast %add3A_279 : i32 to vector<16xi32>
          %add3A_281 = arith.addi %add3A_274, %add3A_280 : vector<16xi32>
          %gather3A_282 = tpu.vector_load_idx %arg12[%add3A_224, %add3A_281] : memref<256x64xf32, #tpu.memory_space<vmem>>[vector<16xi32>, vector<16xi32>], vector<16xf32>,
          %gather3A_283 = tpu.vector_load_idx %arg10[%select_n3A_259, %add3A_281] : memref<512x64xf32, #tpu.memory_space<vmem>>[vector<16xi32>, vector<16xi32>], vector<16xf32>,
          %mul3A_284 = arith.mulf %gather3A_282, %gather3A_283 : vector<16xf32>
          %add3A_285 = arith.addf %broadcast_in_dim3A_266, %mul3A_284 : vector<16xf32>
          %add3A_286 = arith.constant 1 : i32
          %add3A_287 = vector.broadcast %add3A_286 : i32 to vector<16xi32>
          %add3A_288 = arith.addi %add3A_281, %add3A_287 : vector<16xi32>
          %gather3A_289 = tpu.vector_load_idx %arg12[%add3A_224, %add3A_288] : memref<256x64xf32, #tpu.memory_space<vmem>>[vector<16xi32>, vector<16xi32>], vector<16xf32>,
          %gather3A_290 = tpu.vector_load_idx %arg10[%select_n3A_259, %add3A_288] : memref<512x64xf32, #tpu.memory_space<vmem>>[vector<16xi32>, vector<16xi32>], vector<16xf32>,
          %mul3A_291 = arith.mulf %gather3A_289, %gather3A_290 : vector<16xf32>
          %add3A_292 = arith.addf %broadcast_in_dim3A_268, %mul3A_291 : vector<16xf32>
          %add3A_293 = arith.constant 1 : i32
          %add3A_294 = vector.broadcast %add3A_293 : i32 to vector<16xi32>
          %add3A_295 = arith.addi %add3A_288, %add3A_294 : vector<16xi32>
          %gather3A_296 = tpu.vector_load_idx %arg12[%add3A_224, %add3A_295] : memref<256x64xf32, #tpu.memory_space<vmem>>[vector<16xi32>, vector<16xi32>], vector<16xf32>,
          %gather3A_297 = tpu.vector_load_idx %arg10[%select_n3A_259, %add3A_295] : memref<512x64xf32, #tpu.memory_space<vmem>>[vector<16xi32>, vector<16xi32>], vector<16xf32>,
          %mul3A_298 = arith.mulf %gather3A_296, %gather3A_297 : vector<16xf32>
          %add3A_299 = arith.addf %add3A_271, %mul3A_298 : vector<16xf32>
          %add3A_300 = arith.constant 1 : i32
          %add3A_301 = vector.broadcast %add3A_300 : i32 to vector<16xi32>
          %add3A_302 = arith.addi %add3A_295, %add3A_301 : vector<16xi32>
          %gather3A_303 = tpu.vector_load_idx %arg12[%add3A_224, %add3A_302] : memref<256x64xf32, #tpu.memory_space<vmem>>[vector<16xi32>, vector<16xi32>], vector<16xf32>,
          %gather3A_304 = tpu.vector_load_idx %arg10[%select_n3A_259, %add3A_302] : memref<512x64xf32, #tpu.memory_space<vmem>>[vector<16xi32>, vector<16xi32>], vector<16xf32>,
          %mul3A_305 = arith.mulf %gather3A_303, %gather3A_304 : vector<16xf32>
          %add3A_306 = arith.addf %add3A_278, %mul3A_305 : vector<16xf32>
          %add3A_307 = arith.constant 1 : i32
          %add3A_308 = vector.broadcast %add3A_307 : i32 to vector<16xi32>
          %add3A_309 = arith.addi %add3A_302, %add3A_308 : vector<16xi32>
          %gather3A_310 = tpu.vector_load_idx %arg12[%add3A_224, %add3A_309] : memref<256x64xf32, #tpu.memory_space<vmem>>[vector<16xi32>, vector<16xi32>], vector<16xf32>,
          %gather3A_311 = tpu.vector_load_idx %arg10[%select_n3A_259, %add3A_309] : memref<512x64xf32, #tpu.memory_space<vmem>>[vector<16xi32>, vector<16xi32>], vector<16xf32>,
          %mul3A_312 = arith.mulf %gather3A_310, %gather3A_311 : vector<16xf32>
          %add3A_313 = arith.addf %add3A_285, %mul3A_312 : vector<16xf32>
          %add3A_314 = arith.constant 1 : i32
          %add3A_315 = vector.broadcast %add3A_314 : i32 to vector<16xi32>
          %add3A_316 = arith.addi %add3A_309, %add3A_315 : vector<16xi32>
          %gather3A_317 = tpu.vector_load_idx %arg12[%add3A_224, %add3A_316] : memref<256x64xf32, #tpu.memory_space<vmem>>[vector<16xi32>, vector<16xi32>], vector<16xf32>,
          %gather3A_318 = tpu.vector_load_idx %arg10[%select_n3A_259, %add3A_316] : memref<512x64xf32, #tpu.memory_space<vmem>>[vector<16xi32>, vector<16xi32>], vector<16xf32>,
          %mul3A_319 = arith.mulf %gather3A_317, %gather3A_318 : vector<16xf32>
          %add3A_320 = arith.addf %add3A_292, %mul3A_319 : vector<16xf32>
          %add3A_321 = arith.constant 1 : i32
          %add3A_322 = vector.broadcast %add3A_321 : i32 to vector<16xi32>
          %add3A_323 = arith.addi %add3A_316, %add3A_322 : vector<16xi32>
          %gather3A_324 = tpu.vector_load_idx %arg12[%add3A_224, %add3A_323] : memref<256x64xf32, #tpu.memory_space<vmem>>[vector<16xi32>, vector<16xi32>], vector<16xf32>,
          %gather3A_325 = tpu.vector_load_idx %arg10[%select_n3A_259, %add3A_323] : memref<512x64xf32, #tpu.memory_space<vmem>>[vector<16xi32>, vector<16xi32>], vector<16xf32>,
          %mul3A_326 = arith.mulf %gather3A_324, %gather3A_325 : vector<16xf32>
          %add3A_327 = arith.addf %add3A_299, %mul3A_326 : vector<16xf32>
          %add3A_328 = arith.constant 1 : i32
          %add3A_329 = vector.broadcast %add3A_328 : i32 to vector<16xi32>
          %add3A_330 = arith.addi %add3A_323, %add3A_329 : vector<16xi32>
          %gather3A_331 = tpu.vector_load_idx %arg12[%add3A_224, %add3A_330] : memref<256x64xf32, #tpu.memory_space<vmem>>[vector<16xi32>, vector<16xi32>], vector<16xf32>,
          %gather3A_332 = tpu.vector_load_idx %arg10[%select_n3A_259, %add3A_330] : memref<512x64xf32, #tpu.memory_space<vmem>>[vector<16xi32>, vector<16xi32>], vector<16xf32>,
          %mul3A_333 = arith.mulf %gather3A_331, %gather3A_332 : vector<16xf32>
          %add3A_334 = arith.addf %add3A_306, %mul3A_333 : vector<16xf32>
          %add3A_335 = arith.constant 1 : i32
          %add3A_336 = vector.broadcast %add3A_335 : i32 to vector<16xi32>
          %add3A_337 = arith.addi %add3A_330, %add3A_336 : vector<16xi32>
          %gather3A_338 = tpu.vector_load_idx %arg12[%add3A_224, %add3A_337] : memref<256x64xf32, #tpu.memory_space<vmem>>[vector<16xi32>, vector<16xi32>], vector<16xf32>,
          %gather3A_339 = tpu.vector_load_idx %arg10[%select_n3A_259, %add3A_337] : memref<512x64xf32, #tpu.memory_space<vmem>>[vector<16xi32>, vector<16xi32>], vector<16xf32>,
          %mul3A_340 = arith.mulf %gather3A_338, %gather3A_339 : vector<16xf32>
          %add3A_341 = arith.addf %add3A_313, %mul3A_340 : vector<16xf32>
          %add3A_342 = arith.constant 1 : i32
          %add3A_343 = vector.broadcast %add3A_342 : i32 to vector<16xi32>
          %add3A_344 = arith.addi %add3A_337, %add3A_343 : vector<16xi32>
          %gather3A_345 = tpu.vector_load_idx %arg12[%add3A_224, %add3A_344] : memref<256x64xf32, #tpu.memory_space<vmem>>[vector<16xi32>, vector<16xi32>], vector<16xf32>,
          %gather3A_346 = tpu.vector_load_idx %arg10[%select_n3A_259, %add3A_344] : memref<512x64xf32, #tpu.memory_space<vmem>>[vector<16xi32>, vector<16xi32>], vector<16xf32>,
          %mul3A_347 = arith.mulf %gather3A_345, %gather3A_346 : vector<16xf32>
          %add3A_348 = arith.addf %add3A_320, %mul3A_347 : vector<16xf32>
          %add3A_349 = arith.constant 1 : i32
          %add3A_350 = vector.broadcast %add3A_349 : i32 to vector<16xi32>
          %add3A_351 = arith.addi %add3A_344, %add3A_350 : vector<16xi32>
          %gather3A_352 = tpu.vector_load_idx %arg12[%add3A_224, %add3A_351] : memref<256x64xf32, #tpu.memory_space<vmem>>[vector<16xi32>, vector<16xi32>], vector<16xf32>,
          %gather3A_353 = tpu.vector_load_idx %arg10[%select_n3A_259, %add3A_351] : memref<512x64xf32, #tpu.memory_space<vmem>>[vector<16xi32>, vector<16xi32>], vector<16xf32>,
          %mul3A_354 = arith.mulf %gather3A_352, %gather3A_353 : vector<16xf32>
          %add3A_355 = arith.addf %add3A_327, %mul3A_354 : vector<16xf32>
          %add3A_356 = arith.constant 1 : i32
          %add3A_357 = vector.broadcast %add3A_356 : i32 to vector<16xi32>
          %add3A_358 = arith.addi %add3A_351, %add3A_357 : vector<16xi32>
          %gather3A_359 = tpu.vector_load_idx %arg12[%add3A_224, %add3A_358] : memref<256x64xf32, #tpu.memory_space<vmem>>[vector<16xi32>, vector<16xi32>], vector<16xf32>,
          %gather3A_360 = tpu.vector_load_idx %arg10[%select_n3A_259, %add3A_358] : memref<512x64xf32, #tpu.memory_space<vmem>>[vector<16xi32>, vector<16xi32>], vector<16xf32>,
          %mul3A_361 = arith.mulf %gather3A_359, %gather3A_360 : vector<16xf32>
          %add3A_362 = arith.addf %add3A_334, %mul3A_361 : vector<16xf32>
          %add3A_363 = arith.constant 1 : i32
          %add3A_364 = vector.broadcast %add3A_363 : i32 to vector<16xi32>
          %add3A_365 = arith.addi %add3A_358, %add3A_364 : vector<16xi32>
          %gather3A_366 = tpu.vector_load_idx %arg12[%add3A_224, %add3A_365] : memref<256x64xf32, #tpu.memory_space<vmem>>[vector<16xi32>, vector<16xi32>], vector<16xf32>,
          %gather3A_367 = tpu.vector_load_idx %arg10[%select_n3A_259, %add3A_365] : memref<512x64xf32, #tpu.memory_space<vmem>>[vector<16xi32>, vector<16xi32>], vector<16xf32>,
          %mul3A_368 = arith.mulf %gather3A_366, %gather3A_367 : vector<16xf32>
          %add3A_369 = arith.addf %add3A_341, %mul3A_368 : vector<16xf32>
          %add3A_370 = arith.constant 1 : i32
          %add3A_371 = vector.broadcast %add3A_370 : i32 to vector<16xi32>
          %add3A_372 = arith.addi %add3A_365, %add3A_371 : vector<16xi32>
          %gather3A_373 = tpu.vector_load_idx %arg12[%add3A_224, %add3A_372] : memref<256x64xf32, #tpu.memory_space<vmem>>[vector<16xi32>, vector<16xi32>], vector<16xf32>,
          %gather3A_374 = tpu.vector_load_idx %arg10[%select_n3A_259, %add3A_372] : memref<512x64xf32, #tpu.memory_space<vmem>>[vector<16xi32>, vector<16xi32>], vector<16xf32>,
          %mul3A_375 = arith.mulf %gather3A_373, %gather3A_374 : vector<16xf32>
          %add3A_376 = arith.addf %add3A_348, %mul3A_375 : vector<16xf32>
          %add3A_377 = arith.constant 1 : i32
          %add3A_378 = vector.broadcast %add3A_377 : i32 to vector<16xi32>
          %add3A_379 = arith.addi %add3A_372, %add3A_378 : vector<16xi32>
          %gather3A_380 = tpu.vector_load_idx %arg12[%add3A_224, %add3A_379] : memref<256x64xf32, #tpu.memory_space<vmem>>[vector<16xi32>, vector<16xi32>], vector<16xf32>,
          %gather3A_381 = tpu.vector_load_idx %arg10[%select_n3A_259, %add3A_379] : memref<512x64xf32, #tpu.memory_space<vmem>>[vector<16xi32>, vector<16xi32>], vector<16xf32>,
          %mul3A_382 = arith.mulf %gather3A_380, %gather3A_381 : vector<16xf32>
          %add3A_383 = arith.addf %add3A_355, %mul3A_382 : vector<16xf32>
          %add3A_384 = arith.constant 1 : i32
          %add3A_385 = vector.broadcast %add3A_384 : i32 to vector<16xi32>
          %add3A_386 = arith.addi %add3A_379, %add3A_385 : vector<16xi32>
          %gather3A_387 = tpu.vector_load_idx %arg12[%add3A_224, %add3A_386] : memref<256x64xf32, #tpu.memory_space<vmem>>[vector<16xi32>, vector<16xi32>], vector<16xf32>,
          %gather3A_388 = tpu.vector_load_idx %arg10[%select_n3A_259, %add3A_386] : memref<512x64xf32, #tpu.memory_space<vmem>>[vector<16xi32>, vector<16xi32>], vector<16xf32>,
          %mul3A_389 = arith.mulf %gather3A_387, %gather3A_388 : vector<16xf32>
          %add3A_390 = arith.addf %add3A_362, %mul3A_389 : vector<16xf32>
          %add3A_391 = arith.constant 1 : i32
          %add3A_392 = vector.broadcast %add3A_391 : i32 to vector<16xi32>
          %add3A_393 = arith.addi %add3A_386, %add3A_392 : vector<16xi32>
          %gather3A_394 = tpu.vector_load_idx %arg12[%add3A_224, %add3A_393] : memref<256x64xf32, #tpu.memory_space<vmem>>[vector<16xi32>, vector<16xi32>], vector<16xf32>,
          %gather3A_395 = tpu.vector_load_idx %arg10[%select_n3A_259, %add3A_393] : memref<512x64xf32, #tpu.memory_space<vmem>>[vector<16xi32>, vector<16xi32>], vector<16xf32>,
          %mul3A_396 = arith.mulf %gather3A_394, %gather3A_395 : vector<16xf32>
          %add3A_397 = arith.addf %add3A_369, %mul3A_396 : vector<16xf32>
          %add3A_398 = arith.constant 1 : i32
          %add3A_399 = vector.broadcast %add3A_398 : i32 to vector<16xi32>
          %add3A_400 = arith.addi %add3A_393, %add3A_399 : vector<16xi32>
          %gather3A_401 = tpu.vector_load_idx %arg12[%add3A_224, %add3A_400] : memref<256x64xf32, #tpu.memory_space<vmem>>[vector<16xi32>, vector<16xi32>], vector<16xf32>,
          %gather3A_402 = tpu.vector_load_idx %arg10[%select_n3A_259, %add3A_400] : memref<512x64xf32, #tpu.memory_space<vmem>>[vector<16xi32>, vector<16xi32>], vector<16xf32>,
          %mul3A_403 = arith.mulf %gather3A_401, %gather3A_402 : vector<16xf32>
          %add3A_404 = arith.addf %add3A_376, %mul3A_403 : vector<16xf32>
          %add3A_405 = arith.constant 1 : i32
          %add3A_406 = vector.broadcast %add3A_405 : i32 to vector<16xi32>
          %add3A_407 = arith.addi %add3A_400, %add3A_406 : vector<16xi32>
          %gather3A_408 = tpu.vector_load_idx %arg12[%add3A_224, %add3A_407] : memref<256x64xf32, #tpu.memory_space<vmem>>[vector<16xi32>, vector<16xi32>], vector<16xf32>,
          %gather3A_409 = tpu.vector_load_idx %arg10[%select_n3A_259, %add3A_407] : memref<512x64xf32, #tpu.memory_space<vmem>>[vector<16xi32>, vector<16xi32>], vector<16xf32>,
          %mul3A_410 = arith.mulf %gather3A_408, %gather3A_409 : vector<16xf32>
          %add3A_411 = arith.addf %add3A_383, %mul3A_410 : vector<16xf32>
          %add3A_412 = arith.constant 1 : i32
          %add3A_413 = vector.broadcast %add3A_412 : i32 to vector<16xi32>
          %add3A_414 = arith.addi %add3A_407, %add3A_413 : vector<16xi32>
          %gather3A_415 = tpu.vector_load_idx %arg12[%add3A_224, %add3A_414] : memref<256x64xf32, #tpu.memory_space<vmem>>[vector<16xi32>, vector<16xi32>], vector<16xf32>,
          %gather3A_416 = tpu.vector_load_idx %arg10[%select_n3A_259, %add3A_414] : memref<512x64xf32, #tpu.memory_space<vmem>>[vector<16xi32>, vector<16xi32>], vector<16xf32>,
          %mul3A_417 = arith.mulf %gather3A_415, %gather3A_416 : vector<16xf32>
          %add3A_418 = arith.addf %add3A_390, %mul3A_417 : vector<16xf32>
          %add3A_419 = arith.constant 1 : i32
          %add3A_420 = vector.broadcast %add3A_419 : i32 to vector<16xi32>
          %add3A_421 = arith.addi %add3A_414, %add3A_420 : vector<16xi32>
          %gather3A_422 = tpu.vector_load_idx %arg12[%add3A_224, %add3A_421] : memref<256x64xf32, #tpu.memory_space<vmem>>[vector<16xi32>, vector<16xi32>], vector<16xf32>,
          %gather3A_423 = tpu.vector_load_idx %arg10[%select_n3A_259, %add3A_421] : memref<512x64xf32, #tpu.memory_space<vmem>>[vector<16xi32>, vector<16xi32>], vector<16xf32>,
          %mul3A_424 = arith.mulf %gather3A_422, %gather3A_423 : vector<16xf32>
          %add3A_425 = arith.addf %add3A_397, %mul3A_424 : vector<16xf32>
          %add3A_426 = arith.constant 1 : i32
          %add3A_427 = vector.broadcast %add3A_426 : i32 to vector<16xi32>
          %add3A_428 = arith.addi %add3A_421, %add3A_427 : vector<16xi32>
          %gather3A_429 = tpu.vector_load_idx %arg12[%add3A_224, %add3A_428] : memref<256x64xf32, #tpu.memory_space<vmem>>[vector<16xi32>, vector<16xi32>], vector<16xf32>,
          %gather3A_430 = tpu.vector_load_idx %arg10[%select_n3A_259, %add3A_428] : memref<512x64xf32, #tpu.memory_space<vmem>>[vector<16xi32>, vector<16xi32>], vector<16xf32>,
          %mul3A_431 = arith.mulf %gather3A_429, %gather3A_430 : vector<16xf32>
          %add3A_432 = arith.addf %add3A_404, %mul3A_431 : vector<16xf32>
          %add3A_433 = arith.constant 1 : i32
          %add3A_434 = vector.broadcast %add3A_433 : i32 to vector<16xi32>
          %add3A_435 = arith.addi %add3A_428, %add3A_434 : vector<16xi32>
          %gather3A_436 = tpu.vector_load_idx %arg12[%add3A_224, %add3A_435] : memref<256x64xf32, #tpu.memory_space<vmem>>[vector<16xi32>, vector<16xi32>], vector<16xf32>,
          %gather3A_437 = tpu.vector_load_idx %arg10[%select_n3A_259, %add3A_435] : memref<512x64xf32, #tpu.memory_space<vmem>>[vector<16xi32>, vector<16xi32>], vector<16xf32>,
          %mul3A_438 = arith.mulf %gather3A_436, %gather3A_437 : vector<16xf32>
          %add3A_439 = arith.addf %add3A_411, %mul3A_438 : vector<16xf32>
          %add3A_440 = arith.constant 1 : i32
          %add3A_441 = vector.broadcast %add3A_440 : i32 to vector<16xi32>
          %add3A_442 = arith.addi %add3A_435, %add3A_441 : vector<16xi32>
          %gather3A_443 = tpu.vector_load_idx %arg12[%add3A_224, %add3A_442] : memref<256x64xf32, #tpu.memory_space<vmem>>[vector<16xi32>, vector<16xi32>], vector<16xf32>,
          %gather3A_444 = tpu.vector_load_idx %arg10[%select_n3A_259, %add3A_442] : memref<512x64xf32, #tpu.memory_space<vmem>>[vector<16xi32>, vector<16xi32>], vector<16xf32>,
          %mul3A_445 = arith.mulf %gather3A_443, %gather3A_444 : vector<16xf32>
          %add3A_446 = arith.addf %add3A_418, %mul3A_445 : vector<16xf32>
          %add3A_447 = arith.constant 1 : i32
          %add3A_448 = vector.broadcast %add3A_447 : i32 to vector<16xi32>
          %add3A_449 = arith.addi %add3A_442, %add3A_448 : vector<16xi32>
          %gather3A_450 = tpu.vector_load_idx %arg12[%add3A_224, %add3A_449] : memref<256x64xf32, #tpu.memory_space<vmem>>[vector<16xi32>, vector<16xi32>], vector<16xf32>,
          %gather3A_451 = tpu.vector_load_idx %arg10[%select_n3A_259, %add3A_449] : memref<512x64xf32, #tpu.memory_space<vmem>>[vector<16xi32>, vector<16xi32>], vector<16xf32>,
          %mul3A_452 = arith.mulf %gather3A_450, %gather3A_451 : vector<16xf32>
          %add3A_453 = arith.addf %add3A_425, %mul3A_452 : vector<16xf32>
          %add3A_454 = arith.constant 1 : i32
          %add3A_455 = vector.broadcast %add3A_454 : i32 to vector<16xi32>
          %add3A_456 = arith.addi %add3A_449, %add3A_455 : vector<16xi32>
          %gather3A_457 = tpu.vector_load_idx %arg12[%add3A_224, %add3A_456] : memref<256x64xf32, #tpu.memory_space<vmem>>[vector<16xi32>, vector<16xi32>], vector<16xf32>,
          %gather3A_458 = tpu.vector_load_idx %arg10[%select_n3A_259, %add3A_456] : memref<512x64xf32, #tpu.memory_space<vmem>>[vector<16xi32>, vector<16xi32>], vector<16xf32>,
          %mul3A_459 = arith.mulf %gather3A_457, %gather3A_458 : vector<16xf32>
          %add3A_460 = arith.addf %add3A_432, %mul3A_459 : vector<16xf32>
          %add3A_461 = arith.constant 1 : i32
          %add3A_462 = vector.broadcast %add3A_461 : i32 to vector<16xi32>
          %add3A_463 = arith.addi %add3A_456, %add3A_462 : vector<16xi32>
          %gather3A_464 = tpu.vector_load_idx %arg12[%add3A_224, %add3A_463] : memref<256x64xf32, #tpu.memory_space<vmem>>[vector<16xi32>, vector<16xi32>], vector<16xf32>,
          %gather3A_465 = tpu.vector_load_idx %arg10[%select_n3A_259, %add3A_463] : memref<512x64xf32, #tpu.memory_space<vmem>>[vector<16xi32>, vector<16xi32>], vector<16xf32>,
          %mul3A_466 = arith.mulf %gather3A_464, %gather3A_465 : vector<16xf32>
          %add3A_467 = arith.addf %add3A_439, %mul3A_466 : vector<16xf32>
          %add3A_468 = arith.constant 1 : i32
          %add3A_469 = vector.broadcast %add3A_468 : i32 to vector<16xi32>
          %add3A_470 = arith.addi %add3A_463, %add3A_469 : vector<16xi32>
          %gather3A_471 = tpu.vector_load_idx %arg12[%add3A_224, %add3A_470] : memref<256x64xf32, #tpu.memory_space<vmem>>[vector<16xi32>, vector<16xi32>], vector<16xf32>,
          %gather3A_472 = tpu.vector_load_idx %arg10[%select_n3A_259, %add3A_470] : memref<512x64xf32, #tpu.memory_space<vmem>>[vector<16xi32>, vector<16xi32>], vector<16xf32>,
          %mul3A_473 = arith.mulf %gather3A_471, %gather3A_472 : vector<16xf32>
          %add3A_474 = arith.addf %add3A_446, %mul3A_473 : vector<16xf32>
          %add3A_475 = arith.constant 1 : i32
          %add3A_476 = vector.broadcast %add3A_475 : i32 to vector<16xi32>
          %add3A_477 = arith.addi %add3A_470, %add3A_476 : vector<16xi32>
          %gather3A_478 = tpu.vector_load_idx %arg12[%add3A_224, %add3A_477] : memref<256x64xf32, #tpu.memory_space<vmem>>[vector<16xi32>, vector<16xi32>], vector<16xf32>,
          %gather3A_479 = tpu.vector_load_idx %arg10[%select_n3A_259, %add3A_477] : memref<512x64xf32, #tpu.memory_space<vmem>>[vector<16xi32>, vector<16xi32>], vector<16xf32>,
          %mul3A_480 = arith.mulf %gather3A_478, %gather3A_479 : vector<16xf32>
          %add3A_481 = arith.addf %add3A_453, %mul3A_480 : vector<16xf32>
          %add3A_482 = arith.constant 1 : i32
          %add3A_483 = vector.broadcast %add3A_482 : i32 to vector<16xi32>
          %add3A_484 = arith.addi %add3A_477, %add3A_483 : vector<16xi32>
          %gather3A_485 = tpu.vector_load_idx %arg12[%add3A_224, %add3A_484] : memref<256x64xf32, #tpu.memory_space<vmem>>[vector<16xi32>, vector<16xi32>], vector<16xf32>,
          %gather3A_486 = tpu.vector_load_idx %arg10[%select_n3A_259, %add3A_484] : memref<512x64xf32, #tpu.memory_space<vmem>>[vector<16xi32>, vector<16xi32>], vector<16xf32>,
          %mul3A_487 = arith.mulf %gather3A_485, %gather3A_486 : vector<16xf32>
          %add3A_488 = arith.addf %add3A_460, %mul3A_487 : vector<16xf32>
          %add3A_489 = arith.constant 1 : i32
          %add3A_490 = vector.broadcast %add3A_489 : i32 to vector<16xi32>
          %add3A_491 = arith.addi %add3A_484, %add3A_490 : vector<16xi32>
          %gather3A_492 = tpu.vector_load_idx %arg12[%add3A_224, %add3A_491] : memref<256x64xf32, #tpu.memory_space<vmem>>[vector<16xi32>, vector<16xi32>], vector<16xf32>,
          %gather3A_493 = tpu.vector_load_idx %arg10[%select_n3A_259, %add3A_491] : memref<512x64xf32, #tpu.memory_space<vmem>>[vector<16xi32>, vector<16xi32>], vector<16xf32>,
          %mul3A_494 = arith.mulf %gather3A_492, %gather3A_493 : vector<16xf32>
          %add3A_495 = arith.addf %add3A_467, %mul3A_494 : vector<16xf32>
          %add3A_496 = arith.constant 1 : i32
          %add3A_497 = vector.broadcast %add3A_496 : i32 to vector<16xi32>
          %add3A_498 = arith.addi %add3A_491, %add3A_497 : vector<16xi32>
          %gather3A_499 = tpu.vector_load_idx %arg12[%add3A_224, %add3A_498] : memref<256x64xf32, #tpu.memory_space<vmem>>[vector<16xi32>, vector<16xi32>], vector<16xf32>,
          %gather3A_500 = tpu.vector_load_idx %arg10[%select_n3A_259, %add3A_498] : memref<512x64xf32, #tpu.memory_space<vmem>>[vector<16xi32>, vector<16xi32>], vector<16xf32>,
          %mul3A_501 = arith.mulf %gather3A_499, %gather3A_500 : vector<16xf32>
          %add3A_502 = arith.addf %add3A_474, %mul3A_501 : vector<16xf32>
          %add3A_503 = arith.constant 1 : i32
          %add3A_504 = vector.broadcast %add3A_503 : i32 to vector<16xi32>
          %add3A_505 = arith.addi %add3A_498, %add3A_504 : vector<16xi32>
          %gather3A_506 = tpu.vector_load_idx %arg12[%add3A_224, %add3A_505] : memref<256x64xf32, #tpu.memory_space<vmem>>[vector<16xi32>, vector<16xi32>], vector<16xf32>,
          %gather3A_507 = tpu.vector_load_idx %arg10[%select_n3A_259, %add3A_505] : memref<512x64xf32, #tpu.memory_space<vmem>>[vector<16xi32>, vector<16xi32>], vector<16xf32>,
          %mul3A_508 = arith.mulf %gather3A_506, %gather3A_507 : vector<16xf32>
          %add3A_509 = arith.addf %add3A_481, %mul3A_508 : vector<16xf32>
          %add3A_510 = arith.constant 1 : i32
          %add3A_511 = vector.broadcast %add3A_510 : i32 to vector<16xi32>
          %add3A_512 = arith.addi %add3A_505, %add3A_511 : vector<16xi32>
          %gather3A_513 = tpu.vector_load_idx %arg12[%add3A_224, %add3A_512] : memref<256x64xf32, #tpu.memory_space<vmem>>[vector<16xi32>, vector<16xi32>], vector<16xf32>,
          %gather3A_514 = tpu.vector_load_idx %arg10[%select_n3A_259, %add3A_512] : memref<512x64xf32, #tpu.memory_space<vmem>>[vector<16xi32>, vector<16xi32>], vector<16xf32>,
          %mul3A_515 = arith.mulf %gather3A_513, %gather3A_514 : vector<16xf32>
          %add3A_516 = arith.addf %add3A_488, %mul3A_515 : vector<16xf32>
          %add3A_517 = arith.constant 1 : i32
          %add3A_518 = vector.broadcast %add3A_517 : i32 to vector<16xi32>
          %add3A_519 = arith.addi %add3A_512, %add3A_518 : vector<16xi32>
          %gather3A_520 = tpu.vector_load_idx %arg12[%add3A_224, %add3A_519] : memref<256x64xf32, #tpu.memory_space<vmem>>[vector<16xi32>, vector<16xi32>], vector<16xf32>,
          %gather3A_521 = tpu.vector_load_idx %arg10[%select_n3A_259, %add3A_519] : memref<512x64xf32, #tpu.memory_space<vmem>>[vector<16xi32>, vector<16xi32>], vector<16xf32>,
          %mul3A_522 = arith.mulf %gather3A_520, %gather3A_521 : vector<16xf32>
          %add3A_523 = arith.addf %add3A_495, %mul3A_522 : vector<16xf32>
          %add3A_524 = arith.constant 1 : i32
          %add3A_525 = vector.broadcast %add3A_524 : i32 to vector<16xi32>
          %add3A_526 = arith.addi %add3A_519, %add3A_525 : vector<16xi32>
          %gather3A_527 = tpu.vector_load_idx %arg12[%add3A_224, %add3A_526] : memref<256x64xf32, #tpu.memory_space<vmem>>[vector<16xi32>, vector<16xi32>], vector<16xf32>,
          %gather3A_528 = tpu.vector_load_idx %arg10[%select_n3A_259, %add3A_526] : memref<512x64xf32, #tpu.memory_space<vmem>>[vector<16xi32>, vector<16xi32>], vector<16xf32>,
          %mul3A_529 = arith.mulf %gather3A_527, %gather3A_528 : vector<16xf32>
          %add3A_530 = arith.addf %add3A_502, %mul3A_529 : vector<16xf32>
          %add3A_531 = arith.constant 1 : i32
          %add3A_532 = vector.broadcast %add3A_531 : i32 to vector<16xi32>
          %add3A_533 = arith.addi %add3A_526, %add3A_532 : vector<16xi32>
          %gather3A_534 = tpu.vector_load_idx %arg12[%add3A_224, %add3A_533] : memref<256x64xf32, #tpu.memory_space<vmem>>[vector<16xi32>, vector<16xi32>], vector<16xf32>,
          %gather3A_535 = tpu.vector_load_idx %arg10[%select_n3A_259, %add3A_533] : memref<512x64xf32, #tpu.memory_space<vmem>>[vector<16xi32>, vector<16xi32>], vector<16xf32>,
          %mul3A_536 = arith.mulf %gather3A_534, %gather3A_535 : vector<16xf32>
          %add3A_537 = arith.addf %add3A_509, %mul3A_536 : vector<16xf32>
          %add3A_538 = arith.constant 1 : i32
          %add3A_539 = vector.broadcast %add3A_538 : i32 to vector<16xi32>
          %add3A_540 = arith.addi %add3A_533, %add3A_539 : vector<16xi32>
          %gather3A_541 = tpu.vector_load_idx %arg12[%add3A_224, %add3A_540] : memref<256x64xf32, #tpu.memory_space<vmem>>[vector<16xi32>, vector<16xi32>], vector<16xf32>,
          %gather3A_542 = tpu.vector_load_idx %arg10[%select_n3A_259, %add3A_540] : memref<512x64xf32, #tpu.memory_space<vmem>>[vector<16xi32>, vector<16xi32>], vector<16xf32>,
          %mul3A_543 = arith.mulf %gather3A_541, %gather3A_542 : vector<16xf32>
          %add3A_544 = arith.addf %add3A_516, %mul3A_543 : vector<16xf32>
          %add3A_545 = arith.constant 1 : i32
          %add3A_546 = vector.broadcast %add3A_545 : i32 to vector<16xi32>
          %add3A_547 = arith.addi %add3A_540, %add3A_546 : vector<16xi32>
          %gather3A_548 = tpu.vector_load_idx %arg12[%add3A_224, %add3A_547] : memref<256x64xf32, #tpu.memory_space<vmem>>[vector<16xi32>, vector<16xi32>], vector<16xf32>,
          %gather3A_549 = tpu.vector_load_idx %arg10[%select_n3A_259, %add3A_547] : memref<512x64xf32, #tpu.memory_space<vmem>>[vector<16xi32>, vector<16xi32>], vector<16xf32>,
          %mul3A_550 = arith.mulf %gather3A_548, %gather3A_549 : vector<16xf32>
          %add3A_551 = arith.addf %add3A_523, %mul3A_550 : vector<16xf32>
          %add3A_552 = arith.constant 1 : i32
          %add3A_553 = vector.broadcast %add3A_552 : i32 to vector<16xi32>
          %add3A_554 = arith.addi %add3A_547, %add3A_553 : vector<16xi32>
          %gather3A_555 = tpu.vector_load_idx %arg12[%add3A_224, %add3A_554] : memref<256x64xf32, #tpu.memory_space<vmem>>[vector<16xi32>, vector<16xi32>], vector<16xf32>,
          %gather3A_556 = tpu.vector_load_idx %arg10[%select_n3A_259, %add3A_554] : memref<512x64xf32, #tpu.memory_space<vmem>>[vector<16xi32>, vector<16xi32>], vector<16xf32>,
          %mul3A_557 = arith.mulf %gather3A_555, %gather3A_556 : vector<16xf32>
          %add3A_558 = arith.addf %add3A_530, %mul3A_557 : vector<16xf32>
          %add3A_559 = arith.constant 1 : i32
          %add3A_560 = vector.broadcast %add3A_559 : i32 to vector<16xi32>
          %add3A_561 = arith.addi %add3A_554, %add3A_560 : vector<16xi32>
          %gather3A_562 = tpu.vector_load_idx %arg12[%add3A_224, %add3A_561] : memref<256x64xf32, #tpu.memory_space<vmem>>[vector<16xi32>, vector<16xi32>], vector<16xf32>,
          %gather3A_563 = tpu.vector_load_idx %arg10[%select_n3A_259, %add3A_561] : memref<512x64xf32, #tpu.memory_space<vmem>>[vector<16xi32>, vector<16xi32>], vector<16xf32>,
          %mul3A_564 = arith.mulf %gather3A_562, %gather3A_563 : vector<16xf32>
          %add3A_565 = arith.addf %add3A_537, %mul3A_564 : vector<16xf32>
          %add3A_566 = arith.constant 1 : i32
          %add3A_567 = vector.broadcast %add3A_566 : i32 to vector<16xi32>
          %add3A_568 = arith.addi %add3A_561, %add3A_567 : vector<16xi32>
          %gather3A_569 = tpu.vector_load_idx %arg12[%add3A_224, %add3A_568] : memref<256x64xf32, #tpu.memory_space<vmem>>[vector<16xi32>, vector<16xi32>], vector<16xf32>,
          %gather3A_570 = tpu.vector_load_idx %arg10[%select_n3A_259, %add3A_568] : memref<512x64xf32, #tpu.memory_space<vmem>>[vector<16xi32>, vector<16xi32>], vector<16xf32>,
          %mul3A_571 = arith.mulf %gather3A_569, %gather3A_570 : vector<16xf32>
          %add3A_572 = arith.addf %add3A_544, %mul3A_571 : vector<16xf32>
          %add3A_573 = arith.constant 1 : i32
          %add3A_574 = vector.broadcast %add3A_573 : i32 to vector<16xi32>
          %add3A_575 = arith.addi %add3A_568, %add3A_574 : vector<16xi32>
          %gather3A_576 = tpu.vector_load_idx %arg12[%add3A_224, %add3A_575] : memref<256x64xf32, #tpu.memory_space<vmem>>[vector<16xi32>, vector<16xi32>], vector<16xf32>,
          %gather3A_577 = tpu.vector_load_idx %arg10[%select_n3A_259, %add3A_575] : memref<512x64xf32, #tpu.memory_space<vmem>>[vector<16xi32>, vector<16xi32>], vector<16xf32>,
          %mul3A_578 = arith.mulf %gather3A_576, %gather3A_577 : vector<16xf32>
          %add3A_579 = arith.addf %add3A_551, %mul3A_578 : vector<16xf32>
          %add3A_580 = arith.constant 1 : i32
          %add3A_581 = vector.broadcast %add3A_580 : i32 to vector<16xi32>
          %add3A_582 = arith.addi %add3A_575, %add3A_581 : vector<16xi32>
          %gather3A_583 = tpu.vector_load_idx %arg12[%add3A_224, %add3A_582] : memref<256x64xf32, #tpu.memory_space<vmem>>[vector<16xi32>, vector<16xi32>], vector<16xf32>,
          %gather3A_584 = tpu.vector_load_idx %arg10[%select_n3A_259, %add3A_582] : memref<512x64xf32, #tpu.memory_space<vmem>>[vector<16xi32>, vector<16xi32>], vector<16xf32>,
          %mul3A_585 = arith.mulf %gather3A_583, %gather3A_584 : vector<16xf32>
          %add3A_586 = arith.addf %add3A_558, %mul3A_585 : vector<16xf32>
          %add3A_587 = arith.constant 1 : i32
          %add3A_588 = vector.broadcast %add3A_587 : i32 to vector<16xi32>
          %add3A_589 = arith.addi %add3A_582, %add3A_588 : vector<16xi32>
          %gather3A_590 = tpu.vector_load_idx %arg12[%add3A_224, %add3A_589] : memref<256x64xf32, #tpu.memory_space<vmem>>[vector<16xi32>, vector<16xi32>], vector<16xf32>,
          %gather3A_591 = tpu.vector_load_idx %arg10[%select_n3A_259, %add3A_589] : memref<512x64xf32, #tpu.memory_space<vmem>>[vector<16xi32>, vector<16xi32>], vector<16xf32>,
          %mul3A_592 = arith.mulf %gather3A_590, %gather3A_591 : vector<16xf32>
          %add3A_593 = arith.addf %add3A_565, %mul3A_592 : vector<16xf32>
          %add3A_594 = arith.constant 1 : i32
          %add3A_595 = vector.broadcast %add3A_594 : i32 to vector<16xi32>
          %add3A_596 = arith.addi %add3A_589, %add3A_595 : vector<16xi32>
          %gather3A_597 = tpu.vector_load_idx %arg12[%add3A_224, %add3A_596] : memref<256x64xf32, #tpu.memory_space<vmem>>[vector<16xi32>, vector<16xi32>], vector<16xf32>,
          %gather3A_598 = tpu.vector_load_idx %arg10[%select_n3A_259, %add3A_596] : memref<512x64xf32, #tpu.memory_space<vmem>>[vector<16xi32>, vector<16xi32>], vector<16xf32>,
          %mul3A_599 = arith.mulf %gather3A_597, %gather3A_598 : vector<16xf32>
          %add3A_600 = arith.addf %add3A_572, %mul3A_599 : vector<16xf32>
          %add3A_601 = arith.constant 1 : i32
          %add3A_602 = vector.broadcast %add3A_601 : i32 to vector<16xi32>
          %add3A_603 = arith.addi %add3A_596, %add3A_602 : vector<16xi32>
          %gather3A_604 = tpu.vector_load_idx %arg12[%add3A_224, %add3A_603] : memref<256x64xf32, #tpu.memory_space<vmem>>[vector<16xi32>, vector<16xi32>], vector<16xf32>,
          %gather3A_605 = tpu.vector_load_idx %arg10[%select_n3A_259, %add3A_603] : memref<512x64xf32, #tpu.memory_space<vmem>>[vector<16xi32>, vector<16xi32>], vector<16xf32>,
          %mul3A_606 = arith.mulf %gather3A_604, %gather3A_605 : vector<16xf32>
          %add3A_607 = arith.addf %add3A_579, %mul3A_606 : vector<16xf32>
          %add3A_608 = arith.constant 1 : i32
          %add3A_609 = vector.broadcast %add3A_608 : i32 to vector<16xi32>
          %add3A_610 = arith.addi %add3A_603, %add3A_609 : vector<16xi32>
          %gather3A_611 = tpu.vector_load_idx %arg12[%add3A_224, %add3A_610] : memref<256x64xf32, #tpu.memory_space<vmem>>[vector<16xi32>, vector<16xi32>], vector<16xf32>,
          %gather3A_612 = tpu.vector_load_idx %arg10[%select_n3A_259, %add3A_610] : memref<512x64xf32, #tpu.memory_space<vmem>>[vector<16xi32>, vector<16xi32>], vector<16xf32>,
          %mul3A_613 = arith.mulf %gather3A_611, %gather3A_612 : vector<16xf32>
          %add3A_614 = arith.addf %add3A_586, %mul3A_613 : vector<16xf32>
          %add3A_615 = arith.constant 1 : i32
          %add3A_616 = vector.broadcast %add3A_615 : i32 to vector<16xi32>
          %add3A_617 = arith.addi %add3A_610, %add3A_616 : vector<16xi32>
          %gather3A_618 = tpu.vector_load_idx %arg12[%add3A_224, %add3A_617] : memref<256x64xf32, #tpu.memory_space<vmem>>[vector<16xi32>, vector<16xi32>], vector<16xf32>,
          %gather3A_619 = tpu.vector_load_idx %arg10[%select_n3A_259, %add3A_617] : memref<512x64xf32, #tpu.memory_space<vmem>>[vector<16xi32>, vector<16xi32>], vector<16xf32>,
          %mul3A_620 = arith.mulf %gather3A_618, %gather3A_619 : vector<16xf32>
          %add3A_621 = arith.addf %add3A_593, %mul3A_620 : vector<16xf32>
          %add3A_622 = arith.constant 1 : i32
          %add3A_623 = vector.broadcast %add3A_622 : i32 to vector<16xi32>
          %add3A_624 = arith.addi %add3A_617, %add3A_623 : vector<16xi32>
          %gather3A_625 = tpu.vector_load_idx %arg12[%add3A_224, %add3A_624] : memref<256x64xf32, #tpu.memory_space<vmem>>[vector<16xi32>, vector<16xi32>], vector<16xf32>,
          %gather3A_626 = tpu.vector_load_idx %arg10[%select_n3A_259, %add3A_624] : memref<512x64xf32, #tpu.memory_space<vmem>>[vector<16xi32>, vector<16xi32>], vector<16xf32>,
          %mul3A_627 = arith.mulf %gather3A_625, %gather3A_626 : vector<16xf32>
          %add3A_628 = arith.addf %add3A_600, %mul3A_627 : vector<16xf32>
          %add3A_629 = arith.constant 1 : i32
          %add3A_630 = vector.broadcast %add3A_629 : i32 to vector<16xi32>
          %add3A_631 = arith.addi %add3A_624, %add3A_630 : vector<16xi32>
          %gather3A_632 = tpu.vector_load_idx %arg12[%add3A_224, %add3A_631] : memref<256x64xf32, #tpu.memory_space<vmem>>[vector<16xi32>, vector<16xi32>], vector<16xf32>,
          %gather3A_633 = tpu.vector_load_idx %arg10[%select_n3A_259, %add3A_631] : memref<512x64xf32, #tpu.memory_space<vmem>>[vector<16xi32>, vector<16xi32>], vector<16xf32>,
          %mul3A_634 = arith.mulf %gather3A_632, %gather3A_633 : vector<16xf32>
          %add3A_635 = arith.addf %add3A_607, %mul3A_634 : vector<16xf32>
          %add3A_636 = arith.constant 1 : i32
          %add3A_637 = vector.broadcast %add3A_636 : i32 to vector<16xi32>
          %add3A_638 = arith.addi %add3A_631, %add3A_637 : vector<16xi32>
          %gather3A_639 = tpu.vector_load_idx %arg12[%add3A_224, %add3A_638] : memref<256x64xf32, #tpu.memory_space<vmem>>[vector<16xi32>, vector<16xi32>], vector<16xf32>,
          %gather3A_640 = tpu.vector_load_idx %arg10[%select_n3A_259, %add3A_638] : memref<512x64xf32, #tpu.memory_space<vmem>>[vector<16xi32>, vector<16xi32>], vector<16xf32>,
          %mul3A_641 = arith.mulf %gather3A_639, %gather3A_640 : vector<16xf32>
          %add3A_642 = arith.addf %add3A_614, %mul3A_641 : vector<16xf32>
          %add3A_643 = arith.constant 1 : i32
          %add3A_644 = vector.broadcast %add3A_643 : i32 to vector<16xi32>
          %add3A_645 = arith.addi %add3A_638, %add3A_644 : vector<16xi32>
          %gather3A_646 = tpu.vector_load_idx %arg12[%add3A_224, %add3A_645] : memref<256x64xf32, #tpu.memory_space<vmem>>[vector<16xi32>, vector<16xi32>], vector<16xf32>,
          %gather3A_647 = tpu.vector_load_idx %arg10[%select_n3A_259, %add3A_645] : memref<512x64xf32, #tpu.memory_space<vmem>>[vector<16xi32>, vector<16xi32>], vector<16xf32>,
          %mul3A_648 = arith.mulf %gather3A_646, %gather3A_647 : vector<16xf32>
          %add3A_649 = arith.addf %add3A_621, %mul3A_648 : vector<16xf32>
          %add3A_650 = arith.constant 1 : i32
          %add3A_651 = vector.broadcast %add3A_650 : i32 to vector<16xi32>
          %add3A_652 = arith.addi %add3A_645, %add3A_651 : vector<16xi32>
          %gather3A_653 = tpu.vector_load_idx %arg12[%add3A_224, %add3A_652] : memref<256x64xf32, #tpu.memory_space<vmem>>[vector<16xi32>, vector<16xi32>], vector<16xf32>,
          %gather3A_654 = tpu.vector_load_idx %arg10[%select_n3A_259, %add3A_652] : memref<512x64xf32, #tpu.memory_space<vmem>>[vector<16xi32>, vector<16xi32>], vector<16xf32>,
          %mul3A_655 = arith.mulf %gather3A_653, %gather3A_654 : vector<16xf32>
          %add3A_656 = arith.addf %add3A_628, %mul3A_655 : vector<16xf32>
          %add3A_657 = arith.constant 1 : i32
          %add3A_658 = vector.broadcast %add3A_657 : i32 to vector<16xi32>
          %add3A_659 = arith.addi %add3A_652, %add3A_658 : vector<16xi32>
          %gather3A_660 = tpu.vector_load_idx %arg12[%add3A_224, %add3A_659] : memref<256x64xf32, #tpu.memory_space<vmem>>[vector<16xi32>, vector<16xi32>], vector<16xf32>,
          %gather3A_661 = tpu.vector_load_idx %arg10[%select_n3A_259, %add3A_659] : memref<512x64xf32, #tpu.memory_space<vmem>>[vector<16xi32>, vector<16xi32>], vector<16xf32>,
          %mul3A_662 = arith.mulf %gather3A_660, %gather3A_661 : vector<16xf32>
          %add3A_663 = arith.addf %add3A_635, %mul3A_662 : vector<16xf32>
          %add3A_664 = arith.constant 1 : i32
          %add3A_665 = vector.broadcast %add3A_664 : i32 to vector<16xi32>
          %add3A_666 = arith.addi %add3A_659, %add3A_665 : vector<16xi32>
          %gather3A_667 = tpu.vector_load_idx %arg12[%add3A_224, %add3A_666] : memref<256x64xf32, #tpu.memory_space<vmem>>[vector<16xi32>, vector<16xi32>], vector<16xf32>,
          %gather3A_668 = tpu.vector_load_idx %arg10[%select_n3A_259, %add3A_666] : memref<512x64xf32, #tpu.memory_space<vmem>>[vector<16xi32>, vector<16xi32>], vector<16xf32>,
          %mul3A_669 = arith.mulf %gather3A_667, %gather3A_668 : vector<16xf32>
          %add3A_670 = arith.addf %add3A_642, %mul3A_669 : vector<16xf32>
          %add3A_671 = arith.constant 1 : i32
          %add3A_672 = vector.broadcast %add3A_671 : i32 to vector<16xi32>
          %add3A_673 = arith.addi %add3A_666, %add3A_672 : vector<16xi32>
          %gather3A_674 = tpu.vector_load_idx %arg12[%add3A_224, %add3A_673] : memref<256x64xf32, #tpu.memory_space<vmem>>[vector<16xi32>, vector<16xi32>], vector<16xf32>,
          %gather3A_675 = tpu.vector_load_idx %arg10[%select_n3A_259, %add3A_673] : memref<512x64xf32, #tpu.memory_space<vmem>>[vector<16xi32>, vector<16xi32>], vector<16xf32>,
          %mul3A_676 = arith.mulf %gather3A_674, %gather3A_675 : vector<16xf32>
          %add3A_677 = arith.addf %add3A_649, %mul3A_676 : vector<16xf32>
          %add3A_678 = arith.constant 1 : i32
          %add3A_679 = vector.broadcast %add3A_678 : i32 to vector<16xi32>
          %add3A_680 = arith.addi %add3A_673, %add3A_679 : vector<16xi32>
          %gather3A_681 = tpu.vector_load_idx %arg12[%add3A_224, %add3A_680] : memref<256x64xf32, #tpu.memory_space<vmem>>[vector<16xi32>, vector<16xi32>], vector<16xf32>,
          %gather3A_682 = tpu.vector_load_idx %arg10[%select_n3A_259, %add3A_680] : memref<512x64xf32, #tpu.memory_space<vmem>>[vector<16xi32>, vector<16xi32>], vector<16xf32>,
          %mul3A_683 = arith.mulf %gather3A_681, %gather3A_682 : vector<16xf32>
          %add3A_684 = arith.addf %add3A_656, %mul3A_683 : vector<16xf32>
          %add3A_685 = arith.constant 1 : i32
          %add3A_686 = vector.broadcast %add3A_685 : i32 to vector<16xi32>
          %add3A_687 = arith.addi %add3A_680, %add3A_686 : vector<16xi32>
          %gather3A_688 = tpu.vector_load_idx %arg12[%add3A_224, %add3A_687] : memref<256x64xf32, #tpu.memory_space<vmem>>[vector<16xi32>, vector<16xi32>], vector<16xf32>,
          %gather3A_689 = tpu.vector_load_idx %arg10[%select_n3A_259, %add3A_687] : memref<512x64xf32, #tpu.memory_space<vmem>>[vector<16xi32>, vector<16xi32>], vector<16xf32>,
          %mul3A_690 = arith.mulf %gather3A_688, %gather3A_689 : vector<16xf32>
          %add3A_691 = arith.addf %add3A_663, %mul3A_690 : vector<16xf32>
          %add3A_692 = arith.constant 1 : i32
          %add3A_693 = vector.broadcast %add3A_692 : i32 to vector<16xi32>
          %add3A_694 = arith.addi %add3A_687, %add3A_693 : vector<16xi32>
          %gather3A_695 = tpu.vector_load_idx %arg12[%add3A_224, %add3A_694] : memref<256x64xf32, #tpu.memory_space<vmem>>[vector<16xi32>, vector<16xi32>], vector<16xf32>,
          %gather3A_696 = tpu.vector_load_idx %arg10[%select_n3A_259, %add3A_694] : memref<512x64xf32, #tpu.memory_space<vmem>>[vector<16xi32>, vector<16xi32>], vector<16xf32>,
          %mul3A_697 = arith.mulf %gather3A_695, %gather3A_696 : vector<16xf32>
          %add3A_698 = arith.addf %add3A_670, %mul3A_697 : vector<16xf32>
          %add3A_699 = arith.constant 1 : i32
          %add3A_700 = vector.broadcast %add3A_699 : i32 to vector<16xi32>
          %add3A_701 = arith.addi %add3A_694, %add3A_700 : vector<16xi32>
          %gather3A_702 = tpu.vector_load_idx %arg12[%add3A_224, %add3A_701] : memref<256x64xf32, #tpu.memory_space<vmem>>[vector<16xi32>, vector<16xi32>], vector<16xf32>,
          %gather3A_703 = tpu.vector_load_idx %arg10[%select_n3A_259, %add3A_701] : memref<512x64xf32, #tpu.memory_space<vmem>>[vector<16xi32>, vector<16xi32>], vector<16xf32>,
          %mul3A_704 = arith.mulf %gather3A_702, %gather3A_703 : vector<16xf32>
          %add3A_705 = arith.addf %add3A_677, %mul3A_704 : vector<16xf32>
          %add3A_706 = arith.constant 1 : i32
          %add3A_707 = vector.broadcast %add3A_706 : i32 to vector<16xi32>
          %add3A_708 = arith.addi %add3A_701, %add3A_707 : vector<16xi32>
          %gather3A_709 = tpu.vector_load_idx %arg12[%add3A_224, %add3A_708] : memref<256x64xf32, #tpu.memory_space<vmem>>[vector<16xi32>, vector<16xi32>], vector<16xf32>,
          %gather3A_710 = tpu.vector_load_idx %arg10[%select_n3A_259, %add3A_708] : memref<512x64xf32, #tpu.memory_space<vmem>>[vector<16xi32>, vector<16xi32>], vector<16xf32>,
          %mul3A_711 = arith.mulf %gather3A_709, %gather3A_710 : vector<16xf32>
          %add3A_712 = arith.addf %add3A_684, %mul3A_711 : vector<16xf32>
          %add3A_713 = arith.constant 1 : i32
          %add3A_714 = vector.broadcast %add3A_713 : i32 to vector<16xi32>
          %add3A_715 = arith.addi %add3A_708, %add3A_714 : vector<16xi32>
          %add3A_716 = arith.addf %add3A_691, %add3A_698 : vector<16xf32>
          %add3A_717 = arith.addf %add3A_705, %add3A_712 : vector<16xf32>
          %add3A_718 = arith.addf %add3A_716, %add3A_717 : vector<16xf32>
          %mul3A_719 = arith.constant 16 : i32
          %mul3A_720 = arith.muli %scan3A_220, %mul3A_719 : i32
          %swap3A = arith.index_cast %mul3A_720 : i32 to index
          %swap3A_721 = tpu.vector_load %arg16[%swap3A] {strides = array<i32>} : memref<256xf32, #tpu.memory_space<vmem>>, vector<16xf32>,
          tpu.vector_store %arg16[%swap3A], %add3A_718 {strides = array<i32>} : memref<256xf32, #tpu.memory_space<vmem>>, vector<16xf32>,
        }
        %scan3A_210 = arith.constant 16 : i32
        %lt3A_211 = arith.constant 2 : i32
        %lt3A_212 = arith.cmpi slt, %add3A_158, %lt3A_211 : i32
        %convert_element_type3A_213 = arith.extui %lt3A_212 : i1 to i32
        %cond3A_214 = arith.constant 0 : i32
        %cond3A_215 = arith.cmpi ne, %convert_element_type3A_213, %cond3A_214 : i32
        scf.if %cond3A_215 {
          %mul3A_220 = arith.constant 256 : i32
          %mul3A_221 = arith.muli %add3A_158, %mul3A_220 : i32
          %add3A_222 = arith.addi %mul3A_2, %mul3A_221 : i32
          "tpu.region"() ({
            %run_scoped3A = tpu.sem_alloc : memref<!tpu.dma_semaphore, #tpu.memory_space<semaphore_mem>>
            %dma_start3A_223 = tpu.memref_slice %arg6[%add3A_222] : memref<16384xf32, #tpu.memory_space<hbm>> -> memref<256xf32, #tpu.memory_space<hbm>>
            %dma_start3A_224 = tpu.memref_slice %arg6[%add3A_222] : memref<16384xf32, #tpu.memory_space<hbm>> -> memref<256xf32, #tpu.memory_space<hbm>>
            tpu.enqueue_dma source(%arg16 : memref<256xf32, #tpu.memory_space<vmem>>) target(%dma_start3A_224 : memref<256xf32, #tpu.memory_space<hbm>>) target_semaphore(%run_scoped3A : memref<!tpu.dma_semaphore, #tpu.memory_space<semaphore_mem>>)
            %dma_wait3A_225 = tpu.memref_slice %arg6[%add3A_222] : memref<16384xf32, #tpu.memory_space<hbm>> -> memref<256xf32, #tpu.memory_space<hbm>>
            %dma_wait3A_226 = tpu.memref_slice %arg6[%add3A_222] : memref<16384xf32, #tpu.memory_space<hbm>> -> memref<256xf32, #tpu.memory_space<hbm>>
            tpu.wait_dma2 semaphore(%run_scoped3A : memref<!tpu.dma_semaphore, #tpu.memory_space<semaphore_mem>>) src(%arg16 : memref<256xf32, #tpu.memory_space<vmem>>) dst(%dma_wait3A_226 : memref<256xf32, #tpu.memory_space<hbm>>)
            tpu.yield
          }) : () -> ()
        } else {
        }
        %ge3A = arith.constant 2 : i32
        %ge3A_216 = arith.cmpi sge, %add3A_158, %ge3A : i32
        %convert_element_type3A_217 = arith.extui %ge3A_216 : i1 to i32
        %cond3A_218 = arith.constant 0 : i32
        %cond3A_219 = arith.cmpi ne, %convert_element_type3A_217, %cond3A_218 : i32
        scf.if %cond3A_219 {
          %sub3A_220 = arith.constant 2 : i32
          %sub3A_221 = arith.subi %add3A_158, %sub3A_220 : i32
          %mul3A_222 = arith.constant 256 : i32
          %mul3A_223 = arith.muli %sub3A_221, %mul3A_222 : i32
          %add3A_224 = arith.addi %mul3A_4, %mul3A_223 : i32
          "tpu.region"() ({
            %run_scoped3A = tpu.sem_alloc : memref<!tpu.dma_semaphore, #tpu.memory_space<semaphore_mem>>
            %dma_start3A_225 = tpu.memref_slice %arg7[%add3A_224] : memref<327680xf32, #tpu.memory_space<hbm>> -> memref<256xf32, #tpu.memory_space<hbm>>
            %dma_start3A_226 = tpu.memref_slice %arg7[%add3A_224] : memref<327680xf32, #tpu.memory_space<hbm>> -> memref<256xf32, #tpu.memory_space<hbm>>
            tpu.enqueue_dma source(%arg16 : memref<256xf32, #tpu.memory_space<vmem>>) target(%dma_start3A_226 : memref<256xf32, #tpu.memory_space<hbm>>) target_semaphore(%run_scoped3A : memref<!tpu.dma_semaphore, #tpu.memory_space<semaphore_mem>>)
            %dma_wait3A_227 = tpu.memref_slice %arg7[%add3A_224] : memref<327680xf32, #tpu.memory_space<hbm>> -> memref<256xf32, #tpu.memory_space<hbm>>
            %dma_wait3A_228 = tpu.memref_slice %arg7[%add3A_224] : memref<327680xf32, #tpu.memory_space<hbm>> -> memref<256xf32, #tpu.memory_space<hbm>>
            tpu.wait_dma2 semaphore(%run_scoped3A : memref<!tpu.dma_semaphore, #tpu.memory_space<semaphore_mem>>) src(%arg16 : memref<256xf32, #tpu.memory_space<vmem>>) dst(%dma_wait3A_228 : memref<256xf32, #tpu.memory_space<hbm>>)
            tpu.yield
          }) : () -> ()
        } else {
        }
      } else {
      }
      %mul3A_164 = arith.constant 5 : i32
      %mul3A_165 = arith.muli %scan3A_148, %mul3A_164 : i32
      %add3A_166 = arith.constant 2 : i32
      %add3A_167 = arith.addi %mul3A_165, %add3A_166 : i32
      %lt3A_168 = arith.constant 42 : i32
      %lt3A_169 = arith.cmpi slt, %add3A_167, %lt3A_168 : i32
      %convert_element_type3A_170 = arith.extui %lt3A_169 : i1 to i32
      %cond3A_171 = arith.constant 0 : i32
      %cond3A_172 = arith.cmpi ne, %convert_element_type3A_170, %cond3A_171 : i32
      scf.if %cond3A_172 {
        %dma_wait3A_191 = arith.constant 0 : i32
        %dma_wait3A_192 = arith.constant 0 : i32
        %dma_wait3A_193 = tpu.memref_slice %arg5[%dma_wait3A_191, %dma_wait3A_192] : memref<2000000x64xf32, #tpu.memory_space<hbm>> -> memref<256x64xf32, #tpu.memory_space<hbm>>
        %dma_wait3A_194 = arith.constant 0 : i32
        %dma_wait3A_195 = arith.constant 0 : i32
        %dma_wait3A_196 = tpu.memref_slice %arg5[%dma_wait3A_194, %dma_wait3A_195] : memref<2000000x64xf32, #tpu.memory_space<hbm>> -> memref<256x64xf32, #tpu.memory_space<hbm>>
        tpu.wait_dma2 semaphore(%arg19 : memref<!tpu.dma_semaphore, #tpu.memory_space<semaphore_mem>>) src(%dma_wait3A_196 : memref<256x64xf32, #tpu.memory_space<hbm>>) dst(%arg13 : memref<256x64xf32, #tpu.memory_space<vmem>>)
        %add3A_197 = arith.constant 5 : i32
        %add3A_198 = arith.addi %add3A_167, %add3A_197 : i32
        %sub3A = arith.constant 1 : i32
        %sub3A_199 = arith.subi %add3A_198, %sub3A : i32
        %lt3A_200 = arith.constant 42 : i32
        %lt3A_201 = arith.cmpi slt, %sub3A_199, %lt3A_200 : i32
        %convert_element_type3A_202 = arith.extui %lt3A_201 : i1 to i32
        %cond3A_203 = arith.constant 0 : i32
        %cond3A_204 = arith.cmpi ne, %convert_element_type3A_202, %cond3A_203 : i32
        scf.if %cond3A_204 {
          %add3A_220 = arith.constant 5 : i32
          %add3A_221 = arith.addi %add3A_167, %add3A_220 : i32
          %sub3A_222 = arith.constant 1 : i32
          %sub3A_223 = arith.subi %add3A_221, %sub3A_222 : i32
          %mul3A_224 = arith.constant 256 : i32
          %mul3A_225 = arith.muli %sub3A_223, %mul3A_224 : i32
          %add3A_226 = arith.constant 0 : i32
          %add3A_227 = arith.addi %mul3A_225, %add3A_226 : i32
          %dma_start3A_228 = arith.constant 0 : i32
          %dma_start3A_229 = arith.constant 0 : i32
          %dma_start3A_230 = tpu.memref_slice %arg12[%dma_start3A_228, %dma_start3A_229] : memref<256x64xf32, #tpu.memory_space<vmem>> -> memref<128x64xf32, #tpu.memory_space<vmem>>
          %dma_start3A_231 = tpu.memref_slice %arg9[%add3A_227] : memref<10752xi32, #tpu.memory_space<vmem>> -> memref<128xi32, #tpu.memory_space<vmem>>
          %dma_start3A_232 = arith.constant 0 : i32
          %dma_start3A_233 = arith.constant 0 : i32
          %dma_start3A_234 = tpu.memref_slice %arg5[%dma_start3A_232, %dma_start3A_233] : memref<2000000x64xf32, #tpu.memory_space<hbm>> -> memref<2000000x64xf32, #tpu.memory_space<hbm>>
          tpu.enqueue_indirect_dma source(%dma_start3A_234 : memref<2000000x64xf32, #tpu.memory_space<hbm>>) target(%dma_start3A_230 : memref<128x64xf32, #tpu.memory_space<vmem>>) offsets(%dma_start3A_231 : memref<128xi32, #tpu.memory_space<vmem>>) semaphore(%arg18 : memref<!tpu.dma_semaphore, #tpu.memory_space<semaphore_mem>>)
          %add3A_235 = arith.constant 128 : i32
          %add3A_236 = arith.addi %mul3A_225, %add3A_235 : i32
          %dma_start3A_237 = arith.constant 128 : i32
          %dma_start3A_238 = arith.constant 0 : i32
          %dma_start3A_239 = tpu.memref_slice %arg12[%dma_start3A_237, %dma_start3A_238] : memref<256x64xf32, #tpu.memory_space<vmem>> -> memref<128x64xf32, #tpu.memory_space<vmem>>
          %dma_start3A_240 = tpu.memref_slice %arg9[%add3A_236] : memref<10752xi32, #tpu.memory_space<vmem>> -> memref<128xi32, #tpu.memory_space<vmem>>
          %dma_start3A_241 = arith.constant 0 : i32
          %dma_start3A_242 = arith.constant 0 : i32
          %dma_start3A_243 = tpu.memref_slice %arg5[%dma_start3A_241, %dma_start3A_242] : memref<2000000x64xf32, #tpu.memory_space<hbm>> -> memref<2000000x64xf32, #tpu.memory_space<hbm>>
          tpu.enqueue_indirect_dma source(%dma_start3A_243 : memref<2000000x64xf32, #tpu.memory_space<hbm>>) target(%dma_start3A_239 : memref<128x64xf32, #tpu.memory_space<vmem>>) offsets(%dma_start3A_240 : memref<128xi32, #tpu.memory_space<vmem>>) semaphore(%arg18 : memref<!tpu.dma_semaphore, #tpu.memory_space<semaphore_mem>>)
        } else {
        }
        %scan3A_205 = arith.constant 0 : i32
        %scan3A_206 = arith.constant 0 : i32
        %scan3A_207 = arith.constant 16 : i32
        %scan3A_208 = arith.addi %scan3A_206, %scan3A_207 : i32
        %scan3A_209 = arith.constant 1 : i32
        scf.for %scan3A_220 = %scan3A_206 to %scan3A_208 step %scan3A_209  : i32 {
          %mul3A_221 = arith.constant 16 : i32
          %mul3A_222 = arith.muli %scan3A_220, %mul3A_221 : i32
          %add3A_223 = vector.broadcast %mul3A_222 : i32 to vector<16xi32>
          %add3A_224 = arith.addi %add3A_223, %iota3A : vector<16xi32>
          %mul3A_225 = arith.constant 256 : i32
          %mul3A_226 = arith.muli %add3A_167, %mul3A_225 : i32
          %add3A_227 = vector.broadcast %mul3A_226 : i32 to vector<16xi32>
          %add3A_228 = arith.addi %add3A_227, %add3A_224 : vector<16xi32>
          %lt3A_229 = arith.constant 512 : i32
          %lt3A_230 = vector.broadcast %lt3A_229 : i32 to vector<16xi32>
          %lt3A_231 = arith.cmpi slt, %add3A_228, %lt3A_230 : vector<16xi32>
          %sub3A_232 = arith.constant 512 : i32
          %sub3A_233 = vector.broadcast %sub3A_232 : i32 to vector<16xi32>
          %sub3A_234 = arith.subi %add3A_228, %sub3A_233 : vector<16xi32>
          %jit3A = arith.constant 20 : i32
          %div3A = vector.broadcast %jit3A : i32 to vector<16xi32>
          %div3A_235 = arith.divsi %sub3A_234, %div3A : vector<16xi32>
          %sign3A = arith.constant 0 : i32
          %sign3A_236 = vector.broadcast %sign3A : i32 to vector<16xi32>
          %sign3A_237 = arith.cmpi sgt, %sub3A_234, %sign3A_236 : vector<16xi32>
          %sign3A_238 = arith.extui %sign3A_237 : vector<16xi1> to vector<16xi32>
          %sign3A_239 = arith.constant 0 : i32
          %sign3A_240 = vector.broadcast %sign3A_239 : i32 to vector<16xi32>
          %sign3A_241 = arith.cmpi slt, %sub3A_234, %sign3A_240 : vector<16xi32>
          %sign3A_242 = arith.extui %sign3A_241 : vector<16xi1> to vector<16xi32>
          %sign3A_243 = arith.subi %sign3A_238, %sign3A_242 : vector<16xi32>
          %sign3A_244 = arith.constant 0 : i32
          %sign3A_245 = arith.cmpi sgt, %jit3A, %sign3A_244 : i32
          %sign3A_246 = arith.extui %sign3A_245 : i1 to i32
          %sign3A_247 = arith.constant 0 : i32
          %sign3A_248 = arith.cmpi slt, %jit3A, %sign3A_247 : i32
          %sign3A_249 = arith.extui %sign3A_248 : i1 to i32
          %sign3A_250 = arith.subi %sign3A_246, %sign3A_249 : i32
          %ne3A = vector.broadcast %sign3A_250 : i32 to vector<16xi32>
          %ne3A_251 = arith.cmpi ne, %sign3A_243, %ne3A : vector<16xi32>
          %rem3A = vector.broadcast %jit3A : i32 to vector<16xi32>
          %rem3A_252 = arith.remsi %sub3A_234, %rem3A : vector<16xi32>
          %ne3A_253 = arith.constant 0 : i32
          %ne3A_254 = vector.broadcast %ne3A_253 : i32 to vector<16xi32>
          %ne3A_255 = arith.cmpi ne, %rem3A_252, %ne3A_254 : vector<16xi32>
          %and3A = arith.andi %ne3A_251, %ne3A_255 : vector<16xi1>
          %sub3A_256 = arith.constant 1 : i32
          %sub3A_257 = vector.broadcast %sub3A_256 : i32 to vector<16xi32>
          %sub3A_258 = arith.subi %div3A_235, %sub3A_257 : vector<16xi32>
          %select_n3A = arith.select %and3A, %sub3A_258, %div3A_235 : vector<16xi1>, vector<16xi32>
          %select_n3A_259 = arith.select %lt3A_231, %add3A_228, %select_n3A : vector<16xi1>, vector<16xi32>
          %broadcast_in_dim3A = arith.constant 0 : i32
          %broadcast_in_dim3A_260 = vector.broadcast %broadcast_in_dim3A : i32 to vector<16xi32>
          %broadcast_in_dim3A_261 = arith.constant 0.000000e+00 : f32
          %broadcast_in_dim3A_262 = vector.broadcast %broadcast_in_dim3A_261 : f32 to vector<16xf32>
          %broadcast_in_dim3A_263 = arith.constant 0.000000e+00 : f32
          %broadcast_in_dim3A_264 = vector.broadcast %broadcast_in_dim3A_263 : f32 to vector<16xf32>
          %broadcast_in_dim3A_265 = arith.constant 0.000000e+00 : f32
          %broadcast_in_dim3A_266 = vector.broadcast %broadcast_in_dim3A_265 : f32 to vector<16xf32>
          %broadcast_in_dim3A_267 = arith.constant 0.000000e+00 : f32
          %broadcast_in_dim3A_268 = vector.broadcast %broadcast_in_dim3A_267 : f32 to vector<16xf32>
          %gather3A = tpu.vector_load_idx %arg13[%add3A_224, %broadcast_in_dim3A_260] : memref<256x64xf32, #tpu.memory_space<vmem>>[vector<16xi32>, vector<16xi32>], vector<16xf32>,
          %gather3A_269 = tpu.vector_load_idx %arg10[%select_n3A_259, %broadcast_in_dim3A_260] : memref<512x64xf32, #tpu.memory_space<vmem>>[vector<16xi32>, vector<16xi32>], vector<16xf32>,
          %mul3A_270 = arith.mulf %gather3A, %gather3A_269 : vector<16xf32>
          %add3A_271 = arith.addf %broadcast_in_dim3A_262, %mul3A_270 : vector<16xf32>
          %add3A_272 = arith.constant 1 : i32
          %add3A_273 = vector.broadcast %add3A_272 : i32 to vector<16xi32>
          %add3A_274 = arith.addi %broadcast_in_dim3A_260, %add3A_273 : vector<16xi32>
          %gather3A_275 = tpu.vector_load_idx %arg13[%add3A_224, %add3A_274] : memref<256x64xf32, #tpu.memory_space<vmem>>[vector<16xi32>, vector<16xi32>], vector<16xf32>,
          %gather3A_276 = tpu.vector_load_idx %arg10[%select_n3A_259, %add3A_274] : memref<512x64xf32, #tpu.memory_space<vmem>>[vector<16xi32>, vector<16xi32>], vector<16xf32>,
          %mul3A_277 = arith.mulf %gather3A_275, %gather3A_276 : vector<16xf32>
          %add3A_278 = arith.addf %broadcast_in_dim3A_264, %mul3A_277 : vector<16xf32>
          %add3A_279 = arith.constant 1 : i32
          %add3A_280 = vector.broadcast %add3A_279 : i32 to vector<16xi32>
          %add3A_281 = arith.addi %add3A_274, %add3A_280 : vector<16xi32>
          %gather3A_282 = tpu.vector_load_idx %arg13[%add3A_224, %add3A_281] : memref<256x64xf32, #tpu.memory_space<vmem>>[vector<16xi32>, vector<16xi32>], vector<16xf32>,
          %gather3A_283 = tpu.vector_load_idx %arg10[%select_n3A_259, %add3A_281] : memref<512x64xf32, #tpu.memory_space<vmem>>[vector<16xi32>, vector<16xi32>], vector<16xf32>,
          %mul3A_284 = arith.mulf %gather3A_282, %gather3A_283 : vector<16xf32>
          %add3A_285 = arith.addf %broadcast_in_dim3A_266, %mul3A_284 : vector<16xf32>
          %add3A_286 = arith.constant 1 : i32
          %add3A_287 = vector.broadcast %add3A_286 : i32 to vector<16xi32>
          %add3A_288 = arith.addi %add3A_281, %add3A_287 : vector<16xi32>
          %gather3A_289 = tpu.vector_load_idx %arg13[%add3A_224, %add3A_288] : memref<256x64xf32, #tpu.memory_space<vmem>>[vector<16xi32>, vector<16xi32>], vector<16xf32>,
          %gather3A_290 = tpu.vector_load_idx %arg10[%select_n3A_259, %add3A_288] : memref<512x64xf32, #tpu.memory_space<vmem>>[vector<16xi32>, vector<16xi32>], vector<16xf32>,
          %mul3A_291 = arith.mulf %gather3A_289, %gather3A_290 : vector<16xf32>
          %add3A_292 = arith.addf %broadcast_in_dim3A_268, %mul3A_291 : vector<16xf32>
          %add3A_293 = arith.constant 1 : i32
          %add3A_294 = vector.broadcast %add3A_293 : i32 to vector<16xi32>
          %add3A_295 = arith.addi %add3A_288, %add3A_294 : vector<16xi32>
          %gather3A_296 = tpu.vector_load_idx %arg13[%add3A_224, %add3A_295] : memref<256x64xf32, #tpu.memory_space<vmem>>[vector<16xi32>, vector<16xi32>], vector<16xf32>,
          %gather3A_297 = tpu.vector_load_idx %arg10[%select_n3A_259, %add3A_295] : memref<512x64xf32, #tpu.memory_space<vmem>>[vector<16xi32>, vector<16xi32>], vector<16xf32>,
          %mul3A_298 = arith.mulf %gather3A_296, %gather3A_297 : vector<16xf32>
          %add3A_299 = arith.addf %add3A_271, %mul3A_298 : vector<16xf32>
          %add3A_300 = arith.constant 1 : i32
          %add3A_301 = vector.broadcast %add3A_300 : i32 to vector<16xi32>
          %add3A_302 = arith.addi %add3A_295, %add3A_301 : vector<16xi32>
          %gather3A_303 = tpu.vector_load_idx %arg13[%add3A_224, %add3A_302] : memref<256x64xf32, #tpu.memory_space<vmem>>[vector<16xi32>, vector<16xi32>], vector<16xf32>,
          %gather3A_304 = tpu.vector_load_idx %arg10[%select_n3A_259, %add3A_302] : memref<512x64xf32, #tpu.memory_space<vmem>>[vector<16xi32>, vector<16xi32>], vector<16xf32>,
          %mul3A_305 = arith.mulf %gather3A_303, %gather3A_304 : vector<16xf32>
          %add3A_306 = arith.addf %add3A_278, %mul3A_305 : vector<16xf32>
          %add3A_307 = arith.constant 1 : i32
          %add3A_308 = vector.broadcast %add3A_307 : i32 to vector<16xi32>
          %add3A_309 = arith.addi %add3A_302, %add3A_308 : vector<16xi32>
          %gather3A_310 = tpu.vector_load_idx %arg13[%add3A_224, %add3A_309] : memref<256x64xf32, #tpu.memory_space<vmem>>[vector<16xi32>, vector<16xi32>], vector<16xf32>,
          %gather3A_311 = tpu.vector_load_idx %arg10[%select_n3A_259, %add3A_309] : memref<512x64xf32, #tpu.memory_space<vmem>>[vector<16xi32>, vector<16xi32>], vector<16xf32>,
          %mul3A_312 = arith.mulf %gather3A_310, %gather3A_311 : vector<16xf32>
          %add3A_313 = arith.addf %add3A_285, %mul3A_312 : vector<16xf32>
          %add3A_314 = arith.constant 1 : i32
          %add3A_315 = vector.broadcast %add3A_314 : i32 to vector<16xi32>
          %add3A_316 = arith.addi %add3A_309, %add3A_315 : vector<16xi32>
          %gather3A_317 = tpu.vector_load_idx %arg13[%add3A_224, %add3A_316] : memref<256x64xf32, #tpu.memory_space<vmem>>[vector<16xi32>, vector<16xi32>], vector<16xf32>,
          %gather3A_318 = tpu.vector_load_idx %arg10[%select_n3A_259, %add3A_316] : memref<512x64xf32, #tpu.memory_space<vmem>>[vector<16xi32>, vector<16xi32>], vector<16xf32>,
          %mul3A_319 = arith.mulf %gather3A_317, %gather3A_318 : vector<16xf32>
          %add3A_320 = arith.addf %add3A_292, %mul3A_319 : vector<16xf32>
          %add3A_321 = arith.constant 1 : i32
          %add3A_322 = vector.broadcast %add3A_321 : i32 to vector<16xi32>
          %add3A_323 = arith.addi %add3A_316, %add3A_322 : vector<16xi32>
          %gather3A_324 = tpu.vector_load_idx %arg13[%add3A_224, %add3A_323] : memref<256x64xf32, #tpu.memory_space<vmem>>[vector<16xi32>, vector<16xi32>], vector<16xf32>,
          %gather3A_325 = tpu.vector_load_idx %arg10[%select_n3A_259, %add3A_323] : memref<512x64xf32, #tpu.memory_space<vmem>>[vector<16xi32>, vector<16xi32>], vector<16xf32>,
          %mul3A_326 = arith.mulf %gather3A_324, %gather3A_325 : vector<16xf32>
          %add3A_327 = arith.addf %add3A_299, %mul3A_326 : vector<16xf32>
          %add3A_328 = arith.constant 1 : i32
          %add3A_329 = vector.broadcast %add3A_328 : i32 to vector<16xi32>
          %add3A_330 = arith.addi %add3A_323, %add3A_329 : vector<16xi32>
          %gather3A_331 = tpu.vector_load_idx %arg13[%add3A_224, %add3A_330] : memref<256x64xf32, #tpu.memory_space<vmem>>[vector<16xi32>, vector<16xi32>], vector<16xf32>,
          %gather3A_332 = tpu.vector_load_idx %arg10[%select_n3A_259, %add3A_330] : memref<512x64xf32, #tpu.memory_space<vmem>>[vector<16xi32>, vector<16xi32>], vector<16xf32>,
          %mul3A_333 = arith.mulf %gather3A_331, %gather3A_332 : vector<16xf32>
          %add3A_334 = arith.addf %add3A_306, %mul3A_333 : vector<16xf32>
          %add3A_335 = arith.constant 1 : i32
          %add3A_336 = vector.broadcast %add3A_335 : i32 to vector<16xi32>
          %add3A_337 = arith.addi %add3A_330, %add3A_336 : vector<16xi32>
          %gather3A_338 = tpu.vector_load_idx %arg13[%add3A_224, %add3A_337] : memref<256x64xf32, #tpu.memory_space<vmem>>[vector<16xi32>, vector<16xi32>], vector<16xf32>,
          %gather3A_339 = tpu.vector_load_idx %arg10[%select_n3A_259, %add3A_337] : memref<512x64xf32, #tpu.memory_space<vmem>>[vector<16xi32>, vector<16xi32>], vector<16xf32>,
          %mul3A_340 = arith.mulf %gather3A_338, %gather3A_339 : vector<16xf32>
          %add3A_341 = arith.addf %add3A_313, %mul3A_340 : vector<16xf32>
          %add3A_342 = arith.constant 1 : i32
          %add3A_343 = vector.broadcast %add3A_342 : i32 to vector<16xi32>
          %add3A_344 = arith.addi %add3A_337, %add3A_343 : vector<16xi32>
          %gather3A_345 = tpu.vector_load_idx %arg13[%add3A_224, %add3A_344] : memref<256x64xf32, #tpu.memory_space<vmem>>[vector<16xi32>, vector<16xi32>], vector<16xf32>,
          %gather3A_346 = tpu.vector_load_idx %arg10[%select_n3A_259, %add3A_344] : memref<512x64xf32, #tpu.memory_space<vmem>>[vector<16xi32>, vector<16xi32>], vector<16xf32>,
          %mul3A_347 = arith.mulf %gather3A_345, %gather3A_346 : vector<16xf32>
          %add3A_348 = arith.addf %add3A_320, %mul3A_347 : vector<16xf32>
          %add3A_349 = arith.constant 1 : i32
          %add3A_350 = vector.broadcast %add3A_349 : i32 to vector<16xi32>
          %add3A_351 = arith.addi %add3A_344, %add3A_350 : vector<16xi32>
          %gather3A_352 = tpu.vector_load_idx %arg13[%add3A_224, %add3A_351] : memref<256x64xf32, #tpu.memory_space<vmem>>[vector<16xi32>, vector<16xi32>], vector<16xf32>,
          %gather3A_353 = tpu.vector_load_idx %arg10[%select_n3A_259, %add3A_351] : memref<512x64xf32, #tpu.memory_space<vmem>>[vector<16xi32>, vector<16xi32>], vector<16xf32>,
          %mul3A_354 = arith.mulf %gather3A_352, %gather3A_353 : vector<16xf32>
          %add3A_355 = arith.addf %add3A_327, %mul3A_354 : vector<16xf32>
          %add3A_356 = arith.constant 1 : i32
          %add3A_357 = vector.broadcast %add3A_356 : i32 to vector<16xi32>
          %add3A_358 = arith.addi %add3A_351, %add3A_357 : vector<16xi32>
          %gather3A_359 = tpu.vector_load_idx %arg13[%add3A_224, %add3A_358] : memref<256x64xf32, #tpu.memory_space<vmem>>[vector<16xi32>, vector<16xi32>], vector<16xf32>,
          %gather3A_360 = tpu.vector_load_idx %arg10[%select_n3A_259, %add3A_358] : memref<512x64xf32, #tpu.memory_space<vmem>>[vector<16xi32>, vector<16xi32>], vector<16xf32>,
          %mul3A_361 = arith.mulf %gather3A_359, %gather3A_360 : vector<16xf32>
          %add3A_362 = arith.addf %add3A_334, %mul3A_361 : vector<16xf32>
          %add3A_363 = arith.constant 1 : i32
          %add3A_364 = vector.broadcast %add3A_363 : i32 to vector<16xi32>
          %add3A_365 = arith.addi %add3A_358, %add3A_364 : vector<16xi32>
          %gather3A_366 = tpu.vector_load_idx %arg13[%add3A_224, %add3A_365] : memref<256x64xf32, #tpu.memory_space<vmem>>[vector<16xi32>, vector<16xi32>], vector<16xf32>,
          %gather3A_367 = tpu.vector_load_idx %arg10[%select_n3A_259, %add3A_365] : memref<512x64xf32, #tpu.memory_space<vmem>>[vector<16xi32>, vector<16xi32>], vector<16xf32>,
          %mul3A_368 = arith.mulf %gather3A_366, %gather3A_367 : vector<16xf32>
          %add3A_369 = arith.addf %add3A_341, %mul3A_368 : vector<16xf32>
          %add3A_370 = arith.constant 1 : i32
          %add3A_371 = vector.broadcast %add3A_370 : i32 to vector<16xi32>
          %add3A_372 = arith.addi %add3A_365, %add3A_371 : vector<16xi32>
          %gather3A_373 = tpu.vector_load_idx %arg13[%add3A_224, %add3A_372] : memref<256x64xf32, #tpu.memory_space<vmem>>[vector<16xi32>, vector<16xi32>], vector<16xf32>,
          %gather3A_374 = tpu.vector_load_idx %arg10[%select_n3A_259, %add3A_372] : memref<512x64xf32, #tpu.memory_space<vmem>>[vector<16xi32>, vector<16xi32>], vector<16xf32>,
          %mul3A_375 = arith.mulf %gather3A_373, %gather3A_374 : vector<16xf32>
          %add3A_376 = arith.addf %add3A_348, %mul3A_375 : vector<16xf32>
          %add3A_377 = arith.constant 1 : i32
          %add3A_378 = vector.broadcast %add3A_377 : i32 to vector<16xi32>
          %add3A_379 = arith.addi %add3A_372, %add3A_378 : vector<16xi32>
          %gather3A_380 = tpu.vector_load_idx %arg13[%add3A_224, %add3A_379] : memref<256x64xf32, #tpu.memory_space<vmem>>[vector<16xi32>, vector<16xi32>], vector<16xf32>,
          %gather3A_381 = tpu.vector_load_idx %arg10[%select_n3A_259, %add3A_379] : memref<512x64xf32, #tpu.memory_space<vmem>>[vector<16xi32>, vector<16xi32>], vector<16xf32>,
          %mul3A_382 = arith.mulf %gather3A_380, %gather3A_381 : vector<16xf32>
          %add3A_383 = arith.addf %add3A_355, %mul3A_382 : vector<16xf32>
          %add3A_384 = arith.constant 1 : i32
          %add3A_385 = vector.broadcast %add3A_384 : i32 to vector<16xi32>
          %add3A_386 = arith.addi %add3A_379, %add3A_385 : vector<16xi32>
          %gather3A_387 = tpu.vector_load_idx %arg13[%add3A_224, %add3A_386] : memref<256x64xf32, #tpu.memory_space<vmem>>[vector<16xi32>, vector<16xi32>], vector<16xf32>,
          %gather3A_388 = tpu.vector_load_idx %arg10[%select_n3A_259, %add3A_386] : memref<512x64xf32, #tpu.memory_space<vmem>>[vector<16xi32>, vector<16xi32>], vector<16xf32>,
          %mul3A_389 = arith.mulf %gather3A_387, %gather3A_388 : vector<16xf32>
          %add3A_390 = arith.addf %add3A_362, %mul3A_389 : vector<16xf32>
          %add3A_391 = arith.constant 1 : i32
          %add3A_392 = vector.broadcast %add3A_391 : i32 to vector<16xi32>
          %add3A_393 = arith.addi %add3A_386, %add3A_392 : vector<16xi32>
          %gather3A_394 = tpu.vector_load_idx %arg13[%add3A_224, %add3A_393] : memref<256x64xf32, #tpu.memory_space<vmem>>[vector<16xi32>, vector<16xi32>], vector<16xf32>,
          %gather3A_395 = tpu.vector_load_idx %arg10[%select_n3A_259, %add3A_393] : memref<512x64xf32, #tpu.memory_space<vmem>>[vector<16xi32>, vector<16xi32>], vector<16xf32>,
          %mul3A_396 = arith.mulf %gather3A_394, %gather3A_395 : vector<16xf32>
          %add3A_397 = arith.addf %add3A_369, %mul3A_396 : vector<16xf32>
          %add3A_398 = arith.constant 1 : i32
          %add3A_399 = vector.broadcast %add3A_398 : i32 to vector<16xi32>
          %add3A_400 = arith.addi %add3A_393, %add3A_399 : vector<16xi32>
          %gather3A_401 = tpu.vector_load_idx %arg13[%add3A_224, %add3A_400] : memref<256x64xf32, #tpu.memory_space<vmem>>[vector<16xi32>, vector<16xi32>], vector<16xf32>,
          %gather3A_402 = tpu.vector_load_idx %arg10[%select_n3A_259, %add3A_400] : memref<512x64xf32, #tpu.memory_space<vmem>>[vector<16xi32>, vector<16xi32>], vector<16xf32>,
          %mul3A_403 = arith.mulf %gather3A_401, %gather3A_402 : vector<16xf32>
          %add3A_404 = arith.addf %add3A_376, %mul3A_403 : vector<16xf32>
          %add3A_405 = arith.constant 1 : i32
          %add3A_406 = vector.broadcast %add3A_405 : i32 to vector<16xi32>
          %add3A_407 = arith.addi %add3A_400, %add3A_406 : vector<16xi32>
          %gather3A_408 = tpu.vector_load_idx %arg13[%add3A_224, %add3A_407] : memref<256x64xf32, #tpu.memory_space<vmem>>[vector<16xi32>, vector<16xi32>], vector<16xf32>,
          %gather3A_409 = tpu.vector_load_idx %arg10[%select_n3A_259, %add3A_407] : memref<512x64xf32, #tpu.memory_space<vmem>>[vector<16xi32>, vector<16xi32>], vector<16xf32>,
          %mul3A_410 = arith.mulf %gather3A_408, %gather3A_409 : vector<16xf32>
          %add3A_411 = arith.addf %add3A_383, %mul3A_410 : vector<16xf32>
          %add3A_412 = arith.constant 1 : i32
          %add3A_413 = vector.broadcast %add3A_412 : i32 to vector<16xi32>
          %add3A_414 = arith.addi %add3A_407, %add3A_413 : vector<16xi32>
          %gather3A_415 = tpu.vector_load_idx %arg13[%add3A_224, %add3A_414] : memref<256x64xf32, #tpu.memory_space<vmem>>[vector<16xi32>, vector<16xi32>], vector<16xf32>,
          %gather3A_416 = tpu.vector_load_idx %arg10[%select_n3A_259, %add3A_414] : memref<512x64xf32, #tpu.memory_space<vmem>>[vector<16xi32>, vector<16xi32>], vector<16xf32>,
          %mul3A_417 = arith.mulf %gather3A_415, %gather3A_416 : vector<16xf32>
          %add3A_418 = arith.addf %add3A_390, %mul3A_417 : vector<16xf32>
          %add3A_419 = arith.constant 1 : i32
          %add3A_420 = vector.broadcast %add3A_419 : i32 to vector<16xi32>
          %add3A_421 = arith.addi %add3A_414, %add3A_420 : vector<16xi32>
          %gather3A_422 = tpu.vector_load_idx %arg13[%add3A_224, %add3A_421] : memref<256x64xf32, #tpu.memory_space<vmem>>[vector<16xi32>, vector<16xi32>], vector<16xf32>,
          %gather3A_423 = tpu.vector_load_idx %arg10[%select_n3A_259, %add3A_421] : memref<512x64xf32, #tpu.memory_space<vmem>>[vector<16xi32>, vector<16xi32>], vector<16xf32>,
          %mul3A_424 = arith.mulf %gather3A_422, %gather3A_423 : vector<16xf32>
          %add3A_425 = arith.addf %add3A_397, %mul3A_424 : vector<16xf32>
          %add3A_426 = arith.constant 1 : i32
          %add3A_427 = vector.broadcast %add3A_426 : i32 to vector<16xi32>
          %add3A_428 = arith.addi %add3A_421, %add3A_427 : vector<16xi32>
          %gather3A_429 = tpu.vector_load_idx %arg13[%add3A_224, %add3A_428] : memref<256x64xf32, #tpu.memory_space<vmem>>[vector<16xi32>, vector<16xi32>], vector<16xf32>,
          %gather3A_430 = tpu.vector_load_idx %arg10[%select_n3A_259, %add3A_428] : memref<512x64xf32, #tpu.memory_space<vmem>>[vector<16xi32>, vector<16xi32>], vector<16xf32>,
          %mul3A_431 = arith.mulf %gather3A_429, %gather3A_430 : vector<16xf32>
          %add3A_432 = arith.addf %add3A_404, %mul3A_431 : vector<16xf32>
          %add3A_433 = arith.constant 1 : i32
          %add3A_434 = vector.broadcast %add3A_433 : i32 to vector<16xi32>
          %add3A_435 = arith.addi %add3A_428, %add3A_434 : vector<16xi32>
          %gather3A_436 = tpu.vector_load_idx %arg13[%add3A_224, %add3A_435] : memref<256x64xf32, #tpu.memory_space<vmem>>[vector<16xi32>, vector<16xi32>], vector<16xf32>,
          %gather3A_437 = tpu.vector_load_idx %arg10[%select_n3A_259, %add3A_435] : memref<512x64xf32, #tpu.memory_space<vmem>>[vector<16xi32>, vector<16xi32>], vector<16xf32>,
          %mul3A_438 = arith.mulf %gather3A_436, %gather3A_437 : vector<16xf32>
          %add3A_439 = arith.addf %add3A_411, %mul3A_438 : vector<16xf32>
          %add3A_440 = arith.constant 1 : i32
          %add3A_441 = vector.broadcast %add3A_440 : i32 to vector<16xi32>
          %add3A_442 = arith.addi %add3A_435, %add3A_441 : vector<16xi32>
          %gather3A_443 = tpu.vector_load_idx %arg13[%add3A_224, %add3A_442] : memref<256x64xf32, #tpu.memory_space<vmem>>[vector<16xi32>, vector<16xi32>], vector<16xf32>,
          %gather3A_444 = tpu.vector_load_idx %arg10[%select_n3A_259, %add3A_442] : memref<512x64xf32, #tpu.memory_space<vmem>>[vector<16xi32>, vector<16xi32>], vector<16xf32>,
          %mul3A_445 = arith.mulf %gather3A_443, %gather3A_444 : vector<16xf32>
          %add3A_446 = arith.addf %add3A_418, %mul3A_445 : vector<16xf32>
          %add3A_447 = arith.constant 1 : i32
          %add3A_448 = vector.broadcast %add3A_447 : i32 to vector<16xi32>
          %add3A_449 = arith.addi %add3A_442, %add3A_448 : vector<16xi32>
          %gather3A_450 = tpu.vector_load_idx %arg13[%add3A_224, %add3A_449] : memref<256x64xf32, #tpu.memory_space<vmem>>[vector<16xi32>, vector<16xi32>], vector<16xf32>,
          %gather3A_451 = tpu.vector_load_idx %arg10[%select_n3A_259, %add3A_449] : memref<512x64xf32, #tpu.memory_space<vmem>>[vector<16xi32>, vector<16xi32>], vector<16xf32>,
          %mul3A_452 = arith.mulf %gather3A_450, %gather3A_451 : vector<16xf32>
          %add3A_453 = arith.addf %add3A_425, %mul3A_452 : vector<16xf32>
          %add3A_454 = arith.constant 1 : i32
          %add3A_455 = vector.broadcast %add3A_454 : i32 to vector<16xi32>
          %add3A_456 = arith.addi %add3A_449, %add3A_455 : vector<16xi32>
          %gather3A_457 = tpu.vector_load_idx %arg13[%add3A_224, %add3A_456] : memref<256x64xf32, #tpu.memory_space<vmem>>[vector<16xi32>, vector<16xi32>], vector<16xf32>,
          %gather3A_458 = tpu.vector_load_idx %arg10[%select_n3A_259, %add3A_456] : memref<512x64xf32, #tpu.memory_space<vmem>>[vector<16xi32>, vector<16xi32>], vector<16xf32>,
          %mul3A_459 = arith.mulf %gather3A_457, %gather3A_458 : vector<16xf32>
          %add3A_460 = arith.addf %add3A_432, %mul3A_459 : vector<16xf32>
          %add3A_461 = arith.constant 1 : i32
          %add3A_462 = vector.broadcast %add3A_461 : i32 to vector<16xi32>
          %add3A_463 = arith.addi %add3A_456, %add3A_462 : vector<16xi32>
          %gather3A_464 = tpu.vector_load_idx %arg13[%add3A_224, %add3A_463] : memref<256x64xf32, #tpu.memory_space<vmem>>[vector<16xi32>, vector<16xi32>], vector<16xf32>,
          %gather3A_465 = tpu.vector_load_idx %arg10[%select_n3A_259, %add3A_463] : memref<512x64xf32, #tpu.memory_space<vmem>>[vector<16xi32>, vector<16xi32>], vector<16xf32>,
          %mul3A_466 = arith.mulf %gather3A_464, %gather3A_465 : vector<16xf32>
          %add3A_467 = arith.addf %add3A_439, %mul3A_466 : vector<16xf32>
          %add3A_468 = arith.constant 1 : i32
          %add3A_469 = vector.broadcast %add3A_468 : i32 to vector<16xi32>
          %add3A_470 = arith.addi %add3A_463, %add3A_469 : vector<16xi32>
          %gather3A_471 = tpu.vector_load_idx %arg13[%add3A_224, %add3A_470] : memref<256x64xf32, #tpu.memory_space<vmem>>[vector<16xi32>, vector<16xi32>], vector<16xf32>,
          %gather3A_472 = tpu.vector_load_idx %arg10[%select_n3A_259, %add3A_470] : memref<512x64xf32, #tpu.memory_space<vmem>>[vector<16xi32>, vector<16xi32>], vector<16xf32>,
          %mul3A_473 = arith.mulf %gather3A_471, %gather3A_472 : vector<16xf32>
          %add3A_474 = arith.addf %add3A_446, %mul3A_473 : vector<16xf32>
          %add3A_475 = arith.constant 1 : i32
          %add3A_476 = vector.broadcast %add3A_475 : i32 to vector<16xi32>
          %add3A_477 = arith.addi %add3A_470, %add3A_476 : vector<16xi32>
          %gather3A_478 = tpu.vector_load_idx %arg13[%add3A_224, %add3A_477] : memref<256x64xf32, #tpu.memory_space<vmem>>[vector<16xi32>, vector<16xi32>], vector<16xf32>,
          %gather3A_479 = tpu.vector_load_idx %arg10[%select_n3A_259, %add3A_477] : memref<512x64xf32, #tpu.memory_space<vmem>>[vector<16xi32>, vector<16xi32>], vector<16xf32>,
          %mul3A_480 = arith.mulf %gather3A_478, %gather3A_479 : vector<16xf32>
          %add3A_481 = arith.addf %add3A_453, %mul3A_480 : vector<16xf32>
          %add3A_482 = arith.constant 1 : i32
          %add3A_483 = vector.broadcast %add3A_482 : i32 to vector<16xi32>
          %add3A_484 = arith.addi %add3A_477, %add3A_483 : vector<16xi32>
          %gather3A_485 = tpu.vector_load_idx %arg13[%add3A_224, %add3A_484] : memref<256x64xf32, #tpu.memory_space<vmem>>[vector<16xi32>, vector<16xi32>], vector<16xf32>,
          %gather3A_486 = tpu.vector_load_idx %arg10[%select_n3A_259, %add3A_484] : memref<512x64xf32, #tpu.memory_space<vmem>>[vector<16xi32>, vector<16xi32>], vector<16xf32>,
          %mul3A_487 = arith.mulf %gather3A_485, %gather3A_486 : vector<16xf32>
          %add3A_488 = arith.addf %add3A_460, %mul3A_487 : vector<16xf32>
          %add3A_489 = arith.constant 1 : i32
          %add3A_490 = vector.broadcast %add3A_489 : i32 to vector<16xi32>
          %add3A_491 = arith.addi %add3A_484, %add3A_490 : vector<16xi32>
          %gather3A_492 = tpu.vector_load_idx %arg13[%add3A_224, %add3A_491] : memref<256x64xf32, #tpu.memory_space<vmem>>[vector<16xi32>, vector<16xi32>], vector<16xf32>,
          %gather3A_493 = tpu.vector_load_idx %arg10[%select_n3A_259, %add3A_491] : memref<512x64xf32, #tpu.memory_space<vmem>>[vector<16xi32>, vector<16xi32>], vector<16xf32>,
          %mul3A_494 = arith.mulf %gather3A_492, %gather3A_493 : vector<16xf32>
          %add3A_495 = arith.addf %add3A_467, %mul3A_494 : vector<16xf32>
          %add3A_496 = arith.constant 1 : i32
          %add3A_497 = vector.broadcast %add3A_496 : i32 to vector<16xi32>
          %add3A_498 = arith.addi %add3A_491, %add3A_497 : vector<16xi32>
          %gather3A_499 = tpu.vector_load_idx %arg13[%add3A_224, %add3A_498] : memref<256x64xf32, #tpu.memory_space<vmem>>[vector<16xi32>, vector<16xi32>], vector<16xf32>,
          %gather3A_500 = tpu.vector_load_idx %arg10[%select_n3A_259, %add3A_498] : memref<512x64xf32, #tpu.memory_space<vmem>>[vector<16xi32>, vector<16xi32>], vector<16xf32>,
          %mul3A_501 = arith.mulf %gather3A_499, %gather3A_500 : vector<16xf32>
          %add3A_502 = arith.addf %add3A_474, %mul3A_501 : vector<16xf32>
          %add3A_503 = arith.constant 1 : i32
          %add3A_504 = vector.broadcast %add3A_503 : i32 to vector<16xi32>
          %add3A_505 = arith.addi %add3A_498, %add3A_504 : vector<16xi32>
          %gather3A_506 = tpu.vector_load_idx %arg13[%add3A_224, %add3A_505] : memref<256x64xf32, #tpu.memory_space<vmem>>[vector<16xi32>, vector<16xi32>], vector<16xf32>,
          %gather3A_507 = tpu.vector_load_idx %arg10[%select_n3A_259, %add3A_505] : memref<512x64xf32, #tpu.memory_space<vmem>>[vector<16xi32>, vector<16xi32>], vector<16xf32>,
          %mul3A_508 = arith.mulf %gather3A_506, %gather3A_507 : vector<16xf32>
          %add3A_509 = arith.addf %add3A_481, %mul3A_508 : vector<16xf32>
          %add3A_510 = arith.constant 1 : i32
          %add3A_511 = vector.broadcast %add3A_510 : i32 to vector<16xi32>
          %add3A_512 = arith.addi %add3A_505, %add3A_511 : vector<16xi32>
          %gather3A_513 = tpu.vector_load_idx %arg13[%add3A_224, %add3A_512] : memref<256x64xf32, #tpu.memory_space<vmem>>[vector<16xi32>, vector<16xi32>], vector<16xf32>,
          %gather3A_514 = tpu.vector_load_idx %arg10[%select_n3A_259, %add3A_512] : memref<512x64xf32, #tpu.memory_space<vmem>>[vector<16xi32>, vector<16xi32>], vector<16xf32>,
          %mul3A_515 = arith.mulf %gather3A_513, %gather3A_514 : vector<16xf32>
          %add3A_516 = arith.addf %add3A_488, %mul3A_515 : vector<16xf32>
          %add3A_517 = arith.constant 1 : i32
          %add3A_518 = vector.broadcast %add3A_517 : i32 to vector<16xi32>
          %add3A_519 = arith.addi %add3A_512, %add3A_518 : vector<16xi32>
          %gather3A_520 = tpu.vector_load_idx %arg13[%add3A_224, %add3A_519] : memref<256x64xf32, #tpu.memory_space<vmem>>[vector<16xi32>, vector<16xi32>], vector<16xf32>,
          %gather3A_521 = tpu.vector_load_idx %arg10[%select_n3A_259, %add3A_519] : memref<512x64xf32, #tpu.memory_space<vmem>>[vector<16xi32>, vector<16xi32>], vector<16xf32>,
          %mul3A_522 = arith.mulf %gather3A_520, %gather3A_521 : vector<16xf32>
          %add3A_523 = arith.addf %add3A_495, %mul3A_522 : vector<16xf32>
          %add3A_524 = arith.constant 1 : i32
          %add3A_525 = vector.broadcast %add3A_524 : i32 to vector<16xi32>
          %add3A_526 = arith.addi %add3A_519, %add3A_525 : vector<16xi32>
          %gather3A_527 = tpu.vector_load_idx %arg13[%add3A_224, %add3A_526] : memref<256x64xf32, #tpu.memory_space<vmem>>[vector<16xi32>, vector<16xi32>], vector<16xf32>,
          %gather3A_528 = tpu.vector_load_idx %arg10[%select_n3A_259, %add3A_526] : memref<512x64xf32, #tpu.memory_space<vmem>>[vector<16xi32>, vector<16xi32>], vector<16xf32>,
          %mul3A_529 = arith.mulf %gather3A_527, %gather3A_528 : vector<16xf32>
          %add3A_530 = arith.addf %add3A_502, %mul3A_529 : vector<16xf32>
          %add3A_531 = arith.constant 1 : i32
          %add3A_532 = vector.broadcast %add3A_531 : i32 to vector<16xi32>
          %add3A_533 = arith.addi %add3A_526, %add3A_532 : vector<16xi32>
          %gather3A_534 = tpu.vector_load_idx %arg13[%add3A_224, %add3A_533] : memref<256x64xf32, #tpu.memory_space<vmem>>[vector<16xi32>, vector<16xi32>], vector<16xf32>,
          %gather3A_535 = tpu.vector_load_idx %arg10[%select_n3A_259, %add3A_533] : memref<512x64xf32, #tpu.memory_space<vmem>>[vector<16xi32>, vector<16xi32>], vector<16xf32>,
          %mul3A_536 = arith.mulf %gather3A_534, %gather3A_535 : vector<16xf32>
          %add3A_537 = arith.addf %add3A_509, %mul3A_536 : vector<16xf32>
          %add3A_538 = arith.constant 1 : i32
          %add3A_539 = vector.broadcast %add3A_538 : i32 to vector<16xi32>
          %add3A_540 = arith.addi %add3A_533, %add3A_539 : vector<16xi32>
          %gather3A_541 = tpu.vector_load_idx %arg13[%add3A_224, %add3A_540] : memref<256x64xf32, #tpu.memory_space<vmem>>[vector<16xi32>, vector<16xi32>], vector<16xf32>,
          %gather3A_542 = tpu.vector_load_idx %arg10[%select_n3A_259, %add3A_540] : memref<512x64xf32, #tpu.memory_space<vmem>>[vector<16xi32>, vector<16xi32>], vector<16xf32>,
          %mul3A_543 = arith.mulf %gather3A_541, %gather3A_542 : vector<16xf32>
          %add3A_544 = arith.addf %add3A_516, %mul3A_543 : vector<16xf32>
          %add3A_545 = arith.constant 1 : i32
          %add3A_546 = vector.broadcast %add3A_545 : i32 to vector<16xi32>
          %add3A_547 = arith.addi %add3A_540, %add3A_546 : vector<16xi32>
          %gather3A_548 = tpu.vector_load_idx %arg13[%add3A_224, %add3A_547] : memref<256x64xf32, #tpu.memory_space<vmem>>[vector<16xi32>, vector<16xi32>], vector<16xf32>,
          %gather3A_549 = tpu.vector_load_idx %arg10[%select_n3A_259, %add3A_547] : memref<512x64xf32, #tpu.memory_space<vmem>>[vector<16xi32>, vector<16xi32>], vector<16xf32>,
          %mul3A_550 = arith.mulf %gather3A_548, %gather3A_549 : vector<16xf32>
          %add3A_551 = arith.addf %add3A_523, %mul3A_550 : vector<16xf32>
          %add3A_552 = arith.constant 1 : i32
          %add3A_553 = vector.broadcast %add3A_552 : i32 to vector<16xi32>
          %add3A_554 = arith.addi %add3A_547, %add3A_553 : vector<16xi32>
          %gather3A_555 = tpu.vector_load_idx %arg13[%add3A_224, %add3A_554] : memref<256x64xf32, #tpu.memory_space<vmem>>[vector<16xi32>, vector<16xi32>], vector<16xf32>,
          %gather3A_556 = tpu.vector_load_idx %arg10[%select_n3A_259, %add3A_554] : memref<512x64xf32, #tpu.memory_space<vmem>>[vector<16xi32>, vector<16xi32>], vector<16xf32>,
          %mul3A_557 = arith.mulf %gather3A_555, %gather3A_556 : vector<16xf32>
          %add3A_558 = arith.addf %add3A_530, %mul3A_557 : vector<16xf32>
          %add3A_559 = arith.constant 1 : i32
          %add3A_560 = vector.broadcast %add3A_559 : i32 to vector<16xi32>
          %add3A_561 = arith.addi %add3A_554, %add3A_560 : vector<16xi32>
          %gather3A_562 = tpu.vector_load_idx %arg13[%add3A_224, %add3A_561] : memref<256x64xf32, #tpu.memory_space<vmem>>[vector<16xi32>, vector<16xi32>], vector<16xf32>,
          %gather3A_563 = tpu.vector_load_idx %arg10[%select_n3A_259, %add3A_561] : memref<512x64xf32, #tpu.memory_space<vmem>>[vector<16xi32>, vector<16xi32>], vector<16xf32>,
          %mul3A_564 = arith.mulf %gather3A_562, %gather3A_563 : vector<16xf32>
          %add3A_565 = arith.addf %add3A_537, %mul3A_564 : vector<16xf32>
          %add3A_566 = arith.constant 1 : i32
          %add3A_567 = vector.broadcast %add3A_566 : i32 to vector<16xi32>
          %add3A_568 = arith.addi %add3A_561, %add3A_567 : vector<16xi32>
          %gather3A_569 = tpu.vector_load_idx %arg13[%add3A_224, %add3A_568] : memref<256x64xf32, #tpu.memory_space<vmem>>[vector<16xi32>, vector<16xi32>], vector<16xf32>,
          %gather3A_570 = tpu.vector_load_idx %arg10[%select_n3A_259, %add3A_568] : memref<512x64xf32, #tpu.memory_space<vmem>>[vector<16xi32>, vector<16xi32>], vector<16xf32>,
          %mul3A_571 = arith.mulf %gather3A_569, %gather3A_570 : vector<16xf32>
          %add3A_572 = arith.addf %add3A_544, %mul3A_571 : vector<16xf32>
          %add3A_573 = arith.constant 1 : i32
          %add3A_574 = vector.broadcast %add3A_573 : i32 to vector<16xi32>
          %add3A_575 = arith.addi %add3A_568, %add3A_574 : vector<16xi32>
          %gather3A_576 = tpu.vector_load_idx %arg13[%add3A_224, %add3A_575] : memref<256x64xf32, #tpu.memory_space<vmem>>[vector<16xi32>, vector<16xi32>], vector<16xf32>,
          %gather3A_577 = tpu.vector_load_idx %arg10[%select_n3A_259, %add3A_575] : memref<512x64xf32, #tpu.memory_space<vmem>>[vector<16xi32>, vector<16xi32>], vector<16xf32>,
          %mul3A_578 = arith.mulf %gather3A_576, %gather3A_577 : vector<16xf32>
          %add3A_579 = arith.addf %add3A_551, %mul3A_578 : vector<16xf32>
          %add3A_580 = arith.constant 1 : i32
          %add3A_581 = vector.broadcast %add3A_580 : i32 to vector<16xi32>
          %add3A_582 = arith.addi %add3A_575, %add3A_581 : vector<16xi32>
          %gather3A_583 = tpu.vector_load_idx %arg13[%add3A_224, %add3A_582] : memref<256x64xf32, #tpu.memory_space<vmem>>[vector<16xi32>, vector<16xi32>], vector<16xf32>,
          %gather3A_584 = tpu.vector_load_idx %arg10[%select_n3A_259, %add3A_582] : memref<512x64xf32, #tpu.memory_space<vmem>>[vector<16xi32>, vector<16xi32>], vector<16xf32>,
          %mul3A_585 = arith.mulf %gather3A_583, %gather3A_584 : vector<16xf32>
          %add3A_586 = arith.addf %add3A_558, %mul3A_585 : vector<16xf32>
          %add3A_587 = arith.constant 1 : i32
          %add3A_588 = vector.broadcast %add3A_587 : i32 to vector<16xi32>
          %add3A_589 = arith.addi %add3A_582, %add3A_588 : vector<16xi32>
          %gather3A_590 = tpu.vector_load_idx %arg13[%add3A_224, %add3A_589] : memref<256x64xf32, #tpu.memory_space<vmem>>[vector<16xi32>, vector<16xi32>], vector<16xf32>,
          %gather3A_591 = tpu.vector_load_idx %arg10[%select_n3A_259, %add3A_589] : memref<512x64xf32, #tpu.memory_space<vmem>>[vector<16xi32>, vector<16xi32>], vector<16xf32>,
          %mul3A_592 = arith.mulf %gather3A_590, %gather3A_591 : vector<16xf32>
          %add3A_593 = arith.addf %add3A_565, %mul3A_592 : vector<16xf32>
          %add3A_594 = arith.constant 1 : i32
          %add3A_595 = vector.broadcast %add3A_594 : i32 to vector<16xi32>
          %add3A_596 = arith.addi %add3A_589, %add3A_595 : vector<16xi32>
          %gather3A_597 = tpu.vector_load_idx %arg13[%add3A_224, %add3A_596] : memref<256x64xf32, #tpu.memory_space<vmem>>[vector<16xi32>, vector<16xi32>], vector<16xf32>,
          %gather3A_598 = tpu.vector_load_idx %arg10[%select_n3A_259, %add3A_596] : memref<512x64xf32, #tpu.memory_space<vmem>>[vector<16xi32>, vector<16xi32>], vector<16xf32>,
          %mul3A_599 = arith.mulf %gather3A_597, %gather3A_598 : vector<16xf32>
          %add3A_600 = arith.addf %add3A_572, %mul3A_599 : vector<16xf32>
          %add3A_601 = arith.constant 1 : i32
          %add3A_602 = vector.broadcast %add3A_601 : i32 to vector<16xi32>
          %add3A_603 = arith.addi %add3A_596, %add3A_602 : vector<16xi32>
          %gather3A_604 = tpu.vector_load_idx %arg13[%add3A_224, %add3A_603] : memref<256x64xf32, #tpu.memory_space<vmem>>[vector<16xi32>, vector<16xi32>], vector<16xf32>,
          %gather3A_605 = tpu.vector_load_idx %arg10[%select_n3A_259, %add3A_603] : memref<512x64xf32, #tpu.memory_space<vmem>>[vector<16xi32>, vector<16xi32>], vector<16xf32>,
          %mul3A_606 = arith.mulf %gather3A_604, %gather3A_605 : vector<16xf32>
          %add3A_607 = arith.addf %add3A_579, %mul3A_606 : vector<16xf32>
          %add3A_608 = arith.constant 1 : i32
          %add3A_609 = vector.broadcast %add3A_608 : i32 to vector<16xi32>
          %add3A_610 = arith.addi %add3A_603, %add3A_609 : vector<16xi32>
          %gather3A_611 = tpu.vector_load_idx %arg13[%add3A_224, %add3A_610] : memref<256x64xf32, #tpu.memory_space<vmem>>[vector<16xi32>, vector<16xi32>], vector<16xf32>,
          %gather3A_612 = tpu.vector_load_idx %arg10[%select_n3A_259, %add3A_610] : memref<512x64xf32, #tpu.memory_space<vmem>>[vector<16xi32>, vector<16xi32>], vector<16xf32>,
          %mul3A_613 = arith.mulf %gather3A_611, %gather3A_612 : vector<16xf32>
          %add3A_614 = arith.addf %add3A_586, %mul3A_613 : vector<16xf32>
          %add3A_615 = arith.constant 1 : i32
          %add3A_616 = vector.broadcast %add3A_615 : i32 to vector<16xi32>
          %add3A_617 = arith.addi %add3A_610, %add3A_616 : vector<16xi32>
          %gather3A_618 = tpu.vector_load_idx %arg13[%add3A_224, %add3A_617] : memref<256x64xf32, #tpu.memory_space<vmem>>[vector<16xi32>, vector<16xi32>], vector<16xf32>,
          %gather3A_619 = tpu.vector_load_idx %arg10[%select_n3A_259, %add3A_617] : memref<512x64xf32, #tpu.memory_space<vmem>>[vector<16xi32>, vector<16xi32>], vector<16xf32>,
          %mul3A_620 = arith.mulf %gather3A_618, %gather3A_619 : vector<16xf32>
          %add3A_621 = arith.addf %add3A_593, %mul3A_620 : vector<16xf32>
          %add3A_622 = arith.constant 1 : i32
          %add3A_623 = vector.broadcast %add3A_622 : i32 to vector<16xi32>
          %add3A_624 = arith.addi %add3A_617, %add3A_623 : vector<16xi32>
          %gather3A_625 = tpu.vector_load_idx %arg13[%add3A_224, %add3A_624] : memref<256x64xf32, #tpu.memory_space<vmem>>[vector<16xi32>, vector<16xi32>], vector<16xf32>,
          %gather3A_626 = tpu.vector_load_idx %arg10[%select_n3A_259, %add3A_624] : memref<512x64xf32, #tpu.memory_space<vmem>>[vector<16xi32>, vector<16xi32>], vector<16xf32>,
          %mul3A_627 = arith.mulf %gather3A_625, %gather3A_626 : vector<16xf32>
          %add3A_628 = arith.addf %add3A_600, %mul3A_627 : vector<16xf32>
          %add3A_629 = arith.constant 1 : i32
          %add3A_630 = vector.broadcast %add3A_629 : i32 to vector<16xi32>
          %add3A_631 = arith.addi %add3A_624, %add3A_630 : vector<16xi32>
          %gather3A_632 = tpu.vector_load_idx %arg13[%add3A_224, %add3A_631] : memref<256x64xf32, #tpu.memory_space<vmem>>[vector<16xi32>, vector<16xi32>], vector<16xf32>,
          %gather3A_633 = tpu.vector_load_idx %arg10[%select_n3A_259, %add3A_631] : memref<512x64xf32, #tpu.memory_space<vmem>>[vector<16xi32>, vector<16xi32>], vector<16xf32>,
          %mul3A_634 = arith.mulf %gather3A_632, %gather3A_633 : vector<16xf32>
          %add3A_635 = arith.addf %add3A_607, %mul3A_634 : vector<16xf32>
          %add3A_636 = arith.constant 1 : i32
          %add3A_637 = vector.broadcast %add3A_636 : i32 to vector<16xi32>
          %add3A_638 = arith.addi %add3A_631, %add3A_637 : vector<16xi32>
          %gather3A_639 = tpu.vector_load_idx %arg13[%add3A_224, %add3A_638] : memref<256x64xf32, #tpu.memory_space<vmem>>[vector<16xi32>, vector<16xi32>], vector<16xf32>,
          %gather3A_640 = tpu.vector_load_idx %arg10[%select_n3A_259, %add3A_638] : memref<512x64xf32, #tpu.memory_space<vmem>>[vector<16xi32>, vector<16xi32>], vector<16xf32>,
          %mul3A_641 = arith.mulf %gather3A_639, %gather3A_640 : vector<16xf32>
          %add3A_642 = arith.addf %add3A_614, %mul3A_641 : vector<16xf32>
          %add3A_643 = arith.constant 1 : i32
          %add3A_644 = vector.broadcast %add3A_643 : i32 to vector<16xi32>
          %add3A_645 = arith.addi %add3A_638, %add3A_644 : vector<16xi32>
          %gather3A_646 = tpu.vector_load_idx %arg13[%add3A_224, %add3A_645] : memref<256x64xf32, #tpu.memory_space<vmem>>[vector<16xi32>, vector<16xi32>], vector<16xf32>,
          %gather3A_647 = tpu.vector_load_idx %arg10[%select_n3A_259, %add3A_645] : memref<512x64xf32, #tpu.memory_space<vmem>>[vector<16xi32>, vector<16xi32>], vector<16xf32>,
          %mul3A_648 = arith.mulf %gather3A_646, %gather3A_647 : vector<16xf32>
          %add3A_649 = arith.addf %add3A_621, %mul3A_648 : vector<16xf32>
          %add3A_650 = arith.constant 1 : i32
          %add3A_651 = vector.broadcast %add3A_650 : i32 to vector<16xi32>
          %add3A_652 = arith.addi %add3A_645, %add3A_651 : vector<16xi32>
          %gather3A_653 = tpu.vector_load_idx %arg13[%add3A_224, %add3A_652] : memref<256x64xf32, #tpu.memory_space<vmem>>[vector<16xi32>, vector<16xi32>], vector<16xf32>,
          %gather3A_654 = tpu.vector_load_idx %arg10[%select_n3A_259, %add3A_652] : memref<512x64xf32, #tpu.memory_space<vmem>>[vector<16xi32>, vector<16xi32>], vector<16xf32>,
          %mul3A_655 = arith.mulf %gather3A_653, %gather3A_654 : vector<16xf32>
          %add3A_656 = arith.addf %add3A_628, %mul3A_655 : vector<16xf32>
          %add3A_657 = arith.constant 1 : i32
          %add3A_658 = vector.broadcast %add3A_657 : i32 to vector<16xi32>
          %add3A_659 = arith.addi %add3A_652, %add3A_658 : vector<16xi32>
          %gather3A_660 = tpu.vector_load_idx %arg13[%add3A_224, %add3A_659] : memref<256x64xf32, #tpu.memory_space<vmem>>[vector<16xi32>, vector<16xi32>], vector<16xf32>,
          %gather3A_661 = tpu.vector_load_idx %arg10[%select_n3A_259, %add3A_659] : memref<512x64xf32, #tpu.memory_space<vmem>>[vector<16xi32>, vector<16xi32>], vector<16xf32>,
          %mul3A_662 = arith.mulf %gather3A_660, %gather3A_661 : vector<16xf32>
          %add3A_663 = arith.addf %add3A_635, %mul3A_662 : vector<16xf32>
          %add3A_664 = arith.constant 1 : i32
          %add3A_665 = vector.broadcast %add3A_664 : i32 to vector<16xi32>
          %add3A_666 = arith.addi %add3A_659, %add3A_665 : vector<16xi32>
          %gather3A_667 = tpu.vector_load_idx %arg13[%add3A_224, %add3A_666] : memref<256x64xf32, #tpu.memory_space<vmem>>[vector<16xi32>, vector<16xi32>], vector<16xf32>,
          %gather3A_668 = tpu.vector_load_idx %arg10[%select_n3A_259, %add3A_666] : memref<512x64xf32, #tpu.memory_space<vmem>>[vector<16xi32>, vector<16xi32>], vector<16xf32>,
          %mul3A_669 = arith.mulf %gather3A_667, %gather3A_668 : vector<16xf32>
          %add3A_670 = arith.addf %add3A_642, %mul3A_669 : vector<16xf32>
          %add3A_671 = arith.constant 1 : i32
          %add3A_672 = vector.broadcast %add3A_671 : i32 to vector<16xi32>
          %add3A_673 = arith.addi %add3A_666, %add3A_672 : vector<16xi32>
          %gather3A_674 = tpu.vector_load_idx %arg13[%add3A_224, %add3A_673] : memref<256x64xf32, #tpu.memory_space<vmem>>[vector<16xi32>, vector<16xi32>], vector<16xf32>,
          %gather3A_675 = tpu.vector_load_idx %arg10[%select_n3A_259, %add3A_673] : memref<512x64xf32, #tpu.memory_space<vmem>>[vector<16xi32>, vector<16xi32>], vector<16xf32>,
          %mul3A_676 = arith.mulf %gather3A_674, %gather3A_675 : vector<16xf32>
          %add3A_677 = arith.addf %add3A_649, %mul3A_676 : vector<16xf32>
          %add3A_678 = arith.constant 1 : i32
          %add3A_679 = vector.broadcast %add3A_678 : i32 to vector<16xi32>
          %add3A_680 = arith.addi %add3A_673, %add3A_679 : vector<16xi32>
          %gather3A_681 = tpu.vector_load_idx %arg13[%add3A_224, %add3A_680] : memref<256x64xf32, #tpu.memory_space<vmem>>[vector<16xi32>, vector<16xi32>], vector<16xf32>,
          %gather3A_682 = tpu.vector_load_idx %arg10[%select_n3A_259, %add3A_680] : memref<512x64xf32, #tpu.memory_space<vmem>>[vector<16xi32>, vector<16xi32>], vector<16xf32>,
          %mul3A_683 = arith.mulf %gather3A_681, %gather3A_682 : vector<16xf32>
          %add3A_684 = arith.addf %add3A_656, %mul3A_683 : vector<16xf32>
          %add3A_685 = arith.constant 1 : i32
          %add3A_686 = vector.broadcast %add3A_685 : i32 to vector<16xi32>
          %add3A_687 = arith.addi %add3A_680, %add3A_686 : vector<16xi32>
          %gather3A_688 = tpu.vector_load_idx %arg13[%add3A_224, %add3A_687] : memref<256x64xf32, #tpu.memory_space<vmem>>[vector<16xi32>, vector<16xi32>], vector<16xf32>,
          %gather3A_689 = tpu.vector_load_idx %arg10[%select_n3A_259, %add3A_687] : memref<512x64xf32, #tpu.memory_space<vmem>>[vector<16xi32>, vector<16xi32>], vector<16xf32>,
          %mul3A_690 = arith.mulf %gather3A_688, %gather3A_689 : vector<16xf32>
          %add3A_691 = arith.addf %add3A_663, %mul3A_690 : vector<16xf32>
          %add3A_692 = arith.constant 1 : i32
          %add3A_693 = vector.broadcast %add3A_692 : i32 to vector<16xi32>
          %add3A_694 = arith.addi %add3A_687, %add3A_693 : vector<16xi32>
          %gather3A_695 = tpu.vector_load_idx %arg13[%add3A_224, %add3A_694] : memref<256x64xf32, #tpu.memory_space<vmem>>[vector<16xi32>, vector<16xi32>], vector<16xf32>,
          %gather3A_696 = tpu.vector_load_idx %arg10[%select_n3A_259, %add3A_694] : memref<512x64xf32, #tpu.memory_space<vmem>>[vector<16xi32>, vector<16xi32>], vector<16xf32>,
          %mul3A_697 = arith.mulf %gather3A_695, %gather3A_696 : vector<16xf32>
          %add3A_698 = arith.addf %add3A_670, %mul3A_697 : vector<16xf32>
          %add3A_699 = arith.constant 1 : i32
          %add3A_700 = vector.broadcast %add3A_699 : i32 to vector<16xi32>
          %add3A_701 = arith.addi %add3A_694, %add3A_700 : vector<16xi32>
          %gather3A_702 = tpu.vector_load_idx %arg13[%add3A_224, %add3A_701] : memref<256x64xf32, #tpu.memory_space<vmem>>[vector<16xi32>, vector<16xi32>], vector<16xf32>,
          %gather3A_703 = tpu.vector_load_idx %arg10[%select_n3A_259, %add3A_701] : memref<512x64xf32, #tpu.memory_space<vmem>>[vector<16xi32>, vector<16xi32>], vector<16xf32>,
          %mul3A_704 = arith.mulf %gather3A_702, %gather3A_703 : vector<16xf32>
          %add3A_705 = arith.addf %add3A_677, %mul3A_704 : vector<16xf32>
          %add3A_706 = arith.constant 1 : i32
          %add3A_707 = vector.broadcast %add3A_706 : i32 to vector<16xi32>
          %add3A_708 = arith.addi %add3A_701, %add3A_707 : vector<16xi32>
          %gather3A_709 = tpu.vector_load_idx %arg13[%add3A_224, %add3A_708] : memref<256x64xf32, #tpu.memory_space<vmem>>[vector<16xi32>, vector<16xi32>], vector<16xf32>,
          %gather3A_710 = tpu.vector_load_idx %arg10[%select_n3A_259, %add3A_708] : memref<512x64xf32, #tpu.memory_space<vmem>>[vector<16xi32>, vector<16xi32>], vector<16xf32>,
          %mul3A_711 = arith.mulf %gather3A_709, %gather3A_710 : vector<16xf32>
          %add3A_712 = arith.addf %add3A_684, %mul3A_711 : vector<16xf32>
          %add3A_713 = arith.constant 1 : i32
          %add3A_714 = vector.broadcast %add3A_713 : i32 to vector<16xi32>
          %add3A_715 = arith.addi %add3A_708, %add3A_714 : vector<16xi32>
          %add3A_716 = arith.addf %add3A_691, %add3A_698 : vector<16xf32>
          %add3A_717 = arith.addf %add3A_705, %add3A_712 : vector<16xf32>
          %add3A_718 = arith.addf %add3A_716, %add3A_717 : vector<16xf32>
          %mul3A_719 = arith.constant 16 : i32
          %mul3A_720 = arith.muli %scan3A_220, %mul3A_719 : i32
          %swap3A = arith.index_cast %mul3A_720 : i32 to index
          %swap3A_721 = tpu.vector_load %arg16[%swap3A] {strides = array<i32>} : memref<256xf32, #tpu.memory_space<vmem>>, vector<16xf32>,
          tpu.vector_store %arg16[%swap3A], %add3A_718 {strides = array<i32>} : memref<256xf32, #tpu.memory_space<vmem>>, vector<16xf32>,
        }
        %scan3A_210 = arith.constant 16 : i32
        %lt3A_211 = arith.constant 2 : i32
        %lt3A_212 = arith.cmpi slt, %add3A_167, %lt3A_211 : i32
        %convert_element_type3A_213 = arith.extui %lt3A_212 : i1 to i32
        %cond3A_214 = arith.constant 0 : i32
        %cond3A_215 = arith.cmpi ne, %convert_element_type3A_213, %cond3A_214 : i32
        scf.if %cond3A_215 {
          %mul3A_220 = arith.constant 256 : i32
          %mul3A_221 = arith.muli %add3A_167, %mul3A_220 : i32
          %add3A_222 = arith.addi %mul3A_2, %mul3A_221 : i32
          "tpu.region"() ({
            %run_scoped3A = tpu.sem_alloc : memref<!tpu.dma_semaphore, #tpu.memory_space<semaphore_mem>>
            %dma_start3A_223 = tpu.memref_slice %arg6[%add3A_222] : memref<16384xf32, #tpu.memory_space<hbm>> -> memref<256xf32, #tpu.memory_space<hbm>>
            %dma_start3A_224 = tpu.memref_slice %arg6[%add3A_222] : memref<16384xf32, #tpu.memory_space<hbm>> -> memref<256xf32, #tpu.memory_space<hbm>>
            tpu.enqueue_dma source(%arg16 : memref<256xf32, #tpu.memory_space<vmem>>) target(%dma_start3A_224 : memref<256xf32, #tpu.memory_space<hbm>>) target_semaphore(%run_scoped3A : memref<!tpu.dma_semaphore, #tpu.memory_space<semaphore_mem>>)
            %dma_wait3A_225 = tpu.memref_slice %arg6[%add3A_222] : memref<16384xf32, #tpu.memory_space<hbm>> -> memref<256xf32, #tpu.memory_space<hbm>>
            %dma_wait3A_226 = tpu.memref_slice %arg6[%add3A_222] : memref<16384xf32, #tpu.memory_space<hbm>> -> memref<256xf32, #tpu.memory_space<hbm>>
            tpu.wait_dma2 semaphore(%run_scoped3A : memref<!tpu.dma_semaphore, #tpu.memory_space<semaphore_mem>>) src(%arg16 : memref<256xf32, #tpu.memory_space<vmem>>) dst(%dma_wait3A_226 : memref<256xf32, #tpu.memory_space<hbm>>)
            tpu.yield
          }) : () -> ()
        } else {
        }
        %ge3A = arith.constant 2 : i32
        %ge3A_216 = arith.cmpi sge, %add3A_167, %ge3A : i32
        %convert_element_type3A_217 = arith.extui %ge3A_216 : i1 to i32
        %cond3A_218 = arith.constant 0 : i32
        %cond3A_219 = arith.cmpi ne, %convert_element_type3A_217, %cond3A_218 : i32
        scf.if %cond3A_219 {
          %sub3A_220 = arith.constant 2 : i32
          %sub3A_221 = arith.subi %add3A_167, %sub3A_220 : i32
          %mul3A_222 = arith.constant 256 : i32
          %mul3A_223 = arith.muli %sub3A_221, %mul3A_222 : i32
          %add3A_224 = arith.addi %mul3A_4, %mul3A_223 : i32
          "tpu.region"() ({
            %run_scoped3A = tpu.sem_alloc : memref<!tpu.dma_semaphore, #tpu.memory_space<semaphore_mem>>
            %dma_start3A_225 = tpu.memref_slice %arg7[%add3A_224] : memref<327680xf32, #tpu.memory_space<hbm>> -> memref<256xf32, #tpu.memory_space<hbm>>
            %dma_start3A_226 = tpu.memref_slice %arg7[%add3A_224] : memref<327680xf32, #tpu.memory_space<hbm>> -> memref<256xf32, #tpu.memory_space<hbm>>
            tpu.enqueue_dma source(%arg16 : memref<256xf32, #tpu.memory_space<vmem>>) target(%dma_start3A_226 : memref<256xf32, #tpu.memory_space<hbm>>) target_semaphore(%run_scoped3A : memref<!tpu.dma_semaphore, #tpu.memory_space<semaphore_mem>>)
            %dma_wait3A_227 = tpu.memref_slice %arg7[%add3A_224] : memref<327680xf32, #tpu.memory_space<hbm>> -> memref<256xf32, #tpu.memory_space<hbm>>
            %dma_wait3A_228 = tpu.memref_slice %arg7[%add3A_224] : memref<327680xf32, #tpu.memory_space<hbm>> -> memref<256xf32, #tpu.memory_space<hbm>>
            tpu.wait_dma2 semaphore(%run_scoped3A : memref<!tpu.dma_semaphore, #tpu.memory_space<semaphore_mem>>) src(%arg16 : memref<256xf32, #tpu.memory_space<vmem>>) dst(%dma_wait3A_228 : memref<256xf32, #tpu.memory_space<hbm>>)
            tpu.yield
          }) : () -> ()
        } else {
        }
      } else {
      }
      %mul3A_173 = arith.constant 5 : i32
      %mul3A_174 = arith.muli %scan3A_148, %mul3A_173 : i32
      %add3A_175 = arith.constant 3 : i32
      %add3A_176 = arith.addi %mul3A_174, %add3A_175 : i32
      %lt3A_177 = arith.constant 42 : i32
      %lt3A_178 = arith.cmpi slt, %add3A_176, %lt3A_177 : i32
      %convert_element_type3A_179 = arith.extui %lt3A_178 : i1 to i32
      %cond3A_180 = arith.constant 0 : i32
      %cond3A_181 = arith.cmpi ne, %convert_element_type3A_179, %cond3A_180 : i32
      scf.if %cond3A_181 {
        %dma_wait3A_191 = arith.constant 0 : i32
        %dma_wait3A_192 = arith.constant 0 : i32
        %dma_wait3A_193 = tpu.memref_slice %arg5[%dma_wait3A_191, %dma_wait3A_192] : memref<2000000x64xf32, #tpu.memory_space<hbm>> -> memref<256x64xf32, #tpu.memory_space<hbm>>
        %dma_wait3A_194 = arith.constant 0 : i32
        %dma_wait3A_195 = arith.constant 0 : i32
        %dma_wait3A_196 = tpu.memref_slice %arg5[%dma_wait3A_194, %dma_wait3A_195] : memref<2000000x64xf32, #tpu.memory_space<hbm>> -> memref<256x64xf32, #tpu.memory_space<hbm>>
        tpu.wait_dma2 semaphore(%arg20 : memref<!tpu.dma_semaphore, #tpu.memory_space<semaphore_mem>>) src(%dma_wait3A_196 : memref<256x64xf32, #tpu.memory_space<hbm>>) dst(%arg14 : memref<256x64xf32, #tpu.memory_space<vmem>>)
        %add3A_197 = arith.constant 5 : i32
        %add3A_198 = arith.addi %add3A_176, %add3A_197 : i32
        %sub3A = arith.constant 1 : i32
        %sub3A_199 = arith.subi %add3A_198, %sub3A : i32
        %lt3A_200 = arith.constant 42 : i32
        %lt3A_201 = arith.cmpi slt, %sub3A_199, %lt3A_200 : i32
        %convert_element_type3A_202 = arith.extui %lt3A_201 : i1 to i32
        %cond3A_203 = arith.constant 0 : i32
        %cond3A_204 = arith.cmpi ne, %convert_element_type3A_202, %cond3A_203 : i32
        scf.if %cond3A_204 {
          %add3A_220 = arith.constant 5 : i32
          %add3A_221 = arith.addi %add3A_176, %add3A_220 : i32
          %sub3A_222 = arith.constant 1 : i32
          %sub3A_223 = arith.subi %add3A_221, %sub3A_222 : i32
          %mul3A_224 = arith.constant 256 : i32
          %mul3A_225 = arith.muli %sub3A_223, %mul3A_224 : i32
          %add3A_226 = arith.constant 0 : i32
          %add3A_227 = arith.addi %mul3A_225, %add3A_226 : i32
          %dma_start3A_228 = arith.constant 0 : i32
          %dma_start3A_229 = arith.constant 0 : i32
          %dma_start3A_230 = tpu.memref_slice %arg13[%dma_start3A_228, %dma_start3A_229] : memref<256x64xf32, #tpu.memory_space<vmem>> -> memref<128x64xf32, #tpu.memory_space<vmem>>
          %dma_start3A_231 = tpu.memref_slice %arg9[%add3A_227] : memref<10752xi32, #tpu.memory_space<vmem>> -> memref<128xi32, #tpu.memory_space<vmem>>
          %dma_start3A_232 = arith.constant 0 : i32
          %dma_start3A_233 = arith.constant 0 : i32
          %dma_start3A_234 = tpu.memref_slice %arg5[%dma_start3A_232, %dma_start3A_233] : memref<2000000x64xf32, #tpu.memory_space<hbm>> -> memref<2000000x64xf32, #tpu.memory_space<hbm>>
          tpu.enqueue_indirect_dma source(%dma_start3A_234 : memref<2000000x64xf32, #tpu.memory_space<hbm>>) target(%dma_start3A_230 : memref<128x64xf32, #tpu.memory_space<vmem>>) offsets(%dma_start3A_231 : memref<128xi32, #tpu.memory_space<vmem>>) semaphore(%arg19 : memref<!tpu.dma_semaphore, #tpu.memory_space<semaphore_mem>>)
          %add3A_235 = arith.constant 128 : i32
          %add3A_236 = arith.addi %mul3A_225, %add3A_235 : i32
          %dma_start3A_237 = arith.constant 128 : i32
          %dma_start3A_238 = arith.constant 0 : i32
          %dma_start3A_239 = tpu.memref_slice %arg13[%dma_start3A_237, %dma_start3A_238] : memref<256x64xf32, #tpu.memory_space<vmem>> -> memref<128x64xf32, #tpu.memory_space<vmem>>
          %dma_start3A_240 = tpu.memref_slice %arg9[%add3A_236] : memref<10752xi32, #tpu.memory_space<vmem>> -> memref<128xi32, #tpu.memory_space<vmem>>
          %dma_start3A_241 = arith.constant 0 : i32
          %dma_start3A_242 = arith.constant 0 : i32
          %dma_start3A_243 = tpu.memref_slice %arg5[%dma_start3A_241, %dma_start3A_242] : memref<2000000x64xf32, #tpu.memory_space<hbm>> -> memref<2000000x64xf32, #tpu.memory_space<hbm>>
          tpu.enqueue_indirect_dma source(%dma_start3A_243 : memref<2000000x64xf32, #tpu.memory_space<hbm>>) target(%dma_start3A_239 : memref<128x64xf32, #tpu.memory_space<vmem>>) offsets(%dma_start3A_240 : memref<128xi32, #tpu.memory_space<vmem>>) semaphore(%arg19 : memref<!tpu.dma_semaphore, #tpu.memory_space<semaphore_mem>>)
        } else {
        }
        %scan3A_205 = arith.constant 0 : i32
        %scan3A_206 = arith.constant 0 : i32
        %scan3A_207 = arith.constant 16 : i32
        %scan3A_208 = arith.addi %scan3A_206, %scan3A_207 : i32
        %scan3A_209 = arith.constant 1 : i32
        scf.for %scan3A_220 = %scan3A_206 to %scan3A_208 step %scan3A_209  : i32 {
          %mul3A_221 = arith.constant 16 : i32
          %mul3A_222 = arith.muli %scan3A_220, %mul3A_221 : i32
          %add3A_223 = vector.broadcast %mul3A_222 : i32 to vector<16xi32>
          %add3A_224 = arith.addi %add3A_223, %iota3A : vector<16xi32>
          %mul3A_225 = arith.constant 256 : i32
          %mul3A_226 = arith.muli %add3A_176, %mul3A_225 : i32
          %add3A_227 = vector.broadcast %mul3A_226 : i32 to vector<16xi32>
          %add3A_228 = arith.addi %add3A_227, %add3A_224 : vector<16xi32>
          %lt3A_229 = arith.constant 512 : i32
          %lt3A_230 = vector.broadcast %lt3A_229 : i32 to vector<16xi32>
          %lt3A_231 = arith.cmpi slt, %add3A_228, %lt3A_230 : vector<16xi32>
          %sub3A_232 = arith.constant 512 : i32
          %sub3A_233 = vector.broadcast %sub3A_232 : i32 to vector<16xi32>
          %sub3A_234 = arith.subi %add3A_228, %sub3A_233 : vector<16xi32>
          %jit3A = arith.constant 20 : i32
          %div3A = vector.broadcast %jit3A : i32 to vector<16xi32>
          %div3A_235 = arith.divsi %sub3A_234, %div3A : vector<16xi32>
          %sign3A = arith.constant 0 : i32
          %sign3A_236 = vector.broadcast %sign3A : i32 to vector<16xi32>
          %sign3A_237 = arith.cmpi sgt, %sub3A_234, %sign3A_236 : vector<16xi32>
          %sign3A_238 = arith.extui %sign3A_237 : vector<16xi1> to vector<16xi32>
          %sign3A_239 = arith.constant 0 : i32
          %sign3A_240 = vector.broadcast %sign3A_239 : i32 to vector<16xi32>
          %sign3A_241 = arith.cmpi slt, %sub3A_234, %sign3A_240 : vector<16xi32>
          %sign3A_242 = arith.extui %sign3A_241 : vector<16xi1> to vector<16xi32>
          %sign3A_243 = arith.subi %sign3A_238, %sign3A_242 : vector<16xi32>
          %sign3A_244 = arith.constant 0 : i32
          %sign3A_245 = arith.cmpi sgt, %jit3A, %sign3A_244 : i32
          %sign3A_246 = arith.extui %sign3A_245 : i1 to i32
          %sign3A_247 = arith.constant 0 : i32
          %sign3A_248 = arith.cmpi slt, %jit3A, %sign3A_247 : i32
          %sign3A_249 = arith.extui %sign3A_248 : i1 to i32
          %sign3A_250 = arith.subi %sign3A_246, %sign3A_249 : i32
          %ne3A = vector.broadcast %sign3A_250 : i32 to vector<16xi32>
          %ne3A_251 = arith.cmpi ne, %sign3A_243, %ne3A : vector<16xi32>
          %rem3A = vector.broadcast %jit3A : i32 to vector<16xi32>
          %rem3A_252 = arith.remsi %sub3A_234, %rem3A : vector<16xi32>
          %ne3A_253 = arith.constant 0 : i32
          %ne3A_254 = vector.broadcast %ne3A_253 : i32 to vector<16xi32>
          %ne3A_255 = arith.cmpi ne, %rem3A_252, %ne3A_254 : vector<16xi32>
          %and3A = arith.andi %ne3A_251, %ne3A_255 : vector<16xi1>
          %sub3A_256 = arith.constant 1 : i32
          %sub3A_257 = vector.broadcast %sub3A_256 : i32 to vector<16xi32>
          %sub3A_258 = arith.subi %div3A_235, %sub3A_257 : vector<16xi32>
          %select_n3A = arith.select %and3A, %sub3A_258, %div3A_235 : vector<16xi1>, vector<16xi32>
          %select_n3A_259 = arith.select %lt3A_231, %add3A_228, %select_n3A : vector<16xi1>, vector<16xi32>
          %broadcast_in_dim3A = arith.constant 0 : i32
          %broadcast_in_dim3A_260 = vector.broadcast %broadcast_in_dim3A : i32 to vector<16xi32>
          %broadcast_in_dim3A_261 = arith.constant 0.000000e+00 : f32
          %broadcast_in_dim3A_262 = vector.broadcast %broadcast_in_dim3A_261 : f32 to vector<16xf32>
          %broadcast_in_dim3A_263 = arith.constant 0.000000e+00 : f32
          %broadcast_in_dim3A_264 = vector.broadcast %broadcast_in_dim3A_263 : f32 to vector<16xf32>
          %broadcast_in_dim3A_265 = arith.constant 0.000000e+00 : f32
          %broadcast_in_dim3A_266 = vector.broadcast %broadcast_in_dim3A_265 : f32 to vector<16xf32>
          %broadcast_in_dim3A_267 = arith.constant 0.000000e+00 : f32
          %broadcast_in_dim3A_268 = vector.broadcast %broadcast_in_dim3A_267 : f32 to vector<16xf32>
          %gather3A = tpu.vector_load_idx %arg14[%add3A_224, %broadcast_in_dim3A_260] : memref<256x64xf32, #tpu.memory_space<vmem>>[vector<16xi32>, vector<16xi32>], vector<16xf32>,
          %gather3A_269 = tpu.vector_load_idx %arg10[%select_n3A_259, %broadcast_in_dim3A_260] : memref<512x64xf32, #tpu.memory_space<vmem>>[vector<16xi32>, vector<16xi32>], vector<16xf32>,
          %mul3A_270 = arith.mulf %gather3A, %gather3A_269 : vector<16xf32>
          %add3A_271 = arith.addf %broadcast_in_dim3A_262, %mul3A_270 : vector<16xf32>
          %add3A_272 = arith.constant 1 : i32
          %add3A_273 = vector.broadcast %add3A_272 : i32 to vector<16xi32>
          %add3A_274 = arith.addi %broadcast_in_dim3A_260, %add3A_273 : vector<16xi32>
          %gather3A_275 = tpu.vector_load_idx %arg14[%add3A_224, %add3A_274] : memref<256x64xf32, #tpu.memory_space<vmem>>[vector<16xi32>, vector<16xi32>], vector<16xf32>,
          %gather3A_276 = tpu.vector_load_idx %arg10[%select_n3A_259, %add3A_274] : memref<512x64xf32, #tpu.memory_space<vmem>>[vector<16xi32>, vector<16xi32>], vector<16xf32>,
          %mul3A_277 = arith.mulf %gather3A_275, %gather3A_276 : vector<16xf32>
          %add3A_278 = arith.addf %broadcast_in_dim3A_264, %mul3A_277 : vector<16xf32>
          %add3A_279 = arith.constant 1 : i32
          %add3A_280 = vector.broadcast %add3A_279 : i32 to vector<16xi32>
          %add3A_281 = arith.addi %add3A_274, %add3A_280 : vector<16xi32>
          %gather3A_282 = tpu.vector_load_idx %arg14[%add3A_224, %add3A_281] : memref<256x64xf32, #tpu.memory_space<vmem>>[vector<16xi32>, vector<16xi32>], vector<16xf32>,
          %gather3A_283 = tpu.vector_load_idx %arg10[%select_n3A_259, %add3A_281] : memref<512x64xf32, #tpu.memory_space<vmem>>[vector<16xi32>, vector<16xi32>], vector<16xf32>,
          %mul3A_284 = arith.mulf %gather3A_282, %gather3A_283 : vector<16xf32>
          %add3A_285 = arith.addf %broadcast_in_dim3A_266, %mul3A_284 : vector<16xf32>
          %add3A_286 = arith.constant 1 : i32
          %add3A_287 = vector.broadcast %add3A_286 : i32 to vector<16xi32>
          %add3A_288 = arith.addi %add3A_281, %add3A_287 : vector<16xi32>
          %gather3A_289 = tpu.vector_load_idx %arg14[%add3A_224, %add3A_288] : memref<256x64xf32, #tpu.memory_space<vmem>>[vector<16xi32>, vector<16xi32>], vector<16xf32>,
          %gather3A_290 = tpu.vector_load_idx %arg10[%select_n3A_259, %add3A_288] : memref<512x64xf32, #tpu.memory_space<vmem>>[vector<16xi32>, vector<16xi32>], vector<16xf32>,
          %mul3A_291 = arith.mulf %gather3A_289, %gather3A_290 : vector<16xf32>
          %add3A_292 = arith.addf %broadcast_in_dim3A_268, %mul3A_291 : vector<16xf32>
          %add3A_293 = arith.constant 1 : i32
          %add3A_294 = vector.broadcast %add3A_293 : i32 to vector<16xi32>
          %add3A_295 = arith.addi %add3A_288, %add3A_294 : vector<16xi32>
          %gather3A_296 = tpu.vector_load_idx %arg14[%add3A_224, %add3A_295] : memref<256x64xf32, #tpu.memory_space<vmem>>[vector<16xi32>, vector<16xi32>], vector<16xf32>,
          %gather3A_297 = tpu.vector_load_idx %arg10[%select_n3A_259, %add3A_295] : memref<512x64xf32, #tpu.memory_space<vmem>>[vector<16xi32>, vector<16xi32>], vector<16xf32>,
          %mul3A_298 = arith.mulf %gather3A_296, %gather3A_297 : vector<16xf32>
          %add3A_299 = arith.addf %add3A_271, %mul3A_298 : vector<16xf32>
          %add3A_300 = arith.constant 1 : i32
          %add3A_301 = vector.broadcast %add3A_300 : i32 to vector<16xi32>
          %add3A_302 = arith.addi %add3A_295, %add3A_301 : vector<16xi32>
          %gather3A_303 = tpu.vector_load_idx %arg14[%add3A_224, %add3A_302] : memref<256x64xf32, #tpu.memory_space<vmem>>[vector<16xi32>, vector<16xi32>], vector<16xf32>,
          %gather3A_304 = tpu.vector_load_idx %arg10[%select_n3A_259, %add3A_302] : memref<512x64xf32, #tpu.memory_space<vmem>>[vector<16xi32>, vector<16xi32>], vector<16xf32>,
          %mul3A_305 = arith.mulf %gather3A_303, %gather3A_304 : vector<16xf32>
          %add3A_306 = arith.addf %add3A_278, %mul3A_305 : vector<16xf32>
          %add3A_307 = arith.constant 1 : i32
          %add3A_308 = vector.broadcast %add3A_307 : i32 to vector<16xi32>
          %add3A_309 = arith.addi %add3A_302, %add3A_308 : vector<16xi32>
          %gather3A_310 = tpu.vector_load_idx %arg14[%add3A_224, %add3A_309] : memref<256x64xf32, #tpu.memory_space<vmem>>[vector<16xi32>, vector<16xi32>], vector<16xf32>,
          %gather3A_311 = tpu.vector_load_idx %arg10[%select_n3A_259, %add3A_309] : memref<512x64xf32, #tpu.memory_space<vmem>>[vector<16xi32>, vector<16xi32>], vector<16xf32>,
          %mul3A_312 = arith.mulf %gather3A_310, %gather3A_311 : vector<16xf32>
          %add3A_313 = arith.addf %add3A_285, %mul3A_312 : vector<16xf32>
          %add3A_314 = arith.constant 1 : i32
          %add3A_315 = vector.broadcast %add3A_314 : i32 to vector<16xi32>
          %add3A_316 = arith.addi %add3A_309, %add3A_315 : vector<16xi32>
          %gather3A_317 = tpu.vector_load_idx %arg14[%add3A_224, %add3A_316] : memref<256x64xf32, #tpu.memory_space<vmem>>[vector<16xi32>, vector<16xi32>], vector<16xf32>,
          %gather3A_318 = tpu.vector_load_idx %arg10[%select_n3A_259, %add3A_316] : memref<512x64xf32, #tpu.memory_space<vmem>>[vector<16xi32>, vector<16xi32>], vector<16xf32>,
          %mul3A_319 = arith.mulf %gather3A_317, %gather3A_318 : vector<16xf32>
          %add3A_320 = arith.addf %add3A_292, %mul3A_319 : vector<16xf32>
          %add3A_321 = arith.constant 1 : i32
          %add3A_322 = vector.broadcast %add3A_321 : i32 to vector<16xi32>
          %add3A_323 = arith.addi %add3A_316, %add3A_322 : vector<16xi32>
          %gather3A_324 = tpu.vector_load_idx %arg14[%add3A_224, %add3A_323] : memref<256x64xf32, #tpu.memory_space<vmem>>[vector<16xi32>, vector<16xi32>], vector<16xf32>,
          %gather3A_325 = tpu.vector_load_idx %arg10[%select_n3A_259, %add3A_323] : memref<512x64xf32, #tpu.memory_space<vmem>>[vector<16xi32>, vector<16xi32>], vector<16xf32>,
          %mul3A_326 = arith.mulf %gather3A_324, %gather3A_325 : vector<16xf32>
          %add3A_327 = arith.addf %add3A_299, %mul3A_326 : vector<16xf32>
          %add3A_328 = arith.constant 1 : i32
          %add3A_329 = vector.broadcast %add3A_328 : i32 to vector<16xi32>
          %add3A_330 = arith.addi %add3A_323, %add3A_329 : vector<16xi32>
          %gather3A_331 = tpu.vector_load_idx %arg14[%add3A_224, %add3A_330] : memref<256x64xf32, #tpu.memory_space<vmem>>[vector<16xi32>, vector<16xi32>], vector<16xf32>,
          %gather3A_332 = tpu.vector_load_idx %arg10[%select_n3A_259, %add3A_330] : memref<512x64xf32, #tpu.memory_space<vmem>>[vector<16xi32>, vector<16xi32>], vector<16xf32>,
          %mul3A_333 = arith.mulf %gather3A_331, %gather3A_332 : vector<16xf32>
          %add3A_334 = arith.addf %add3A_306, %mul3A_333 : vector<16xf32>
          %add3A_335 = arith.constant 1 : i32
          %add3A_336 = vector.broadcast %add3A_335 : i32 to vector<16xi32>
          %add3A_337 = arith.addi %add3A_330, %add3A_336 : vector<16xi32>
          %gather3A_338 = tpu.vector_load_idx %arg14[%add3A_224, %add3A_337] : memref<256x64xf32, #tpu.memory_space<vmem>>[vector<16xi32>, vector<16xi32>], vector<16xf32>,
          %gather3A_339 = tpu.vector_load_idx %arg10[%select_n3A_259, %add3A_337] : memref<512x64xf32, #tpu.memory_space<vmem>>[vector<16xi32>, vector<16xi32>], vector<16xf32>,
          %mul3A_340 = arith.mulf %gather3A_338, %gather3A_339 : vector<16xf32>
          %add3A_341 = arith.addf %add3A_313, %mul3A_340 : vector<16xf32>
          %add3A_342 = arith.constant 1 : i32
          %add3A_343 = vector.broadcast %add3A_342 : i32 to vector<16xi32>
          %add3A_344 = arith.addi %add3A_337, %add3A_343 : vector<16xi32>
          %gather3A_345 = tpu.vector_load_idx %arg14[%add3A_224, %add3A_344] : memref<256x64xf32, #tpu.memory_space<vmem>>[vector<16xi32>, vector<16xi32>], vector<16xf32>,
          %gather3A_346 = tpu.vector_load_idx %arg10[%select_n3A_259, %add3A_344] : memref<512x64xf32, #tpu.memory_space<vmem>>[vector<16xi32>, vector<16xi32>], vector<16xf32>,
          %mul3A_347 = arith.mulf %gather3A_345, %gather3A_346 : vector<16xf32>
          %add3A_348 = arith.addf %add3A_320, %mul3A_347 : vector<16xf32>
          %add3A_349 = arith.constant 1 : i32
          %add3A_350 = vector.broadcast %add3A_349 : i32 to vector<16xi32>
          %add3A_351 = arith.addi %add3A_344, %add3A_350 : vector<16xi32>
          %gather3A_352 = tpu.vector_load_idx %arg14[%add3A_224, %add3A_351] : memref<256x64xf32, #tpu.memory_space<vmem>>[vector<16xi32>, vector<16xi32>], vector<16xf32>,
          %gather3A_353 = tpu.vector_load_idx %arg10[%select_n3A_259, %add3A_351] : memref<512x64xf32, #tpu.memory_space<vmem>>[vector<16xi32>, vector<16xi32>], vector<16xf32>,
          %mul3A_354 = arith.mulf %gather3A_352, %gather3A_353 : vector<16xf32>
          %add3A_355 = arith.addf %add3A_327, %mul3A_354 : vector<16xf32>
          %add3A_356 = arith.constant 1 : i32
          %add3A_357 = vector.broadcast %add3A_356 : i32 to vector<16xi32>
          %add3A_358 = arith.addi %add3A_351, %add3A_357 : vector<16xi32>
          %gather3A_359 = tpu.vector_load_idx %arg14[%add3A_224, %add3A_358] : memref<256x64xf32, #tpu.memory_space<vmem>>[vector<16xi32>, vector<16xi32>], vector<16xf32>,
          %gather3A_360 = tpu.vector_load_idx %arg10[%select_n3A_259, %add3A_358] : memref<512x64xf32, #tpu.memory_space<vmem>>[vector<16xi32>, vector<16xi32>], vector<16xf32>,
          %mul3A_361 = arith.mulf %gather3A_359, %gather3A_360 : vector<16xf32>
          %add3A_362 = arith.addf %add3A_334, %mul3A_361 : vector<16xf32>
          %add3A_363 = arith.constant 1 : i32
          %add3A_364 = vector.broadcast %add3A_363 : i32 to vector<16xi32>
          %add3A_365 = arith.addi %add3A_358, %add3A_364 : vector<16xi32>
          %gather3A_366 = tpu.vector_load_idx %arg14[%add3A_224, %add3A_365] : memref<256x64xf32, #tpu.memory_space<vmem>>[vector<16xi32>, vector<16xi32>], vector<16xf32>,
          %gather3A_367 = tpu.vector_load_idx %arg10[%select_n3A_259, %add3A_365] : memref<512x64xf32, #tpu.memory_space<vmem>>[vector<16xi32>, vector<16xi32>], vector<16xf32>,
          %mul3A_368 = arith.mulf %gather3A_366, %gather3A_367 : vector<16xf32>
          %add3A_369 = arith.addf %add3A_341, %mul3A_368 : vector<16xf32>
          %add3A_370 = arith.constant 1 : i32
          %add3A_371 = vector.broadcast %add3A_370 : i32 to vector<16xi32>
          %add3A_372 = arith.addi %add3A_365, %add3A_371 : vector<16xi32>
          %gather3A_373 = tpu.vector_load_idx %arg14[%add3A_224, %add3A_372] : memref<256x64xf32, #tpu.memory_space<vmem>>[vector<16xi32>, vector<16xi32>], vector<16xf32>,
          %gather3A_374 = tpu.vector_load_idx %arg10[%select_n3A_259, %add3A_372] : memref<512x64xf32, #tpu.memory_space<vmem>>[vector<16xi32>, vector<16xi32>], vector<16xf32>,
          %mul3A_375 = arith.mulf %gather3A_373, %gather3A_374 : vector<16xf32>
          %add3A_376 = arith.addf %add3A_348, %mul3A_375 : vector<16xf32>
          %add3A_377 = arith.constant 1 : i32
          %add3A_378 = vector.broadcast %add3A_377 : i32 to vector<16xi32>
          %add3A_379 = arith.addi %add3A_372, %add3A_378 : vector<16xi32>
          %gather3A_380 = tpu.vector_load_idx %arg14[%add3A_224, %add3A_379] : memref<256x64xf32, #tpu.memory_space<vmem>>[vector<16xi32>, vector<16xi32>], vector<16xf32>,
          %gather3A_381 = tpu.vector_load_idx %arg10[%select_n3A_259, %add3A_379] : memref<512x64xf32, #tpu.memory_space<vmem>>[vector<16xi32>, vector<16xi32>], vector<16xf32>,
          %mul3A_382 = arith.mulf %gather3A_380, %gather3A_381 : vector<16xf32>
          %add3A_383 = arith.addf %add3A_355, %mul3A_382 : vector<16xf32>
          %add3A_384 = arith.constant 1 : i32
          %add3A_385 = vector.broadcast %add3A_384 : i32 to vector<16xi32>
          %add3A_386 = arith.addi %add3A_379, %add3A_385 : vector<16xi32>
          %gather3A_387 = tpu.vector_load_idx %arg14[%add3A_224, %add3A_386] : memref<256x64xf32, #tpu.memory_space<vmem>>[vector<16xi32>, vector<16xi32>], vector<16xf32>,
          %gather3A_388 = tpu.vector_load_idx %arg10[%select_n3A_259, %add3A_386] : memref<512x64xf32, #tpu.memory_space<vmem>>[vector<16xi32>, vector<16xi32>], vector<16xf32>,
          %mul3A_389 = arith.mulf %gather3A_387, %gather3A_388 : vector<16xf32>
          %add3A_390 = arith.addf %add3A_362, %mul3A_389 : vector<16xf32>
          %add3A_391 = arith.constant 1 : i32
          %add3A_392 = vector.broadcast %add3A_391 : i32 to vector<16xi32>
          %add3A_393 = arith.addi %add3A_386, %add3A_392 : vector<16xi32>
          %gather3A_394 = tpu.vector_load_idx %arg14[%add3A_224, %add3A_393] : memref<256x64xf32, #tpu.memory_space<vmem>>[vector<16xi32>, vector<16xi32>], vector<16xf32>,
          %gather3A_395 = tpu.vector_load_idx %arg10[%select_n3A_259, %add3A_393] : memref<512x64xf32, #tpu.memory_space<vmem>>[vector<16xi32>, vector<16xi32>], vector<16xf32>,
          %mul3A_396 = arith.mulf %gather3A_394, %gather3A_395 : vector<16xf32>
          %add3A_397 = arith.addf %add3A_369, %mul3A_396 : vector<16xf32>
          %add3A_398 = arith.constant 1 : i32
          %add3A_399 = vector.broadcast %add3A_398 : i32 to vector<16xi32>
          %add3A_400 = arith.addi %add3A_393, %add3A_399 : vector<16xi32>
          %gather3A_401 = tpu.vector_load_idx %arg14[%add3A_224, %add3A_400] : memref<256x64xf32, #tpu.memory_space<vmem>>[vector<16xi32>, vector<16xi32>], vector<16xf32>,
          %gather3A_402 = tpu.vector_load_idx %arg10[%select_n3A_259, %add3A_400] : memref<512x64xf32, #tpu.memory_space<vmem>>[vector<16xi32>, vector<16xi32>], vector<16xf32>,
          %mul3A_403 = arith.mulf %gather3A_401, %gather3A_402 : vector<16xf32>
          %add3A_404 = arith.addf %add3A_376, %mul3A_403 : vector<16xf32>
          %add3A_405 = arith.constant 1 : i32
          %add3A_406 = vector.broadcast %add3A_405 : i32 to vector<16xi32>
          %add3A_407 = arith.addi %add3A_400, %add3A_406 : vector<16xi32>
          %gather3A_408 = tpu.vector_load_idx %arg14[%add3A_224, %add3A_407] : memref<256x64xf32, #tpu.memory_space<vmem>>[vector<16xi32>, vector<16xi32>], vector<16xf32>,
          %gather3A_409 = tpu.vector_load_idx %arg10[%select_n3A_259, %add3A_407] : memref<512x64xf32, #tpu.memory_space<vmem>>[vector<16xi32>, vector<16xi32>], vector<16xf32>,
          %mul3A_410 = arith.mulf %gather3A_408, %gather3A_409 : vector<16xf32>
          %add3A_411 = arith.addf %add3A_383, %mul3A_410 : vector<16xf32>
          %add3A_412 = arith.constant 1 : i32
          %add3A_413 = vector.broadcast %add3A_412 : i32 to vector<16xi32>
          %add3A_414 = arith.addi %add3A_407, %add3A_413 : vector<16xi32>
          %gather3A_415 = tpu.vector_load_idx %arg14[%add3A_224, %add3A_414] : memref<256x64xf32, #tpu.memory_space<vmem>>[vector<16xi32>, vector<16xi32>], vector<16xf32>,
          %gather3A_416 = tpu.vector_load_idx %arg10[%select_n3A_259, %add3A_414] : memref<512x64xf32, #tpu.memory_space<vmem>>[vector<16xi32>, vector<16xi32>], vector<16xf32>,
          %mul3A_417 = arith.mulf %gather3A_415, %gather3A_416 : vector<16xf32>
          %add3A_418 = arith.addf %add3A_390, %mul3A_417 : vector<16xf32>
          %add3A_419 = arith.constant 1 : i32
          %add3A_420 = vector.broadcast %add3A_419 : i32 to vector<16xi32>
          %add3A_421 = arith.addi %add3A_414, %add3A_420 : vector<16xi32>
          %gather3A_422 = tpu.vector_load_idx %arg14[%add3A_224, %add3A_421] : memref<256x64xf32, #tpu.memory_space<vmem>>[vector<16xi32>, vector<16xi32>], vector<16xf32>,
          %gather3A_423 = tpu.vector_load_idx %arg10[%select_n3A_259, %add3A_421] : memref<512x64xf32, #tpu.memory_space<vmem>>[vector<16xi32>, vector<16xi32>], vector<16xf32>,
          %mul3A_424 = arith.mulf %gather3A_422, %gather3A_423 : vector<16xf32>
          %add3A_425 = arith.addf %add3A_397, %mul3A_424 : vector<16xf32>
          %add3A_426 = arith.constant 1 : i32
          %add3A_427 = vector.broadcast %add3A_426 : i32 to vector<16xi32>
          %add3A_428 = arith.addi %add3A_421, %add3A_427 : vector<16xi32>
          %gather3A_429 = tpu.vector_load_idx %arg14[%add3A_224, %add3A_428] : memref<256x64xf32, #tpu.memory_space<vmem>>[vector<16xi32>, vector<16xi32>], vector<16xf32>,
          %gather3A_430 = tpu.vector_load_idx %arg10[%select_n3A_259, %add3A_428] : memref<512x64xf32, #tpu.memory_space<vmem>>[vector<16xi32>, vector<16xi32>], vector<16xf32>,
          %mul3A_431 = arith.mulf %gather3A_429, %gather3A_430 : vector<16xf32>
          %add3A_432 = arith.addf %add3A_404, %mul3A_431 : vector<16xf32>
          %add3A_433 = arith.constant 1 : i32
          %add3A_434 = vector.broadcast %add3A_433 : i32 to vector<16xi32>
          %add3A_435 = arith.addi %add3A_428, %add3A_434 : vector<16xi32>
          %gather3A_436 = tpu.vector_load_idx %arg14[%add3A_224, %add3A_435] : memref<256x64xf32, #tpu.memory_space<vmem>>[vector<16xi32>, vector<16xi32>], vector<16xf32>,
          %gather3A_437 = tpu.vector_load_idx %arg10[%select_n3A_259, %add3A_435] : memref<512x64xf32, #tpu.memory_space<vmem>>[vector<16xi32>, vector<16xi32>], vector<16xf32>,
          %mul3A_438 = arith.mulf %gather3A_436, %gather3A_437 : vector<16xf32>
          %add3A_439 = arith.addf %add3A_411, %mul3A_438 : vector<16xf32>
          %add3A_440 = arith.constant 1 : i32
          %add3A_441 = vector.broadcast %add3A_440 : i32 to vector<16xi32>
          %add3A_442 = arith.addi %add3A_435, %add3A_441 : vector<16xi32>
          %gather3A_443 = tpu.vector_load_idx %arg14[%add3A_224, %add3A_442] : memref<256x64xf32, #tpu.memory_space<vmem>>[vector<16xi32>, vector<16xi32>], vector<16xf32>,
          %gather3A_444 = tpu.vector_load_idx %arg10[%select_n3A_259, %add3A_442] : memref<512x64xf32, #tpu.memory_space<vmem>>[vector<16xi32>, vector<16xi32>], vector<16xf32>,
          %mul3A_445 = arith.mulf %gather3A_443, %gather3A_444 : vector<16xf32>
          %add3A_446 = arith.addf %add3A_418, %mul3A_445 : vector<16xf32>
          %add3A_447 = arith.constant 1 : i32
          %add3A_448 = vector.broadcast %add3A_447 : i32 to vector<16xi32>
          %add3A_449 = arith.addi %add3A_442, %add3A_448 : vector<16xi32>
          %gather3A_450 = tpu.vector_load_idx %arg14[%add3A_224, %add3A_449] : memref<256x64xf32, #tpu.memory_space<vmem>>[vector<16xi32>, vector<16xi32>], vector<16xf32>,
          %gather3A_451 = tpu.vector_load_idx %arg10[%select_n3A_259, %add3A_449] : memref<512x64xf32, #tpu.memory_space<vmem>>[vector<16xi32>, vector<16xi32>], vector<16xf32>,
          %mul3A_452 = arith.mulf %gather3A_450, %gather3A_451 : vector<16xf32>
          %add3A_453 = arith.addf %add3A_425, %mul3A_452 : vector<16xf32>
          %add3A_454 = arith.constant 1 : i32
          %add3A_455 = vector.broadcast %add3A_454 : i32 to vector<16xi32>
          %add3A_456 = arith.addi %add3A_449, %add3A_455 : vector<16xi32>
          %gather3A_457 = tpu.vector_load_idx %arg14[%add3A_224, %add3A_456] : memref<256x64xf32, #tpu.memory_space<vmem>>[vector<16xi32>, vector<16xi32>], vector<16xf32>,
          %gather3A_458 = tpu.vector_load_idx %arg10[%select_n3A_259, %add3A_456] : memref<512x64xf32, #tpu.memory_space<vmem>>[vector<16xi32>, vector<16xi32>], vector<16xf32>,
          %mul3A_459 = arith.mulf %gather3A_457, %gather3A_458 : vector<16xf32>
          %add3A_460 = arith.addf %add3A_432, %mul3A_459 : vector<16xf32>
          %add3A_461 = arith.constant 1 : i32
          %add3A_462 = vector.broadcast %add3A_461 : i32 to vector<16xi32>
          %add3A_463 = arith.addi %add3A_456, %add3A_462 : vector<16xi32>
          %gather3A_464 = tpu.vector_load_idx %arg14[%add3A_224, %add3A_463] : memref<256x64xf32, #tpu.memory_space<vmem>>[vector<16xi32>, vector<16xi32>], vector<16xf32>,
          %gather3A_465 = tpu.vector_load_idx %arg10[%select_n3A_259, %add3A_463] : memref<512x64xf32, #tpu.memory_space<vmem>>[vector<16xi32>, vector<16xi32>], vector<16xf32>,
          %mul3A_466 = arith.mulf %gather3A_464, %gather3A_465 : vector<16xf32>
          %add3A_467 = arith.addf %add3A_439, %mul3A_466 : vector<16xf32>
          %add3A_468 = arith.constant 1 : i32
          %add3A_469 = vector.broadcast %add3A_468 : i32 to vector<16xi32>
          %add3A_470 = arith.addi %add3A_463, %add3A_469 : vector<16xi32>
          %gather3A_471 = tpu.vector_load_idx %arg14[%add3A_224, %add3A_470] : memref<256x64xf32, #tpu.memory_space<vmem>>[vector<16xi32>, vector<16xi32>], vector<16xf32>,
          %gather3A_472 = tpu.vector_load_idx %arg10[%select_n3A_259, %add3A_470] : memref<512x64xf32, #tpu.memory_space<vmem>>[vector<16xi32>, vector<16xi32>], vector<16xf32>,
          %mul3A_473 = arith.mulf %gather3A_471, %gather3A_472 : vector<16xf32>
          %add3A_474 = arith.addf %add3A_446, %mul3A_473 : vector<16xf32>
          %add3A_475 = arith.constant 1 : i32
          %add3A_476 = vector.broadcast %add3A_475 : i32 to vector<16xi32>
          %add3A_477 = arith.addi %add3A_470, %add3A_476 : vector<16xi32>
          %gather3A_478 = tpu.vector_load_idx %arg14[%add3A_224, %add3A_477] : memref<256x64xf32, #tpu.memory_space<vmem>>[vector<16xi32>, vector<16xi32>], vector<16xf32>,
          %gather3A_479 = tpu.vector_load_idx %arg10[%select_n3A_259, %add3A_477] : memref<512x64xf32, #tpu.memory_space<vmem>>[vector<16xi32>, vector<16xi32>], vector<16xf32>,
          %mul3A_480 = arith.mulf %gather3A_478, %gather3A_479 : vector<16xf32>
          %add3A_481 = arith.addf %add3A_453, %mul3A_480 : vector<16xf32>
          %add3A_482 = arith.constant 1 : i32
          %add3A_483 = vector.broadcast %add3A_482 : i32 to vector<16xi32>
          %add3A_484 = arith.addi %add3A_477, %add3A_483 : vector<16xi32>
          %gather3A_485 = tpu.vector_load_idx %arg14[%add3A_224, %add3A_484] : memref<256x64xf32, #tpu.memory_space<vmem>>[vector<16xi32>, vector<16xi32>], vector<16xf32>,
          %gather3A_486 = tpu.vector_load_idx %arg10[%select_n3A_259, %add3A_484] : memref<512x64xf32, #tpu.memory_space<vmem>>[vector<16xi32>, vector<16xi32>], vector<16xf32>,
          %mul3A_487 = arith.mulf %gather3A_485, %gather3A_486 : vector<16xf32>
          %add3A_488 = arith.addf %add3A_460, %mul3A_487 : vector<16xf32>
          %add3A_489 = arith.constant 1 : i32
          %add3A_490 = vector.broadcast %add3A_489 : i32 to vector<16xi32>
          %add3A_491 = arith.addi %add3A_484, %add3A_490 : vector<16xi32>
          %gather3A_492 = tpu.vector_load_idx %arg14[%add3A_224, %add3A_491] : memref<256x64xf32, #tpu.memory_space<vmem>>[vector<16xi32>, vector<16xi32>], vector<16xf32>,
          %gather3A_493 = tpu.vector_load_idx %arg10[%select_n3A_259, %add3A_491] : memref<512x64xf32, #tpu.memory_space<vmem>>[vector<16xi32>, vector<16xi32>], vector<16xf32>,
          %mul3A_494 = arith.mulf %gather3A_492, %gather3A_493 : vector<16xf32>
          %add3A_495 = arith.addf %add3A_467, %mul3A_494 : vector<16xf32>
          %add3A_496 = arith.constant 1 : i32
          %add3A_497 = vector.broadcast %add3A_496 : i32 to vector<16xi32>
          %add3A_498 = arith.addi %add3A_491, %add3A_497 : vector<16xi32>
          %gather3A_499 = tpu.vector_load_idx %arg14[%add3A_224, %add3A_498] : memref<256x64xf32, #tpu.memory_space<vmem>>[vector<16xi32>, vector<16xi32>], vector<16xf32>,
          %gather3A_500 = tpu.vector_load_idx %arg10[%select_n3A_259, %add3A_498] : memref<512x64xf32, #tpu.memory_space<vmem>>[vector<16xi32>, vector<16xi32>], vector<16xf32>,
          %mul3A_501 = arith.mulf %gather3A_499, %gather3A_500 : vector<16xf32>
          %add3A_502 = arith.addf %add3A_474, %mul3A_501 : vector<16xf32>
          %add3A_503 = arith.constant 1 : i32
          %add3A_504 = vector.broadcast %add3A_503 : i32 to vector<16xi32>
          %add3A_505 = arith.addi %add3A_498, %add3A_504 : vector<16xi32>
          %gather3A_506 = tpu.vector_load_idx %arg14[%add3A_224, %add3A_505] : memref<256x64xf32, #tpu.memory_space<vmem>>[vector<16xi32>, vector<16xi32>], vector<16xf32>,
          %gather3A_507 = tpu.vector_load_idx %arg10[%select_n3A_259, %add3A_505] : memref<512x64xf32, #tpu.memory_space<vmem>>[vector<16xi32>, vector<16xi32>], vector<16xf32>,
          %mul3A_508 = arith.mulf %gather3A_506, %gather3A_507 : vector<16xf32>
          %add3A_509 = arith.addf %add3A_481, %mul3A_508 : vector<16xf32>
          %add3A_510 = arith.constant 1 : i32
          %add3A_511 = vector.broadcast %add3A_510 : i32 to vector<16xi32>
          %add3A_512 = arith.addi %add3A_505, %add3A_511 : vector<16xi32>
          %gather3A_513 = tpu.vector_load_idx %arg14[%add3A_224, %add3A_512] : memref<256x64xf32, #tpu.memory_space<vmem>>[vector<16xi32>, vector<16xi32>], vector<16xf32>,
          %gather3A_514 = tpu.vector_load_idx %arg10[%select_n3A_259, %add3A_512] : memref<512x64xf32, #tpu.memory_space<vmem>>[vector<16xi32>, vector<16xi32>], vector<16xf32>,
          %mul3A_515 = arith.mulf %gather3A_513, %gather3A_514 : vector<16xf32>
          %add3A_516 = arith.addf %add3A_488, %mul3A_515 : vector<16xf32>
          %add3A_517 = arith.constant 1 : i32
          %add3A_518 = vector.broadcast %add3A_517 : i32 to vector<16xi32>
          %add3A_519 = arith.addi %add3A_512, %add3A_518 : vector<16xi32>
          %gather3A_520 = tpu.vector_load_idx %arg14[%add3A_224, %add3A_519] : memref<256x64xf32, #tpu.memory_space<vmem>>[vector<16xi32>, vector<16xi32>], vector<16xf32>,
          %gather3A_521 = tpu.vector_load_idx %arg10[%select_n3A_259, %add3A_519] : memref<512x64xf32, #tpu.memory_space<vmem>>[vector<16xi32>, vector<16xi32>], vector<16xf32>,
          %mul3A_522 = arith.mulf %gather3A_520, %gather3A_521 : vector<16xf32>
          %add3A_523 = arith.addf %add3A_495, %mul3A_522 : vector<16xf32>
          %add3A_524 = arith.constant 1 : i32
          %add3A_525 = vector.broadcast %add3A_524 : i32 to vector<16xi32>
          %add3A_526 = arith.addi %add3A_519, %add3A_525 : vector<16xi32>
          %gather3A_527 = tpu.vector_load_idx %arg14[%add3A_224, %add3A_526] : memref<256x64xf32, #tpu.memory_space<vmem>>[vector<16xi32>, vector<16xi32>], vector<16xf32>,
          %gather3A_528 = tpu.vector_load_idx %arg10[%select_n3A_259, %add3A_526] : memref<512x64xf32, #tpu.memory_space<vmem>>[vector<16xi32>, vector<16xi32>], vector<16xf32>,
          %mul3A_529 = arith.mulf %gather3A_527, %gather3A_528 : vector<16xf32>
          %add3A_530 = arith.addf %add3A_502, %mul3A_529 : vector<16xf32>
          %add3A_531 = arith.constant 1 : i32
          %add3A_532 = vector.broadcast %add3A_531 : i32 to vector<16xi32>
          %add3A_533 = arith.addi %add3A_526, %add3A_532 : vector<16xi32>
          %gather3A_534 = tpu.vector_load_idx %arg14[%add3A_224, %add3A_533] : memref<256x64xf32, #tpu.memory_space<vmem>>[vector<16xi32>, vector<16xi32>], vector<16xf32>,
          %gather3A_535 = tpu.vector_load_idx %arg10[%select_n3A_259, %add3A_533] : memref<512x64xf32, #tpu.memory_space<vmem>>[vector<16xi32>, vector<16xi32>], vector<16xf32>,
          %mul3A_536 = arith.mulf %gather3A_534, %gather3A_535 : vector<16xf32>
          %add3A_537 = arith.addf %add3A_509, %mul3A_536 : vector<16xf32>
          %add3A_538 = arith.constant 1 : i32
          %add3A_539 = vector.broadcast %add3A_538 : i32 to vector<16xi32>
          %add3A_540 = arith.addi %add3A_533, %add3A_539 : vector<16xi32>
          %gather3A_541 = tpu.vector_load_idx %arg14[%add3A_224, %add3A_540] : memref<256x64xf32, #tpu.memory_space<vmem>>[vector<16xi32>, vector<16xi32>], vector<16xf32>,
          %gather3A_542 = tpu.vector_load_idx %arg10[%select_n3A_259, %add3A_540] : memref<512x64xf32, #tpu.memory_space<vmem>>[vector<16xi32>, vector<16xi32>], vector<16xf32>,
          %mul3A_543 = arith.mulf %gather3A_541, %gather3A_542 : vector<16xf32>
          %add3A_544 = arith.addf %add3A_516, %mul3A_543 : vector<16xf32>
          %add3A_545 = arith.constant 1 : i32
          %add3A_546 = vector.broadcast %add3A_545 : i32 to vector<16xi32>
          %add3A_547 = arith.addi %add3A_540, %add3A_546 : vector<16xi32>
          %gather3A_548 = tpu.vector_load_idx %arg14[%add3A_224, %add3A_547] : memref<256x64xf32, #tpu.memory_space<vmem>>[vector<16xi32>, vector<16xi32>], vector<16xf32>,
          %gather3A_549 = tpu.vector_load_idx %arg10[%select_n3A_259, %add3A_547] : memref<512x64xf32, #tpu.memory_space<vmem>>[vector<16xi32>, vector<16xi32>], vector<16xf32>,
          %mul3A_550 = arith.mulf %gather3A_548, %gather3A_549 : vector<16xf32>
          %add3A_551 = arith.addf %add3A_523, %mul3A_550 : vector<16xf32>
          %add3A_552 = arith.constant 1 : i32
          %add3A_553 = vector.broadcast %add3A_552 : i32 to vector<16xi32>
          %add3A_554 = arith.addi %add3A_547, %add3A_553 : vector<16xi32>
          %gather3A_555 = tpu.vector_load_idx %arg14[%add3A_224, %add3A_554] : memref<256x64xf32, #tpu.memory_space<vmem>>[vector<16xi32>, vector<16xi32>], vector<16xf32>,
          %gather3A_556 = tpu.vector_load_idx %arg10[%select_n3A_259, %add3A_554] : memref<512x64xf32, #tpu.memory_space<vmem>>[vector<16xi32>, vector<16xi32>], vector<16xf32>,
          %mul3A_557 = arith.mulf %gather3A_555, %gather3A_556 : vector<16xf32>
          %add3A_558 = arith.addf %add3A_530, %mul3A_557 : vector<16xf32>
          %add3A_559 = arith.constant 1 : i32
          %add3A_560 = vector.broadcast %add3A_559 : i32 to vector<16xi32>
          %add3A_561 = arith.addi %add3A_554, %add3A_560 : vector<16xi32>
          %gather3A_562 = tpu.vector_load_idx %arg14[%add3A_224, %add3A_561] : memref<256x64xf32, #tpu.memory_space<vmem>>[vector<16xi32>, vector<16xi32>], vector<16xf32>,
          %gather3A_563 = tpu.vector_load_idx %arg10[%select_n3A_259, %add3A_561] : memref<512x64xf32, #tpu.memory_space<vmem>>[vector<16xi32>, vector<16xi32>], vector<16xf32>,
          %mul3A_564 = arith.mulf %gather3A_562, %gather3A_563 : vector<16xf32>
          %add3A_565 = arith.addf %add3A_537, %mul3A_564 : vector<16xf32>
          %add3A_566 = arith.constant 1 : i32
          %add3A_567 = vector.broadcast %add3A_566 : i32 to vector<16xi32>
          %add3A_568 = arith.addi %add3A_561, %add3A_567 : vector<16xi32>
          %gather3A_569 = tpu.vector_load_idx %arg14[%add3A_224, %add3A_568] : memref<256x64xf32, #tpu.memory_space<vmem>>[vector<16xi32>, vector<16xi32>], vector<16xf32>,
          %gather3A_570 = tpu.vector_load_idx %arg10[%select_n3A_259, %add3A_568] : memref<512x64xf32, #tpu.memory_space<vmem>>[vector<16xi32>, vector<16xi32>], vector<16xf32>,
          %mul3A_571 = arith.mulf %gather3A_569, %gather3A_570 : vector<16xf32>
          %add3A_572 = arith.addf %add3A_544, %mul3A_571 : vector<16xf32>
          %add3A_573 = arith.constant 1 : i32
          %add3A_574 = vector.broadcast %add3A_573 : i32 to vector<16xi32>
          %add3A_575 = arith.addi %add3A_568, %add3A_574 : vector<16xi32>
          %gather3A_576 = tpu.vector_load_idx %arg14[%add3A_224, %add3A_575] : memref<256x64xf32, #tpu.memory_space<vmem>>[vector<16xi32>, vector<16xi32>], vector<16xf32>,
          %gather3A_577 = tpu.vector_load_idx %arg10[%select_n3A_259, %add3A_575] : memref<512x64xf32, #tpu.memory_space<vmem>>[vector<16xi32>, vector<16xi32>], vector<16xf32>,
          %mul3A_578 = arith.mulf %gather3A_576, %gather3A_577 : vector<16xf32>
          %add3A_579 = arith.addf %add3A_551, %mul3A_578 : vector<16xf32>
          %add3A_580 = arith.constant 1 : i32
          %add3A_581 = vector.broadcast %add3A_580 : i32 to vector<16xi32>
          %add3A_582 = arith.addi %add3A_575, %add3A_581 : vector<16xi32>
          %gather3A_583 = tpu.vector_load_idx %arg14[%add3A_224, %add3A_582] : memref<256x64xf32, #tpu.memory_space<vmem>>[vector<16xi32>, vector<16xi32>], vector<16xf32>,
          %gather3A_584 = tpu.vector_load_idx %arg10[%select_n3A_259, %add3A_582] : memref<512x64xf32, #tpu.memory_space<vmem>>[vector<16xi32>, vector<16xi32>], vector<16xf32>,
          %mul3A_585 = arith.mulf %gather3A_583, %gather3A_584 : vector<16xf32>
          %add3A_586 = arith.addf %add3A_558, %mul3A_585 : vector<16xf32>
          %add3A_587 = arith.constant 1 : i32
          %add3A_588 = vector.broadcast %add3A_587 : i32 to vector<16xi32>
          %add3A_589 = arith.addi %add3A_582, %add3A_588 : vector<16xi32>
          %gather3A_590 = tpu.vector_load_idx %arg14[%add3A_224, %add3A_589] : memref<256x64xf32, #tpu.memory_space<vmem>>[vector<16xi32>, vector<16xi32>], vector<16xf32>,
          %gather3A_591 = tpu.vector_load_idx %arg10[%select_n3A_259, %add3A_589] : memref<512x64xf32, #tpu.memory_space<vmem>>[vector<16xi32>, vector<16xi32>], vector<16xf32>,
          %mul3A_592 = arith.mulf %gather3A_590, %gather3A_591 : vector<16xf32>
          %add3A_593 = arith.addf %add3A_565, %mul3A_592 : vector<16xf32>
          %add3A_594 = arith.constant 1 : i32
          %add3A_595 = vector.broadcast %add3A_594 : i32 to vector<16xi32>
          %add3A_596 = arith.addi %add3A_589, %add3A_595 : vector<16xi32>
          %gather3A_597 = tpu.vector_load_idx %arg14[%add3A_224, %add3A_596] : memref<256x64xf32, #tpu.memory_space<vmem>>[vector<16xi32>, vector<16xi32>], vector<16xf32>,
          %gather3A_598 = tpu.vector_load_idx %arg10[%select_n3A_259, %add3A_596] : memref<512x64xf32, #tpu.memory_space<vmem>>[vector<16xi32>, vector<16xi32>], vector<16xf32>,
          %mul3A_599 = arith.mulf %gather3A_597, %gather3A_598 : vector<16xf32>
          %add3A_600 = arith.addf %add3A_572, %mul3A_599 : vector<16xf32>
          %add3A_601 = arith.constant 1 : i32
          %add3A_602 = vector.broadcast %add3A_601 : i32 to vector<16xi32>
          %add3A_603 = arith.addi %add3A_596, %add3A_602 : vector<16xi32>
          %gather3A_604 = tpu.vector_load_idx %arg14[%add3A_224, %add3A_603] : memref<256x64xf32, #tpu.memory_space<vmem>>[vector<16xi32>, vector<16xi32>], vector<16xf32>,
          %gather3A_605 = tpu.vector_load_idx %arg10[%select_n3A_259, %add3A_603] : memref<512x64xf32, #tpu.memory_space<vmem>>[vector<16xi32>, vector<16xi32>], vector<16xf32>,
          %mul3A_606 = arith.mulf %gather3A_604, %gather3A_605 : vector<16xf32>
          %add3A_607 = arith.addf %add3A_579, %mul3A_606 : vector<16xf32>
          %add3A_608 = arith.constant 1 : i32
          %add3A_609 = vector.broadcast %add3A_608 : i32 to vector<16xi32>
          %add3A_610 = arith.addi %add3A_603, %add3A_609 : vector<16xi32>
          %gather3A_611 = tpu.vector_load_idx %arg14[%add3A_224, %add3A_610] : memref<256x64xf32, #tpu.memory_space<vmem>>[vector<16xi32>, vector<16xi32>], vector<16xf32>,
          %gather3A_612 = tpu.vector_load_idx %arg10[%select_n3A_259, %add3A_610] : memref<512x64xf32, #tpu.memory_space<vmem>>[vector<16xi32>, vector<16xi32>], vector<16xf32>,
          %mul3A_613 = arith.mulf %gather3A_611, %gather3A_612 : vector<16xf32>
          %add3A_614 = arith.addf %add3A_586, %mul3A_613 : vector<16xf32>
          %add3A_615 = arith.constant 1 : i32
          %add3A_616 = vector.broadcast %add3A_615 : i32 to vector<16xi32>
          %add3A_617 = arith.addi %add3A_610, %add3A_616 : vector<16xi32>
          %gather3A_618 = tpu.vector_load_idx %arg14[%add3A_224, %add3A_617] : memref<256x64xf32, #tpu.memory_space<vmem>>[vector<16xi32>, vector<16xi32>], vector<16xf32>,
          %gather3A_619 = tpu.vector_load_idx %arg10[%select_n3A_259, %add3A_617] : memref<512x64xf32, #tpu.memory_space<vmem>>[vector<16xi32>, vector<16xi32>], vector<16xf32>,
          %mul3A_620 = arith.mulf %gather3A_618, %gather3A_619 : vector<16xf32>
          %add3A_621 = arith.addf %add3A_593, %mul3A_620 : vector<16xf32>
          %add3A_622 = arith.constant 1 : i32
          %add3A_623 = vector.broadcast %add3A_622 : i32 to vector<16xi32>
          %add3A_624 = arith.addi %add3A_617, %add3A_623 : vector<16xi32>
          %gather3A_625 = tpu.vector_load_idx %arg14[%add3A_224, %add3A_624] : memref<256x64xf32, #tpu.memory_space<vmem>>[vector<16xi32>, vector<16xi32>], vector<16xf32>,
          %gather3A_626 = tpu.vector_load_idx %arg10[%select_n3A_259, %add3A_624] : memref<512x64xf32, #tpu.memory_space<vmem>>[vector<16xi32>, vector<16xi32>], vector<16xf32>,
          %mul3A_627 = arith.mulf %gather3A_625, %gather3A_626 : vector<16xf32>
          %add3A_628 = arith.addf %add3A_600, %mul3A_627 : vector<16xf32>
          %add3A_629 = arith.constant 1 : i32
          %add3A_630 = vector.broadcast %add3A_629 : i32 to vector<16xi32>
          %add3A_631 = arith.addi %add3A_624, %add3A_630 : vector<16xi32>
          %gather3A_632 = tpu.vector_load_idx %arg14[%add3A_224, %add3A_631] : memref<256x64xf32, #tpu.memory_space<vmem>>[vector<16xi32>, vector<16xi32>], vector<16xf32>,
          %gather3A_633 = tpu.vector_load_idx %arg10[%select_n3A_259, %add3A_631] : memref<512x64xf32, #tpu.memory_space<vmem>>[vector<16xi32>, vector<16xi32>], vector<16xf32>,
          %mul3A_634 = arith.mulf %gather3A_632, %gather3A_633 : vector<16xf32>
          %add3A_635 = arith.addf %add3A_607, %mul3A_634 : vector<16xf32>
          %add3A_636 = arith.constant 1 : i32
          %add3A_637 = vector.broadcast %add3A_636 : i32 to vector<16xi32>
          %add3A_638 = arith.addi %add3A_631, %add3A_637 : vector<16xi32>
          %gather3A_639 = tpu.vector_load_idx %arg14[%add3A_224, %add3A_638] : memref<256x64xf32, #tpu.memory_space<vmem>>[vector<16xi32>, vector<16xi32>], vector<16xf32>,
          %gather3A_640 = tpu.vector_load_idx %arg10[%select_n3A_259, %add3A_638] : memref<512x64xf32, #tpu.memory_space<vmem>>[vector<16xi32>, vector<16xi32>], vector<16xf32>,
          %mul3A_641 = arith.mulf %gather3A_639, %gather3A_640 : vector<16xf32>
          %add3A_642 = arith.addf %add3A_614, %mul3A_641 : vector<16xf32>
          %add3A_643 = arith.constant 1 : i32
          %add3A_644 = vector.broadcast %add3A_643 : i32 to vector<16xi32>
          %add3A_645 = arith.addi %add3A_638, %add3A_644 : vector<16xi32>
          %gather3A_646 = tpu.vector_load_idx %arg14[%add3A_224, %add3A_645] : memref<256x64xf32, #tpu.memory_space<vmem>>[vector<16xi32>, vector<16xi32>], vector<16xf32>,
          %gather3A_647 = tpu.vector_load_idx %arg10[%select_n3A_259, %add3A_645] : memref<512x64xf32, #tpu.memory_space<vmem>>[vector<16xi32>, vector<16xi32>], vector<16xf32>,
          %mul3A_648 = arith.mulf %gather3A_646, %gather3A_647 : vector<16xf32>
          %add3A_649 = arith.addf %add3A_621, %mul3A_648 : vector<16xf32>
          %add3A_650 = arith.constant 1 : i32
          %add3A_651 = vector.broadcast %add3A_650 : i32 to vector<16xi32>
          %add3A_652 = arith.addi %add3A_645, %add3A_651 : vector<16xi32>
          %gather3A_653 = tpu.vector_load_idx %arg14[%add3A_224, %add3A_652] : memref<256x64xf32, #tpu.memory_space<vmem>>[vector<16xi32>, vector<16xi32>], vector<16xf32>,
          %gather3A_654 = tpu.vector_load_idx %arg10[%select_n3A_259, %add3A_652] : memref<512x64xf32, #tpu.memory_space<vmem>>[vector<16xi32>, vector<16xi32>], vector<16xf32>,
          %mul3A_655 = arith.mulf %gather3A_653, %gather3A_654 : vector<16xf32>
          %add3A_656 = arith.addf %add3A_628, %mul3A_655 : vector<16xf32>
          %add3A_657 = arith.constant 1 : i32
          %add3A_658 = vector.broadcast %add3A_657 : i32 to vector<16xi32>
          %add3A_659 = arith.addi %add3A_652, %add3A_658 : vector<16xi32>
          %gather3A_660 = tpu.vector_load_idx %arg14[%add3A_224, %add3A_659] : memref<256x64xf32, #tpu.memory_space<vmem>>[vector<16xi32>, vector<16xi32>], vector<16xf32>,
          %gather3A_661 = tpu.vector_load_idx %arg10[%select_n3A_259, %add3A_659] : memref<512x64xf32, #tpu.memory_space<vmem>>[vector<16xi32>, vector<16xi32>], vector<16xf32>,
          %mul3A_662 = arith.mulf %gather3A_660, %gather3A_661 : vector<16xf32>
          %add3A_663 = arith.addf %add3A_635, %mul3A_662 : vector<16xf32>
          %add3A_664 = arith.constant 1 : i32
          %add3A_665 = vector.broadcast %add3A_664 : i32 to vector<16xi32>
          %add3A_666 = arith.addi %add3A_659, %add3A_665 : vector<16xi32>
          %gather3A_667 = tpu.vector_load_idx %arg14[%add3A_224, %add3A_666] : memref<256x64xf32, #tpu.memory_space<vmem>>[vector<16xi32>, vector<16xi32>], vector<16xf32>,
          %gather3A_668 = tpu.vector_load_idx %arg10[%select_n3A_259, %add3A_666] : memref<512x64xf32, #tpu.memory_space<vmem>>[vector<16xi32>, vector<16xi32>], vector<16xf32>,
          %mul3A_669 = arith.mulf %gather3A_667, %gather3A_668 : vector<16xf32>
          %add3A_670 = arith.addf %add3A_642, %mul3A_669 : vector<16xf32>
          %add3A_671 = arith.constant 1 : i32
          %add3A_672 = vector.broadcast %add3A_671 : i32 to vector<16xi32>
          %add3A_673 = arith.addi %add3A_666, %add3A_672 : vector<16xi32>
          %gather3A_674 = tpu.vector_load_idx %arg14[%add3A_224, %add3A_673] : memref<256x64xf32, #tpu.memory_space<vmem>>[vector<16xi32>, vector<16xi32>], vector<16xf32>,
          %gather3A_675 = tpu.vector_load_idx %arg10[%select_n3A_259, %add3A_673] : memref<512x64xf32, #tpu.memory_space<vmem>>[vector<16xi32>, vector<16xi32>], vector<16xf32>,
          %mul3A_676 = arith.mulf %gather3A_674, %gather3A_675 : vector<16xf32>
          %add3A_677 = arith.addf %add3A_649, %mul3A_676 : vector<16xf32>
          %add3A_678 = arith.constant 1 : i32
          %add3A_679 = vector.broadcast %add3A_678 : i32 to vector<16xi32>
          %add3A_680 = arith.addi %add3A_673, %add3A_679 : vector<16xi32>
          %gather3A_681 = tpu.vector_load_idx %arg14[%add3A_224, %add3A_680] : memref<256x64xf32, #tpu.memory_space<vmem>>[vector<16xi32>, vector<16xi32>], vector<16xf32>,
          %gather3A_682 = tpu.vector_load_idx %arg10[%select_n3A_259, %add3A_680] : memref<512x64xf32, #tpu.memory_space<vmem>>[vector<16xi32>, vector<16xi32>], vector<16xf32>,
          %mul3A_683 = arith.mulf %gather3A_681, %gather3A_682 : vector<16xf32>
          %add3A_684 = arith.addf %add3A_656, %mul3A_683 : vector<16xf32>
          %add3A_685 = arith.constant 1 : i32
          %add3A_686 = vector.broadcast %add3A_685 : i32 to vector<16xi32>
          %add3A_687 = arith.addi %add3A_680, %add3A_686 : vector<16xi32>
          %gather3A_688 = tpu.vector_load_idx %arg14[%add3A_224, %add3A_687] : memref<256x64xf32, #tpu.memory_space<vmem>>[vector<16xi32>, vector<16xi32>], vector<16xf32>,
          %gather3A_689 = tpu.vector_load_idx %arg10[%select_n3A_259, %add3A_687] : memref<512x64xf32, #tpu.memory_space<vmem>>[vector<16xi32>, vector<16xi32>], vector<16xf32>,
          %mul3A_690 = arith.mulf %gather3A_688, %gather3A_689 : vector<16xf32>
          %add3A_691 = arith.addf %add3A_663, %mul3A_690 : vector<16xf32>
          %add3A_692 = arith.constant 1 : i32
          %add3A_693 = vector.broadcast %add3A_692 : i32 to vector<16xi32>
          %add3A_694 = arith.addi %add3A_687, %add3A_693 : vector<16xi32>
          %gather3A_695 = tpu.vector_load_idx %arg14[%add3A_224, %add3A_694] : memref<256x64xf32, #tpu.memory_space<vmem>>[vector<16xi32>, vector<16xi32>], vector<16xf32>,
          %gather3A_696 = tpu.vector_load_idx %arg10[%select_n3A_259, %add3A_694] : memref<512x64xf32, #tpu.memory_space<vmem>>[vector<16xi32>, vector<16xi32>], vector<16xf32>,
          %mul3A_697 = arith.mulf %gather3A_695, %gather3A_696 : vector<16xf32>
          %add3A_698 = arith.addf %add3A_670, %mul3A_697 : vector<16xf32>
          %add3A_699 = arith.constant 1 : i32
          %add3A_700 = vector.broadcast %add3A_699 : i32 to vector<16xi32>
          %add3A_701 = arith.addi %add3A_694, %add3A_700 : vector<16xi32>
          %gather3A_702 = tpu.vector_load_idx %arg14[%add3A_224, %add3A_701] : memref<256x64xf32, #tpu.memory_space<vmem>>[vector<16xi32>, vector<16xi32>], vector<16xf32>,
          %gather3A_703 = tpu.vector_load_idx %arg10[%select_n3A_259, %add3A_701] : memref<512x64xf32, #tpu.memory_space<vmem>>[vector<16xi32>, vector<16xi32>], vector<16xf32>,
          %mul3A_704 = arith.mulf %gather3A_702, %gather3A_703 : vector<16xf32>
          %add3A_705 = arith.addf %add3A_677, %mul3A_704 : vector<16xf32>
          %add3A_706 = arith.constant 1 : i32
          %add3A_707 = vector.broadcast %add3A_706 : i32 to vector<16xi32>
          %add3A_708 = arith.addi %add3A_701, %add3A_707 : vector<16xi32>
          %gather3A_709 = tpu.vector_load_idx %arg14[%add3A_224, %add3A_708] : memref<256x64xf32, #tpu.memory_space<vmem>>[vector<16xi32>, vector<16xi32>], vector<16xf32>,
          %gather3A_710 = tpu.vector_load_idx %arg10[%select_n3A_259, %add3A_708] : memref<512x64xf32, #tpu.memory_space<vmem>>[vector<16xi32>, vector<16xi32>], vector<16xf32>,
          %mul3A_711 = arith.mulf %gather3A_709, %gather3A_710 : vector<16xf32>
          %add3A_712 = arith.addf %add3A_684, %mul3A_711 : vector<16xf32>
          %add3A_713 = arith.constant 1 : i32
          %add3A_714 = vector.broadcast %add3A_713 : i32 to vector<16xi32>
          %add3A_715 = arith.addi %add3A_708, %add3A_714 : vector<16xi32>
          %add3A_716 = arith.addf %add3A_691, %add3A_698 : vector<16xf32>
          %add3A_717 = arith.addf %add3A_705, %add3A_712 : vector<16xf32>
          %add3A_718 = arith.addf %add3A_716, %add3A_717 : vector<16xf32>
          %mul3A_719 = arith.constant 16 : i32
          %mul3A_720 = arith.muli %scan3A_220, %mul3A_719 : i32
          %swap3A = arith.index_cast %mul3A_720 : i32 to index
          %swap3A_721 = tpu.vector_load %arg16[%swap3A] {strides = array<i32>} : memref<256xf32, #tpu.memory_space<vmem>>, vector<16xf32>,
          tpu.vector_store %arg16[%swap3A], %add3A_718 {strides = array<i32>} : memref<256xf32, #tpu.memory_space<vmem>>, vector<16xf32>,
        }
        %scan3A_210 = arith.constant 16 : i32
        %lt3A_211 = arith.constant 2 : i32
        %lt3A_212 = arith.cmpi slt, %add3A_176, %lt3A_211 : i32
        %convert_element_type3A_213 = arith.extui %lt3A_212 : i1 to i32
        %cond3A_214 = arith.constant 0 : i32
        %cond3A_215 = arith.cmpi ne, %convert_element_type3A_213, %cond3A_214 : i32
        scf.if %cond3A_215 {
          %mul3A_220 = arith.constant 256 : i32
          %mul3A_221 = arith.muli %add3A_176, %mul3A_220 : i32
          %add3A_222 = arith.addi %mul3A_2, %mul3A_221 : i32
          "tpu.region"() ({
            %run_scoped3A = tpu.sem_alloc : memref<!tpu.dma_semaphore, #tpu.memory_space<semaphore_mem>>
            %dma_start3A_223 = tpu.memref_slice %arg6[%add3A_222] : memref<16384xf32, #tpu.memory_space<hbm>> -> memref<256xf32, #tpu.memory_space<hbm>>
            %dma_start3A_224 = tpu.memref_slice %arg6[%add3A_222] : memref<16384xf32, #tpu.memory_space<hbm>> -> memref<256xf32, #tpu.memory_space<hbm>>
            tpu.enqueue_dma source(%arg16 : memref<256xf32, #tpu.memory_space<vmem>>) target(%dma_start3A_224 : memref<256xf32, #tpu.memory_space<hbm>>) target_semaphore(%run_scoped3A : memref<!tpu.dma_semaphore, #tpu.memory_space<semaphore_mem>>)
            %dma_wait3A_225 = tpu.memref_slice %arg6[%add3A_222] : memref<16384xf32, #tpu.memory_space<hbm>> -> memref<256xf32, #tpu.memory_space<hbm>>
            %dma_wait3A_226 = tpu.memref_slice %arg6[%add3A_222] : memref<16384xf32, #tpu.memory_space<hbm>> -> memref<256xf32, #tpu.memory_space<hbm>>
            tpu.wait_dma2 semaphore(%run_scoped3A : memref<!tpu.dma_semaphore, #tpu.memory_space<semaphore_mem>>) src(%arg16 : memref<256xf32, #tpu.memory_space<vmem>>) dst(%dma_wait3A_226 : memref<256xf32, #tpu.memory_space<hbm>>)
            tpu.yield
          }) : () -> ()
        } else {
        }
        %ge3A = arith.constant 2 : i32
        %ge3A_216 = arith.cmpi sge, %add3A_176, %ge3A : i32
        %convert_element_type3A_217 = arith.extui %ge3A_216 : i1 to i32
        %cond3A_218 = arith.constant 0 : i32
        %cond3A_219 = arith.cmpi ne, %convert_element_type3A_217, %cond3A_218 : i32
        scf.if %cond3A_219 {
          %sub3A_220 = arith.constant 2 : i32
          %sub3A_221 = arith.subi %add3A_176, %sub3A_220 : i32
          %mul3A_222 = arith.constant 256 : i32
          %mul3A_223 = arith.muli %sub3A_221, %mul3A_222 : i32
          %add3A_224 = arith.addi %mul3A_4, %mul3A_223 : i32
          "tpu.region"() ({
            %run_scoped3A = tpu.sem_alloc : memref<!tpu.dma_semaphore, #tpu.memory_space<semaphore_mem>>
            %dma_start3A_225 = tpu.memref_slice %arg7[%add3A_224] : memref<327680xf32, #tpu.memory_space<hbm>> -> memref<256xf32, #tpu.memory_space<hbm>>
            %dma_start3A_226 = tpu.memref_slice %arg7[%add3A_224] : memref<327680xf32, #tpu.memory_space<hbm>> -> memref<256xf32, #tpu.memory_space<hbm>>
            tpu.enqueue_dma source(%arg16 : memref<256xf32, #tpu.memory_space<vmem>>) target(%dma_start3A_226 : memref<256xf32, #tpu.memory_space<hbm>>) target_semaphore(%run_scoped3A : memref<!tpu.dma_semaphore, #tpu.memory_space<semaphore_mem>>)
            %dma_wait3A_227 = tpu.memref_slice %arg7[%add3A_224] : memref<327680xf32, #tpu.memory_space<hbm>> -> memref<256xf32, #tpu.memory_space<hbm>>
            %dma_wait3A_228 = tpu.memref_slice %arg7[%add3A_224] : memref<327680xf32, #tpu.memory_space<hbm>> -> memref<256xf32, #tpu.memory_space<hbm>>
            tpu.wait_dma2 semaphore(%run_scoped3A : memref<!tpu.dma_semaphore, #tpu.memory_space<semaphore_mem>>) src(%arg16 : memref<256xf32, #tpu.memory_space<vmem>>) dst(%dma_wait3A_228 : memref<256xf32, #tpu.memory_space<hbm>>)
            tpu.yield
          }) : () -> ()
        } else {
        }
      } else {
      }
      %mul3A_182 = arith.constant 5 : i32
      %mul3A_183 = arith.muli %scan3A_148, %mul3A_182 : i32
      %add3A_184 = arith.constant 4 : i32
      %add3A_185 = arith.addi %mul3A_183, %add3A_184 : i32
      %lt3A_186 = arith.constant 42 : i32
      %lt3A_187 = arith.cmpi slt, %add3A_185, %lt3A_186 : i32
      %convert_element_type3A_188 = arith.extui %lt3A_187 : i1 to i32
      %cond3A_189 = arith.constant 0 : i32
      %cond3A_190 = arith.cmpi ne, %convert_element_type3A_188, %cond3A_189 : i32
      scf.if %cond3A_190 {
        %dma_wait3A_191 = arith.constant 0 : i32
        %dma_wait3A_192 = arith.constant 0 : i32
        %dma_wait3A_193 = tpu.memref_slice %arg5[%dma_wait3A_191, %dma_wait3A_192] : memref<2000000x64xf32, #tpu.memory_space<hbm>> -> memref<256x64xf32, #tpu.memory_space<hbm>>
        %dma_wait3A_194 = arith.constant 0 : i32
        %dma_wait3A_195 = arith.constant 0 : i32
        %dma_wait3A_196 = tpu.memref_slice %arg5[%dma_wait3A_194, %dma_wait3A_195] : memref<2000000x64xf32, #tpu.memory_space<hbm>> -> memref<256x64xf32, #tpu.memory_space<hbm>>
        tpu.wait_dma2 semaphore(%arg21 : memref<!tpu.dma_semaphore, #tpu.memory_space<semaphore_mem>>) src(%dma_wait3A_196 : memref<256x64xf32, #tpu.memory_space<hbm>>) dst(%arg15 : memref<256x64xf32, #tpu.memory_space<vmem>>)
        %add3A_197 = arith.constant 5 : i32
        %add3A_198 = arith.addi %add3A_185, %add3A_197 : i32
        %sub3A = arith.constant 1 : i32
        %sub3A_199 = arith.subi %add3A_198, %sub3A : i32
        %lt3A_200 = arith.constant 42 : i32
        %lt3A_201 = arith.cmpi slt, %sub3A_199, %lt3A_200 : i32
        %convert_element_type3A_202 = arith.extui %lt3A_201 : i1 to i32
        %cond3A_203 = arith.constant 0 : i32
        %cond3A_204 = arith.cmpi ne, %convert_element_type3A_202, %cond3A_203 : i32
        scf.if %cond3A_204 {
          %add3A_220 = arith.constant 5 : i32
          %add3A_221 = arith.addi %add3A_185, %add3A_220 : i32
          %sub3A_222 = arith.constant 1 : i32
          %sub3A_223 = arith.subi %add3A_221, %sub3A_222 : i32
          %mul3A_224 = arith.constant 256 : i32
          %mul3A_225 = arith.muli %sub3A_223, %mul3A_224 : i32
          %add3A_226 = arith.constant 0 : i32
          %add3A_227 = arith.addi %mul3A_225, %add3A_226 : i32
          %dma_start3A_228 = arith.constant 0 : i32
          %dma_start3A_229 = arith.constant 0 : i32
          %dma_start3A_230 = tpu.memref_slice %arg14[%dma_start3A_228, %dma_start3A_229] : memref<256x64xf32, #tpu.memory_space<vmem>> -> memref<128x64xf32, #tpu.memory_space<vmem>>
          %dma_start3A_231 = tpu.memref_slice %arg9[%add3A_227] : memref<10752xi32, #tpu.memory_space<vmem>> -> memref<128xi32, #tpu.memory_space<vmem>>
          %dma_start3A_232 = arith.constant 0 : i32
          %dma_start3A_233 = arith.constant 0 : i32
          %dma_start3A_234 = tpu.memref_slice %arg5[%dma_start3A_232, %dma_start3A_233] : memref<2000000x64xf32, #tpu.memory_space<hbm>> -> memref<2000000x64xf32, #tpu.memory_space<hbm>>
          tpu.enqueue_indirect_dma source(%dma_start3A_234 : memref<2000000x64xf32, #tpu.memory_space<hbm>>) target(%dma_start3A_230 : memref<128x64xf32, #tpu.memory_space<vmem>>) offsets(%dma_start3A_231 : memref<128xi32, #tpu.memory_space<vmem>>) semaphore(%arg20 : memref<!tpu.dma_semaphore, #tpu.memory_space<semaphore_mem>>)
          %add3A_235 = arith.constant 128 : i32
          %add3A_236 = arith.addi %mul3A_225, %add3A_235 : i32
          %dma_start3A_237 = arith.constant 128 : i32
          %dma_start3A_238 = arith.constant 0 : i32
          %dma_start3A_239 = tpu.memref_slice %arg14[%dma_start3A_237, %dma_start3A_238] : memref<256x64xf32, #tpu.memory_space<vmem>> -> memref<128x64xf32, #tpu.memory_space<vmem>>
          %dma_start3A_240 = tpu.memref_slice %arg9[%add3A_236] : memref<10752xi32, #tpu.memory_space<vmem>> -> memref<128xi32, #tpu.memory_space<vmem>>
          %dma_start3A_241 = arith.constant 0 : i32
          %dma_start3A_242 = arith.constant 0 : i32
          %dma_start3A_243 = tpu.memref_slice %arg5[%dma_start3A_241, %dma_start3A_242] : memref<2000000x64xf32, #tpu.memory_space<hbm>> -> memref<2000000x64xf32, #tpu.memory_space<hbm>>
          tpu.enqueue_indirect_dma source(%dma_start3A_243 : memref<2000000x64xf32, #tpu.memory_space<hbm>>) target(%dma_start3A_239 : memref<128x64xf32, #tpu.memory_space<vmem>>) offsets(%dma_start3A_240 : memref<128xi32, #tpu.memory_space<vmem>>) semaphore(%arg20 : memref<!tpu.dma_semaphore, #tpu.memory_space<semaphore_mem>>)
        } else {
        }
        %scan3A_205 = arith.constant 0 : i32
        %scan3A_206 = arith.constant 0 : i32
        %scan3A_207 = arith.constant 16 : i32
        %scan3A_208 = arith.addi %scan3A_206, %scan3A_207 : i32
        %scan3A_209 = arith.constant 1 : i32
        scf.for %scan3A_220 = %scan3A_206 to %scan3A_208 step %scan3A_209  : i32 {
          %mul3A_221 = arith.constant 16 : i32
          %mul3A_222 = arith.muli %scan3A_220, %mul3A_221 : i32
          %add3A_223 = vector.broadcast %mul3A_222 : i32 to vector<16xi32>
          %add3A_224 = arith.addi %add3A_223, %iota3A : vector<16xi32>
          %mul3A_225 = arith.constant 256 : i32
          %mul3A_226 = arith.muli %add3A_185, %mul3A_225 : i32
          %add3A_227 = vector.broadcast %mul3A_226 : i32 to vector<16xi32>
          %add3A_228 = arith.addi %add3A_227, %add3A_224 : vector<16xi32>
          %lt3A_229 = arith.constant 512 : i32
          %lt3A_230 = vector.broadcast %lt3A_229 : i32 to vector<16xi32>
          %lt3A_231 = arith.cmpi slt, %add3A_228, %lt3A_230 : vector<16xi32>
          %sub3A_232 = arith.constant 512 : i32
          %sub3A_233 = vector.broadcast %sub3A_232 : i32 to vector<16xi32>
          %sub3A_234 = arith.subi %add3A_228, %sub3A_233 : vector<16xi32>
          %jit3A = arith.constant 20 : i32
          %div3A = vector.broadcast %jit3A : i32 to vector<16xi32>
          %div3A_235 = arith.divsi %sub3A_234, %div3A : vector<16xi32>
          %sign3A = arith.constant 0 : i32
          %sign3A_236 = vector.broadcast %sign3A : i32 to vector<16xi32>
          %sign3A_237 = arith.cmpi sgt, %sub3A_234, %sign3A_236 : vector<16xi32>
          %sign3A_238 = arith.extui %sign3A_237 : vector<16xi1> to vector<16xi32>
          %sign3A_239 = arith.constant 0 : i32
          %sign3A_240 = vector.broadcast %sign3A_239 : i32 to vector<16xi32>
          %sign3A_241 = arith.cmpi slt, %sub3A_234, %sign3A_240 : vector<16xi32>
          %sign3A_242 = arith.extui %sign3A_241 : vector<16xi1> to vector<16xi32>
          %sign3A_243 = arith.subi %sign3A_238, %sign3A_242 : vector<16xi32>
          %sign3A_244 = arith.constant 0 : i32
          %sign3A_245 = arith.cmpi sgt, %jit3A, %sign3A_244 : i32
          %sign3A_246 = arith.extui %sign3A_245 : i1 to i32
          %sign3A_247 = arith.constant 0 : i32
          %sign3A_248 = arith.cmpi slt, %jit3A, %sign3A_247 : i32
          %sign3A_249 = arith.extui %sign3A_248 : i1 to i32
          %sign3A_250 = arith.subi %sign3A_246, %sign3A_249 : i32
          %ne3A = vector.broadcast %sign3A_250 : i32 to vector<16xi32>
          %ne3A_251 = arith.cmpi ne, %sign3A_243, %ne3A : vector<16xi32>
          %rem3A = vector.broadcast %jit3A : i32 to vector<16xi32>
          %rem3A_252 = arith.remsi %sub3A_234, %rem3A : vector<16xi32>
          %ne3A_253 = arith.constant 0 : i32
          %ne3A_254 = vector.broadcast %ne3A_253 : i32 to vector<16xi32>
          %ne3A_255 = arith.cmpi ne, %rem3A_252, %ne3A_254 : vector<16xi32>
          %and3A = arith.andi %ne3A_251, %ne3A_255 : vector<16xi1>
          %sub3A_256 = arith.constant 1 : i32
          %sub3A_257 = vector.broadcast %sub3A_256 : i32 to vector<16xi32>
          %sub3A_258 = arith.subi %div3A_235, %sub3A_257 : vector<16xi32>
          %select_n3A = arith.select %and3A, %sub3A_258, %div3A_235 : vector<16xi1>, vector<16xi32>
          %select_n3A_259 = arith.select %lt3A_231, %add3A_228, %select_n3A : vector<16xi1>, vector<16xi32>
          %broadcast_in_dim3A = arith.constant 0 : i32
          %broadcast_in_dim3A_260 = vector.broadcast %broadcast_in_dim3A : i32 to vector<16xi32>
          %broadcast_in_dim3A_261 = arith.constant 0.000000e+00 : f32
          %broadcast_in_dim3A_262 = vector.broadcast %broadcast_in_dim3A_261 : f32 to vector<16xf32>
          %broadcast_in_dim3A_263 = arith.constant 0.000000e+00 : f32
          %broadcast_in_dim3A_264 = vector.broadcast %broadcast_in_dim3A_263 : f32 to vector<16xf32>
          %broadcast_in_dim3A_265 = arith.constant 0.000000e+00 : f32
          %broadcast_in_dim3A_266 = vector.broadcast %broadcast_in_dim3A_265 : f32 to vector<16xf32>
          %broadcast_in_dim3A_267 = arith.constant 0.000000e+00 : f32
          %broadcast_in_dim3A_268 = vector.broadcast %broadcast_in_dim3A_267 : f32 to vector<16xf32>
          %gather3A = tpu.vector_load_idx %arg15[%add3A_224, %broadcast_in_dim3A_260] : memref<256x64xf32, #tpu.memory_space<vmem>>[vector<16xi32>, vector<16xi32>], vector<16xf32>,
          %gather3A_269 = tpu.vector_load_idx %arg10[%select_n3A_259, %broadcast_in_dim3A_260] : memref<512x64xf32, #tpu.memory_space<vmem>>[vector<16xi32>, vector<16xi32>], vector<16xf32>,
          %mul3A_270 = arith.mulf %gather3A, %gather3A_269 : vector<16xf32>
          %add3A_271 = arith.addf %broadcast_in_dim3A_262, %mul3A_270 : vector<16xf32>
          %add3A_272 = arith.constant 1 : i32
          %add3A_273 = vector.broadcast %add3A_272 : i32 to vector<16xi32>
          %add3A_274 = arith.addi %broadcast_in_dim3A_260, %add3A_273 : vector<16xi32>
          %gather3A_275 = tpu.vector_load_idx %arg15[%add3A_224, %add3A_274] : memref<256x64xf32, #tpu.memory_space<vmem>>[vector<16xi32>, vector<16xi32>], vector<16xf32>,
          %gather3A_276 = tpu.vector_load_idx %arg10[%select_n3A_259, %add3A_274] : memref<512x64xf32, #tpu.memory_space<vmem>>[vector<16xi32>, vector<16xi32>], vector<16xf32>,
          %mul3A_277 = arith.mulf %gather3A_275, %gather3A_276 : vector<16xf32>
          %add3A_278 = arith.addf %broadcast_in_dim3A_264, %mul3A_277 : vector<16xf32>
          %add3A_279 = arith.constant 1 : i32
          %add3A_280 = vector.broadcast %add3A_279 : i32 to vector<16xi32>
          %add3A_281 = arith.addi %add3A_274, %add3A_280 : vector<16xi32>
          %gather3A_282 = tpu.vector_load_idx %arg15[%add3A_224, %add3A_281] : memref<256x64xf32, #tpu.memory_space<vmem>>[vector<16xi32>, vector<16xi32>], vector<16xf32>,
          %gather3A_283 = tpu.vector_load_idx %arg10[%select_n3A_259, %add3A_281] : memref<512x64xf32, #tpu.memory_space<vmem>>[vector<16xi32>, vector<16xi32>], vector<16xf32>,
          %mul3A_284 = arith.mulf %gather3A_282, %gather3A_283 : vector<16xf32>
          %add3A_285 = arith.addf %broadcast_in_dim3A_266, %mul3A_284 : vector<16xf32>
          %add3A_286 = arith.constant 1 : i32
          %add3A_287 = vector.broadcast %add3A_286 : i32 to vector<16xi32>
          %add3A_288 = arith.addi %add3A_281, %add3A_287 : vector<16xi32>
          %gather3A_289 = tpu.vector_load_idx %arg15[%add3A_224, %add3A_288] : memref<256x64xf32, #tpu.memory_space<vmem>>[vector<16xi32>, vector<16xi32>], vector<16xf32>,
          %gather3A_290 = tpu.vector_load_idx %arg10[%select_n3A_259, %add3A_288] : memref<512x64xf32, #tpu.memory_space<vmem>>[vector<16xi32>, vector<16xi32>], vector<16xf32>,
          %mul3A_291 = arith.mulf %gather3A_289, %gather3A_290 : vector<16xf32>
          %add3A_292 = arith.addf %broadcast_in_dim3A_268, %mul3A_291 : vector<16xf32>
          %add3A_293 = arith.constant 1 : i32
          %add3A_294 = vector.broadcast %add3A_293 : i32 to vector<16xi32>
          %add3A_295 = arith.addi %add3A_288, %add3A_294 : vector<16xi32>
          %gather3A_296 = tpu.vector_load_idx %arg15[%add3A_224, %add3A_295] : memref<256x64xf32, #tpu.memory_space<vmem>>[vector<16xi32>, vector<16xi32>], vector<16xf32>,
          %gather3A_297 = tpu.vector_load_idx %arg10[%select_n3A_259, %add3A_295] : memref<512x64xf32, #tpu.memory_space<vmem>>[vector<16xi32>, vector<16xi32>], vector<16xf32>,
          %mul3A_298 = arith.mulf %gather3A_296, %gather3A_297 : vector<16xf32>
          %add3A_299 = arith.addf %add3A_271, %mul3A_298 : vector<16xf32>
          %add3A_300 = arith.constant 1 : i32
          %add3A_301 = vector.broadcast %add3A_300 : i32 to vector<16xi32>
          %add3A_302 = arith.addi %add3A_295, %add3A_301 : vector<16xi32>
          %gather3A_303 = tpu.vector_load_idx %arg15[%add3A_224, %add3A_302] : memref<256x64xf32, #tpu.memory_space<vmem>>[vector<16xi32>, vector<16xi32>], vector<16xf32>,
          %gather3A_304 = tpu.vector_load_idx %arg10[%select_n3A_259, %add3A_302] : memref<512x64xf32, #tpu.memory_space<vmem>>[vector<16xi32>, vector<16xi32>], vector<16xf32>,
          %mul3A_305 = arith.mulf %gather3A_303, %gather3A_304 : vector<16xf32>
          %add3A_306 = arith.addf %add3A_278, %mul3A_305 : vector<16xf32>
          %add3A_307 = arith.constant 1 : i32
          %add3A_308 = vector.broadcast %add3A_307 : i32 to vector<16xi32>
          %add3A_309 = arith.addi %add3A_302, %add3A_308 : vector<16xi32>
          %gather3A_310 = tpu.vector_load_idx %arg15[%add3A_224, %add3A_309] : memref<256x64xf32, #tpu.memory_space<vmem>>[vector<16xi32>, vector<16xi32>], vector<16xf32>,
          %gather3A_311 = tpu.vector_load_idx %arg10[%select_n3A_259, %add3A_309] : memref<512x64xf32, #tpu.memory_space<vmem>>[vector<16xi32>, vector<16xi32>], vector<16xf32>,
          %mul3A_312 = arith.mulf %gather3A_310, %gather3A_311 : vector<16xf32>
          %add3A_313 = arith.addf %add3A_285, %mul3A_312 : vector<16xf32>
          %add3A_314 = arith.constant 1 : i32
          %add3A_315 = vector.broadcast %add3A_314 : i32 to vector<16xi32>
          %add3A_316 = arith.addi %add3A_309, %add3A_315 : vector<16xi32>
          %gather3A_317 = tpu.vector_load_idx %arg15[%add3A_224, %add3A_316] : memref<256x64xf32, #tpu.memory_space<vmem>>[vector<16xi32>, vector<16xi32>], vector<16xf32>,
          %gather3A_318 = tpu.vector_load_idx %arg10[%select_n3A_259, %add3A_316] : memref<512x64xf32, #tpu.memory_space<vmem>>[vector<16xi32>, vector<16xi32>], vector<16xf32>,
          %mul3A_319 = arith.mulf %gather3A_317, %gather3A_318 : vector<16xf32>
          %add3A_320 = arith.addf %add3A_292, %mul3A_319 : vector<16xf32>
          %add3A_321 = arith.constant 1 : i32
          %add3A_322 = vector.broadcast %add3A_321 : i32 to vector<16xi32>
          %add3A_323 = arith.addi %add3A_316, %add3A_322 : vector<16xi32>
          %gather3A_324 = tpu.vector_load_idx %arg15[%add3A_224, %add3A_323] : memref<256x64xf32, #tpu.memory_space<vmem>>[vector<16xi32>, vector<16xi32>], vector<16xf32>,
          %gather3A_325 = tpu.vector_load_idx %arg10[%select_n3A_259, %add3A_323] : memref<512x64xf32, #tpu.memory_space<vmem>>[vector<16xi32>, vector<16xi32>], vector<16xf32>,
          %mul3A_326 = arith.mulf %gather3A_324, %gather3A_325 : vector<16xf32>
          %add3A_327 = arith.addf %add3A_299, %mul3A_326 : vector<16xf32>
          %add3A_328 = arith.constant 1 : i32
          %add3A_329 = vector.broadcast %add3A_328 : i32 to vector<16xi32>
          %add3A_330 = arith.addi %add3A_323, %add3A_329 : vector<16xi32>
          %gather3A_331 = tpu.vector_load_idx %arg15[%add3A_224, %add3A_330] : memref<256x64xf32, #tpu.memory_space<vmem>>[vector<16xi32>, vector<16xi32>], vector<16xf32>,
          %gather3A_332 = tpu.vector_load_idx %arg10[%select_n3A_259, %add3A_330] : memref<512x64xf32, #tpu.memory_space<vmem>>[vector<16xi32>, vector<16xi32>], vector<16xf32>,
          %mul3A_333 = arith.mulf %gather3A_331, %gather3A_332 : vector<16xf32>
          %add3A_334 = arith.addf %add3A_306, %mul3A_333 : vector<16xf32>
          %add3A_335 = arith.constant 1 : i32
          %add3A_336 = vector.broadcast %add3A_335 : i32 to vector<16xi32>
          %add3A_337 = arith.addi %add3A_330, %add3A_336 : vector<16xi32>
          %gather3A_338 = tpu.vector_load_idx %arg15[%add3A_224, %add3A_337] : memref<256x64xf32, #tpu.memory_space<vmem>>[vector<16xi32>, vector<16xi32>], vector<16xf32>,
          %gather3A_339 = tpu.vector_load_idx %arg10[%select_n3A_259, %add3A_337] : memref<512x64xf32, #tpu.memory_space<vmem>>[vector<16xi32>, vector<16xi32>], vector<16xf32>,
          %mul3A_340 = arith.mulf %gather3A_338, %gather3A_339 : vector<16xf32>
          %add3A_341 = arith.addf %add3A_313, %mul3A_340 : vector<16xf32>
          %add3A_342 = arith.constant 1 : i32
          %add3A_343 = vector.broadcast %add3A_342 : i32 to vector<16xi32>
          %add3A_344 = arith.addi %add3A_337, %add3A_343 : vector<16xi32>
          %gather3A_345 = tpu.vector_load_idx %arg15[%add3A_224, %add3A_344] : memref<256x64xf32, #tpu.memory_space<vmem>>[vector<16xi32>, vector<16xi32>], vector<16xf32>,
          %gather3A_346 = tpu.vector_load_idx %arg10[%select_n3A_259, %add3A_344] : memref<512x64xf32, #tpu.memory_space<vmem>>[vector<16xi32>, vector<16xi32>], vector<16xf32>,
          %mul3A_347 = arith.mulf %gather3A_345, %gather3A_346 : vector<16xf32>
          %add3A_348 = arith.addf %add3A_320, %mul3A_347 : vector<16xf32>
          %add3A_349 = arith.constant 1 : i32
          %add3A_350 = vector.broadcast %add3A_349 : i32 to vector<16xi32>
          %add3A_351 = arith.addi %add3A_344, %add3A_350 : vector<16xi32>
          %gather3A_352 = tpu.vector_load_idx %arg15[%add3A_224, %add3A_351] : memref<256x64xf32, #tpu.memory_space<vmem>>[vector<16xi32>, vector<16xi32>], vector<16xf32>,
          %gather3A_353 = tpu.vector_load_idx %arg10[%select_n3A_259, %add3A_351] : memref<512x64xf32, #tpu.memory_space<vmem>>[vector<16xi32>, vector<16xi32>], vector<16xf32>,
          %mul3A_354 = arith.mulf %gather3A_352, %gather3A_353 : vector<16xf32>
          %add3A_355 = arith.addf %add3A_327, %mul3A_354 : vector<16xf32>
          %add3A_356 = arith.constant 1 : i32
          %add3A_357 = vector.broadcast %add3A_356 : i32 to vector<16xi32>
          %add3A_358 = arith.addi %add3A_351, %add3A_357 : vector<16xi32>
          %gather3A_359 = tpu.vector_load_idx %arg15[%add3A_224, %add3A_358] : memref<256x64xf32, #tpu.memory_space<vmem>>[vector<16xi32>, vector<16xi32>], vector<16xf32>,
          %gather3A_360 = tpu.vector_load_idx %arg10[%select_n3A_259, %add3A_358] : memref<512x64xf32, #tpu.memory_space<vmem>>[vector<16xi32>, vector<16xi32>], vector<16xf32>,
          %mul3A_361 = arith.mulf %gather3A_359, %gather3A_360 : vector<16xf32>
          %add3A_362 = arith.addf %add3A_334, %mul3A_361 : vector<16xf32>
          %add3A_363 = arith.constant 1 : i32
          %add3A_364 = vector.broadcast %add3A_363 : i32 to vector<16xi32>
          %add3A_365 = arith.addi %add3A_358, %add3A_364 : vector<16xi32>
          %gather3A_366 = tpu.vector_load_idx %arg15[%add3A_224, %add3A_365] : memref<256x64xf32, #tpu.memory_space<vmem>>[vector<16xi32>, vector<16xi32>], vector<16xf32>,
          %gather3A_367 = tpu.vector_load_idx %arg10[%select_n3A_259, %add3A_365] : memref<512x64xf32, #tpu.memory_space<vmem>>[vector<16xi32>, vector<16xi32>], vector<16xf32>,
          %mul3A_368 = arith.mulf %gather3A_366, %gather3A_367 : vector<16xf32>
          %add3A_369 = arith.addf %add3A_341, %mul3A_368 : vector<16xf32>
          %add3A_370 = arith.constant 1 : i32
          %add3A_371 = vector.broadcast %add3A_370 : i32 to vector<16xi32>
          %add3A_372 = arith.addi %add3A_365, %add3A_371 : vector<16xi32>
          %gather3A_373 = tpu.vector_load_idx %arg15[%add3A_224, %add3A_372] : memref<256x64xf32, #tpu.memory_space<vmem>>[vector<16xi32>, vector<16xi32>], vector<16xf32>,
          %gather3A_374 = tpu.vector_load_idx %arg10[%select_n3A_259, %add3A_372] : memref<512x64xf32, #tpu.memory_space<vmem>>[vector<16xi32>, vector<16xi32>], vector<16xf32>,
          %mul3A_375 = arith.mulf %gather3A_373, %gather3A_374 : vector<16xf32>
          %add3A_376 = arith.addf %add3A_348, %mul3A_375 : vector<16xf32>
          %add3A_377 = arith.constant 1 : i32
          %add3A_378 = vector.broadcast %add3A_377 : i32 to vector<16xi32>
          %add3A_379 = arith.addi %add3A_372, %add3A_378 : vector<16xi32>
          %gather3A_380 = tpu.vector_load_idx %arg15[%add3A_224, %add3A_379] : memref<256x64xf32, #tpu.memory_space<vmem>>[vector<16xi32>, vector<16xi32>], vector<16xf32>,
          %gather3A_381 = tpu.vector_load_idx %arg10[%select_n3A_259, %add3A_379] : memref<512x64xf32, #tpu.memory_space<vmem>>[vector<16xi32>, vector<16xi32>], vector<16xf32>,
          %mul3A_382 = arith.mulf %gather3A_380, %gather3A_381 : vector<16xf32>
          %add3A_383 = arith.addf %add3A_355, %mul3A_382 : vector<16xf32>
          %add3A_384 = arith.constant 1 : i32
          %add3A_385 = vector.broadcast %add3A_384 : i32 to vector<16xi32>
          %add3A_386 = arith.addi %add3A_379, %add3A_385 : vector<16xi32>
          %gather3A_387 = tpu.vector_load_idx %arg15[%add3A_224, %add3A_386] : memref<256x64xf32, #tpu.memory_space<vmem>>[vector<16xi32>, vector<16xi32>], vector<16xf32>,
          %gather3A_388 = tpu.vector_load_idx %arg10[%select_n3A_259, %add3A_386] : memref<512x64xf32, #tpu.memory_space<vmem>>[vector<16xi32>, vector<16xi32>], vector<16xf32>,
          %mul3A_389 = arith.mulf %gather3A_387, %gather3A_388 : vector<16xf32>
          %add3A_390 = arith.addf %add3A_362, %mul3A_389 : vector<16xf32>
          %add3A_391 = arith.constant 1 : i32
          %add3A_392 = vector.broadcast %add3A_391 : i32 to vector<16xi32>
          %add3A_393 = arith.addi %add3A_386, %add3A_392 : vector<16xi32>
          %gather3A_394 = tpu.vector_load_idx %arg15[%add3A_224, %add3A_393] : memref<256x64xf32, #tpu.memory_space<vmem>>[vector<16xi32>, vector<16xi32>], vector<16xf32>,
          %gather3A_395 = tpu.vector_load_idx %arg10[%select_n3A_259, %add3A_393] : memref<512x64xf32, #tpu.memory_space<vmem>>[vector<16xi32>, vector<16xi32>], vector<16xf32>,
          %mul3A_396 = arith.mulf %gather3A_394, %gather3A_395 : vector<16xf32>
          %add3A_397 = arith.addf %add3A_369, %mul3A_396 : vector<16xf32>
          %add3A_398 = arith.constant 1 : i32
          %add3A_399 = vector.broadcast %add3A_398 : i32 to vector<16xi32>
          %add3A_400 = arith.addi %add3A_393, %add3A_399 : vector<16xi32>
          %gather3A_401 = tpu.vector_load_idx %arg15[%add3A_224, %add3A_400] : memref<256x64xf32, #tpu.memory_space<vmem>>[vector<16xi32>, vector<16xi32>], vector<16xf32>,
          %gather3A_402 = tpu.vector_load_idx %arg10[%select_n3A_259, %add3A_400] : memref<512x64xf32, #tpu.memory_space<vmem>>[vector<16xi32>, vector<16xi32>], vector<16xf32>,
          %mul3A_403 = arith.mulf %gather3A_401, %gather3A_402 : vector<16xf32>
          %add3A_404 = arith.addf %add3A_376, %mul3A_403 : vector<16xf32>
          %add3A_405 = arith.constant 1 : i32
          %add3A_406 = vector.broadcast %add3A_405 : i32 to vector<16xi32>
          %add3A_407 = arith.addi %add3A_400, %add3A_406 : vector<16xi32>
          %gather3A_408 = tpu.vector_load_idx %arg15[%add3A_224, %add3A_407] : memref<256x64xf32, #tpu.memory_space<vmem>>[vector<16xi32>, vector<16xi32>], vector<16xf32>,
          %gather3A_409 = tpu.vector_load_idx %arg10[%select_n3A_259, %add3A_407] : memref<512x64xf32, #tpu.memory_space<vmem>>[vector<16xi32>, vector<16xi32>], vector<16xf32>,
          %mul3A_410 = arith.mulf %gather3A_408, %gather3A_409 : vector<16xf32>
          %add3A_411 = arith.addf %add3A_383, %mul3A_410 : vector<16xf32>
          %add3A_412 = arith.constant 1 : i32
          %add3A_413 = vector.broadcast %add3A_412 : i32 to vector<16xi32>
          %add3A_414 = arith.addi %add3A_407, %add3A_413 : vector<16xi32>
          %gather3A_415 = tpu.vector_load_idx %arg15[%add3A_224, %add3A_414] : memref<256x64xf32, #tpu.memory_space<vmem>>[vector<16xi32>, vector<16xi32>], vector<16xf32>,
          %gather3A_416 = tpu.vector_load_idx %arg10[%select_n3A_259, %add3A_414] : memref<512x64xf32, #tpu.memory_space<vmem>>[vector<16xi32>, vector<16xi32>], vector<16xf32>,
          %mul3A_417 = arith.mulf %gather3A_415, %gather3A_416 : vector<16xf32>
          %add3A_418 = arith.addf %add3A_390, %mul3A_417 : vector<16xf32>
          %add3A_419 = arith.constant 1 : i32
          %add3A_420 = vector.broadcast %add3A_419 : i32 to vector<16xi32>
          %add3A_421 = arith.addi %add3A_414, %add3A_420 : vector<16xi32>
          %gather3A_422 = tpu.vector_load_idx %arg15[%add3A_224, %add3A_421] : memref<256x64xf32, #tpu.memory_space<vmem>>[vector<16xi32>, vector<16xi32>], vector<16xf32>,
          %gather3A_423 = tpu.vector_load_idx %arg10[%select_n3A_259, %add3A_421] : memref<512x64xf32, #tpu.memory_space<vmem>>[vector<16xi32>, vector<16xi32>], vector<16xf32>,
          %mul3A_424 = arith.mulf %gather3A_422, %gather3A_423 : vector<16xf32>
          %add3A_425 = arith.addf %add3A_397, %mul3A_424 : vector<16xf32>
          %add3A_426 = arith.constant 1 : i32
          %add3A_427 = vector.broadcast %add3A_426 : i32 to vector<16xi32>
          %add3A_428 = arith.addi %add3A_421, %add3A_427 : vector<16xi32>
          %gather3A_429 = tpu.vector_load_idx %arg15[%add3A_224, %add3A_428] : memref<256x64xf32, #tpu.memory_space<vmem>>[vector<16xi32>, vector<16xi32>], vector<16xf32>,
          %gather3A_430 = tpu.vector_load_idx %arg10[%select_n3A_259, %add3A_428] : memref<512x64xf32, #tpu.memory_space<vmem>>[vector<16xi32>, vector<16xi32>], vector<16xf32>,
          %mul3A_431 = arith.mulf %gather3A_429, %gather3A_430 : vector<16xf32>
          %add3A_432 = arith.addf %add3A_404, %mul3A_431 : vector<16xf32>
          %add3A_433 = arith.constant 1 : i32
          %add3A_434 = vector.broadcast %add3A_433 : i32 to vector<16xi32>
          %add3A_435 = arith.addi %add3A_428, %add3A_434 : vector<16xi32>
          %gather3A_436 = tpu.vector_load_idx %arg15[%add3A_224, %add3A_435] : memref<256x64xf32, #tpu.memory_space<vmem>>[vector<16xi32>, vector<16xi32>], vector<16xf32>,
          %gather3A_437 = tpu.vector_load_idx %arg10[%select_n3A_259, %add3A_435] : memref<512x64xf32, #tpu.memory_space<vmem>>[vector<16xi32>, vector<16xi32>], vector<16xf32>,
          %mul3A_438 = arith.mulf %gather3A_436, %gather3A_437 : vector<16xf32>
          %add3A_439 = arith.addf %add3A_411, %mul3A_438 : vector<16xf32>
          %add3A_440 = arith.constant 1 : i32
          %add3A_441 = vector.broadcast %add3A_440 : i32 to vector<16xi32>
          %add3A_442 = arith.addi %add3A_435, %add3A_441 : vector<16xi32>
          %gather3A_443 = tpu.vector_load_idx %arg15[%add3A_224, %add3A_442] : memref<256x64xf32, #tpu.memory_space<vmem>>[vector<16xi32>, vector<16xi32>], vector<16xf32>,
          %gather3A_444 = tpu.vector_load_idx %arg10[%select_n3A_259, %add3A_442] : memref<512x64xf32, #tpu.memory_space<vmem>>[vector<16xi32>, vector<16xi32>], vector<16xf32>,
          %mul3A_445 = arith.mulf %gather3A_443, %gather3A_444 : vector<16xf32>
          %add3A_446 = arith.addf %add3A_418, %mul3A_445 : vector<16xf32>
          %add3A_447 = arith.constant 1 : i32
          %add3A_448 = vector.broadcast %add3A_447 : i32 to vector<16xi32>
          %add3A_449 = arith.addi %add3A_442, %add3A_448 : vector<16xi32>
          %gather3A_450 = tpu.vector_load_idx %arg15[%add3A_224, %add3A_449] : memref<256x64xf32, #tpu.memory_space<vmem>>[vector<16xi32>, vector<16xi32>], vector<16xf32>,
          %gather3A_451 = tpu.vector_load_idx %arg10[%select_n3A_259, %add3A_449] : memref<512x64xf32, #tpu.memory_space<vmem>>[vector<16xi32>, vector<16xi32>], vector<16xf32>,
          %mul3A_452 = arith.mulf %gather3A_450, %gather3A_451 : vector<16xf32>
          %add3A_453 = arith.addf %add3A_425, %mul3A_452 : vector<16xf32>
          %add3A_454 = arith.constant 1 : i32
          %add3A_455 = vector.broadcast %add3A_454 : i32 to vector<16xi32>
          %add3A_456 = arith.addi %add3A_449, %add3A_455 : vector<16xi32>
          %gather3A_457 = tpu.vector_load_idx %arg15[%add3A_224, %add3A_456] : memref<256x64xf32, #tpu.memory_space<vmem>>[vector<16xi32>, vector<16xi32>], vector<16xf32>,
          %gather3A_458 = tpu.vector_load_idx %arg10[%select_n3A_259, %add3A_456] : memref<512x64xf32, #tpu.memory_space<vmem>>[vector<16xi32>, vector<16xi32>], vector<16xf32>,
          %mul3A_459 = arith.mulf %gather3A_457, %gather3A_458 : vector<16xf32>
          %add3A_460 = arith.addf %add3A_432, %mul3A_459 : vector<16xf32>
          %add3A_461 = arith.constant 1 : i32
          %add3A_462 = vector.broadcast %add3A_461 : i32 to vector<16xi32>
          %add3A_463 = arith.addi %add3A_456, %add3A_462 : vector<16xi32>
          %gather3A_464 = tpu.vector_load_idx %arg15[%add3A_224, %add3A_463] : memref<256x64xf32, #tpu.memory_space<vmem>>[vector<16xi32>, vector<16xi32>], vector<16xf32>,
          %gather3A_465 = tpu.vector_load_idx %arg10[%select_n3A_259, %add3A_463] : memref<512x64xf32, #tpu.memory_space<vmem>>[vector<16xi32>, vector<16xi32>], vector<16xf32>,
          %mul3A_466 = arith.mulf %gather3A_464, %gather3A_465 : vector<16xf32>
          %add3A_467 = arith.addf %add3A_439, %mul3A_466 : vector<16xf32>
          %add3A_468 = arith.constant 1 : i32
          %add3A_469 = vector.broadcast %add3A_468 : i32 to vector<16xi32>
          %add3A_470 = arith.addi %add3A_463, %add3A_469 : vector<16xi32>
          %gather3A_471 = tpu.vector_load_idx %arg15[%add3A_224, %add3A_470] : memref<256x64xf32, #tpu.memory_space<vmem>>[vector<16xi32>, vector<16xi32>], vector<16xf32>,
          %gather3A_472 = tpu.vector_load_idx %arg10[%select_n3A_259, %add3A_470] : memref<512x64xf32, #tpu.memory_space<vmem>>[vector<16xi32>, vector<16xi32>], vector<16xf32>,
          %mul3A_473 = arith.mulf %gather3A_471, %gather3A_472 : vector<16xf32>
          %add3A_474 = arith.addf %add3A_446, %mul3A_473 : vector<16xf32>
          %add3A_475 = arith.constant 1 : i32
          %add3A_476 = vector.broadcast %add3A_475 : i32 to vector<16xi32>
          %add3A_477 = arith.addi %add3A_470, %add3A_476 : vector<16xi32>
          %gather3A_478 = tpu.vector_load_idx %arg15[%add3A_224, %add3A_477] : memref<256x64xf32, #tpu.memory_space<vmem>>[vector<16xi32>, vector<16xi32>], vector<16xf32>,
          %gather3A_479 = tpu.vector_load_idx %arg10[%select_n3A_259, %add3A_477] : memref<512x64xf32, #tpu.memory_space<vmem>>[vector<16xi32>, vector<16xi32>], vector<16xf32>,
          %mul3A_480 = arith.mulf %gather3A_478, %gather3A_479 : vector<16xf32>
          %add3A_481 = arith.addf %add3A_453, %mul3A_480 : vector<16xf32>
          %add3A_482 = arith.constant 1 : i32
          %add3A_483 = vector.broadcast %add3A_482 : i32 to vector<16xi32>
          %add3A_484 = arith.addi %add3A_477, %add3A_483 : vector<16xi32>
          %gather3A_485 = tpu.vector_load_idx %arg15[%add3A_224, %add3A_484] : memref<256x64xf32, #tpu.memory_space<vmem>>[vector<16xi32>, vector<16xi32>], vector<16xf32>,
          %gather3A_486 = tpu.vector_load_idx %arg10[%select_n3A_259, %add3A_484] : memref<512x64xf32, #tpu.memory_space<vmem>>[vector<16xi32>, vector<16xi32>], vector<16xf32>,
          %mul3A_487 = arith.mulf %gather3A_485, %gather3A_486 : vector<16xf32>
          %add3A_488 = arith.addf %add3A_460, %mul3A_487 : vector<16xf32>
          %add3A_489 = arith.constant 1 : i32
          %add3A_490 = vector.broadcast %add3A_489 : i32 to vector<16xi32>
          %add3A_491 = arith.addi %add3A_484, %add3A_490 : vector<16xi32>
          %gather3A_492 = tpu.vector_load_idx %arg15[%add3A_224, %add3A_491] : memref<256x64xf32, #tpu.memory_space<vmem>>[vector<16xi32>, vector<16xi32>], vector<16xf32>,
          %gather3A_493 = tpu.vector_load_idx %arg10[%select_n3A_259, %add3A_491] : memref<512x64xf32, #tpu.memory_space<vmem>>[vector<16xi32>, vector<16xi32>], vector<16xf32>,
          %mul3A_494 = arith.mulf %gather3A_492, %gather3A_493 : vector<16xf32>
          %add3A_495 = arith.addf %add3A_467, %mul3A_494 : vector<16xf32>
          %add3A_496 = arith.constant 1 : i32
          %add3A_497 = vector.broadcast %add3A_496 : i32 to vector<16xi32>
          %add3A_498 = arith.addi %add3A_491, %add3A_497 : vector<16xi32>
          %gather3A_499 = tpu.vector_load_idx %arg15[%add3A_224, %add3A_498] : memref<256x64xf32, #tpu.memory_space<vmem>>[vector<16xi32>, vector<16xi32>], vector<16xf32>,
          %gather3A_500 = tpu.vector_load_idx %arg10[%select_n3A_259, %add3A_498] : memref<512x64xf32, #tpu.memory_space<vmem>>[vector<16xi32>, vector<16xi32>], vector<16xf32>,
          %mul3A_501 = arith.mulf %gather3A_499, %gather3A_500 : vector<16xf32>
          %add3A_502 = arith.addf %add3A_474, %mul3A_501 : vector<16xf32>
          %add3A_503 = arith.constant 1 : i32
          %add3A_504 = vector.broadcast %add3A_503 : i32 to vector<16xi32>
          %add3A_505 = arith.addi %add3A_498, %add3A_504 : vector<16xi32>
          %gather3A_506 = tpu.vector_load_idx %arg15[%add3A_224, %add3A_505] : memref<256x64xf32, #tpu.memory_space<vmem>>[vector<16xi32>, vector<16xi32>], vector<16xf32>,
          %gather3A_507 = tpu.vector_load_idx %arg10[%select_n3A_259, %add3A_505] : memref<512x64xf32, #tpu.memory_space<vmem>>[vector<16xi32>, vector<16xi32>], vector<16xf32>,
          %mul3A_508 = arith.mulf %gather3A_506, %gather3A_507 : vector<16xf32>
          %add3A_509 = arith.addf %add3A_481, %mul3A_508 : vector<16xf32>
          %add3A_510 = arith.constant 1 : i32
          %add3A_511 = vector.broadcast %add3A_510 : i32 to vector<16xi32>
          %add3A_512 = arith.addi %add3A_505, %add3A_511 : vector<16xi32>
          %gather3A_513 = tpu.vector_load_idx %arg15[%add3A_224, %add3A_512] : memref<256x64xf32, #tpu.memory_space<vmem>>[vector<16xi32>, vector<16xi32>], vector<16xf32>,
          %gather3A_514 = tpu.vector_load_idx %arg10[%select_n3A_259, %add3A_512] : memref<512x64xf32, #tpu.memory_space<vmem>>[vector<16xi32>, vector<16xi32>], vector<16xf32>,
          %mul3A_515 = arith.mulf %gather3A_513, %gather3A_514 : vector<16xf32>
          %add3A_516 = arith.addf %add3A_488, %mul3A_515 : vector<16xf32>
          %add3A_517 = arith.constant 1 : i32
          %add3A_518 = vector.broadcast %add3A_517 : i32 to vector<16xi32>
          %add3A_519 = arith.addi %add3A_512, %add3A_518 : vector<16xi32>
          %gather3A_520 = tpu.vector_load_idx %arg15[%add3A_224, %add3A_519] : memref<256x64xf32, #tpu.memory_space<vmem>>[vector<16xi32>, vector<16xi32>], vector<16xf32>,
          %gather3A_521 = tpu.vector_load_idx %arg10[%select_n3A_259, %add3A_519] : memref<512x64xf32, #tpu.memory_space<vmem>>[vector<16xi32>, vector<16xi32>], vector<16xf32>,
          %mul3A_522 = arith.mulf %gather3A_520, %gather3A_521 : vector<16xf32>
          %add3A_523 = arith.addf %add3A_495, %mul3A_522 : vector<16xf32>
          %add3A_524 = arith.constant 1 : i32
          %add3A_525 = vector.broadcast %add3A_524 : i32 to vector<16xi32>
          %add3A_526 = arith.addi %add3A_519, %add3A_525 : vector<16xi32>
          %gather3A_527 = tpu.vector_load_idx %arg15[%add3A_224, %add3A_526] : memref<256x64xf32, #tpu.memory_space<vmem>>[vector<16xi32>, vector<16xi32>], vector<16xf32>,
          %gather3A_528 = tpu.vector_load_idx %arg10[%select_n3A_259, %add3A_526] : memref<512x64xf32, #tpu.memory_space<vmem>>[vector<16xi32>, vector<16xi32>], vector<16xf32>,
          %mul3A_529 = arith.mulf %gather3A_527, %gather3A_528 : vector<16xf32>
          %add3A_530 = arith.addf %add3A_502, %mul3A_529 : vector<16xf32>
          %add3A_531 = arith.constant 1 : i32
          %add3A_532 = vector.broadcast %add3A_531 : i32 to vector<16xi32>
          %add3A_533 = arith.addi %add3A_526, %add3A_532 : vector<16xi32>
          %gather3A_534 = tpu.vector_load_idx %arg15[%add3A_224, %add3A_533] : memref<256x64xf32, #tpu.memory_space<vmem>>[vector<16xi32>, vector<16xi32>], vector<16xf32>,
          %gather3A_535 = tpu.vector_load_idx %arg10[%select_n3A_259, %add3A_533] : memref<512x64xf32, #tpu.memory_space<vmem>>[vector<16xi32>, vector<16xi32>], vector<16xf32>,
          %mul3A_536 = arith.mulf %gather3A_534, %gather3A_535 : vector<16xf32>
          %add3A_537 = arith.addf %add3A_509, %mul3A_536 : vector<16xf32>
          %add3A_538 = arith.constant 1 : i32
          %add3A_539 = vector.broadcast %add3A_538 : i32 to vector<16xi32>
          %add3A_540 = arith.addi %add3A_533, %add3A_539 : vector<16xi32>
          %gather3A_541 = tpu.vector_load_idx %arg15[%add3A_224, %add3A_540] : memref<256x64xf32, #tpu.memory_space<vmem>>[vector<16xi32>, vector<16xi32>], vector<16xf32>,
          %gather3A_542 = tpu.vector_load_idx %arg10[%select_n3A_259, %add3A_540] : memref<512x64xf32, #tpu.memory_space<vmem>>[vector<16xi32>, vector<16xi32>], vector<16xf32>,
          %mul3A_543 = arith.mulf %gather3A_541, %gather3A_542 : vector<16xf32>
          %add3A_544 = arith.addf %add3A_516, %mul3A_543 : vector<16xf32>
          %add3A_545 = arith.constant 1 : i32
          %add3A_546 = vector.broadcast %add3A_545 : i32 to vector<16xi32>
          %add3A_547 = arith.addi %add3A_540, %add3A_546 : vector<16xi32>
          %gather3A_548 = tpu.vector_load_idx %arg15[%add3A_224, %add3A_547] : memref<256x64xf32, #tpu.memory_space<vmem>>[vector<16xi32>, vector<16xi32>], vector<16xf32>,
          %gather3A_549 = tpu.vector_load_idx %arg10[%select_n3A_259, %add3A_547] : memref<512x64xf32, #tpu.memory_space<vmem>>[vector<16xi32>, vector<16xi32>], vector<16xf32>,
          %mul3A_550 = arith.mulf %gather3A_548, %gather3A_549 : vector<16xf32>
          %add3A_551 = arith.addf %add3A_523, %mul3A_550 : vector<16xf32>
          %add3A_552 = arith.constant 1 : i32
          %add3A_553 = vector.broadcast %add3A_552 : i32 to vector<16xi32>
          %add3A_554 = arith.addi %add3A_547, %add3A_553 : vector<16xi32>
          %gather3A_555 = tpu.vector_load_idx %arg15[%add3A_224, %add3A_554] : memref<256x64xf32, #tpu.memory_space<vmem>>[vector<16xi32>, vector<16xi32>], vector<16xf32>,
          %gather3A_556 = tpu.vector_load_idx %arg10[%select_n3A_259, %add3A_554] : memref<512x64xf32, #tpu.memory_space<vmem>>[vector<16xi32>, vector<16xi32>], vector<16xf32>,
          %mul3A_557 = arith.mulf %gather3A_555, %gather3A_556 : vector<16xf32>
          %add3A_558 = arith.addf %add3A_530, %mul3A_557 : vector<16xf32>
          %add3A_559 = arith.constant 1 : i32
          %add3A_560 = vector.broadcast %add3A_559 : i32 to vector<16xi32>
          %add3A_561 = arith.addi %add3A_554, %add3A_560 : vector<16xi32>
          %gather3A_562 = tpu.vector_load_idx %arg15[%add3A_224, %add3A_561] : memref<256x64xf32, #tpu.memory_space<vmem>>[vector<16xi32>, vector<16xi32>], vector<16xf32>,
          %gather3A_563 = tpu.vector_load_idx %arg10[%select_n3A_259, %add3A_561] : memref<512x64xf32, #tpu.memory_space<vmem>>[vector<16xi32>, vector<16xi32>], vector<16xf32>,
          %mul3A_564 = arith.mulf %gather3A_562, %gather3A_563 : vector<16xf32>
          %add3A_565 = arith.addf %add3A_537, %mul3A_564 : vector<16xf32>
          %add3A_566 = arith.constant 1 : i32
          %add3A_567 = vector.broadcast %add3A_566 : i32 to vector<16xi32>
          %add3A_568 = arith.addi %add3A_561, %add3A_567 : vector<16xi32>
          %gather3A_569 = tpu.vector_load_idx %arg15[%add3A_224, %add3A_568] : memref<256x64xf32, #tpu.memory_space<vmem>>[vector<16xi32>, vector<16xi32>], vector<16xf32>,
          %gather3A_570 = tpu.vector_load_idx %arg10[%select_n3A_259, %add3A_568] : memref<512x64xf32, #tpu.memory_space<vmem>>[vector<16xi32>, vector<16xi32>], vector<16xf32>,
          %mul3A_571 = arith.mulf %gather3A_569, %gather3A_570 : vector<16xf32>
          %add3A_572 = arith.addf %add3A_544, %mul3A_571 : vector<16xf32>
          %add3A_573 = arith.constant 1 : i32
          %add3A_574 = vector.broadcast %add3A_573 : i32 to vector<16xi32>
          %add3A_575 = arith.addi %add3A_568, %add3A_574 : vector<16xi32>
          %gather3A_576 = tpu.vector_load_idx %arg15[%add3A_224, %add3A_575] : memref<256x64xf32, #tpu.memory_space<vmem>>[vector<16xi32>, vector<16xi32>], vector<16xf32>,
          %gather3A_577 = tpu.vector_load_idx %arg10[%select_n3A_259, %add3A_575] : memref<512x64xf32, #tpu.memory_space<vmem>>[vector<16xi32>, vector<16xi32>], vector<16xf32>,
          %mul3A_578 = arith.mulf %gather3A_576, %gather3A_577 : vector<16xf32>
          %add3A_579 = arith.addf %add3A_551, %mul3A_578 : vector<16xf32>
          %add3A_580 = arith.constant 1 : i32
          %add3A_581 = vector.broadcast %add3A_580 : i32 to vector<16xi32>
          %add3A_582 = arith.addi %add3A_575, %add3A_581 : vector<16xi32>
          %gather3A_583 = tpu.vector_load_idx %arg15[%add3A_224, %add3A_582] : memref<256x64xf32, #tpu.memory_space<vmem>>[vector<16xi32>, vector<16xi32>], vector<16xf32>,
          %gather3A_584 = tpu.vector_load_idx %arg10[%select_n3A_259, %add3A_582] : memref<512x64xf32, #tpu.memory_space<vmem>>[vector<16xi32>, vector<16xi32>], vector<16xf32>,
          %mul3A_585 = arith.mulf %gather3A_583, %gather3A_584 : vector<16xf32>
          %add3A_586 = arith.addf %add3A_558, %mul3A_585 : vector<16xf32>
          %add3A_587 = arith.constant 1 : i32
          %add3A_588 = vector.broadcast %add3A_587 : i32 to vector<16xi32>
          %add3A_589 = arith.addi %add3A_582, %add3A_588 : vector<16xi32>
          %gather3A_590 = tpu.vector_load_idx %arg15[%add3A_224, %add3A_589] : memref<256x64xf32, #tpu.memory_space<vmem>>[vector<16xi32>, vector<16xi32>], vector<16xf32>,
          %gather3A_591 = tpu.vector_load_idx %arg10[%select_n3A_259, %add3A_589] : memref<512x64xf32, #tpu.memory_space<vmem>>[vector<16xi32>, vector<16xi32>], vector<16xf32>,
          %mul3A_592 = arith.mulf %gather3A_590, %gather3A_591 : vector<16xf32>
          %add3A_593 = arith.addf %add3A_565, %mul3A_592 : vector<16xf32>
          %add3A_594 = arith.constant 1 : i32
          %add3A_595 = vector.broadcast %add3A_594 : i32 to vector<16xi32>
          %add3A_596 = arith.addi %add3A_589, %add3A_595 : vector<16xi32>
          %gather3A_597 = tpu.vector_load_idx %arg15[%add3A_224, %add3A_596] : memref<256x64xf32, #tpu.memory_space<vmem>>[vector<16xi32>, vector<16xi32>], vector<16xf32>,
          %gather3A_598 = tpu.vector_load_idx %arg10[%select_n3A_259, %add3A_596] : memref<512x64xf32, #tpu.memory_space<vmem>>[vector<16xi32>, vector<16xi32>], vector<16xf32>,
          %mul3A_599 = arith.mulf %gather3A_597, %gather3A_598 : vector<16xf32>
          %add3A_600 = arith.addf %add3A_572, %mul3A_599 : vector<16xf32>
          %add3A_601 = arith.constant 1 : i32
          %add3A_602 = vector.broadcast %add3A_601 : i32 to vector<16xi32>
          %add3A_603 = arith.addi %add3A_596, %add3A_602 : vector<16xi32>
          %gather3A_604 = tpu.vector_load_idx %arg15[%add3A_224, %add3A_603] : memref<256x64xf32, #tpu.memory_space<vmem>>[vector<16xi32>, vector<16xi32>], vector<16xf32>,
          %gather3A_605 = tpu.vector_load_idx %arg10[%select_n3A_259, %add3A_603] : memref<512x64xf32, #tpu.memory_space<vmem>>[vector<16xi32>, vector<16xi32>], vector<16xf32>,
          %mul3A_606 = arith.mulf %gather3A_604, %gather3A_605 : vector<16xf32>
          %add3A_607 = arith.addf %add3A_579, %mul3A_606 : vector<16xf32>
          %add3A_608 = arith.constant 1 : i32
          %add3A_609 = vector.broadcast %add3A_608 : i32 to vector<16xi32>
          %add3A_610 = arith.addi %add3A_603, %add3A_609 : vector<16xi32>
          %gather3A_611 = tpu.vector_load_idx %arg15[%add3A_224, %add3A_610] : memref<256x64xf32, #tpu.memory_space<vmem>>[vector<16xi32>, vector<16xi32>], vector<16xf32>,
          %gather3A_612 = tpu.vector_load_idx %arg10[%select_n3A_259, %add3A_610] : memref<512x64xf32, #tpu.memory_space<vmem>>[vector<16xi32>, vector<16xi32>], vector<16xf32>,
          %mul3A_613 = arith.mulf %gather3A_611, %gather3A_612 : vector<16xf32>
          %add3A_614 = arith.addf %add3A_586, %mul3A_613 : vector<16xf32>
          %add3A_615 = arith.constant 1 : i32
          %add3A_616 = vector.broadcast %add3A_615 : i32 to vector<16xi32>
          %add3A_617 = arith.addi %add3A_610, %add3A_616 : vector<16xi32>
          %gather3A_618 = tpu.vector_load_idx %arg15[%add3A_224, %add3A_617] : memref<256x64xf32, #tpu.memory_space<vmem>>[vector<16xi32>, vector<16xi32>], vector<16xf32>,
          %gather3A_619 = tpu.vector_load_idx %arg10[%select_n3A_259, %add3A_617] : memref<512x64xf32, #tpu.memory_space<vmem>>[vector<16xi32>, vector<16xi32>], vector<16xf32>,
          %mul3A_620 = arith.mulf %gather3A_618, %gather3A_619 : vector<16xf32>
          %add3A_621 = arith.addf %add3A_593, %mul3A_620 : vector<16xf32>
          %add3A_622 = arith.constant 1 : i32
          %add3A_623 = vector.broadcast %add3A_622 : i32 to vector<16xi32>
          %add3A_624 = arith.addi %add3A_617, %add3A_623 : vector<16xi32>
          %gather3A_625 = tpu.vector_load_idx %arg15[%add3A_224, %add3A_624] : memref<256x64xf32, #tpu.memory_space<vmem>>[vector<16xi32>, vector<16xi32>], vector<16xf32>,
          %gather3A_626 = tpu.vector_load_idx %arg10[%select_n3A_259, %add3A_624] : memref<512x64xf32, #tpu.memory_space<vmem>>[vector<16xi32>, vector<16xi32>], vector<16xf32>,
          %mul3A_627 = arith.mulf %gather3A_625, %gather3A_626 : vector<16xf32>
          %add3A_628 = arith.addf %add3A_600, %mul3A_627 : vector<16xf32>
          %add3A_629 = arith.constant 1 : i32
          %add3A_630 = vector.broadcast %add3A_629 : i32 to vector<16xi32>
          %add3A_631 = arith.addi %add3A_624, %add3A_630 : vector<16xi32>
          %gather3A_632 = tpu.vector_load_idx %arg15[%add3A_224, %add3A_631] : memref<256x64xf32, #tpu.memory_space<vmem>>[vector<16xi32>, vector<16xi32>], vector<16xf32>,
          %gather3A_633 = tpu.vector_load_idx %arg10[%select_n3A_259, %add3A_631] : memref<512x64xf32, #tpu.memory_space<vmem>>[vector<16xi32>, vector<16xi32>], vector<16xf32>,
          %mul3A_634 = arith.mulf %gather3A_632, %gather3A_633 : vector<16xf32>
          %add3A_635 = arith.addf %add3A_607, %mul3A_634 : vector<16xf32>
          %add3A_636 = arith.constant 1 : i32
          %add3A_637 = vector.broadcast %add3A_636 : i32 to vector<16xi32>
          %add3A_638 = arith.addi %add3A_631, %add3A_637 : vector<16xi32>
          %gather3A_639 = tpu.vector_load_idx %arg15[%add3A_224, %add3A_638] : memref<256x64xf32, #tpu.memory_space<vmem>>[vector<16xi32>, vector<16xi32>], vector<16xf32>,
          %gather3A_640 = tpu.vector_load_idx %arg10[%select_n3A_259, %add3A_638] : memref<512x64xf32, #tpu.memory_space<vmem>>[vector<16xi32>, vector<16xi32>], vector<16xf32>,
          %mul3A_641 = arith.mulf %gather3A_639, %gather3A_640 : vector<16xf32>
          %add3A_642 = arith.addf %add3A_614, %mul3A_641 : vector<16xf32>
          %add3A_643 = arith.constant 1 : i32
          %add3A_644 = vector.broadcast %add3A_643 : i32 to vector<16xi32>
          %add3A_645 = arith.addi %add3A_638, %add3A_644 : vector<16xi32>
          %gather3A_646 = tpu.vector_load_idx %arg15[%add3A_224, %add3A_645] : memref<256x64xf32, #tpu.memory_space<vmem>>[vector<16xi32>, vector<16xi32>], vector<16xf32>,
          %gather3A_647 = tpu.vector_load_idx %arg10[%select_n3A_259, %add3A_645] : memref<512x64xf32, #tpu.memory_space<vmem>>[vector<16xi32>, vector<16xi32>], vector<16xf32>,
          %mul3A_648 = arith.mulf %gather3A_646, %gather3A_647 : vector<16xf32>
          %add3A_649 = arith.addf %add3A_621, %mul3A_648 : vector<16xf32>
          %add3A_650 = arith.constant 1 : i32
          %add3A_651 = vector.broadcast %add3A_650 : i32 to vector<16xi32>
          %add3A_652 = arith.addi %add3A_645, %add3A_651 : vector<16xi32>
          %gather3A_653 = tpu.vector_load_idx %arg15[%add3A_224, %add3A_652] : memref<256x64xf32, #tpu.memory_space<vmem>>[vector<16xi32>, vector<16xi32>], vector<16xf32>,
          %gather3A_654 = tpu.vector_load_idx %arg10[%select_n3A_259, %add3A_652] : memref<512x64xf32, #tpu.memory_space<vmem>>[vector<16xi32>, vector<16xi32>], vector<16xf32>,
          %mul3A_655 = arith.mulf %gather3A_653, %gather3A_654 : vector<16xf32>
          %add3A_656 = arith.addf %add3A_628, %mul3A_655 : vector<16xf32>
          %add3A_657 = arith.constant 1 : i32
          %add3A_658 = vector.broadcast %add3A_657 : i32 to vector<16xi32>
          %add3A_659 = arith.addi %add3A_652, %add3A_658 : vector<16xi32>
          %gather3A_660 = tpu.vector_load_idx %arg15[%add3A_224, %add3A_659] : memref<256x64xf32, #tpu.memory_space<vmem>>[vector<16xi32>, vector<16xi32>], vector<16xf32>,
          %gather3A_661 = tpu.vector_load_idx %arg10[%select_n3A_259, %add3A_659] : memref<512x64xf32, #tpu.memory_space<vmem>>[vector<16xi32>, vector<16xi32>], vector<16xf32>,
          %mul3A_662 = arith.mulf %gather3A_660, %gather3A_661 : vector<16xf32>
          %add3A_663 = arith.addf %add3A_635, %mul3A_662 : vector<16xf32>
          %add3A_664 = arith.constant 1 : i32
          %add3A_665 = vector.broadcast %add3A_664 : i32 to vector<16xi32>
          %add3A_666 = arith.addi %add3A_659, %add3A_665 : vector<16xi32>
          %gather3A_667 = tpu.vector_load_idx %arg15[%add3A_224, %add3A_666] : memref<256x64xf32, #tpu.memory_space<vmem>>[vector<16xi32>, vector<16xi32>], vector<16xf32>,
          %gather3A_668 = tpu.vector_load_idx %arg10[%select_n3A_259, %add3A_666] : memref<512x64xf32, #tpu.memory_space<vmem>>[vector<16xi32>, vector<16xi32>], vector<16xf32>,
          %mul3A_669 = arith.mulf %gather3A_667, %gather3A_668 : vector<16xf32>
          %add3A_670 = arith.addf %add3A_642, %mul3A_669 : vector<16xf32>
          %add3A_671 = arith.constant 1 : i32
          %add3A_672 = vector.broadcast %add3A_671 : i32 to vector<16xi32>
          %add3A_673 = arith.addi %add3A_666, %add3A_672 : vector<16xi32>
          %gather3A_674 = tpu.vector_load_idx %arg15[%add3A_224, %add3A_673] : memref<256x64xf32, #tpu.memory_space<vmem>>[vector<16xi32>, vector<16xi32>], vector<16xf32>,
          %gather3A_675 = tpu.vector_load_idx %arg10[%select_n3A_259, %add3A_673] : memref<512x64xf32, #tpu.memory_space<vmem>>[vector<16xi32>, vector<16xi32>], vector<16xf32>,
          %mul3A_676 = arith.mulf %gather3A_674, %gather3A_675 : vector<16xf32>
          %add3A_677 = arith.addf %add3A_649, %mul3A_676 : vector<16xf32>
          %add3A_678 = arith.constant 1 : i32
          %add3A_679 = vector.broadcast %add3A_678 : i32 to vector<16xi32>
          %add3A_680 = arith.addi %add3A_673, %add3A_679 : vector<16xi32>
          %gather3A_681 = tpu.vector_load_idx %arg15[%add3A_224, %add3A_680] : memref<256x64xf32, #tpu.memory_space<vmem>>[vector<16xi32>, vector<16xi32>], vector<16xf32>,
          %gather3A_682 = tpu.vector_load_idx %arg10[%select_n3A_259, %add3A_680] : memref<512x64xf32, #tpu.memory_space<vmem>>[vector<16xi32>, vector<16xi32>], vector<16xf32>,
          %mul3A_683 = arith.mulf %gather3A_681, %gather3A_682 : vector<16xf32>
          %add3A_684 = arith.addf %add3A_656, %mul3A_683 : vector<16xf32>
          %add3A_685 = arith.constant 1 : i32
          %add3A_686 = vector.broadcast %add3A_685 : i32 to vector<16xi32>
          %add3A_687 = arith.addi %add3A_680, %add3A_686 : vector<16xi32>
          %gather3A_688 = tpu.vector_load_idx %arg15[%add3A_224, %add3A_687] : memref<256x64xf32, #tpu.memory_space<vmem>>[vector<16xi32>, vector<16xi32>], vector<16xf32>,
          %gather3A_689 = tpu.vector_load_idx %arg10[%select_n3A_259, %add3A_687] : memref<512x64xf32, #tpu.memory_space<vmem>>[vector<16xi32>, vector<16xi32>], vector<16xf32>,
          %mul3A_690 = arith.mulf %gather3A_688, %gather3A_689 : vector<16xf32>
          %add3A_691 = arith.addf %add3A_663, %mul3A_690 : vector<16xf32>
          %add3A_692 = arith.constant 1 : i32
          %add3A_693 = vector.broadcast %add3A_692 : i32 to vector<16xi32>
          %add3A_694 = arith.addi %add3A_687, %add3A_693 : vector<16xi32>
          %gather3A_695 = tpu.vector_load_idx %arg15[%add3A_224, %add3A_694] : memref<256x64xf32, #tpu.memory_space<vmem>>[vector<16xi32>, vector<16xi32>], vector<16xf32>,
          %gather3A_696 = tpu.vector_load_idx %arg10[%select_n3A_259, %add3A_694] : memref<512x64xf32, #tpu.memory_space<vmem>>[vector<16xi32>, vector<16xi32>], vector<16xf32>,
          %mul3A_697 = arith.mulf %gather3A_695, %gather3A_696 : vector<16xf32>
          %add3A_698 = arith.addf %add3A_670, %mul3A_697 : vector<16xf32>
          %add3A_699 = arith.constant 1 : i32
          %add3A_700 = vector.broadcast %add3A_699 : i32 to vector<16xi32>
          %add3A_701 = arith.addi %add3A_694, %add3A_700 : vector<16xi32>
          %gather3A_702 = tpu.vector_load_idx %arg15[%add3A_224, %add3A_701] : memref<256x64xf32, #tpu.memory_space<vmem>>[vector<16xi32>, vector<16xi32>], vector<16xf32>,
          %gather3A_703 = tpu.vector_load_idx %arg10[%select_n3A_259, %add3A_701] : memref<512x64xf32, #tpu.memory_space<vmem>>[vector<16xi32>, vector<16xi32>], vector<16xf32>,
          %mul3A_704 = arith.mulf %gather3A_702, %gather3A_703 : vector<16xf32>
          %add3A_705 = arith.addf %add3A_677, %mul3A_704 : vector<16xf32>
          %add3A_706 = arith.constant 1 : i32
          %add3A_707 = vector.broadcast %add3A_706 : i32 to vector<16xi32>
          %add3A_708 = arith.addi %add3A_701, %add3A_707 : vector<16xi32>
          %gather3A_709 = tpu.vector_load_idx %arg15[%add3A_224, %add3A_708] : memref<256x64xf32, #tpu.memory_space<vmem>>[vector<16xi32>, vector<16xi32>], vector<16xf32>,
          %gather3A_710 = tpu.vector_load_idx %arg10[%select_n3A_259, %add3A_708] : memref<512x64xf32, #tpu.memory_space<vmem>>[vector<16xi32>, vector<16xi32>], vector<16xf32>,
          %mul3A_711 = arith.mulf %gather3A_709, %gather3A_710 : vector<16xf32>
          %add3A_712 = arith.addf %add3A_684, %mul3A_711 : vector<16xf32>
          %add3A_713 = arith.constant 1 : i32
          %add3A_714 = vector.broadcast %add3A_713 : i32 to vector<16xi32>
          %add3A_715 = arith.addi %add3A_708, %add3A_714 : vector<16xi32>
          %add3A_716 = arith.addf %add3A_691, %add3A_698 : vector<16xf32>
          %add3A_717 = arith.addf %add3A_705, %add3A_712 : vector<16xf32>
          %add3A_718 = arith.addf %add3A_716, %add3A_717 : vector<16xf32>
          %mul3A_719 = arith.constant 16 : i32
          %mul3A_720 = arith.muli %scan3A_220, %mul3A_719 : i32
          %swap3A = arith.index_cast %mul3A_720 : i32 to index
          %swap3A_721 = tpu.vector_load %arg16[%swap3A] {strides = array<i32>} : memref<256xf32, #tpu.memory_space<vmem>>, vector<16xf32>,
          tpu.vector_store %arg16[%swap3A], %add3A_718 {strides = array<i32>} : memref<256xf32, #tpu.memory_space<vmem>>, vector<16xf32>,
        }
        %scan3A_210 = arith.constant 16 : i32
        %lt3A_211 = arith.constant 2 : i32
        %lt3A_212 = arith.cmpi slt, %add3A_185, %lt3A_211 : i32
        %convert_element_type3A_213 = arith.extui %lt3A_212 : i1 to i32
        %cond3A_214 = arith.constant 0 : i32
        %cond3A_215 = arith.cmpi ne, %convert_element_type3A_213, %cond3A_214 : i32
        scf.if %cond3A_215 {
          %mul3A_220 = arith.constant 256 : i32
          %mul3A_221 = arith.muli %add3A_185, %mul3A_220 : i32
          %add3A_222 = arith.addi %mul3A_2, %mul3A_221 : i32
          "tpu.region"() ({
            %run_scoped3A = tpu.sem_alloc : memref<!tpu.dma_semaphore, #tpu.memory_space<semaphore_mem>>
            %dma_start3A_223 = tpu.memref_slice %arg6[%add3A_222] : memref<16384xf32, #tpu.memory_space<hbm>> -> memref<256xf32, #tpu.memory_space<hbm>>
            %dma_start3A_224 = tpu.memref_slice %arg6[%add3A_222] : memref<16384xf32, #tpu.memory_space<hbm>> -> memref<256xf32, #tpu.memory_space<hbm>>
            tpu.enqueue_dma source(%arg16 : memref<256xf32, #tpu.memory_space<vmem>>) target(%dma_start3A_224 : memref<256xf32, #tpu.memory_space<hbm>>) target_semaphore(%run_scoped3A : memref<!tpu.dma_semaphore, #tpu.memory_space<semaphore_mem>>)
            %dma_wait3A_225 = tpu.memref_slice %arg6[%add3A_222] : memref<16384xf32, #tpu.memory_space<hbm>> -> memref<256xf32, #tpu.memory_space<hbm>>
            %dma_wait3A_226 = tpu.memref_slice %arg6[%add3A_222] : memref<16384xf32, #tpu.memory_space<hbm>> -> memref<256xf32, #tpu.memory_space<hbm>>
            tpu.wait_dma2 semaphore(%run_scoped3A : memref<!tpu.dma_semaphore, #tpu.memory_space<semaphore_mem>>) src(%arg16 : memref<256xf32, #tpu.memory_space<vmem>>) dst(%dma_wait3A_226 : memref<256xf32, #tpu.memory_space<hbm>>)
            tpu.yield
          }) : () -> ()
        } else {
        }
        %ge3A = arith.constant 2 : i32
        %ge3A_216 = arith.cmpi sge, %add3A_185, %ge3A : i32
        %convert_element_type3A_217 = arith.extui %ge3A_216 : i1 to i32
        %cond3A_218 = arith.constant 0 : i32
        %cond3A_219 = arith.cmpi ne, %convert_element_type3A_217, %cond3A_218 : i32
        scf.if %cond3A_219 {
          %sub3A_220 = arith.constant 2 : i32
          %sub3A_221 = arith.subi %add3A_185, %sub3A_220 : i32
          %mul3A_222 = arith.constant 256 : i32
          %mul3A_223 = arith.muli %sub3A_221, %mul3A_222 : i32
          %add3A_224 = arith.addi %mul3A_4, %mul3A_223 : i32
          "tpu.region"() ({
            %run_scoped3A = tpu.sem_alloc : memref<!tpu.dma_semaphore, #tpu.memory_space<semaphore_mem>>
            %dma_start3A_225 = tpu.memref_slice %arg7[%add3A_224] : memref<327680xf32, #tpu.memory_space<hbm>> -> memref<256xf32, #tpu.memory_space<hbm>>
            %dma_start3A_226 = tpu.memref_slice %arg7[%add3A_224] : memref<327680xf32, #tpu.memory_space<hbm>> -> memref<256xf32, #tpu.memory_space<hbm>>
            tpu.enqueue_dma source(%arg16 : memref<256xf32, #tpu.memory_space<vmem>>) target(%dma_start3A_226 : memref<256xf32, #tpu.memory_space<hbm>>) target_semaphore(%run_scoped3A : memref<!tpu.dma_semaphore, #tpu.memory_space<semaphore_mem>>)
            %dma_wait3A_227 = tpu.memref_slice %arg7[%add3A_224] : memref<327680xf32, #tpu.memory_space<hbm>> -> memref<256xf32, #tpu.memory_space<hbm>>
            %dma_wait3A_228 = tpu.memref_slice %arg7[%add3A_224] : memref<327680xf32, #tpu.memory_space<hbm>> -> memref<256xf32, #tpu.memory_space<hbm>>
            tpu.wait_dma2 semaphore(%run_scoped3A : memref<!tpu.dma_semaphore, #tpu.memory_space<semaphore_mem>>) src(%arg16 : memref<256xf32, #tpu.memory_space<vmem>>) dst(%dma_wait3A_228 : memref<256xf32, #tpu.memory_space<hbm>>)
            tpu.yield
          }) : () -> ()
        } else {
        }
      } else {
      }
    }
    %scan3A_147 = arith.constant 9 : i32
    return
  }
}

module attributes {stable_mosaic.version = 14 : i64} {
  func.func @_loss_body(%arg0: memref<128x128xf32, #tpu.memory_space<vmem>>, %arg1: memref<2560x128xf32, #tpu.memory_space<vmem>>, %arg2: memref<1x1xf32, #tpu.memory_space<smem>>) attributes {dimension_semantics = [], scalar_prefetch = 0 : i64, scratch_operands = 0 : i64, tpu.core_type = #tpu.core_type<tc>} {
    %get3A = arith.constant 0 : index
    %get3A_0 = arith.constant 0 : index
    %get3A_1 = vector.load %arg0[%get3A, %get3A_0] : memref<128x128xf32, #tpu.memory_space<vmem>>, vector<128x128xf32>
    %min3A = arith.constant 0.000000e+00 : f32
    %min3A_2 = vector.broadcast %min3A : f32 to vector<128x128xf32>
    %min3A_3 = arith.minimumf %get3A_1, %min3A_2 : vector<128x128xf32>
    %abs3A = math.absf %get3A_1 : vector<128x128xf32>
    %neg3A = arith.constant 0.000000e+00 : f32
    %neg3A_4 = vector.broadcast %neg3A : f32 to vector<128x128xf32>
    %neg3A_5 = arith.subf %neg3A_4, %abs3A : vector<128x128xf32>
    %exp3A = math.exp %neg3A_5 : vector<128x128xf32>
    %log1p3A = math.log1p %exp3A : vector<128x128xf32>
    %sub3A = arith.subf %min3A_3, %log1p3A : vector<128x128xf32>
    %reduce_sum3A = vector.shape_cast %sub3A : vector<128x128xf32> to vector<1x128x128xf32>
    %reduce_sum3A_6 = arith.constant dense<0.000000e+00> : vector<1xf32>
    %reduce_sum3A_7 = vector.multi_reduction <add>, %reduce_sum3A, %reduce_sum3A_6 [1, 2] : vector<1x128x128xf32> to vector<1xf32>
    %reduce_sum3A_8 = vector.shape_cast %reduce_sum3A_7 : vector<1xf32> to vector<1x1x1xf32>
    %reduce_sum3A_9 = vector.extract %reduce_sum3A_8[0, 0, 0] : f32 from vector<1x1x1xf32>
    %neg3A_10 = arith.constant 0.000000e+00 : f32
    %neg3A_11 = arith.subf %neg3A_10, %reduce_sum3A_9 : f32
    %get3A_12 = arith.constant 0 : index
    %get3A_13 = arith.constant 0 : index
    %get3A_14 = vector.load %arg1[%get3A_12, %get3A_13] : memref<2560x128xf32, #tpu.memory_space<vmem>>, vector<2560x128xf32>
    %neg3A_15 = arith.constant 0.000000e+00 : f32
    %neg3A_16 = vector.broadcast %neg3A_15 : f32 to vector<2560x128xf32>
    %neg3A_17 = arith.subf %neg3A_16, %get3A_14 : vector<2560x128xf32>
    %min3A_18 = arith.constant 0.000000e+00 : f32
    %min3A_19 = vector.broadcast %min3A_18 : f32 to vector<2560x128xf32>
    %min3A_20 = arith.minimumf %neg3A_17, %min3A_19 : vector<2560x128xf32>
    %abs3A_21 = math.absf %neg3A_17 : vector<2560x128xf32>
    %neg3A_22 = arith.constant 0.000000e+00 : f32
    %neg3A_23 = vector.broadcast %neg3A_22 : f32 to vector<2560x128xf32>
    %neg3A_24 = arith.subf %neg3A_23, %abs3A_21 : vector<2560x128xf32>
    %exp3A_25 = math.exp %neg3A_24 : vector<2560x128xf32>
    %log1p3A_26 = math.log1p %exp3A_25 : vector<2560x128xf32>
    %sub3A_27 = arith.subf %min3A_20, %log1p3A_26 : vector<2560x128xf32>
    %reduce_sum3A_28 = vector.shape_cast %sub3A_27 : vector<2560x128xf32> to vector<1x2560x128xf32>
    %reduce_sum3A_29 = arith.constant dense<0.000000e+00> : vector<1xf32>
    %reduce_sum3A_30 = vector.multi_reduction <add>, %reduce_sum3A_28, %reduce_sum3A_29 [1, 2] : vector<1x2560x128xf32> to vector<1xf32>
    %reduce_sum3A_31 = vector.shape_cast %reduce_sum3A_30 : vector<1xf32> to vector<1x1x1xf32>
    %reduce_sum3A_32 = vector.extract %reduce_sum3A_31[0, 0, 0] : f32 from vector<1x1x1xf32>
    %sub3A_33 = arith.subf %neg3A_11, %reduce_sum3A_32 : f32
    %swap3A = arith.constant 0 : index
    %swap3A_34 = arith.constant 0 : index
    %swap3A_35 = memref.load %arg2[%swap3A, %swap3A_34] : memref<1x1xf32, #tpu.memory_space<smem>>
    memref.store %sub3A_33, %arg2[%swap3A, %swap3A_34] : memref<1x1xf32, #tpu.memory_space<smem>>
    return
  }
}

module attributes {stable_mosaic.version = 14 : i64} {
  func.func @_tr_body(%arg0: i32, %arg1: memref<64x1024xf32, #tpu.memory_space<vmem>>, %arg2: memref<64x1024xf32, #tpu.memory_space<vmem>>, %arg3: memref<1024x128xf32, #tpu.memory_space<vmem>>) attributes {dimension_semantics = [#tpu.dimension_semantics<arbitrary>], iteration_bounds = array<i64: 977>, scalar_prefetch = 0 : i64, scratch_operands = 0 : i64, tpu.core_type = #tpu.core_type<tc>, window_params = [{transform_indices = @transform_0, window_bounds = array<i64: 64, 1024>}, {transform_indices = @transform_1, window_bounds = array<i64: 64, 1024>}, {transform_indices = @transform_2, window_bounds = array<i64: 1024, 128>}]} {
    %get3A = arith.constant 0 : index
    %get3A_0 = arith.constant 0 : index
    %get3A_1 = vector.load %arg1[%get3A, %get3A_0] : memref<64x1024xf32, #tpu.memory_space<vmem>>, vector<64x1024xf32>
    %transpose3A = tpu.transpose %get3A_1, [1, 0] : vector<64x1024xf32> -> vector<1024x64xf32>
    %swap3A = arith.constant 0 : index
    %swap3A_2 = arith.constant 0 : index
    %swap3A_3 = vector.load %arg3[%swap3A, %swap3A_2] : memref<1024x128xf32, #tpu.memory_space<vmem>>, vector<1024x64xf32>
    tpu.vector_store %arg3[%swap3A, %swap3A_2], %transpose3A {strides = array<i32>} : memref<1024x128xf32, #tpu.memory_space<vmem>>, vector<1024x64xf32>,
    %get3A_4 = arith.constant 0 : index
    %get3A_5 = arith.constant 0 : index
    %get3A_6 = vector.load %arg2[%get3A_4, %get3A_5] : memref<64x1024xf32, #tpu.memory_space<vmem>>, vector<64x1024xf32>
    %transpose3A_7 = tpu.transpose %get3A_6, [1, 0] : vector<64x1024xf32> -> vector<1024x64xf32>
    %swap3A_8 = arith.constant 0 : index
    %swap3A_9 = arith.constant 64 : index
    %swap3A_10 = vector.load %arg3[%swap3A_8, %swap3A_9] : memref<1024x128xf32, #tpu.memory_space<vmem>>, vector<1024x64xf32>
    tpu.vector_store %arg3[%swap3A_8, %swap3A_9], %transpose3A_7 {strides = array<i32>} : memref<1024x128xf32, #tpu.memory_space<vmem>>, vector<1024x64xf32>,
    return
  }
  func.func @transform_0(%arg0: i32) -> (i32, i32) {
    %c0_i32 = arith.constant 0 : i32
    %c0_i32_0 = arith.constant 0 : i32
    return %c0_i32, %arg0 : i32, i32
  }
  func.func @transform_1(%arg0: i32) -> (i32, i32) {
    %c0_i32 = arith.constant 0 : i32
    %c0_i32_0 = arith.constant 0 : i32
    return %c0_i32, %arg0 : i32, i32
  }
  func.func @transform_2(%arg0: i32) -> (i32, i32) {
    %c0_i32 = arith.constant 0 : i32
    %c0_i32_0 = arith.constant 0 : i32
    return %arg0, %c0_i32 : i32, i32
  }
}

</mosaic_0001>

<sc_bundles>
// kernel: kernel.5.cloned.1.call-start
scs
__scs_entry_jumppad:
0x0: {  	(pc) =	sbr.rel $0x88, $3  }
0x1: {  	(tag) =	ssettag $0x0;
	lr =	simm.s32 $0x1  }
0x2: {  	[smem:$0x3F9C] =	sst lr;
	_ =	strace $0xD0000000  }
0x3: {  	_ = 	snop  }
0x4: {  	_ = 	snop  }
0x5: {  	_ = 	snop  }
0x6: {  	_ = 	snop  }
0x7: {  	_ = 	snop  }
__scs_overlays_trampoline_lowered:
0x8: {  	[smem:$0x3FAB] =	sst s0  }
0x9: {  	[smem:$0x3FAC] =	sst s1  }
0xa: {  	[smem:$0x3FAD] =	sst s2  }
0xb: {  	[smem:$0x3FAE] =	sst s3  }
0xc: {  	[smem:$0x3FAF] =	sst s4  }
0xd: {  	[smem:$0x3FB0] =	sst s5  }
0xe: {  	[smem:$0x3FB1] =	sst s6  }
0xf: {  	[smem:$0x3FB2] =	sst s7  }
0x10: {  	[smem:$0x3FB3] =	sst s8  }
0x11: {  	[smem:$0x3FB4] =	sst s9;
	s0 =	simm.s32 @!p0 $0x0  }
0x12: {  	s1 =	sld [smem:$0x3F9A];
	s0 =	simm.s32 @p0 $0x1  }
0x13: {  	[smem:$0x3FB5] =	sst s0;
	s0 =	simm.s32 @!p1 $0x0  }
0x14: {  	s2 =	sld [smem:$0x3F99];
	s0 =	simm.s32 @p1 $0x1  }
0x15: {  	[smem:$0x3FB6] =	sst s0;
	s0 =	simm.s32 @!p2 $0x0  }
0x16: {  	s3 =	sld [smem:$0x3FDB];
	s0 =	simm.s32 @p2 $0x1  }
0x17: {  	s4 =	simm.s32 $0x1BF5;
	[smem:$0x3FB8] =	sst s0  }
0x18: {  	s0 =	sld [smem:$0x3F9B];
	_ =	swait.ge [sflag:s4], $0x0  }
0x19: {  	s7 =	sld [smem:$0x3F9C]  }
0x1a: {  	s8 =	sadd.s32 $0xFFFFE003, lr  }
0x1b: {  	s9 =	sadd.s32 $0xFFFFFEF7, lr;
	s5 =	simm.s32 $0xFFFFFFFF;
	p2 =	slt.u32 s8, $0xFFFFF086  }
0x1c: {  	p1 =	slt.u32 s9, $0xF7A;
	s5 =	simm.s32 @!p2 $0x0  }
0x1d: {  	s5 =	simm.s32 @p1 $0x1;
	p0 =	seq.s32 s7, s2  }
0x1e: {  	s7 =	smul.u32 @!p0 $0xF7A, s2;
	p2 =	seq.s32 @!p0 s5, $0x0  }
0x1f: {  	s9 =	smul.u32 $0xF7A, s1;
	s8 =	simm.s32 @!p0 $0x1BF5;
	p2 =	por !p2, p0  }
0x20: {  	[sflag:s8] =	ssyncset.s32 @!p0 $0xFFFFF086;
	s6 =	sadd.s32 @!p0 s3, s7;
	s7 =	simm.s32 @!p0 $0x108  }
0x21: {  	s3 =	sadd.s32 s3, s9;
	s6 =	sadd.s32 @!p0 $0x88, s6;
	s7 =	simm.s32 @p2 $0x1082  }
0x22: {  	[simem:s7], [sflag:s8] =	dma.local @!p0 [hbm:s6], $0xF7A  }
0x23: {  	s9 =	sor.u32 $0xD0000000, s2;
	s6 =	simm.s32 $0x108;
	_ =	swait.ge @!p0 [sflag:s8], $0x0  }
0x24: {  	s3 =	sadd.s32 $0x88, s3;
	s6 =	simm.s32 @!p1 $0x1082;
	[sflag:s4] =	ssyncset.s32 $0xFFFFF086  }
0x25: {  	[simem:s6], [sflag:s4] =	dma.local [hbm:s3], $0xF7A  }
0x26: {  	[smem:$0x3F9C] =	sst s1;
	(tag) =	ssettag s2;
	_ =	strace s9  }
0x27: {  	s1 =	sld [smem:$0x3FAC]  }
0x28: {  	s2 =	sld [smem:$0x3FAD]  }
0x29: {  	s4 =	sld [smem:$0x3FAF]  }
0x2a: {  	p0 =	seq.s32 s5, $0x0;
	s5 =	sld [smem:$0x3FB0]  }
0x2b: {  	s6 =	sld [smem:$0x3FB1]  }
0x2c: {  	s7 =	sld [smem:$0x3FB2]  }
0x2d: {  	s3 =	simm.s32 $0x108;
	s8 =	sld [smem:$0x3FB3]  }
0x2e: {  	s3 =	simm.s32 @!p0 $0x1082;
	s9 =	sld [smem:$0x3FB4]  }
0x2f: {  	lr =	sadd.s32 s0, s3;
	s0 =	sld [smem:$0x3FAB]  }
0x30: {  	s3 =	sld [smem:$0x3FAE]  }
0x31: {  	[smem:$0x3FB7] =	sst s10  }
0x32: {  	s10 =	sld [smem:$0x3FB5];
	_ =	sdelay $0x3  }
0x33: {  	p0 =	seq.s32 s10, $0x1;
	s10 =	sld [smem:$0x3FB7];
	_ =	sdelay $0x3  }
0x34: {  	[smem:$0x3FB7] =	sst s10  }
0x35: {  	s10 =	sld [smem:$0x3FB6];
	_ =	sdelay $0x3  }
0x36: {  	p1 =	seq.s32 s10, $0x1;
	s10 =	sld [smem:$0x3FB7];
	_ =	sdelay $0x3  }
0x37: {  	[smem:$0x3FB7] =	sst s10  }
0x38: {  	s10 =	sld [smem:$0x3FB8]  }
0x39: {  	_ = 	snop;
	(pc) =	sbr.ind lr, $3  }
0x3a: {  	_ = 	snop  }
0x3b: {  	_ = 	snop  }
0x3c: {  	p2 =	seq.s32 s10, $0x1;
	s10 =	sld [smem:$0x3FB7]  }
0x3d: {  	_ =	shalt  }
0x3e: {  	_ =	shalt  }
0x3f: {  	_ =	shalt  }
0x40: {  	_ =	shalt  }
0x41: {  	_ =	shalt  }
0x42: {  	_ =	shalt  }
0x43: {  	_ =	shalt  }
0x44: {  	_ =	shalt  }
0x45: {  	_ =	shalt  }
0x46: {  	_ =	shalt  }
0x47: {  	_ =	shalt  }
0x48: {  	_ =	shalt  }
0x49: {  	_ =	shalt  }
0x4a: {  	_ =	shalt  }
0x4b: {  	_ =	shalt  }
0x4c: {  	_ =	shalt  }
0x4d: {  	_ =	shalt  }
0x4e: {  	_ =	shalt  }
0x4f: {  	_ =	shalt  }
0x50: {  	_ =	shalt  }
0x51: {  	_ =	shalt  }
0x52: {  	_ =	shalt  }
0x53: {  	_ =	shalt  }
0x54: {  	_ =	shalt  }
0x55: {  	_ =	shalt  }
0x56: {  	_ =	shalt  }
0x57: {  	_ =	shalt  }
0x58: {  	_ =	shalt  }
0x59: {  	_ =	shalt  }
0x5a: {  	_ =	shalt  }
0x5b: {  	_ =	shalt  }
0x5c: {  	_ =	shalt  }
0x5d: {  	_ =	shalt  }
0x5e: {  	_ =	shalt  }
0x5f: {  	_ =	shalt  }
0x60: {  	_ =	shalt  }
0x61: {  	_ =	shalt  }
0x62: {  	_ =	shalt  }
0x63: {  	_ =	shalt  }
0x64: {  	_ =	shalt  }
0x65: {  	_ =	shalt  }
0x66: {  	_ =	shalt  }
0x67: {  	_ =	shalt  }
0x68: {  	_ =	shalt  }
0x69: {  	_ =	shalt  }
0x6a: {  	_ =	shalt  }
0x6b: {  	_ =	shalt  }
0x6c: {  	_ =	shalt  }
0x6d: {  	_ =	shalt  }
0x6e: {  	_ =	shalt  }
0x6f: {  	_ =	shalt  }
0x70: {  	_ =	shalt  }
0x71: {  	_ =	shalt  }
0x72: {  	_ =	shalt  }
0x73: {  	_ =	shalt  }
0x74: {  	_ =	shalt  }
0x75: {  	_ =	shalt  }
0x76: {  	_ =	shalt  }
0x77: {  	_ =	shalt  }
0x78: {  	_ =	shalt  }
0x79: {  	_ =	shalt  }
0x7a: {  	_ =	shalt  }
0x7b: {  	_ =	shalt  }
0x7c: {  	_ =	shalt  }
0x7d: {  	_ =	shalt  }
0x7e: {  	_ =	shalt  }
0x7f: {  	_ =	shalt  }
0x80: {  	_ =	shalt  }
0x81: {  	_ =	shalt  }
0x82: {  	_ =	shalt  }
0x83: {  	_ =	shalt  }
0x84: {  	_ =	shalt  }
0x85: {  	_ =	shalt  }
0x86: {  	_ =	shalt  }
0x87: {  	_ =	shalt  }
.Lfunc_end0:
.L_simem_size_0:
called_computation_lowered:
.L_overlay_start_0:
0x88: {  	s2 =	sld [smem:$0x3FD9]  }
0x89: {  	s3 =	sld [smem:$0x3FFE];
	_ =	sdelay $0x1  }
0x8a: {  	s1 =	srdreg.scid  }
0x8b: {  	s0 =	sand.u32 $0x1, s1  }
0x8c: {  	s17 =	sshll.u32 s0, $0xA;
	s2 =	sadd.s32 s3, s2  }
0x8d: {  	s2 =	sadd.s32 s2, s17  }
0x8e: {  	[smem:$0x3FC3] =	sst s2  }
0x8f: {  	_ = 	snop  }
0x90: {  	s2 =	sld [smem:$0x3FC9]  }
0x91: {  	s18 =	sld [smem:$0x3FC8];
	(tm) =	ssettm $0x1  }
0x92: {  	s4 =	sld [smem:$0x3FFB];
	_ =	sdelay $0x3  }
0x93: {  	_ =	strace s4  }
0x94: {  	s4 =	sld [smem:$0x3FFC];
	_ =	sdelay $0x3  }
0x95: {  	_ =	strace s4  }
0x96: {  	s4 =	sld [smem:$0x3FFD];
	_ =	sdelay $0x3  }
0x97: {  	_ =	strace s4  }
0x98: {  	_ =	strace $0x8FFFFFFF  }
0x99: {  	s19 =	sld [smem:$0x3FDB];
	_ =	sdelay $0x1  }
0x9a: {  	s5 =	simm.s32 $_scs_section_size  }
0x9b: {  	s6 =	simm.s32 $_size__tile_overlayer_lowered;
	s7 =	simm.s32 $_tile_overlayer_lowered  }
0x9c: {  	s22 =	simm.s32 $0x1BFF;
	s21 =	sshll.u32 s7, $0x1;
	s4 =	sadd.s32 s5, s19  }
0x9d: {  	s8 =	simm.s32 $0x0;
	s20 =	sshll.u32 s6, $0x1;
	s6 =	sadd.s32 s21, s4  }
0x9e: {  	[timem:s8], [sflag:s22] =	dma.local [hbm:s6], s20  }
0x9f: {  	_ =	swait.ge [sflag:s22], s20  }
0xa0: {  	s5 =	ssub.s32 $0x0, s20;
	[sflag:s22] =	ssyncset.done $0x0  }
0xa1: {  	[sflag:s22] =	ssyncadd.s32 s5;
	_ =	sdelay $0x1  }
0xa2: {  	s23 =	simm.s32 $0x1B8B  }
0xa3: {  	_ =	swait.ge [sflag:s23], $0x1  }
0xa4: {  	[sflag:s23] =	ssyncset.done $0x0  }
0xa5: {  	s25 =	simm.s32 $0x1B8E;
	s24 =	sld [smem:$0x3FFE];
	[sflag:s23] =	ssyncadd.s32 $0xFFFFFFFF  }
0xa6: {  	s26 =	simm.s32 $execute0_lowered;
	[smem:$0x3FD2] =	sst s25  }
0xa7: {  	s6 =	sshll.u32 s26, $0x1;
	_ =	strace $0x80000046;
	[dreg:$0x1] =	wrdreg $0xFFFFFFFF  }
0xa8: {  	s28 =	simm.s32 $_size_execute0_lowered;
	s4 =	sadd.s32 s4, s6;
	[dreg:$0x0] =	wrdreg $0x0  }
0xa9: {  	s6 =	sshll.u32 s28, $0x1;
	[dreg:$0x2] =	wrdreg s4  }
0xaa: {  	[dreg:$0x3] =	wrdreg s6  }
0xab: {  	[dreg:$0x4] =	wrdreg $0xC0  }
0xac: {  	_ =	task [dreg:s8], $0x5FFFF  }
0xad: {  	[dreg:$0x1] =	wrdreg $0xFFFFFFFF  }
0xae: {  	[dreg:$0x0] =	wrdreg $0x60  }
0xaf: {  	[dreg:$0x2] =	wrdreg s2  }
0xb0: {  	[dreg:$0x3] =	wrdreg s18  }
0xb1: {  	[dreg:$0x4] =	wrdreg s24  }
0xb2: {  	[dreg:$0x5] =	wrdreg $0x9  }
0xb3: {  	_ =	task.clear_ibuf [dreg:s8], $0x6FFFF;
	_ =	strace $0x90000046  }
0xb4: {  	s29 =	simm.s32 $0x9;
	_ =	strace $0x80000048  }
0xb5: {  	_ =	swait.ge [sflag:s29], $0x1  }
0xb6: {  	[sflag:s29] =	ssyncadd.s32 $0xFFFFFFFF  }
0xb7: {  	_ =	strace $0x90000048  }
0xb8: {  	_ =	sfence  }
0xb9: {  	s30 =	sld [smem:$0x0];
	_ =	sdelay $0x2  }
0xba: {  	s31 =	sshll.u32 s1, $0xD;
	s1 =	sshrl.u32 s1, $0x2  }
0xbb: {  	s3 =	sand.u32 $0x4000, s31;
	s1 =	sadd.s32 s1, s30  }
0xbc: {  	s0 =	sor.u32 s3, s0;
	s1 =	sshll.u32 s1, $0x11  }
0xbd: {  	s0 =	sor.u32 s1, s0  }
0xbe: {  	s0 =	sadd.s32 $0x8F2B, s0  }
0xbf: {  	[sflag:s0] =	ssyncadd.remote.s32 $0x1  }
0xc0: {  	_ =	sfence.sel $0xFFFF  }
0xc1: {  	[dreg:$0x0] =	wrdreg $0xFFFFFFFF;
	(pc) =	sbr.abs _section_cstart, $3  }
0xc2: {  	[dreg:$0x1] =	wrdreg $0xFFFFFFFF  }
0xc3: {  	_ =	task.clear_ibuf [dreg:s8], $0x2FFFF;
	_ =	strace $0x9FFFFFFF  }
0xc4: {  	(tm) =	ssettm $0x7FFFFFFF  }
0xc5: {  	_ =	shalt  }
tec
execute0_lowered:
.L_overlay_start_1:
0x0: {  	(tag) =	ssettag $0x1  }
0x1: {  	s0 =	srdreg.scid;
	s1 =	rddreg [dreg:$0x0]  }
0x2: {  	s2 =	stileid.u32;
	s6 =	rddreg [dreg:$0x1]  }
0x3: {  	s7 =	rddreg [dreg:$0x2];
	s3 =	simm.s32 $0x0;
	s18 =	simm.s32 $0x2C00  }
0x4: {  	s12 =	simm.s32 $0x16C00;
	s0 =	sand.u32 $0x1, s0;
	s2 =	sshll.u32 s2, $0x1  }
0x5: {  	[smem:$0x7FF] =	sst s3;
	s23 =	sadd.s32 $0xAC00, s7;
	s24 =	sadd.s32 $0xF4D000, s7  }
0x6: {  	s3 =	simm.s32 $0x200;
	s5 =	sor.u32 s0, s2;
	_ =	strace $0x80000047  }
0x7: {  	s0 =	ssub.s32 $0x2, s0;
	[dreg:$0x5] =	wrdreg s23;
	s9 =	sshll.u32 s5, $0x6  }
0x8: {  	[dreg:$0x6] =	wrdreg s24;
	s2 =	smul.u32 $0x2800, s5;
	s1 =	sadd.s32 s1, s9  }
0x9: {  	s10 =	sshrl.u32 s0, $0x1;
	s25 =	sadd.s32 s6, s9;
	[dreg:$0x7] =	wrdreg s1  }
0xa: {  	s11 =	sadd.s32 s9, s7;
	s0 =	ssub.s32 s0, s10;
	[dreg:$0x8] =	wrdreg s25  }
0xb: {  	v0 =	vimm.s32 $0xECA86420;
	s9 =	simm.s32 $0xAC00;
	s28 =	sadd.s32 $0xFFFFFE00, s2;
	[dreg:$0x4] =	wrdreg s2  }
0xc: {  	v1 =	vlaneseq.u32;
	v6 =	vimm.s32 $0x200;
	vm0 =	vcmask $0xB08;
	s10 =	simm.s32 $0xEC00;
	s29 =	sadd.s32 $0xF57000, s11;
	[dreg:$0xa] =	wrdreg s28  }
.Ltmp0:
0xd: {  	vm1 =	vcmask $0x1310;
	v0 =	vunpack.c.l.s4.s8 v0;
	v9 =	vmul.u32 $0x2, v1;
	s30 =	sadd.s32 $0xFFFFFF00, s2;
	[dreg:$0xb] =	wrdreg s29;
	(pc) =	sbr.rel .LBB2_1-.Ltmp0, $4  }
0xe: {  	vm2 =	vcmask $0x1B18;
	vm3 =	vcmask $0x300;
	v11 =	vmul.u32 $0x40, v1;
	s4 =	sshrl.u32 s2, $0x3;
	s31 =	sadd.s32 $0xF57020, s11;
	[dreg:$0xc] =	wrdreg s30  }
0xf: {  	vm4 =	vcmask $0x2320;
	vm5 =	vcmask $0x2B28;
	v8 =	vunpack.c.0.s8.s32 v0;
	[tilespmem:$0x1FFE0] =	vst v9;
	s0 =	smax.u32 s0, $0x1;
	s8 =	sadd.s32 s4, s7;
	[dreg:$0xd] =	wrdreg s31  }
0x10: {  	vm6 =	vcmask $0x3330;
	vm7 =	vcmask $0x3B38;
	vm8 =	vmmov $0xff;
	[tilespmem:$0x1FFF0] =	vst v11;
	s11 =	simm.s32 $0x12C00;
	[dreg:$0xe] =	wrdreg s0;
	s26 =	sadd.s32 $0xC00, s8  }
0x11: {  	vm9 =	vcmask $0x704;
	vm10 =	vcmask $0xF0C;
	v10 =	vimm.s32 $0x0;
	s1 =	simm.s32 $0x0;
	[tilespmem:$0x1FFD0] =	vst v8;
	s4 =	simm.s32 $0x400;
	[dreg:$0x9] =	wrdreg s26  }
.LBB2_23:
0x12: {  	s1 =	rddreg [dreg:$0xf]  }
0x13: {  	s0 =	rddreg [dreg:$0xe];
	s1 =	sadd.s32 $0x1, s1  }
0x14: {  	p0 =	sne.s32 s1, s0  }
.Ltmp1:
0x15: {  	_ = 	snop;
	(pc) =	sbr.rel @!p0 .LBB2_24-.Ltmp1, $3  }
0x16: {  	_ =	sdelay $0x1  }
0x17: {  	s3 =	simm.s32 $0x200;
	s4 =	simm.s32 $0x400;
	s9 =	simm.s32 $0xAC00  }
0x18: {  	s10 =	simm.s32 $0xEC00;
	s11 =	simm.s32 $0x12C00;
	s12 =	simm.s32 $0x16C00  }
.LBB2_1:
0x19: {  	[dreg:$0xf] =	wrdreg s1  }
0x1a: {  	s0 =	simm.s32 $0x0;
	s29 =	rddreg [dreg:$0x7];
	s2 =	simm.s32 $0x7  }
0x1b: {  	[tilespmem:s0], [sflag:$0x7] =	stream.linear.gather [hbm4b:s29+s0], $0x200, $0x38;
	[tilespmem:$0x1ED00] =	vst v63  }
0x1c: {  	_ =	swait.ge [sflag:s2], $0x200  }
0x1d: {  	[sflag:s2] =	ssyncset.done $0x0  }
0x1e: {  	s30 =	rddreg [dreg:$0x8];
	[sflag:s2] =	ssyncadd.s32 $0xFFFFFE00  }
0x1f: {  	[tilespmem:s3], [sflag:$0x7] =	stream.linear.gather [hbm4b:s30+s0], $0x200, $0x38;
	[tilespmem:$0x1ED00] =	vst v63  }
0x20: {  	_ =	swait.ge [sflag:s2], $0x200  }
0x21: {  	[sflag:s2] =	ssyncset.done $0x0  }
0x22: {  	s31 =	rddreg [dreg:$0x9];
	[sflag:s2] =	ssyncadd.s32 $0xFFFFFE00  }
0x23: {  	[tilespmem:s4], [sflag:$0x7] =	stream.linear.gather [hbm4b:s31+s0], $0x2800, $0x38;
	[tilespmem:$0x1ED00] =	vst v63  }
0x24: {  	_ =	swait.ge [sflag:s2], $0x2800  }
0x25: {  	[sflag:s2] =	ssyncset.done $0x0  }
0x26: {  	[sflag:s2] =	ssyncadd.s32 $0xFFFFD800  }
0x27: {  	v0 =	vld [tilespmem:$0x0]  }
0x28: {  	v1 =	vld [tilespmem:$0x10]  }
0x29: {  	v2 =	vld [tilespmem:$0x20]  }
0x2a: {  	v3 =	vld [tilespmem:$0x30]  }
0x2b: {  	v4 =	vld [tilespmem:$0x40]  }
0x2c: {  	v5 =	vld [tilespmem:$0x50];
	v0 =	vshll.u32 v0, $0x1  }
0x2d: {  	[tilespmem:$0x0] =	vst v0;
	v0 =	vshll.u32 v1, $0x1;
	v1 =	vld [tilespmem:$0x60]  }
0x2e: {  	[tilespmem:$0x10] =	vst v0;
	v0 =	vshll.u32 v2, $0x1;
	v2 =	vld [tilespmem:$0x70]  }
0x2f: {  	[tilespmem:$0x20] =	vst v0;
	v0 =	vshll.u32 v3, $0x1;
	v3 =	vld [tilespmem:$0x80]  }
0x30: {  	[tilespmem:$0x30] =	vst v0;
	v0 =	vshll.u32 v4, $0x1;
	v4 =	vld [tilespmem:$0x90]  }
0x31: {  	[tilespmem:$0x40] =	vst v0;
	v0 =	vshll.u32 v5, $0x1;
	v5 =	vld [tilespmem:$0xA0]  }
0x32: {  	[tilespmem:$0x50] =	vst v0;
	v0 =	vshll.u32 v1, $0x1;
	v1 =	vld [tilespmem:$0xB0]  }
0x33: {  	[tilespmem:$0x60] =	vst v0;
	v0 =	vshll.u32 v2, $0x1;
	v2 =	vld [tilespmem:$0xC0]  }
0x34: {  	[tilespmem:$0x70] =	vst v0;
	v0 =	vshll.u32 v3, $0x1;
	v3 =	vld [tilespmem:$0xD0]  }
0x35: {  	[tilespmem:$0x80] =	vst v0;
	v0 =	vshll.u32 v4, $0x1;
	v4 =	vld [tilespmem:$0xE0]  }
0x36: {  	[tilespmem:$0x90] =	vst v0;
	v0 =	vshll.u32 v5, $0x1;
	v5 =	vld [tilespmem:$0xF0]  }
0x37: {  	[tilespmem:$0xA0] =	vst v0;
	v0 =	vshll.u32 v1, $0x1;
	v1 =	vld [tilespmem:$0x100]  }
0x38: {  	[tilespmem:$0xB0] =	vst v0;
	v0 =	vshll.u32 v2, $0x1;
	v2 =	vld [tilespmem:$0x110]  }
0x39: {  	[tilespmem:$0xC0] =	vst v0;
	v0 =	vshll.u32 v3, $0x1;
	v3 =	vld [tilespmem:$0x120]  }
0x3a: {  	[tilespmem:$0xD0] =	vst v0;
	v0 =	vshll.u32 v4, $0x1;
	v4 =	vld [tilespmem:$0x130]  }
0x3b: {  	[tilespmem:$0xE0] =	vst v0;
	v0 =	vshll.u32 v5, $0x1;
	v5 =	vld [tilespmem:$0x140]  }
0x3c: {  	[tilespmem:$0xF0] =	vst v0;
	v0 =	vshll.u32 v1, $0x1;
	v1 =	vld [tilespmem:$0x150]  }
0x3d: {  	[tilespmem:$0x100] =	vst v0;
	v0 =	vshll.u32 v2, $0x1;
	v2 =	vld [tilespmem:$0x160]  }
0x3e: {  	[tilespmem:$0x110] =	vst v0;
	v0 =	vshll.u32 v3, $0x1;
	v3 =	vld [tilespmem:$0x170]  }
0x3f: {  	[tilespmem:$0x120] =	vst v0;
	v0 =	vshll.u32 v4, $0x1;
	v4 =	vld [tilespmem:$0x180]  }
0x40: {  	[tilespmem:$0x130] =	vst v0;
	v0 =	vshll.u32 v5, $0x1;
	v5 =	vld [tilespmem:$0x190]  }
0x41: {  	[tilespmem:$0x140] =	vst v0;
	v0 =	vshll.u32 v1, $0x1;
	v1 =	vld [tilespmem:$0x1A0]  }
0x42: {  	[tilespmem:$0x150] =	vst v0;
	v0 =	vshll.u32 v2, $0x1;
	v2 =	vld [tilespmem:$0x1B0]  }
0x43: {  	[tilespmem:$0x160] =	vst v0;
	v0 =	vshll.u32 v3, $0x1;
	v3 =	vld [tilespmem:$0x1C0]  }
0x44: {  	[tilespmem:$0x170] =	vst v0;
	v0 =	vshll.u32 v4, $0x1;
	v4 =	vld [tilespmem:$0x1D0]  }
0x45: {  	[tilespmem:$0x180] =	vst v0;
	v0 =	vshll.u32 v5, $0x1;
	v5 =	vld [tilespmem:$0x1E0]  }
0x46: {  	[tilespmem:$0x190] =	vst v0;
	v0 =	vshll.u32 v1, $0x1;
	v1 =	vld [tilespmem:$0x1F0]  }
0x47: {  	[tilespmem:$0x1A0] =	vst v0;
	v0 =	vshll.u32 v2, $0x1  }
0x48: {  	[tilespmem:$0x1B0] =	vst v0;
	v0 =	vshll.u32 v3, $0x1  }
0x49: {  	[tilespmem:$0x1C0] =	vst v0;
	v0 =	vshll.u32 v4, $0x1  }
0x4a: {  	[tilespmem:$0x1D0] =	vst v0;
	v0 =	vshll.u32 v5, $0x1  }
0x4b: {  	[tilespmem:$0x1E0] =	vst v0;
	v0 =	vshll.u32 v1, $0x1  }
0x4c: {  	s6 =	simm.s32 $0x0;
	[tilespmem:$0x1F0] =	vst v0  }
0x4d: {  	v1 =	vld [tilespmem:s6+$0x200]  }
0x4e: {  	v2 =	vld [tilespmem:s6+$0x210]  }
0x4f: {  	s7 =	simm.s32 $0x100;
	v0 =	vld [tilespmem:s6+$0x220]  }
.LBB2_2:
0x50: {  	p0 =	sne.s32 s7, $0xA700;
	v3 =	vld [tilespmem:s6+$0x230];
	_ =	sdelay $0x1  }
0x51: {  	v1 =	vshll.u32 v1, $0x1  }
.Ltmp2:
0x52: {  	v1 =	vor.u32 $0x1, v1;
	v2 =	vshll.u32 v2, $0x1;
	(pc) =	sbr.rel @p0 .LBB2_2-.Ltmp2, $4  }
0x53: {  	s8 =	sshra.s32 s7, $0x2;
	[tilespmem:s6+$0x200] =	vst v1;
	v2 =	vor.u32 $0x1, v2;
	v0 =	vshll.u32 v0, $0x1  }
0x54: {  	v1 =	vld [tilespmem:s8+$0x200];
	[tilespmem:s6+$0x210] =	vst v2;
	v0 =	vor.u32 $0x1, v0;
	v3 =	vshll.u32 v3, $0x1  }
0x55: {  	v2 =	vld [tilespmem:s8+$0x210];
	[tilespmem:s6+$0x220] =	vst v0;
	v3 =	vor.u32 $0x1, v3  }
0x56: {  	s7 =	sadd.s32 $0x100, s7;
	v0 =	vld [tilespmem:s8+$0x220];
	[tilespmem:s6+$0x230] =	vst v3;
	s6 =	smov.u32 s8  }
0x57: {  	v3 =	vld [tilespmem:s6+$0x230];
	_ =	sdelay $0x1  }
0x58: {  	v1 =	vshll.u32 v1, $0x1  }
0x59: {  	v1 =	vor.u32 $0x1, v1;
	v2 =	vshll.u32 v2, $0x1  }
0x5a: {  	[tilespmem:s6+$0x200] =	vst v1;
	v61 =	vor.u32 $0x1, v2;
	v0 =	vshll.u32 v0, $0x1  }
0x5b: {  	[tilespmem:s6+$0x210] =	vst v61;
	v0 =	vor.u32 $0x1, v0;
	v62 =	vshll.u32 v3, $0x1  }
0x5c: {  	[tilespmem:s6+$0x220] =	vst v0;
	v63 =	vor.u32 $0x1, v62  }
0x5d: {  	s5 =	simm.s32 $0x0;
	s0 =	rddreg [dreg:$0x5];
	s1 =	simm.s32 $0x80;
	[tilespmem:s6+$0x230] =	vst v63  }
0x5e: {  	[tilespmem:s18], [sflag:$0x6] =	stream.indirect.gather [hbm4b:s0+s1], $0x40, s5, s1, $0xb8;
	[tilespmem:$0x1ED00] =	vst v63  }
0x5f: {  	s14 =	simm.s32 $0x4C00  }
0x60: {  	[tilespmem:s14], [sflag:$0x6] =	stream.indirect.gather [hbm4b:s0+s1], $0x40, s1, s1, $0xb8;
	[tilespmem:$0x1ED00] =	vst v63  }
0x61: {  	s15 =	simm.s32 $0x100;
	s16 =	simm.s32 $0x6C00  }
0x62: {  	[tilespmem:s16], [sflag:$0x6] =	stream.indirect.gather [hbm4b:s0+s1], $0x40, s15, s1, $0xb8;
	[tilespmem:$0x1ED00] =	vst v63  }
0x63: {  	s17 =	simm.s32 $0x180;
	s19 =	simm.s32 $0x8C00  }
0x64: {  	[tilespmem:s19], [sflag:$0x6] =	stream.indirect.gather [hbm4b:s0+s1], $0x40, s17, s1, $0xb8;
	[tilespmem:$0x1ED00] =	vst v63  }
0x65: {  	_ = 	snop  }
0x66: {  	[tilespmem:s9], [sflag:$0x1] =	stream.indirect.gather [hbm4b:s0+s1], $0x40, s3, s1, $0xb8;
	[tilespmem:$0x1ED00] =	vst v63  }
0x67: {  	s20 =	simm.s32 $0x280;
	s21 =	simm.s32 $0xCC00  }
0x68: {  	[tilespmem:s21], [sflag:$0x1] =	stream.indirect.gather [hbm4b:s0+s1], $0x40, s20, s1, $0xb8;
	[tilespmem:$0x1ED00] =	vst v63  }
0x69: {  	s22 =	simm.s32 $0x300  }
0x6a: {  	[tilespmem:s10], [sflag:$0x2] =	stream.indirect.gather [hbm4b:s0+s1], $0x40, s22, s1, $0xb8;
	[tilespmem:$0x1ED00] =	vst v63  }
0x6b: {  	s23 =	simm.s32 $0x380;
	s24 =	simm.s32 $0x10C00  }
0x6c: {  	[tilespmem:s24], [sflag:$0x2] =	stream.indirect.gather [hbm4b:s0+s1], $0x40, s23, s1, $0xb8;
	[tilespmem:$0x1ED00] =	vst v63  }
0x6d: {  	_ = 	snop  }
0x6e: {  	[tilespmem:s11], [sflag:$0x3] =	stream.indirect.gather [hbm4b:s0+s1], $0x40, s4, s1, $0xb8;
	[tilespmem:$0x1ED00] =	vst v63  }
0x6f: {  	s25 =	simm.s32 $0x480;
	s26 =	simm.s32 $0x14C00  }
0x70: {  	[tilespmem:s26], [sflag:$0x3] =	stream.indirect.gather [hbm4b:s0+s1], $0x40, s25, s1, $0xb8;
	[tilespmem:$0x1ED00] =	vst v63  }
0x71: {  	s2 =	simm.s32 $0x0;
	s28 =	simm.s32 $0x500;
	s29 =	simm.s32 $0x580  }
0x72: {  	[tilespmem:s12], [sflag:$0x4] =	stream.indirect.gather [hbm4b:s0+s1], $0x40, s28, s1, $0xb8;
	[tilespmem:$0x1ED00] =	vst v63  }
0x73: {  	s30 =	simm.s32 $0x18C00;
	s31 =	simm.s32 $0x6;
	[dreg:$0x10] =	wrdreg s2  }
0x74: {  	[tilespmem:s30], [sflag:$0x4] =	stream.indirect.gather [hbm4b:s0+s1], $0x40, s29, s1, $0xb8;
	[tilespmem:$0x1ED00] =	vst v63  }
0x75: {  	_ =	swait.ge [sflag:s31], $0x2000  }
0x76: {  	[sflag:s31] =	ssyncset.done $0x0  }
0x77: {  	[sflag:s31] =	ssyncadd.s32 $0xFFFFE000  }
0x78: {  	_ =	swait.ge [sflag:s31], $0x2000  }
0x79: {  	[sflag:s31] =	ssyncset.done $0x0  }
0x7a: {  	[sflag:s31] =	ssyncadd.s32 $0xFFFFE000  }
0x7b: {  	_ =	swait.ge [sflag:s31], $0x2000  }
0x7c: {  	[sflag:s31] =	ssyncset.done $0x0  }
0x7d: {  	[sflag:s31] =	ssyncadd.s32 $0xFFFFE000  }
0x7e: {  	_ =	swait.ge [sflag:s31], $0x2000  }
0x7f: {  	[sflag:s31] =	ssyncset.done $0x0  }
0x80: {  	[sflag:s31] =	ssyncadd.s32 $0xFFFFE000  }
.LBB2_4:
0x81: {  	s1 =	rddreg [dreg:$0x10]  }
0x82: {  	s0 =	simm.s32 $0x1;
	p0 =	seq.s32 s1, $0x8  }
0x83: {  	s25 =	simm.s32 $0x0;
	_ =	swait.ge [sflag:s0], $0x4000;
	s7 =	smul.u32 @!p0 $0x1400, s1  }
0x84: {  	s31 =	smul.u32 $0x500, s1;
	[sflag:s0] =	ssyncset.done $0x0;
	s9 =	simm.s32 @!p0 $0x80  }
0x85: {  	s10 =	simm.s32 @!p0 $0x1AC00;
	s1 =	smul.u32 $0x5, s1;
	s7 =	sshra.s32 @!p0 s7, $0x2  }
0x86: {  	[sflag:s0] =	ssyncadd.s32 $0xFFFFC000;
	s0 =	rddreg [dreg:$0x5];
	s8 =	sadd.s32 @!p0 $0x600, s7  }
0x87: {  	[tilespmem:s10], [sflag:$0x5] =	stream.indirect.gather @!p0 [hbm4b:s0+s9], $0x40, s8, s9, $0xb8;
	[tilespmem:$0x1ED00] =	vst v63  }
0x88: {  	v0 =	vlaneseq.u32;
	[dreg:$0x11] =	wrdreg s31;
	s7 =	sadd.s32 @!p0 $0x680, s7;
	s8 =	simm.s32 @!p0 $0x1CC00  }
0x89: {  	v0 =	vor.u32 s31, v0;
	[tilespmem:s8], [sflag:$0x5] =	stream.indirect.gather @!p0 [hbm4b:s0+s9], $0x40, s7, s9, $0xb8;
	[tilespmem:$0x1ED00] =	vst v63  }
0x8a: {  	vm15 =	vcmask $0x2724;
	vm13 =	vcmask $0x2F2C;
	vm14 =	vcmask $0x3734;
	[dreg:$0x14] =	wrdreg s1;
	[tilespmem:$0x1FFC0] =	vst v0;
	s0 =	simm.s32 $0x1EC00;
	s8 =	simm.s32 $0xAC00  }
.LBB2_5:
0x8b: {  	v0 =	vld [tilespmem:$0x1FFC0];
	_ =	sdelay $0x4  }
0x8c: {  	v7 =	vor.u32 s25, v0  }
0x8d: {  	v0 =	vadd.s32 $0xFFFFFE00, v7  }
0x8e: {  	(v2sf) =	vpush v0, $0xD;
	_ =	sdelay $0x1  }
0x8f: {  	(v2sf) =	vpush v0, $0xC;
	_ =	sdelay $0x1  }
0x90: {  	(v2sf) =	vpush v0, $0xE;
	_ =	sdelay $0x1  }
0x91: {  	(v2sf) =	vpush v0, $0xF;
	_ =	sdelay $0x1  }
0x92: {  	(v2sf) =	vpush v0, $0x9;
	_ =	sdelay $0x1  }
0x93: {  	(v2sf) =	vpush v0, $0x8;
	_ =	sdelay $0x1  }
0x94: {  	(v2sf) =	vpush v0, $0xA  }
0x95: {  	(v2sf) =	vpush v0, $0xB  }
0x96: {  	(v2sf) =	vpush v0, $0x0  }
0x97: {  	s9 =	spop (v2sf)  }
0x98: {  	s10 =	smulhi.u32 $0x66666667, s9;
	s9 =	sshra.s32 s9, $0x1F  }
0x99: {  	s11 =	spop (v2sf);
	s9 =	smul.u32 $0x66666667, s9  }
0x9a: {  	(v2sf) =	vpush v0, $0x1;
	s12 =	smulhi.u32 $0x66666667, s11;
	s11 =	sshra.s32 s11, $0x1F  }
0x9b: {  	(v2sf) =	vpush v0, $0x2;
	s16 =	spop (v2sf);
	s11 =	smul.u32 $0x66666667, s11  }
0x9c: {  	(v2sf) =	vpush v0, $0x3;
	s22 =	smulhi.u32 $0x66666667, s16;
	s16 =	sshra.s32 s16, $0x1F  }
0x9d: {  	(v2sf) =	vpush v0, $0x4;
	s20 =	spop (v2sf);
	s16 =	smul.u32 $0x66666667, s16  }
0x9e: {  	(v2sf) =	vpush v0, $0x5;
	s28 =	smulhi.u32 $0x66666667, s20;
	s20 =	sshra.s32 s20, $0x1F  }
0x9f: {  	(v2sf) =	vpush v0, $0x6;
	s23 =	spop (v2sf);
	s20 =	smul.u32 $0x66666667, s20  }
0xa0: {  	[dreg:$0x15] =	wrdreg s0;
	(v2sf) =	vpush v0, $0x7;
	s19 =	smulhi.u32 $0x66666667, s23;
	s23 =	sshra.s32 s23, $0x1F  }
0xa1: {  	s26 =	spop (v2sf);
	s30 =	smul.u32 $0x66666667, s23  }
0xa2: {  	s12 =	sadd.s32 s11, s12;
	s2 =	smulhi.u32 $0x66666667, s26;
	s24 =	sshra.s32 s26, $0x1F  }
0xa3: {  	s31 =	spop (v2sf);
	s21 =	sshrl.u32 s12, $0x1F;
	s13 =	smul.u32 $0x66666667, s24  }
0xa4: {  	s14 =	spop (v2sf);
	s4 =	smulhi.u32 $0x66666667, s31;
	s26 =	sshra.s32 s31, $0x1F  }
0xa5: {  	s12 =	sshra.s32 s12, $0x3;
	s17 =	spop (v2sf);
	s31 =	smul.u32 $0x66666667, s26  }
0xa6: {  	s1 =	smulhi.u32 $0x66666667, s14;
	s14 =	sshra.s32 s14, $0x1F;
	s26 =	sadd.s32 s9, s10  }
0xa7: {  	s10 =	sadd.s32 s16, s22;
	s16 =	sadd.s32 s20, s28;
	s14 =	smul.u32 $0x66666667, s14  }
0xa8: {  	s20 =	sadd.s32 s30, s19;
	s11 =	smulhi.u32 $0x66666667, s17;
	s29 =	sshra.s32 s17, $0x1F  }
0xa9: {  	s3 =	spop (v2sf);
	s17 =	sshrl.u32 s26, $0x1F;
	s15 =	smul.u32 $0x66666667, s29  }
0xaa: {  	s5 =	spop (v2sf);
	s24 =	smulhi.u32 $0x66666667, s3;
	s3 =	sshra.s32 s3, $0x1F  }
0xab: {  	s28 =	sshrl.u32 s16, $0x1F;
	s0 =	spop (v2sf);
	s3 =	smul.u32 $0x66666667, s3  }
0xac: {  	s19 =	smulhi.u32 $0x66666667, s5;
	s5 =	sshra.s32 s5, $0x1F;
	s6 =	spop (v2sf)  }
0xad: {  	s22 =	sadd.s32 s13, s2;
	s2 =	smul.u32 $0x66666667, s5;
	s7 =	spop (v2sf)  }
0xae: {  	s30 =	smulhi.u32 $0x66666667, s0;
	s0 =	sshra.s32 s0, $0x1F;
	s23 =	spop (v2sf)  }
0xaf: {  	s9 =	sadd.s32 s31, s4;
	s0 =	smul.u32 $0x66666667, s0;
	s13 =	spop (v2sf)  }
0xb0: {  	s31 =	sadd.s32 s14, s1;
	s14 =	smulhi.u32 $0x66666667, s13;
	s1 =	sshra.s32 s13, $0x1F  }
0xb1: {  	s29 =	sshrl.u32 s10, $0x1F;
	s5 =	sadd.s32 s15, s11;
	s1 =	smul.u32 $0x66666667, s1  }
0xb2: {  	s3 =	sadd.s32 s3, s24;
	s24 =	smulhi.u32 $0x66666667, s6;
	s6 =	sshra.s32 s6, $0x1F  }
0xb3: {  	s15 =	sshrl.u32 s22, $0x1F;
	s6 =	smul.u32 $0x66666667, s6;
	s11 =	sadd.s32 s1, s14  }
0xb4: {  	s2 =	sadd.s32 s2, s19;
	s0 =	sadd.s32 s0, s30;
	s30 =	sshra.s32 s11, $0x1F  }
0xb5: {  	v1 =	vmov s21;
	s19 =	sshra.s32 s5, $0x3;
	s6 =	sadd.s32 s6, s24;
	s24 =	sshrl.u32 s5, $0x1F;
	v51 =	vmov s30  }
0xb6: {  	vm11 =	vcmask $0x1714;
	v1 =	vsel vm0, s17, v1;
	s5 =	sshra.s32 s5, $0x1F;
	s17 =	smulhi.u32 $0x66666667, s7;
	s7 =	sshra.s32 s7, $0x1F;
	v0 =	vsel vm3, s19, v51  }
0xb7: {  	v52 =	vmov s12;
	s21 =	sshra.s32 s3, $0x3;
	v2 =	vmov s24;
	s24 =	sshrl.u32 s2, $0x1F;
	s7 =	smul.u32 $0x66666667, s7;
	v0 =	vsel vm9, s5, v0  }
0xb8: {  	v1 =	vsel vm1, s29, v1;
	s4 =	smulhi.u32 $0x66666667, s23;
	v2 =	vnsel vm3, $0x0, v2;
	s30 =	sshrl.u32 s3, $0x1F;
	s3 =	sshra.s32 s3, $0x1F;
	v0 =	vsel vm0, s21, v0  }
0xb9: {  	v3 =	vmov s15;
	s29 =	sshra.s32 s23, $0x1F;
	s13 =	sshrl.u32 s20, $0x1F;
	v2 =	vsel vm0, s30, v2;
	s30 =	sshra.s32 s2, $0x3;
	v0 =	vsel vm10, s3, v0  }
0xba: {  	v1 =	vsel vm2, s28, v1;
	v3 =	vsel vm0, s13, v3;
	s13 =	sshra.s32 s22, $0x3;
	s1 =	sshrl.u32 s9, $0x1F;
	s2 =	sshra.s32 s2, $0x1F;
	v0 =	vsel vm1, s30, v0  }
0xbb: {  	s23 =	smul.u32 $0x66666667, s29;
	s29 =	sshra.s32 s0, $0x3;
	v4 =	vmov s13;
	s14 =	sshrl.u32 s31, $0x1F;
	v3 =	vsel vm1, s1, v3;
	v0 =	vsel vm11, s2, v0  }
0xbc: {  	s15 =	sshra.s32 s26, $0x3;
	v3 =	vsel vm2, s14, v3;
	s21 =	sshrl.u32 s0, $0x1F;
	s0 =	sshra.s32 s0, $0x1F;
	vm11 =	vcmask $0x1F1C;
	v0 =	vsel vm2, s29, v0  }
0xbd: {  	v1 =	vcombine.low v3, v1;
	v2 =	vsel vm1, s24, v2;
	s24 =	sadd.s32 s7, s17;
	s7 =	sshra.s32 s6, $0x3;
	s17 =	sshra.s32 s20, $0x3;
	v0 =	vsel vm11, s0, v0  }
0xbe: {  	s28 =	sshrl.u32 s6, $0x1F;
	s14 =	sshra.s32 s6, $0x1F;
	v3 =	vsel vm0, s15, v52;
	s20 =	sshra.s32 s10, $0x3;
	v4 =	vsel vm0, s17, v4;
	v0 =	vsel vm4, s7, v0  }
0xbf: {  	s4 =	sadd.s32 s23, s4;
	s23 =	sshra.s32 s16, $0x3;
	s19 =	sshra.s32 s24, $0x3;
	v3 =	vsel vm1, s20, v3;
	v2 =	vsel vm2, s21, v2;
	v0 =	vsel vm15, s14, v0  }
0xc0: {  	s22 =	sshra.s32 s24, $0x1F;
	s21 =	sshra.s32 s9, $0x3;
	v3 =	vsel vm2, s23, v3;
	v2 =	vsel vm4, s28, v2;
	s30 =	sshrl.u32 s24, $0x1F;
	v0 =	vsel vm5, s19, v0  }
0xc1: {  	s26 =	sshra.s32 s4, $0x3;
	s5 =	sshrl.u32 s4, $0x1F;
	v4 =	vsel vm1, s21, v4;
	s24 =	sshra.s32 s31, $0x3;
	v2 =	vsel vm5, s30, v2;
	v0 =	vsel vm13, s22, v0  }
0xc2: {  	s28 =	sshrl.u32 s11, $0x1F;
	v4 =	vsel vm2, s24, v4;
	v2 =	vsel vm6, s5, v2;
	s29 =	sshra.s32 s4, $0x1F;
	v0 =	vsel vm6, s26, v0  }
0xc3: {  	s30 =	sshra.s32 s11, $0x3;
	v3 =	vcombine.low v4, v3;
	v2 =	vsel vm7, s28, v2;
	v0 =	vsel vm14, s29, v0  }
0xc4: {  	v1 =	vperm.xlane v1, v8;
	v2 =	vperm.xlane v2, v9;
	v0 =	vsel vm7, s30, v0  }
0xc5: {  	v3 =	vperm.xlane v3, v8;
	v0 =	vperm.xlane v0, v9;
	_ =	sdelay $0x1  }
0xc6: {  	v1 =	vsel vm8, v2, v1;
	v0 =	vsel vm8, v0, v3  }
0xc7: {  	v0 =	vadd.s32 v1, v0  }
0xc8: {  	v1 =	vmul.u32 $0xFFFFFFEC, v0  }
0xc9: {  	v54 =	vmov s25;
	v53 =	vsub.s32 $0x200, v7  }
0xca: {  	vm12 =	vmmov vm10;
	vm10 =	vne.s32 v1, v53;
	v1 =	vshll.u32 v54, $0x6  }
0xcb: {  	vm11 =	vmmov vm9;
	vm9 =	vlt.u32 v7, $0x201;
	v8 =	vor.u32 v11, v1  }
0xcc: {  	vm9 =	vmand vm9, vm10;
	v4 =	vor.u32 $0x3, v8  }
0xcd: {  	v55 =	vsel vm9, $0xFFFFFFFF, v10  }
0xce: {  	vm9 =	vgt.u32 v6, v7;
	v0 =	vadd.s32 v55, v0  }
0xcf: {  	v0 =	vsel vm9, v7, v0  }
0xd0: {  	v7 =	vshll.u32 v0, $0x6  }
0xd1: {  	v20 =	vld.idx.msk [tilespmem:v4+s8+$0x0], $0xffff;
	v4 =	vor.u32 $0x5, v7;
	_ =	sdelay $0x4  }
0xd2: {  	v13 =	vld.idx.msk [tilespmem:v4+s18+$0x0], $0xffff;
	v4 =	vor.u32 $0x8, v8;
	_ =	sdelay $0x4  }
0xd3: {  	v21 =	vld.idx.msk [tilespmem:v4+s8+$0x0], $0xffff;
	v4 =	vor.u32 $0xA, v7;
	_ =	sdelay $0x3  }
0xd4: {  	v5 =	vor.u32 $0x4, v7  }
0xd5: {  	v49 =	vld.idx.msk [tilespmem:v4+s18+$0x0], $0xffff;
	v4 =	vor.u32 $0xD, v8;
	_ =	sdelay $0x2  }
0xd6: {  	v11 =	vor.u32 $0x8, v7  }
0xd7: {  	v15 =	vld.idx.msk [tilespmem:v5+s18+$0x0], $0xffff;
	v5 =	vor.u32 $0x7, v8  }
0xd8: {  	v28 =	vld.idx.msk [tilespmem:v4+s8+$0x0], $0xffff;
	v4 =	vor.u32 $0xF, v7;
	_ =	sdelay $0x1  }
0xd9: {  	v56 =	vor.u32 $0x1, v8  }
0xda: {  	v47 =	vld.idx.msk [tilespmem:v11+s18+$0x0], $0xffff;
	v11 =	vor.u32 $0xB, v8  }
0xdb: {  	v45 =	vld.idx.msk [tilespmem:v5+s8+$0x0], $0xffff;
	v5 =	vor.u32 $0x9, v7  }
0xdc: {  	v54 =	vld.idx.msk [tilespmem:v4+s18+$0x0], $0xffff;
	v4 =	vor.u32 $0x12, v8  }
0xdd: {  	v58 =	vor.u32 $0x2, v8  }
0xde: {  	v59 =	vor.u32 $0x2, v7;
	v0 =	vld.idx.msk [tilespmem:v56+s8+$0x0], $0xffff  }
0xdf: {  	v25 =	vld.idx.msk [tilespmem:v11+s8+$0x0], $0xffff;
	v11 =	vor.u32 $0xD, v7  }
0xe0: {  	v48 =	vld.idx.msk [tilespmem:v5+s18+$0x0], $0xffff;
	v5 =	vor.u32 $0xC, v8  }
0xe1: {  	v35 =	vld.idx.msk [tilespmem:v4+s8+$0x0], $0xffff;
	v4 =	vor.u32 $0x14, v7  }
0xe2: {  	v61 =	vor.u32 $0x4, v8;
	v2 =	vld.idx.msk [tilespmem:v58+s8+$0x0], $0xffff  }
0xe3: {  	v12 =	vor.u32 $0x9, v8;
	v62 =	vld.idx.msk [tilespmem:v59+s18+$0x0], $0xffff  }
0xe4: {  	v52 =	vld.idx.msk [tilespmem:v11+s18+$0x0], $0xffff;
	v11 =	vor.u32 $0x10, v8  }
0xe5: {  	v27 =	vld.idx.msk [tilespmem:v5+s8+$0x0], $0xffff;
	v5 =	vor.u32 $0xE, v7  }
0xe6: {  	v59 =	vld.idx.msk [tilespmem:v4+s18+$0x0], $0xffff;
	v4 =	vor.u32 $0x17, v8  }
0xe7: {  	v33 =	vor.u32 $0x13, v8;
	v16 =	vld.idx.msk [tilespmem:v61+s8+$0x0], $0xffff  }
0xe8: {  	v57 =	vor.u32 $0x1, v7;
	v22 =	vld.idx.msk [tilespmem:v12+s8+$0x0], $0xffff  }
0xe9: {  	v32 =	vld.idx.msk [tilespmem:v11+s8+$0x0], $0xffff;
	v11 =	vor.u32 $0x12, v7  }
0xea: {  	v53 =	vld.idx.msk [tilespmem:v5+s18+$0x0], $0xffff;
	v5 =	vor.u32 $0x11, v8  }
0xeb: {  	v42 =	vld.idx.msk [tilespmem:v4+s8+$0x0], $0xffff;
	v4 =	vor.u32 $0x19, v7  }
0xec: {  	v23 =	vor.u32 $0xB, v7;
	v36 =	vld.idx.msk [tilespmem:v33+s8+$0x0], $0xffff  }
0xed: {  	v60 =	vor.u32 $0x3, v7;
	v46 =	vld.idx.msk [tilespmem:v57+s18+$0x0], $0xffff  }
0xee: {  	v57 =	vld.idx.msk [tilespmem:v11+s18+$0x0], $0xffff;
	v11 =	vor.u32 $0x15, v8  }
0xef: {  	v34 =	vld.idx.msk [tilespmem:v5+s8+$0x0], $0xffff;
	v5 =	vor.u32 $0x13, v7  }
0xf0: {  	[tilespmem:$0x1FEA0] =	vst v21;
	v21 =	vld.idx.msk [tilespmem:v4+s18+$0x0], $0xffff;
	v4 =	vor.u32 $0x1C, v8  }
0xf1: {  	v10 =	vor.u32 $0x7, v7;
	v50 =	vld.idx.msk [tilespmem:v23+s18+$0x0], $0xffff  }
0xf2: {  	v43 =	vor.u32 $0x1A, v7;
	[tilespmem:$0x1FE50] =	vst v0;
	v0 =	vld.idx.msk [tilespmem:v60+s18+$0x0], $0xffff  }
0xf3: {  	v39 =	vld.idx.msk [tilespmem:v11+s8+$0x0], $0xffff;
	v11 =	vor.u32 $0x17, v7  }
0xf4: {  	[tilespmem:$0x1FE60] =	vst v2;
	v58 =	vld.idx.msk [tilespmem:v5+s18+$0x0], $0xffff;
	v5 =	vor.u32 $0x16, v8  }
0xf5: {  	[tilespmem:$0x1FF50] =	vst v36;
	v36 =	vld.idx.msk [tilespmem:v4+s8+$0x0], $0xffff;
	v4 =	vor.u32 $0x1E, v7  }
0xf6: {  	[tilespmem:$0x1FE80] =	vst v20;
	v20 =	vld.idx.msk [tilespmem:v10+s18+$0x0], $0xffff;
	v10 =	vor.u32 $0xA, v8  }
0xf7: {  	[tilespmem:$0x1FEB0] =	vst v22;
	v22 =	vld.idx.msk [tilespmem:v43+s18+$0x0], $0xffff;
	v2 =	vor.u32 $0x22, v8  }
0xf8: {  	v43 =	vor.u32 $0x23, v8;
	[tilespmem:$0x1FE70] =	vst v62;
	v62 =	vld.idx.msk [tilespmem:v11+s18+$0x0], $0xffff  }
0xf9: {  	v11 =	vor.u32 $0x1A, v8;
	v41 =	vld.idx.msk [tilespmem:v5+s8+$0x0], $0xffff  }
0xfa: {  	v23 =	vld.idx.msk [tilespmem:v4+s18+$0x0], $0xffff;
	v4 =	vor.u32 $0x21, v8  }
0xfb: {  	v24 =	vld.idx.msk [tilespmem:v10+s8+$0x0], $0xffff  }
0xfc: {  	v1 =	vor.u32 $0x1F, v7;
	v12 =	vld.idx.msk [tilespmem:v2+s8+$0x0], $0xffff  }
0xfd: {  	v17 =	vld.idx.msk [tilespmem:v43+s8+$0x0], $0xffff  }
0xfe: {  	[tilespmem:$0x1FF30] =	vst v34;
	v34 =	vld.idx.msk [tilespmem:v11+s8+$0x0], $0xffff;
	v11 =	vor.u32 $0x1C, v7  }
0xff: {  	[tilespmem:$0x1FF80] =	vst v41;
	v41 =	vld.idx.msk [tilespmem:v4+s8+$0x0], $0xffff;
	v4 =	vor.u32 $0x23, v7  }
0x100: {  	[tilespmem:$0x1FE90] =	vst v0;
	v2 =	vld.idx.msk [tilespmem:v7+s18+$0x0], $0xffff  }
0x101: {  	v6 =	vor.u32 $0x6, v8;
	[tilespmem:$0x1FEC0] =	vst v24;
	v24 =	vld.idx.msk [tilespmem:v1+s18+$0x0], $0xffff  }
0x102: {  	v37 =	vor.u32 $0x15, v7;
	[tilespmem:$0x1FFA0] =	vst v12;
	v12 =	vld [tilespmem:$0x1FE50]  }
0x103: {  	v0 =	vor.u32 $0x1D, v8;
	[tilespmem:$0x1FEF0] =	vst v28;
	v28 =	vld.idx.msk [tilespmem:v11+s18+$0x0], $0xffff  }
0x104: {  	v1 =	vor.u32 $0x25, v7;
	v43 =	vld.idx.msk [tilespmem:v4+s18+$0x0], $0xffff  }
0x105: {  	v11 =	vor.u32 $0x1F, v8;
	v4 =	vld.idx.msk [tilespmem:v8+s8+$0x0], $0xffff  }
0x106: {  	v44 =	vld.idx.msk [tilespmem:v6+s8+$0x0], $0xffff  }
0x107: {  	v60 =	vld.idx.msk [tilespmem:v37+s18+$0x0], $0xffff  }
0x108: {  	v9 =	vor.u32 $0x6, v7;
	v37 =	vld.idx.msk [tilespmem:v0+s8+$0x0], $0xffff  }
0x109: {  	[tilespmem:$0x1FFB0] =	vst v17;
	v17 =	vld.idx.msk [tilespmem:v1+s18+$0x0], $0xffff  }
0x10a: {  	[tilespmem:$0x1FF70] =	vst v39;
	v39 =	vld.idx.msk [tilespmem:v11+s8+$0x0], $0xffff;
	v11 =	vor.u32 $0x21, v7;
	v2 =	vmul.f32 v2, v4;
	v4 =	vmul.f32 v46, v12  }
0x10b: {  	v6 =	vor.u32 $0x27, v8;
	v1 =	vld [tilespmem:$0x1FE60]  }
0x10c: {  	v0 =	vadd.f32 $0.0e+00, v4;
	v4 =	vld [tilespmem:$0x1FE70]  }
0x10d: {  	v19 =	vld.idx.msk [tilespmem:v9+s18+$0x0], $0xffff  }
0x10e: {  	v20 =	vmul.f32 v20, v45;
	v45 =	vld [tilespmem:$0x1FEA0]  }
0x10f: {  	[tilespmem:$0x1FED0] =	vst v25;
	v25 =	vld.idx.msk [tilespmem:v11+s18+$0x0], $0xffff  }
0x110: {  	v11 =	vld.idx.msk [tilespmem:v6+s8+$0x0], $0xffff  }
0x111: {  	v6 =	vmul.f32 v4, v1;
	v1 =	vld [tilespmem:$0x1FE80]  }
0x112: {  	v4 =	vld [tilespmem:$0x1FE90];
	_ =	sdelay $0x1  }
0x113: {  	v15 =	vmul.f32 v15, v16;
	v16 =	vadd.f32 $0.0e+00, v2  }
0x114: {  	v63 =	vor.u32 $0x5, v8  }
0x115: {  	v15 =	vadd.f32 v15, v16;
	v16 =	vmul.f32 v19, v44;
	v19 =	vmul.f32 v47, v45;
	v47 =	vld [tilespmem:$0x1FEB0]  }
0x116: {  	v10 =	vor.u32 $0xC, v7;
	v1 =	vmul.f32 v4, v1;
	_ =	sdelay $0x1  }
0x117: {  	v1 =	vadd.f32 $0.0e+00, v1  }
0x118: {  	v14 =	vld.idx.msk [tilespmem:v63+s8+$0x0], $0xffff  }
0x119: {  	v1 =	vadd.f32 v20, v1;
	v20 =	vmul.f32 v48, v47;
	v48 =	vld [tilespmem:$0x1FEC0]  }
0x11a: {  	v51 =	vld.idx.msk [tilespmem:v10+s18+$0x0], $0xffff;
	v10 =	vor.u32 $0xF, v8;
	_ =	sdelay $0x3  }
0x11b: {  	v15 =	vadd.f32 v19, v15;
	v19 =	vmul.f32 v49, v48;
	v49 =	vld [tilespmem:$0x1FED0]  }
0x11c: {  	v13 =	vmul.f32 v13, v14;
	v31 =	vld.idx.msk [tilespmem:v10+s8+$0x0], $0xffff;
	v10 =	vor.u32 $0x11, v7;
	_ =	sdelay $0x1  }
0x11d: {  	v26 =	vor.u32 $0xE, v8;
	v13 =	vadd.f32 v13, v0  }
0x11e: {  	[tilespmem:$0x1FEE0] =	vst v27;
	v5 =	vor.u32 $0x18, v7  }
0x11f: {  	v13 =	vadd.f32 v20, v13;
	v20 =	vmul.f32 v50, v49;
	v50 =	vld [tilespmem:$0x1FEE0]  }
0x120: {  	v56 =	vld.idx.msk [tilespmem:v10+s18+$0x0], $0xffff;
	v10 =	vor.u32 $0x14, v8;
	v44 =	vadd.f32 $0.0e+00, v6;
	_ =	sdelay $0x1  }
0x121: {  	v29 =	vld.idx.msk [tilespmem:v26+s8+$0x0], $0xffff;
	v16 =	vadd.f32 v16, v44  }
0x122: {  	v63 =	vld.idx.msk [tilespmem:v5+s18+$0x0], $0xffff;
	v5 =	vor.u32 $0x1B, v8  }
0x123: {  	v16 =	vadd.f32 v19, v16;
	v19 =	vmul.f32 v51, v50;
	v51 =	vld [tilespmem:$0x1FEF0]  }
0x124: {  	v38 =	vld.idx.msk [tilespmem:v10+s8+$0x0], $0xffff;
	v10 =	vor.u32 $0x16, v7;
	_ =	sdelay $0x1  }
0x125: {  	v30 =	vor.u32 $0x10, v7;
	[tilespmem:$0x1FF00] =	vst v29  }
0x126: {  	[tilespmem:$0x1FF40] =	vst v35;
	v35 =	vld.idx.msk [tilespmem:v5+s8+$0x0], $0xffff;
	v5 =	vor.u32 $0x1D, v7  }
0x127: {  	v1 =	vadd.f32 v20, v1;
	v20 =	vmul.f32 v52, v51;
	v52 =	vld [tilespmem:$0x1FF00]  }
0x128: {  	v61 =	vld.idx.msk [tilespmem:v10+s18+$0x0], $0xffff;
	v10 =	vor.u32 $0x19, v8;
	_ =	sdelay $0x1  }
0x129: {  	v40 =	vor.u32 $0x18, v8;
	v55 =	vld.idx.msk [tilespmem:v30+s18+$0x0], $0xffff  }
0x12a: {  	[tilespmem:$0x1FF10] =	vst v31;
	v30 =	vld.idx.msk [tilespmem:v5+s18+$0x0], $0xffff;
	v5 =	vor.u32 $0x20, v8  }
0x12b: {  	v15 =	vadd.f32 v19, v15;
	v19 =	vmul.f32 v53, v52;
	v53 =	vld [tilespmem:$0x1FF10]  }
0x12c: {  	v33 =	vld.idx.msk [tilespmem:v10+s8+$0x0], $0xffff;
	v10 =	vor.u32 $0x1B, v7;
	_ =	sdelay $0x1  }
0x12d: {  	[tilespmem:$0x1FF20] =	vst v32;
	v32 =	vld.idx.msk [tilespmem:v40+s8+$0x0], $0xffff  }
0x12e: {  	v40 =	vld.idx.msk [tilespmem:v5+s8+$0x0], $0xffff;
	v5 =	vor.u32 $0x22, v7  }
0x12f: {  	v13 =	vadd.f32 v20, v13;
	v20 =	vmul.f32 v54, v53;
	v54 =	vld [tilespmem:$0x1FF20]  }
0x130: {  	v27 =	vld.idx.msk [tilespmem:v10+s18+$0x0], $0xffff;
	v10 =	vor.u32 $0x1E, v8;
	_ =	sdelay $0x1  }
0x131: {  	v18 =	vor.u32 $0x24, v7  }
0x132: {  	[tilespmem:$0x1FF90] =	vst v42;
	v42 =	vld.idx.msk [tilespmem:v5+s18+$0x0], $0xffff;
	v5 =	vor.u32 $0x24, v8  }
0x133: {  	v16 =	vadd.f32 v19, v16;
	v19 =	vmul.f32 v55, v54;
	v55 =	vld [tilespmem:$0x1FF30]  }
0x134: {  	[tilespmem:$0x1FF60] =	vst v38;
	v38 =	vld.idx.msk [tilespmem:v10+s8+$0x0], $0xffff;
	v10 =	vor.u32 $0x20, v7  }
0x135: {  	v29 =	vor.u32 $0x25, v8  }
0x136: {  	v3 =	vor.u32 $0x26, v8;
	v18 =	vld.idx.msk [tilespmem:v18+s18+$0x0], $0xffff  }
0x137: {  	v26 =	vld.idx.msk [tilespmem:v5+s8+$0x0], $0xffff;
	v5 =	vor.u32 $0x26, v7  }
0x138: {  	v1 =	vadd.f32 v20, v1;
	v20 =	vmul.f32 v56, v55;
	v56 =	vld [tilespmem:$0x1FF40]  }
0x139: {  	v31 =	vld.idx.msk [tilespmem:v10+s18+$0x0], $0xffff;
	v10 =	vor.u32 $0x28, v8  }
0x13a: {  	v9 =	vor.u32 $0x27, v7;
	v29 =	vld.idx.msk [tilespmem:v29+s8+$0x0], $0xffff  }
0x13b: {  	v14 =	vor.u32 $0x29, v8;
	v46 =	vld.idx.msk [tilespmem:v3+s8+$0x0], $0xffff  }
0x13c: {  	v3 =	vor.u32 $0x28, v7;
	v12 =	vld.idx.msk [tilespmem:v5+s18+$0x0], $0xffff  }
0x13d: {  	v15 =	vadd.f32 v19, v15;
	v19 =	vmul.f32 v57, v56;
	v57 =	vld [tilespmem:$0x1FF50]  }
0x13e: {  	v0 =	vld.idx.msk [tilespmem:v10+s8+$0x0], $0xffff;
	v10 =	vor.u32 $0x2A, v7  }
0x13f: {  	v2 =	vor.u32 $0x29, v7;
	v5 =	vld.idx.msk [tilespmem:v9+s18+$0x0], $0xffff  }
0x140: {  	v9 =	vld.idx.msk [tilespmem:v14+s8+$0x0], $0xffff;
	v14 =	vor.u32 $0x2B, v7  }
0x141: {  	v6 =	vld.idx.msk [tilespmem:v3+s18+$0x0], $0xffff;
	v4 =	vor.u32 $0x2A, v8  }
0x142: {  	v13 =	vadd.f32 v20, v13;
	v20 =	vmul.f32 v58, v57;
	v58 =	vld [tilespmem:$0x1FF60]  }
0x143: {  	v3 =	vor.u32 $0x2B, v8;
	v10 =	vld.idx.msk [tilespmem:v10+s18+$0x0], $0xffff  }
0x144: {  	v44 =	vld.idx.msk [tilespmem:v2+s18+$0x0], $0xffff;
	v2 =	vor.u32 $0x2C, v8  }
0x145: {  	v14 =	vld.idx.msk [tilespmem:v14+s18+$0x0], $0xffff;
	v47 =	vor.u32 $0x2D, v8  }
0x146: {  	v45 =	vld.idx.msk [tilespmem:v4+s8+$0x0], $0xffff;
	v4 =	vor.u32 $0x2C, v7  }
0x147: {  	v16 =	vadd.f32 v19, v16;
	v19 =	vmul.f32 v59, v58;
	v59 =	vld [tilespmem:$0x1FF70]  }
0x148: {  	v3 =	vld.idx.msk [tilespmem:v3+s8+$0x0], $0xffff;
	v48 =	vor.u32 $0x2D, v7  }
0x149: {  	v2 =	vld.idx.msk [tilespmem:v2+s8+$0x0], $0xffff;
	v49 =	vor.u32 $0x2E, v8  }
0x14a: {  	v47 =	vld.idx.msk [tilespmem:v47+s8+$0x0], $0xffff;
	v50 =	vor.u32 $0x2E, v7  }
0x14b: {  	v4 =	vld.idx.msk [tilespmem:v4+s18+$0x0], $0xffff;
	v51 =	vor.u32 $0x2F, v8  }
0x14c: {  	v1 =	vadd.f32 v20, v1;
	v20 =	vmul.f32 v60, v59;
	v60 =	vld [tilespmem:$0x1FF80]  }
0x14d: {  	v48 =	vld.idx.msk [tilespmem:v48+s18+$0x0], $0xffff;
	v52 =	vor.u32 $0x2F, v7  }
0x14e: {  	v49 =	vld.idx.msk [tilespmem:v49+s8+$0x0], $0xffff;
	v53 =	vor.u32 $0x30, v8  }
0x14f: {  	v50 =	vld.idx.msk [tilespmem:v50+s18+$0x0], $0xffff;
	v54 =	vor.u32 $0x30, v7  }
0x150: {  	v51 =	vld.idx.msk [tilespmem:v51+s8+$0x0], $0xffff;
	v55 =	vor.u32 $0x31, v8  }
0x151: {  	v56 =	vor.u32 $0x31, v7;
	v15 =	vadd.f32 v19, v15;
	v19 =	vmul.f32 v61, v60;
	v61 =	vld [tilespmem:$0x1FF90]  }
0x152: {  	v52 =	vld.idx.msk [tilespmem:v52+s18+$0x0], $0xffff;
	v57 =	vor.u32 $0x32, v8  }
0x153: {  	v53 =	vld.idx.msk [tilespmem:v53+s8+$0x0], $0xffff;
	v58 =	vor.u32 $0x32, v7  }
0x154: {  	v54 =	vld.idx.msk [tilespmem:v54+s18+$0x0], $0xffff;
	v59 =	vor.u32 $0x33, v8  }
0x155: {  	v55 =	vld.idx.msk [tilespmem:v55+s8+$0x0], $0xffff;
	v13 =	vadd.f32 v20, v13;
	v60 =	vor.u32 $0x33, v7  }
0x156: {  	v16 =	vadd.f32 v19, v16;
	v20 =	vmul.f32 v62, v61;
	v62 =	vmul.f32 v63, v32;
	v32 =	vld.idx.msk [tilespmem:v56+s18+$0x0], $0xffff  }
0x157: {  	v56 =	vor.u32 $0x34, v8;
	v63 =	vmul.f32 v21, v33;
	v21 =	vld.idx.msk [tilespmem:v57+s8+$0x0], $0xffff;
	v33 =	vor.u32 $0x34, v7  }
0x158: {  	v61 =	vmul.f32 v22, v34;
	v22 =	vld.idx.msk [tilespmem:v58+s18+$0x0], $0xffff;
	v57 =	vor.u32 $0x36, v8;
	v58 =	vmul.f32 v30, v37  }
0x159: {  	v15 =	vadd.f32 v62, v15;
	v13 =	vadd.f32 v63, v13;
	v62 =	vmul.f32 v27, v35;
	v27 =	vld.idx.msk [tilespmem:v59+s8+$0x0], $0xffff  }
0x15a: {  	v16 =	vadd.f32 v61, v16;
	v63 =	vmul.f32 v28, v36;
	v28 =	vld.idx.msk [tilespmem:v60+s18+$0x0], $0xffff;
	v60 =	vmul.f32 v23, v38  }
0x15b: {  	v34 =	vor.u32 $0x35, v8;
	v13 =	vadd.f32 v58, v13;
	v58 =	vld [tilespmem:$0x1FFA0]  }
0x15c: {  	v35 =	vor.u32 $0x35, v7;
	v16 =	vadd.f32 v60, v16;
	v60 =	vld [tilespmem:$0x1FFB0]  }
0x15d: {  	v59 =	vor.u32 $0x36, v7;
	v30 =	vld.idx.msk [tilespmem:v56+s8+$0x0], $0xffff  }
0x15e: {  	v17 =	vmul.f32 v17, v29;
	v23 =	vld.idx.msk [tilespmem:v33+s18+$0x0], $0xffff;
	v33 =	vor.u32 $0x37, v8  }
0x15f: {  	v1 =	vadd.f32 v20, v1;
	v56 =	vmul.f32 v25, v41;
	v25 =	vld.idx.msk [tilespmem:v57+s8+$0x0], $0xffff;
	v57 =	vor.u32 $0x38, v7  }
0x160: {  	v18 =	vmul.f32 v18, v26;
	v61 =	vmul.f32 v24, v39;
	v24 =	vld.idx.msk [tilespmem:v34+s8+$0x0], $0xffff;
	v41 =	vor.u32 $0x3B, v8  }
0x161: {  	v1 =	vadd.f32 v62, v1;
	v62 =	vmul.f32 v31, v40;
	v34 =	vor.u32 $0x37, v7;
	v31 =	vld.idx.msk [tilespmem:v35+s18+$0x0], $0xffff  }
0x162: {  	v12 =	vmul.f32 v12, v46;
	v15 =	vadd.f32 v63, v15;
	v63 =	vor.u32 $0x38, v8;
	v37 =	vld.idx.msk [tilespmem:v59+s18+$0x0], $0xffff  }
0x163: {  	v5 =	vmul.f32 v5, v11;
	v1 =	vadd.f32 v61, v1;
	v61 =	vor.u32 $0x39, v7;
	v33 =	vld.idx.msk [tilespmem:v33+s8+$0x0], $0xffff  }
0x164: {  	v0 =	vmul.f32 v6, v0;
	v59 =	vor.u32 $0x39, v8;
	v19 =	vmul.f32 v42, v58;
	v40 =	vld.idx.msk [tilespmem:v57+s18+$0x0], $0xffff  }
0x165: {  	v13 =	vadd.f32 v56, v13;
	v56 =	vor.u32 $0x3D, v8;
	v20 =	vmul.f32 v43, v60;
	v57 =	vld.idx.msk [tilespmem:v41+s8+$0x0], $0xffff  }
0x166: {  	v15 =	vadd.f32 v62, v15;
	v62 =	vor.u32 $0x3A, v8;
	v16 =	vadd.f32 v19, v16;
	v19 =	vld.idx.msk [tilespmem:v34+s18+$0x0], $0xffff  }
0x167: {  	v3 =	vmul.f32 v14, v3;
	v42 =	vor.u32 $0x3B, v7;
	v1 =	vadd.f32 v20, v1;
	v20 =	vld.idx.msk [tilespmem:v63+s8+$0x0], $0xffff  }
0x168: {  	v10 =	vmul.f32 v10, v45;
	v2 =	vmul.f32 v4, v2;
	v43 =	vor.u32 $0x3C, v8;
	v6 =	vld.idx.msk [tilespmem:v61+s18+$0x0], $0xffff  }
0x169: {  	v32 =	vmul.f32 v32, v55;
	v15 =	vadd.f32 v18, v15;
	v58 =	vor.u32 $0x3D, v7;
	v11 =	vld.idx.msk [tilespmem:v59+s8+$0x0], $0xffff  }
0x16a: {  	v13 =	vadd.f32 v17, v13;
	v60 =	vmul.f32 v48, v47;
	v63 =	vor.u32 $0x3A, v7;
	v29 =	vld.idx.msk [tilespmem:v56+s8+$0x0], $0xffff  }
0x16b: {  	v61 =	vor.u32 $0x3E, v7;
	v1 =	vadd.f32 v5, v1;
	v5 =	vmul.f32 v44, v9;
	v9 =	vld.idx.msk [tilespmem:v62+s8+$0x0], $0xffff  }
0x16c: {  	v59 =	vor.u32 $0x3E, v8;
	v8 =	vor.u32 $0x3F, v8;
	v12 =	vadd.f32 v12, v16;
	v4 =	vld.idx.msk [tilespmem:v42+s18+$0x0], $0xffff  }
0x16d: {  	v44 =	vor.u32 $0x3C, v7;
	v7 =	vor.u32 $0x3F, v7;
	v16 =	vld.idx.msk [tilespmem:v43+s8+$0x0], $0xffff;
	v5 =	vadd.f32 v5, v13  }
0x16e: {  	v0 =	vadd.f32 v0, v15;
	v62 =	vmul.f32 v50, v49;
	v14 =	vld.idx.msk [tilespmem:v58+s18+$0x0], $0xffff;
	v10 =	vadd.f32 v10, v12  }
0x16f: {  	v1 =	vadd.f32 v3, v1;
	v46 =	vld.idx.msk [tilespmem:v63+s18+$0x0], $0xffff;
	v3 =	vadd.f32 v60, v5;
	v5 =	vmul.f32 v52, v51  }
0x170: {  	v0 =	vadd.f32 v2, v0;
	v17 =	vld.idx.msk [tilespmem:v61+s18+$0x0], $0xffff;
	v2 =	vadd.f32 v62, v10;
	v10 =	vmul.f32 v54, v53  }
0x171: {  	v63 =	vmul.f32 v28, v27;
	v8 =	vld.idx.msk [tilespmem:v8+s8+$0x0], $0xffff;
	v1 =	vadd.f32 v5, v1;
	v5 =	vmul.f32 v22, v21  }
0x172: {  	v19 =	vmul.f32 v19, v33;
	v7 =	vld.idx.msk [tilespmem:v7+s18+$0x0], $0xffff;
	v0 =	vadd.f32 v10, v0;
	v10 =	vmul.f32 v23, v30  }
0x173: {  	v26 =	vld.idx.msk [tilespmem:v44+s18+$0x0], $0xffff;
	v3 =	vadd.f32 v32, v3;
	v2 =	vadd.f32 v5, v2;
	v5 =	vmul.f32 v31, v24  }
0x174: {  	v12 =	vld.idx.msk [tilespmem:v59+s8+$0x0], $0xffff;
	v6 =	vmul.f32 v6, v11;
	v0 =	vadd.f32 v10, v0;
	v10 =	vmul.f32 v37, v25  }
0x175: {  	v1 =	vadd.f32 v63, v1;
	v3 =	vadd.f32 v5, v3;
	v5 =	vmul.f32 v40, v20  }
0x176: {  	v4 =	vmul.f32 v4, v57;
	v9 =	vmul.f32 v46, v9;
	v2 =	vadd.f32 v10, v2  }
0x177: {  	v1 =	vadd.f32 v19, v1;
	v7 =	vmul.f32 v7, v8;
	v0 =	vadd.f32 v5, v0  }
0x178: {  	v3 =	vadd.f32 v6, v3;
	v5 =	vmul.f32 v26, v16;
	v6 =	vmul.f32 v14, v29  }
0x179: {  	v2 =	vadd.f32 v9, v2;
	v1 =	vadd.f32 v4, v1;
	v4 =	vmul.f32 v17, v12  }
0x17a: {  	v0 =	vadd.f32 v5, v0;
	v3 =	vadd.f32 v6, v3  }
0x17b: {  	v2 =	vadd.f32 v4, v2;
	v1 =	vadd.f32 v7, v1  }
0x17c: {  	p1 =	sne.s32 s25, $0xF0  }
.Ltmp3:
0x17d: {  	v0 =	vadd.f32 v3, v0;
	v1 =	vadd.f32 v1, v2;
	(pc) =	sbr.rel @p1 .LBB2_5-.Ltmp3, $4  }
0x17e: {  	_ = 	snop  }
0x17f: {  	v11 =	vld [tilespmem:$0x1FFF0];
	v0 =	vadd.f32 v1, v0  }
0x180: {  	s31 =	rddreg [dreg:$0x15];
	vm10 =	vmmov vm12;
	v8 =	vld [tilespmem:$0x1FFD0]  }
0x181: {  	s25 =	sadd.s32 $0x10, s25;
	s0 =	sadd.s32 $0x10, s31;
	vm9 =	vmmov vm11;
	v10 =	vimm.s32 $0x0;
	v9 =	vld [tilespmem:$0x1FFE0];
	v6 =	vimm.s32 $0x200;
	[tilespmem:s31+$0x0] =	vst v0  }
0x182: {  	s0 =	rddreg [dreg:$0x10]  }
0x183: {  	p1 =	sne.s32 s0, $0x0  }
.Ltmp4:
0x184: {  	_ = 	snop;
	(pc) =	sbr.rel @!p1 .LBB2_7-.Ltmp4, $1  }
0x185: {  	_ =	sdelay $0x3  }
0x186: {  	s0 =	rddreg [dreg:$0xa]  }
0x187: {  	s1 =	rddreg [dreg:$0x11]  }
0x188: {  	s0 =	sadd.s32 s1, s0  }
0x189: {  	s28 =	rddreg [dreg:$0x6];
	s29 =	simm.s32 $0x0;
	s0 =	sshrl.u32 s0, $0x3  }
0x18a: {  	s2 =	simm.s32 $0x1EC00;
	s30 =	simm.s32 $0x8;
	s0 =	sadd.s32 s28, s0  }
0x18b: {  	[hbm4b:s0+s29] =	stream.linear.scatter [tilespmem:s2], [sflag:$0x8], $0x100, $0x38;
	[tilespmem:$0x1ED00] =	vst v63  }
0x18c: {  	_ =	swait.ge [sflag:s30], $0x100  }
.Ltmp5:
0x18d: {  	[sflag:s30] =	ssyncset.done $0x0;
	(pc) =	sbr.rel @p0 .LBB2_10-.Ltmp5, $4  }
.Ltmp6:
0x18e: {  	s31 =	simm.s32 $0x2;
	[sflag:s30] =	ssyncadd.s32 $0xFFFFFF00;
	(pc) =	sbr.rel @!p0 .LBB2_9-.Ltmp6, $4  }
0x18f: {  	_ =	swait.ge [sflag:s31], $0x4000  }
0x190: {  	[sflag:s31] =	ssyncset.done $0x0  }
0x191: {  	s4 =	simm.s32 $0xAC00;
	[sflag:s31] =	ssyncadd.s32 $0xFFFFC000  }
0x192: {  	_ = 	snop  }
.LBB2_7:
0x193: {  	s0 =	simm.s32 $0x0  }
0x194: {  	s1 =	rddreg [dreg:$0xb];
	s2 =	simm.s32 $0x1EC00;
	s30 =	simm.s32 $0x8  }
0x195: {  	[hbm4b:s1+s0] =	stream.linear.scatter [tilespmem:s2], [sflag:$0x8], $0x100, $0x38;
	[tilespmem:$0x1ED00] =	vst v63  }
0x196: {  	_ =	swait.ge [sflag:s30], $0x100  }
0x197: {  	[sflag:s30] =	ssyncset.done $0x0  }
0x198: {  	s31 =	simm.s32 $0x2;
	[sflag:s30] =	ssyncadd.s32 $0xFFFFFF00  }
0x199: {  	_ =	swait.ge [sflag:s31], $0x4000  }
0x19a: {  	[sflag:s31] =	ssyncset.done $0x0  }
0x19b: {  	s4 =	simm.s32 $0xAC00;
	[sflag:s31] =	ssyncadd.s32 $0xFFFFC000  }
.LBB2_9:
0x19c: {  	s0 =	rddreg [dreg:$0x10]  }
0x19d: {  	s0 =	smul.u32 $0x1400, s0;
	_ =	sdelay $0x1  }
0x19e: {  	s0 =	sshra.s32 s0, $0x2  }
0x19f: {  	s2 =	rddreg [dreg:$0x5];
	s3 =	simm.s32 $0x80;
	s1 =	sadd.s32 $0x700, s0  }
0x1a0: {  	[tilespmem:s4], [sflag:$0x1] =	stream.indirect.gather [hbm4b:s2+s3], $0x40, s1, s3, $0xb8;
	[tilespmem:$0x1ED00] =	vst v63  }
0x1a1: {  	s31 =	simm.s32 $0xCC00;
	s0 =	sadd.s32 $0x780, s0  }
0x1a2: {  	[tilespmem:s31], [sflag:$0x1] =	stream.indirect.gather [hbm4b:s2+s3], $0x40, s0, s3, $0xb8;
	[tilespmem:$0x1ED00] =	vst v63  }
.LBB2_10:
0x1a3: {  	s0 =	rddreg [dreg:$0x11]  }
0x1a4: {  	v0 =	vlaneseq.u32;
	s0 =	sadd.s32 $0x100, s0  }
0x1a5: {  	s25 =	simm.s32 $0x0;
	v0 =	vor.u32 s0, v0  }
0x1a6: {  	s16 =	simm.s32 $0xEC00;
	vm15 =	vcmask $0x2724;
	vm13 =	vcmask $0x2F2C;
	vm14 =	vcmask $0x3734;
	[dreg:$0x12] =	wrdreg s0;
	s0 =	simm.s32 $0x1EC00;
	[tilespmem:$0x1FE40] =	vst v0  }
.LBB2_11:
0x1a7: {  	v0 =	vld [tilespmem:$0x1FE40];
	_ =	sdelay $0x4  }
0x1a8: {  	v7 =	vor.u32 s25, v0  }
0x1a9: {  	v0 =	vadd.s32 $0xFFFFFE00, v7  }
0x1aa: {  	(v2sf) =	vpush v0, $0xD;
	_ =	sdelay $0x1  }
0x1ab: {  	(v2sf) =	vpush v0, $0xC;
	_ =	sdelay $0x1  }
0x1ac: {  	(v2sf) =	vpush v0, $0xE;
	_ =	sdelay $0x1  }
0x1ad: {  	(v2sf) =	vpush v0, $0xF;
	_ =	sdelay $0x1  }
0x1ae: {  	(v2sf) =	vpush v0, $0x9;
	_ =	sdelay $0x1  }
0x1af: {  	(v2sf) =	vpush v0, $0x8;
	_ =	sdelay $0x1  }
0x1b0: {  	(v2sf) =	vpush v0, $0xA;
	_ =	sdelay $0x1  }
0x1b1: {  	(v2sf) =	vpush v0, $0xB  }
0x1b2: {  	s21 =	spop (v2sf)  }
0x1b3: {  	[dreg:$0x16] =	wrdreg s0;
	(v2sf) =	vpush v0, $0x0;
	s1 =	smulhi.u32 $0x66666667, s21;
	s0 =	sshra.s32 s21, $0x1F  }
0x1b4: {  	(v2sf) =	vpush v0, $0x1;
	s2 =	spop (v2sf);
	s0 =	smul.u32 $0x66666667, s0  }
0x1b5: {  	s3 =	smulhi.u32 $0x66666667, s2;
	s2 =	sshra.s32 s2, $0x1F  }
0x1b6: {  	(v2sf) =	vpush v0, $0x2;
	s4 =	spop (v2sf);
	s2 =	smul.u32 $0x66666667, s2  }
0x1b7: {  	s6 =	smulhi.u32 $0x66666667, s4;
	s4 =	sshra.s32 s4, $0x1F  }
0x1b8: {  	(v2sf) =	vpush v0, $0x3;
	s5 =	spop (v2sf);
	s4 =	smul.u32 $0x66666667, s4  }
0x1b9: {  	(v2sf) =	vpush v0, $0x4;
	s11 =	smulhi.u32 $0x66666667, s5;
	s5 =	sshra.s32 s5, $0x1F  }
0x1ba: {  	(v2sf) =	vpush v0, $0x5;
	s7 =	spop (v2sf);
	s5 =	smul.u32 $0x66666667, s5  }
0x1bb: {  	(v2sf) =	vpush v0, $0x6;
	s13 =	smulhi.u32 $0x66666667, s7;
	s7 =	sshra.s32 s7, $0x1F  }
0x1bc: {  	(v2sf) =	vpush v0, $0x7;
	s9 =	spop (v2sf);
	s7 =	smul.u32 $0x66666667, s7  }
0x1bd: {  	s17 =	smulhi.u32 $0x66666667, s9;
	s9 =	sshra.s32 s9, $0x1F  }
0x1be: {  	s10 =	spop (v2sf);
	s9 =	smul.u32 $0x66666667, s9  }
0x1bf: {  	s21 =	smulhi.u32 $0x66666667, s10;
	s10 =	sshra.s32 s10, $0x1F  }
0x1c0: {  	s31 =	sadd.s32 s2, s3;
	s12 =	spop (v2sf);
	s29 =	smul.u32 $0x66666667, s10  }
0x1c1: {  	s26 =	sadd.s32 s5, s11;
	s8 =	smulhi.u32 $0x66666667, s12;
	s12 =	sshra.s32 s12, $0x1F  }
0x1c2: {  	s14 =	spop (v2sf);
	s10 =	sadd.s32 s0, s1;
	s0 =	smul.u32 $0x66666667, s12  }
0x1c3: {  	s15 =	spop (v2sf);
	s1 =	smulhi.u32 $0x66666667, s14;
	s22 =	sshra.s32 s14, $0x1F  }
0x1c4: {  	s3 =	sshrl.u32 s10, $0x1F;
	s14 =	sshrl.u32 s31, $0x1F;
	s2 =	smul.u32 $0x66666667, s22  }
0x1c5: {  	s12 =	sadd.s32 s4, s6;
	s19 =	spop (v2sf);
	s4 =	smulhi.u32 $0x66666667, s15  }
0x1c6: {  	s23 =	sshra.s32 s15, $0x1F;
	s15 =	sshrl.u32 s12, $0x1F;
	s22 =	sadd.s32 s7, s13  }
0x1c7: {  	s11 =	sadd.s32 s29, s21;
	s20 =	spop (v2sf);
	s5 =	smul.u32 $0x66666667, s23  }
0x1c8: {  	s6 =	smulhi.u32 $0x66666667, s19;
	s19 =	sshra.s32 s19, $0x1F;
	s24 =	spop (v2sf)  }
0x1c9: {  	s23 =	sadd.s32 s9, s17;
	s7 =	smul.u32 $0x66666667, s19;
	s30 =	spop (v2sf)  }
0x1ca: {  	s17 =	smulhi.u32 $0x66666667, s20;
	s20 =	sshra.s32 s20, $0x1F;
	s28 =	spop (v2sf)  }
0x1cb: {  	s9 =	sadd.s32 s0, s8;
	s0 =	smul.u32 $0x66666667, s20;
	s21 =	spop (v2sf)  }
0x1cc: {  	s1 =	sadd.s32 s2, s1;
	s2 =	smulhi.u32 $0x66666667, s21;
	s8 =	sshra.s32 s21, $0x1F  }
0x1cd: {  	s13 =	sshrl.u32 s26, $0x1F;
	s4 =	sadd.s32 s5, s4;
	s5 =	smul.u32 $0x66666667, s8  }
0x1ce: {  	s19 =	sshrl.u32 s22, $0x1F;
	s29 =	smulhi.u32 $0x66666667, s24;
	s20 =	sshra.s32 s24, $0x1F  }
0x1cf: {  	s24 =	sshra.s32 s1, $0x3;
	s8 =	smul.u32 $0x66666667, s20;
	s20 =	sadd.s32 s5, s2  }
0x1d0: {  	v1 =	vmov s14;
	s6 =	sadd.s32 s7, s6;
	s0 =	sadd.s32 s0, s17;
	s5 =	sshra.s32 s20, $0x1F  }
0x1d1: {  	v1 =	vsel vm0, s3, v1;
	s3 =	smulhi.u32 $0x66666667, s30;
	s17 =	sshra.s32 s30, $0x1F;
	s21 =	sshrl.u32 s23, $0x1F;
	v17 =	vmov s5  }
0x1d2: {  	v1 =	vsel vm1, s15, v1;
	s7 =	sadd.s32 s8, s29;
	s29 =	sshrl.u32 s1, $0x1F;
	s1 =	sshra.s32 s1, $0x1F;
	v0 =	vsel vm3, s24, v17  }
0x1d3: {  	v1 =	vsel vm2, s13, v1;
	s14 =	smul.u32 $0x66666667, s17;
	s30 =	sshra.s32 s28, $0x1F;
	v3 =	vmov s21;
	s24 =	sshra.s32 s4, $0x3;
	v0 =	vsel vm9, s1, v0  }
0x1d4: {  	v3 =	vsel vm0, s19, v3;
	s2 =	sshrl.u32 s11, $0x1F;
	v2 =	vmov s29;
	s5 =	sshrl.u32 s4, $0x1F;
	s4 =	sshra.s32 s4, $0x1F;
	v0 =	vsel vm0, s24, v0  }
0x1d5: {  	s15 =	sshra.s32 s6, $0x3;
	s17 =	sshrl.u32 s0, $0x1F;
	s21 =	smul.u32 $0x66666667, s30;
	v3 =	vsel vm1, s2, v3;
	v2 =	vnsel vm3, $0x0, v2;
	v0 =	vsel vm10, s4, v0  }
0x1d6: {  	s8 =	sshrl.u32 s9, $0x1F;
	s29 =	sshrl.u32 s6, $0x1F;
	s6 =	sshra.s32 s6, $0x1F;
	v2 =	vsel vm0, s5, v2;
	vm9 =	vcmask $0x1714;
	v0 =	vsel vm1, s15, v0  }
0x1d7: {  	v3 =	vsel vm2, s8, v3;
	s8 =	sshra.s32 s23, $0x3;
	s5 =	smulhi.u32 $0x66666667, s28;
	s28 =	sshra.s32 s0, $0x3;
	v2 =	vsel vm1, s29, v2;
	v0 =	vsel vm9, s6, v0  }
0x1d8: {  	s0 =	sshra.s32 s0, $0x1F;
	s1 =	sadd.s32 s14, s3;
	v2 =	vsel vm2, s17, v2;
	s24 =	sshrl.u32 s7, $0x1F;
	vm9 =	vcmask $0x1F1C;
	v0 =	vsel vm2, s28, v0  }
0x1d9: {  	v1 =	vcombine.low v3, v1;
	s29 =	sshrl.u32 s1, $0x1F;
	s30 =	sadd.s32 s21, s5;
	s5 =	sshra.s32 s7, $0x3;
	v2 =	vsel vm4, s24, v2;
	v0 =	vsel vm9, s0, v0  }
0x1da: {  	s13 =	sshra.s32 s7, $0x1F;
	v4 =	vmov s8;
	s4 =	sshrl.u32 s30, $0x1F;
	v2 =	vsel vm5, s29, v2;
	s6 =	sshra.s32 s31, $0x3;
	v0 =	vsel vm4, s5, v0  }
0x1db: {  	s14 =	sshra.s32 s10, $0x3;
	s17 =	sshra.s32 s1, $0x3;
	s15 =	sshra.s32 s22, $0x3;
	v2 =	vsel vm6, s4, v2;
	v18 =	vmov s6;
	v0 =	vsel vm15, s13, v0  }
0x1dc: {  	s19 =	sshra.s32 s12, $0x3;
	s21 =	sshra.s32 s11, $0x3;
	s22 =	sshra.s32 s1, $0x1F;
	v4 =	vsel vm0, s15, v4;
	v3 =	vsel vm0, s14, v18;
	v0 =	vsel vm5, s17, v0  }
0x1dd: {  	s23 =	sshra.s32 s26, $0x3;
	s24 =	sshra.s32 s9, $0x3;
	s26 =	sshra.s32 s30, $0x3;
	v4 =	vsel vm1, s21, v4;
	v3 =	vsel vm1, s19, v3;
	v0 =	vsel vm13, s22, v0  }
0x1de: {  	s29 =	sshra.s32 s30, $0x1F;
	s28 =	sshrl.u32 s20, $0x1F;
	v4 =	vsel vm2, s24, v4;
	v3 =	vsel vm2, s23, v3;
	v0 =	vsel vm6, s26, v0  }
0x1df: {  	s30 =	sshra.s32 s20, $0x3;
	v2 =	vsel vm7, s28, v2;
	v3 =	vcombine.low v4, v3;
	v0 =	vsel vm14, s29, v0  }
0x1e0: {  	v1 =	vperm.xlane v1, v8;
	v2 =	vperm.xlane v2, v9;
	v0 =	vsel vm7, s30, v0  }
0x1e1: {  	v3 =	vperm.xlane v3, v8;
	v0 =	vperm.xlane v0, v9;
	_ =	sdelay $0x1  }
0x1e2: {  	v1 =	vsel vm8, v2, v1;
	v0 =	vsel vm8, v0, v3  }
0x1e3: {  	v0 =	vadd.s32 v1, v0  }
0x1e4: {  	v1 =	vmul.u32 $0xFFFFFFEC, v0  }
0x1e5: {  	v20 =	vmov s25;
	v19 =	vsub.s32 $0x200, v7  }
0x1e6: {  	vm10 =	vne.s32 v1, v19;
	v1 =	vshll.u32 v20, $0x6  }
0x1e7: {  	vm9 =	vlt.u32 v7, $0x201;
	v8 =	vor.u32 v11, v1  }
0x1e8: {  	vm9 =	vmand vm9, vm10;
	v4 =	vor.u32 $0x3, v8  }
0x1e9: {  	v21 =	vsel vm9, $0xFFFFFFFF, v10  }
0x1ea: {  	vm9 =	vgt.u32 v6, v7;
	v0 =	vadd.s32 v21, v0  }
0x1eb: {  	v0 =	vsel vm9, v7, v0  }
0x1ec: {  	v7 =	vshll.u32 v0, $0x6  }
0x1ed: {  	v30 =	vld.idx.msk [tilespmem:v4+s16+$0x0], $0xffff;
	v4 =	vor.u32 $0x5, v7;
	_ =	sdelay $0x4  }
0x1ee: {  	v13 =	vld.idx.msk [tilespmem:v4+s18+$0x0], $0xffff;
	v4 =	vor.u32 $0x8, v8;
	_ =	sdelay $0x2  }
0x1ef: {  	v24 =	vor.u32 $0x2, v8  }
0x1f0: {  	v10 =	vor.u32 $0x7, v7  }
0x1f1: {  	v31 =	vld.idx.msk [tilespmem:v4+s16+$0x0], $0xffff;
	v4 =	vor.u32 $0xA, v7;
	_ =	sdelay $0x2  }
0x1f2: {  	v25 =	vor.u32 $0x2, v7;
	v2 =	vld.idx.msk [tilespmem:v24+s16+$0x0], $0xffff  }
0x1f3: {  	v20 =	vld.idx.msk [tilespmem:v10+s18+$0x0], $0xffff;
	v10 =	vor.u32 $0xA, v8  }
0x1f4: {  	v24 =	vld.idx.msk [tilespmem:v4+s18+$0x0], $0xffff;
	v4 =	vor.u32 $0xD, v8  }
0x1f5: {  	v22 =	vor.u32 $0x1, v8  }
0x1f6: {  	v5 =	vor.u32 $0x4, v7  }
0x1f7: {  	v11 =	vor.u32 $0x8, v7;
	v28 =	vld.idx.msk [tilespmem:v25+s18+$0x0], $0xffff  }
0x1f8: {  	v34 =	vld.idx.msk [tilespmem:v10+s16+$0x0], $0xffff;
	v10 =	vor.u32 $0xC, v7  }
0x1f9: {  	v38 =	vld.idx.msk [tilespmem:v4+s16+$0x0], $0xffff;
	v4 =	vor.u32 $0xF, v7  }
0x1fa: {  	v0 =	vld.idx.msk [tilespmem:v22+s16+$0x0], $0xffff  }
0x1fb: {  	v15 =	vld.idx.msk [tilespmem:v5+s18+$0x0], $0xffff;
	v5 =	vor.u32 $0x7, v8  }
0x1fc: {  	v22 =	vld.idx.msk [tilespmem:v11+s18+$0x0], $0xffff;
	v11 =	vor.u32 $0xB, v8  }
0x1fd: {  	[tilespmem:$0x1FCF0] =	vst v28;
	v28 =	vld.idx.msk [tilespmem:v10+s18+$0x0], $0xffff;
	v10 =	vor.u32 $0xF, v8  }
0x1fe: {  	v48 =	vld.idx.msk [tilespmem:v4+s18+$0x0], $0xffff;
	v4 =	vor.u32 $0x12, v8  }
0x1ff: {  	v23 =	vor.u32 $0x1, v7  }
0x200: {  	v45 =	vld.idx.msk [tilespmem:v5+s16+$0x0], $0xffff;
	v5 =	vor.u32 $0x9, v7  }
0x201: {  	v35 =	vld.idx.msk [tilespmem:v11+s16+$0x0], $0xffff;
	v11 =	vor.u32 $0xD, v7  }
0x202: {  	v41 =	vld.idx.msk [tilespmem:v10+s16+$0x0], $0xffff;
	v10 =	vor.u32 $0x11, v7  }
0x203: {  	v55 =	vld.idx.msk [tilespmem:v4+s16+$0x0], $0xffff;
	v4 =	vor.u32 $0x14, v7  }
0x204: {  	v21 =	vld.idx.msk [tilespmem:v23+s18+$0x0], $0xffff  }
0x205: {  	v23 =	vld.idx.msk [tilespmem:v5+s18+$0x0], $0xffff;
	v5 =	vor.u32 $0xC, v8  }
0x206: {  	v46 =	vld.idx.msk [tilespmem:v11+s18+$0x0], $0xffff;
	v11 =	vor.u32 $0x10, v8  }
0x207: {  	v50 =	vld.idx.msk [tilespmem:v10+s18+$0x0], $0xffff;
	v10 =	vor.u32 $0x14, v8  }
0x208: {  	v53 =	vld.idx.msk [tilespmem:v4+s18+$0x0], $0xffff;
	v4 =	vor.u32 $0x17, v8;
	_ =	sdelay $0x1  }
0x209: {  	v37 =	vld.idx.msk [tilespmem:v5+s16+$0x0], $0xffff;
	v5 =	vor.u32 $0xE, v7  }
0x20a: {  	v42 =	vld.idx.msk [tilespmem:v11+s16+$0x0], $0xffff;
	v11 =	vor.u32 $0x12, v7  }
0x20b: {  	v12 =	vor.u32 $0x9, v8;
	v58 =	vld.idx.msk [tilespmem:v10+s16+$0x0], $0xffff  }
0x20c: {  	v62 =	vld.idx.msk [tilespmem:v4+s16+$0x0], $0xffff;
	v4 =	vor.u32 $0x19, v7  }
0x20d: {  	v43 =	vor.u32 $0x13, v8  }
0x20e: {  	v47 =	vld.idx.msk [tilespmem:v5+s18+$0x0], $0xffff;
	v5 =	vor.u32 $0x11, v8  }
0x20f: {  	v51 =	vld.idx.msk [tilespmem:v11+s18+$0x0], $0xffff;
	v11 =	vor.u32 $0x15, v8  }
0x210: {  	v36 =	vor.u32 $0xE, v8;
	v32 =	vld.idx.msk [tilespmem:v12+s16+$0x0], $0xffff  }
0x211: {  	[tilespmem:$0x1FDE0] =	vst v58;
	v58 =	vld.idx.msk [tilespmem:v4+s18+$0x0], $0xffff;
	v4 =	vor.u32 $0x1C, v8  }
0x212: {  	v26 =	vor.u32 $0x3, v7;
	v56 =	vld.idx.msk [tilespmem:v43+s16+$0x0], $0xffff  }
0x213: {  	v54 =	vld.idx.msk [tilespmem:v5+s16+$0x0], $0xffff;
	v5 =	vor.u32 $0x13, v7  }
0x214: {  	v59 =	vld.idx.msk [tilespmem:v11+s16+$0x0], $0xffff;
	v11 =	vor.u32 $0x17, v7  }
0x215: {  	v63 =	vor.u32 $0x1A, v7;
	v39 =	vld.idx.msk [tilespmem:v36+s16+$0x0], $0xffff  }
0x216: {  	v36 =	vld.idx.msk [tilespmem:v4+s16+$0x0], $0xffff;
	v4 =	vor.u32 $0x1E, v7  }
0x217: {  	v1 =	vor.u32 $0x1F, v7;
	[tilespmem:$0x1FCD0] =	vst v0;
	v0 =	vld.idx.msk [tilespmem:v26+s18+$0x0], $0xffff  }
0x218: {  	[tilespmem:$0x1FCE0] =	vst v2;
	v2 =	vor.u32 $0x22, v8;
	v52 =	vld.idx.msk [tilespmem:v5+s18+$0x0], $0xffff  }
0x219: {  	[tilespmem:$0x1FDD0] =	vst v56;
	v5 =	vor.u32 $0x16, v8;
	v56 =	vld.idx.msk [tilespmem:v11+s18+$0x0], $0xffff  }
0x21a: {  	[tilespmem:$0x1FDF0] =	vst v59;
	v11 =	vor.u32 $0x1A, v8;
	v59 =	vld.idx.msk [tilespmem:v63+s18+$0x0], $0xffff  }
0x21b: {  	v63 =	vld.idx.msk [tilespmem:v4+s18+$0x0], $0xffff;
	v4 =	vor.u32 $0x21, v8  }
0x21c: {  	v43 =	vor.u32 $0x23, v8;
	[tilespmem:$0x1FD00] =	vst v30;
	v30 =	vld.idx.msk [tilespmem:v1+s18+$0x0], $0xffff  }
0x21d: {  	v12 =	vld.idx.msk [tilespmem:v2+s16+$0x0], $0xffff  }
0x21e: {  	v61 =	vld.idx.msk [tilespmem:v5+s16+$0x0], $0xffff  }
0x21f: {  	[tilespmem:$0x1FD40] =	vst v34;
	v34 =	vld.idx.msk [tilespmem:v11+s16+$0x0], $0xffff;
	v11 =	vor.u32 $0x1C, v7  }
0x220: {  	[tilespmem:$0x1FD90] =	vst v41;
	v41 =	vld.idx.msk [tilespmem:v4+s16+$0x0], $0xffff;
	v4 =	vor.u32 $0x23, v7  }
0x221: {  	v17 =	vld.idx.msk [tilespmem:v43+s16+$0x0], $0xffff  }
0x222: {  	v2 =	vld.idx.msk [tilespmem:v7+s18+$0x0], $0xffff  }
0x223: {  	v6 =	vor.u32 $0x6, v8;
	[tilespmem:$0x1FE20] =	vst v12;
	v12 =	vld [tilespmem:$0x1FCD0]  }
0x224: {  	v1 =	vor.u32 $0x25, v7;
	[tilespmem:$0x1FE00] =	vst v61;
	v61 =	vld.idx.msk [tilespmem:v11+s18+$0x0], $0xffff  }
0x225: {  	v43 =	vld.idx.msk [tilespmem:v4+s18+$0x0], $0xffff  }
0x226: {  	v11 =	vor.u32 $0x1F, v8;
	v4 =	vld.idx.msk [tilespmem:v8+s16+$0x0], $0xffff  }
0x227: {  	[tilespmem:$0x1FD10] =	vst v0;
	v0 =	vor.u32 $0x1D, v8  }
0x228: {  	v44 =	vld.idx.msk [tilespmem:v6+s16+$0x0], $0xffff  }
0x229: {  	[tilespmem:$0x1FE30] =	vst v17;
	v17 =	vld.idx.msk [tilespmem:v1+s18+$0x0], $0xffff  }
0x22a: {  	v27 =	vor.u32 $0x4, v8;
	v1 =	vld [tilespmem:$0x1FCE0]  }
0x22b: {  	[tilespmem:$0x1FD80] =	vst v39;
	v39 =	vld.idx.msk [tilespmem:v11+s16+$0x0], $0xffff;
	v11 =	vor.u32 $0x21, v7;
	v2 =	vmul.f32 v2, v4;
	v4 =	vmul.f32 v21, v12  }
0x22c: {  	v6 =	vor.u32 $0x27, v8;
	[tilespmem:$0x1FD60] =	vst v37;
	v37 =	vld.idx.msk [tilespmem:v0+s16+$0x0], $0xffff  }
0x22d: {  	v0 =	vadd.f32 $0.0e+00, v4;
	v4 =	vld [tilespmem:$0x1FCF0];
	_ =	sdelay $0x1  }
0x22e: {  	v16 =	vld.idx.msk [tilespmem:v27+s16+$0x0], $0xffff  }
0x22f: {  	v25 =	vld.idx.msk [tilespmem:v11+s18+$0x0], $0xffff  }
0x230: {  	v29 =	vor.u32 $0x5, v8;
	v11 =	vld.idx.msk [tilespmem:v6+s16+$0x0], $0xffff  }
0x231: {  	v57 =	vor.u32 $0x15, v7;
	v6 =	vmul.f32 v4, v1;
	v1 =	vld [tilespmem:$0x1FD00]  }
0x232: {  	[tilespmem:$0x1FD20] =	vst v31;
	v5 =	vor.u32 $0x18, v7;
	v4 =	vld [tilespmem:$0x1FD10]  }
0x233: {  	v20 =	vmul.f32 v20, v45;
	v45 =	vld [tilespmem:$0x1FD20]  }
0x234: {  	v9 =	vor.u32 $0x6, v7  }
0x235: {  	v33 =	vor.u32 $0xB, v7;
	v14 =	vld.idx.msk [tilespmem:v29+s16+$0x0], $0xffff  }
0x236: {  	[tilespmem:$0x1FDB0] =	vst v54;
	v54 =	vld.idx.msk [tilespmem:v57+s18+$0x0], $0xffff  }
0x237: {  	v57 =	vld.idx.msk [tilespmem:v5+s18+$0x0], $0xffff;
	v5 =	vor.u32 $0x1B, v8;
	v1 =	vmul.f32 v4, v1  }
0x238: {  	v15 =	vmul.f32 v15, v16;
	v22 =	vmul.f32 v22, v45;
	v45 =	vld [tilespmem:$0x1FD40]  }
0x239: {  	v19 =	vld.idx.msk [tilespmem:v9+s18+$0x0], $0xffff;
	v10 =	vor.u32 $0x16, v7;
	v16 =	vadd.f32 $0.0e+00, v2;
	v1 =	vadd.f32 $0.0e+00, v1  }
0x23a: {  	v27 =	vld.idx.msk [tilespmem:v33+s18+$0x0], $0xffff;
	[tilespmem:$0x1FD30] =	vst v32  }
0x23b: {  	v16 =	vadd.f32 v15, v16;
	v1 =	vadd.f32 v20, v1;
	v20 =	vld [tilespmem:$0x1FD30]  }
0x23c: {  	[tilespmem:$0x1FD50] =	vst v35;
	v35 =	vld.idx.msk [tilespmem:v5+s16+$0x0], $0xffff;
	v5 =	vor.u32 $0x1D, v7  }
0x23d: {  	[tilespmem:$0x1FD70] =	vst v38;
	v16 =	vadd.f32 v22, v16;
	v22 =	vmul.f32 v24, v45;
	v24 =	vld [tilespmem:$0x1FD50]  }
0x23e: {  	v13 =	vmul.f32 v13, v14;
	[tilespmem:$0x1FDC0] =	vst v55;
	v55 =	vld.idx.msk [tilespmem:v10+s18+$0x0], $0xffff;
	v10 =	vor.u32 $0x19, v8  }
0x23f: {  	v45 =	vld [tilespmem:$0x1FD70]  }
0x240: {  	v40 =	vor.u32 $0x10, v7;
	v13 =	vadd.f32 v13, v0;
	v20 =	vmul.f32 v23, v20  }
0x241: {  	[tilespmem:$0x1FE10] =	vst v62;
	v62 =	vld.idx.msk [tilespmem:v5+s18+$0x0], $0xffff;
	v5 =	vor.u32 $0x20, v8  }
0x242: {  	v60 =	vor.u32 $0x18, v8;
	v13 =	vadd.f32 v20, v13;
	v20 =	vmul.f32 v27, v24;
	v27 =	vld [tilespmem:$0x1FD60]  }
0x243: {  	v33 =	vld.idx.msk [tilespmem:v10+s16+$0x0], $0xffff;
	v10 =	vor.u32 $0x1B, v7;
	v15 =	vmul.f32 v19, v44;
	v19 =	vadd.f32 $0.0e+00, v6  }
0x244: {  	v1 =	vadd.f32 v20, v1;
	v20 =	vmul.f32 v46, v45;
	v46 =	vld [tilespmem:$0x1FD80]  }
0x245: {  	v49 =	vld.idx.msk [tilespmem:v40+s18+$0x0], $0xffff;
	v19 =	vadd.f32 v15, v19  }
0x246: {  	v40 =	vld.idx.msk [tilespmem:v5+s16+$0x0], $0xffff;
	v5 =	vor.u32 $0x22, v7  }
0x247: {  	v32 =	vld.idx.msk [tilespmem:v60+s16+$0x0], $0xffff;
	v19 =	vadd.f32 v22, v19;
	v22 =	vmul.f32 v28, v27  }
0x248: {  	v60 =	vld.idx.msk [tilespmem:v10+s18+$0x0], $0xffff;
	v10 =	vor.u32 $0x1E, v8  }
0x249: {  	v16 =	vadd.f32 v22, v16;
	v22 =	vmul.f32 v47, v46;
	v47 =	vld [tilespmem:$0x1FD90]  }
0x24a: {  	v18 =	vor.u32 $0x24, v7  }
0x24b: {  	[tilespmem:$0x1FDA0] =	vst v42;
	v42 =	vld.idx.msk [tilespmem:v5+s18+$0x0], $0xffff;
	v5 =	vor.u32 $0x24, v8  }
0x24c: {  	v29 =	vor.u32 $0x25, v8  }
0x24d: {  	v38 =	vld.idx.msk [tilespmem:v10+s16+$0x0], $0xffff;
	v10 =	vor.u32 $0x20, v7  }
0x24e: {  	v13 =	vadd.f32 v20, v13;
	v20 =	vmul.f32 v48, v47;
	v48 =	vld [tilespmem:$0x1FDA0]  }
0x24f: {  	v3 =	vor.u32 $0x26, v8;
	v18 =	vld.idx.msk [tilespmem:v18+s18+$0x0], $0xffff  }
0x250: {  	v26 =	vld.idx.msk [tilespmem:v5+s16+$0x0], $0xffff;
	v5 =	vor.u32 $0x26, v7  }
0x251: {  	v9 =	vor.u32 $0x27, v7;
	v29 =	vld.idx.msk [tilespmem:v29+s16+$0x0], $0xffff  }
0x252: {  	v31 =	vld.idx.msk [tilespmem:v10+s18+$0x0], $0xffff;
	v10 =	vor.u32 $0x28, v8  }
0x253: {  	v19 =	vadd.f32 v22, v19;
	v22 =	vmul.f32 v49, v48;
	v49 =	vld [tilespmem:$0x1FDB0]  }
0x254: {  	v14 =	vor.u32 $0x29, v8;
	v21 =	vld.idx.msk [tilespmem:v3+s16+$0x0], $0xffff  }
0x255: {  	v2 =	vor.u32 $0x29, v7;
	v12 =	vld.idx.msk [tilespmem:v5+s18+$0x0], $0xffff  }
0x256: {  	v3 =	vor.u32 $0x28, v7;
	v5 =	vld.idx.msk [tilespmem:v9+s18+$0x0], $0xffff  }
0x257: {  	v0 =	vld.idx.msk [tilespmem:v10+s16+$0x0], $0xffff;
	v4 =	vor.u32 $0x2A, v8  }
0x258: {  	v1 =	vadd.f32 v20, v1;
	v20 =	vmul.f32 v50, v49;
	v50 =	vld [tilespmem:$0x1FDC0]  }
0x259: {  	v10 =	vor.u32 $0x2A, v7;
	v9 =	vld.idx.msk [tilespmem:v14+s16+$0x0], $0xffff  }
0x25a: {  	v14 =	vld.idx.msk [tilespmem:v2+s18+$0x0], $0xffff;
	v2 =	vor.u32 $0x2C, v8  }
0x25b: {  	v6 =	vld.idx.msk [tilespmem:v3+s18+$0x0], $0xffff;
	v3 =	vor.u32 $0x2B, v8  }
0x25c: {  	v15 =	vld.idx.msk [tilespmem:v4+s16+$0x0], $0xffff;
	v4 =	vor.u32 $0x2C, v7  }
0x25d: {  	v16 =	vadd.f32 v22, v16;
	v22 =	vmul.f32 v51, v50;
	v51 =	vld [tilespmem:$0x1FDD0]  }
0x25e: {  	v10 =	vld.idx.msk [tilespmem:v10+s18+$0x0], $0xffff;
	v23 =	vor.u32 $0x2D, v8  }
0x25f: {  	v44 =	vor.u32 $0x2B, v7;
	v2 =	vld.idx.msk [tilespmem:v2+s16+$0x0], $0xffff  }
0x260: {  	v3 =	vld.idx.msk [tilespmem:v3+s16+$0x0], $0xffff;
	v24 =	vor.u32 $0x2D, v7  }
0x261: {  	v4 =	vld.idx.msk [tilespmem:v4+s18+$0x0], $0xffff;
	v45 =	vor.u32 $0x2F, v8  }
0x262: {  	v13 =	vadd.f32 v20, v13;
	v20 =	vmul.f32 v52, v51;
	v52 =	vld [tilespmem:$0x1FDE0]  }
0x263: {  	v23 =	vld.idx.msk [tilespmem:v23+s16+$0x0], $0xffff;
	v28 =	vor.u32 $0x2E, v8  }
0x264: {  	v27 =	vld.idx.msk [tilespmem:v44+s18+$0x0], $0xffff;
	v44 =	vor.u32 $0x2E, v7  }
0x265: {  	v24 =	vld.idx.msk [tilespmem:v24+s18+$0x0], $0xffff;
	v46 =	vor.u32 $0x2F, v7  }
0x266: {  	v45 =	vld.idx.msk [tilespmem:v45+s16+$0x0], $0xffff;
	v47 =	vor.u32 $0x30, v8  }
0x267: {  	v19 =	vadd.f32 v22, v19;
	v22 =	vmul.f32 v53, v52;
	v53 =	vld [tilespmem:$0x1FDF0]  }
0x268: {  	v28 =	vld.idx.msk [tilespmem:v28+s16+$0x0], $0xffff;
	v51 =	vor.u32 $0x32, v8  }
0x269: {  	v44 =	vld.idx.msk [tilespmem:v44+s18+$0x0], $0xffff;
	v48 =	vor.u32 $0x30, v7  }
0x26a: {  	v46 =	vld.idx.msk [tilespmem:v46+s18+$0x0], $0xffff;
	v49 =	vor.u32 $0x31, v8  }
0x26b: {  	v47 =	vld.idx.msk [tilespmem:v47+s16+$0x0], $0xffff;
	v50 =	vor.u32 $0x31, v7  }
0x26c: {  	v1 =	vadd.f32 v20, v1;
	v52 =	vor.u32 $0x32, v7;
	v20 =	vmul.f32 v54, v53;
	v54 =	vld [tilespmem:$0x1FE00]  }
0x26d: {  	v58 =	vmul.f32 v58, v33;
	v33 =	vld.idx.msk [tilespmem:v51+s16+$0x0], $0xffff;
	v51 =	vor.u32 $0x34, v7  }
0x26e: {  	v57 =	vmul.f32 v57, v32;
	v48 =	vld.idx.msk [tilespmem:v48+s18+$0x0], $0xffff;
	v16 =	vadd.f32 v22, v16  }
0x26f: {  	v59 =	vmul.f32 v59, v34;
	v49 =	vld.idx.msk [tilespmem:v49+s16+$0x0], $0xffff;
	v53 =	vor.u32 $0x33, v8  }
0x270: {  	v32 =	vld.idx.msk [tilespmem:v50+s18+$0x0], $0xffff;
	v50 =	vor.u32 $0x34, v8;
	v16 =	vadd.f32 v57, v16;
	v13 =	vadd.f32 v20, v13  }
0x271: {  	v57 =	vmul.f32 v61, v36;
	v34 =	vld.idx.msk [tilespmem:v52+s18+$0x0], $0xffff;
	v52 =	vor.u32 $0x35, v8;
	v22 =	vmul.f32 v55, v54  }
0x272: {  	v61 =	vmul.f32 v63, v38;
	v38 =	vld.idx.msk [tilespmem:v51+s18+$0x0], $0xffff;
	v13 =	vadd.f32 v58, v13;
	v58 =	vor.u32 $0x36, v8  }
0x273: {  	v55 =	vld [tilespmem:$0x1FE10];
	v54 =	vor.u32 $0x33, v7;
	v19 =	vadd.f32 v22, v19  }
0x274: {  	v60 =	vmul.f32 v60, v35;
	v35 =	vld.idx.msk [tilespmem:v53+s16+$0x0], $0xffff;
	v53 =	vor.u32 $0x35, v7  }
0x275: {  	v19 =	vadd.f32 v59, v19;
	v59 =	vmul.f32 v62, v37;
	v37 =	vld.idx.msk [tilespmem:v50+s16+$0x0], $0xffff  }
0x276: {  	v62 =	vmul.f32 v30, v39;
	v30 =	vld.idx.msk [tilespmem:v52+s16+$0x0], $0xffff  }
0x277: {  	v16 =	vadd.f32 v57, v16;
	v57 =	vmul.f32 v25, v41;
	v41 =	vor.u32 $0x3B, v8;
	v25 =	vld.idx.msk [tilespmem:v58+s16+$0x0], $0xffff  }
0x278: {  	v17 =	vmul.f32 v17, v29;
	v58 =	vor.u32 $0x38, v7;
	v36 =	vld.idx.msk [tilespmem:v54+s18+$0x0], $0xffff  }
0x279: {  	v39 =	vor.u32 $0x3A, v7;
	v20 =	vmul.f32 v56, v55;
	v55 =	vmul.f32 v31, v40;
	v31 =	vld.idx.msk [tilespmem:v53+s18+$0x0], $0xffff  }
0x27a: {  	v18 =	vmul.f32 v18, v26;
	v50 =	vor.u32 $0x3B, v7;
	v13 =	vadd.f32 v59, v13;
	v59 =	vld [tilespmem:$0x1FE20]  }
0x27b: {  	v12 =	vmul.f32 v12, v21;
	v51 =	vor.u32 $0x37, v8;
	v19 =	vadd.f32 v61, v19;
	v61 =	vld [tilespmem:$0x1FE30]  }
0x27c: {  	v54 =	vor.u32 $0x3D, v8;
	v1 =	vadd.f32 v20, v1;
	v16 =	vadd.f32 v55, v16;
	v55 =	vld.idx.msk [tilespmem:v41+s16+$0x0], $0xffff  }
0x27d: {  	v5 =	vmul.f32 v5, v11;
	v0 =	vmul.f32 v6, v0;
	v63 =	vor.u32 $0x37, v7;
	v40 =	vld.idx.msk [tilespmem:v58+s18+$0x0], $0xffff  }
0x27e: {  	v10 =	vmul.f32 v10, v15;
	v1 =	vadd.f32 v60, v1;
	v60 =	vor.u32 $0x36, v7;
	v53 =	vld.idx.msk [tilespmem:v39+s18+$0x0], $0xffff  }
0x27f: {  	v2 =	vmul.f32 v4, v2;
	v56 =	vor.u32 $0x38, v8;
	v16 =	vadd.f32 v18, v16;
	v4 =	vld.idx.msk [tilespmem:v50+s18+$0x0], $0xffff  }
0x280: {  	v52 =	vor.u32 $0x3C, v7;
	v22 =	vmul.f32 v42, v59;
	v20 =	vmul.f32 v43, v61;
	v43 =	vld.idx.msk [tilespmem:v51+s16+$0x0], $0xffff  }
0x281: {  	v1 =	vadd.f32 v62, v1;
	v62 =	vor.u32 $0x39, v7;
	v0 =	vadd.f32 v0, v16;
	v16 =	vld.idx.msk [tilespmem:v54+s16+$0x0], $0xffff  }
0x282: {  	v13 =	vadd.f32 v57, v13;
	v51 =	vor.u32 $0x3C, v8;
	v19 =	vadd.f32 v22, v19;
	v22 =	vld.idx.msk [tilespmem:v63+s18+$0x0], $0xffff  }
0x283: {  	v3 =	vmul.f32 v27, v3;
	v1 =	vadd.f32 v20, v1;
	v42 =	vld.idx.msk [tilespmem:v60+s18+$0x0], $0xffff;
	v60 =	vor.u32 $0x39, v8  }
0x284: {  	v57 =	vor.u32 $0x3E, v8;
	v58 =	vmul.f32 v24, v23;
	v13 =	vadd.f32 v17, v13;
	v20 =	vld.idx.msk [tilespmem:v56+s16+$0x0], $0xffff  }
0x285: {  	v63 =	vor.u32 $0x3A, v8;
	v1 =	vadd.f32 v5, v1;
	v5 =	vmul.f32 v14, v9;
	v14 =	vld.idx.msk [tilespmem:v52+s18+$0x0], $0xffff  }
0x286: {  	v61 =	vmul.f32 v44, v28;
	v56 =	vor.u32 $0x3D, v7;
	v12 =	vadd.f32 v12, v19;
	v6 =	vld.idx.msk [tilespmem:v62+s18+$0x0], $0xffff  }
0x287: {  	v0 =	vadd.f32 v2, v0;
	v8 =	vor.u32 $0x3F, v8;
	v59 =	vld.idx.msk [tilespmem:v51+s16+$0x0], $0xffff;
	v5 =	vadd.f32 v5, v13  }
0x288: {  	v10 =	vadd.f32 v10, v12;
	v1 =	vadd.f32 v3, v1;
	v11 =	vld.idx.msk [tilespmem:v60+s16+$0x0], $0xffff;
	v60 =	vor.u32 $0x3E, v7  }
0x289: {  	v12 =	vld.idx.msk [tilespmem:v57+s16+$0x0], $0xffff;
	v3 =	vadd.f32 v58, v5;
	v5 =	vmul.f32 v46, v45;
	v7 =	vor.u32 $0x3F, v7  }
0x28a: {  	v62 =	vmul.f32 v32, v49;
	v9 =	vld.idx.msk [tilespmem:v63+s16+$0x0], $0xffff;
	v2 =	vadd.f32 v61, v10;
	v10 =	vmul.f32 v48, v47  }
0x28b: {  	v21 =	vld.idx.msk [tilespmem:v56+s18+$0x0], $0xffff;
	v63 =	vmul.f32 v36, v35;
	v1 =	vadd.f32 v5, v1;
	v5 =	vmul.f32 v34, v33  }
0x28c: {  	v22 =	vmul.f32 v22, v43;
	v8 =	vld.idx.msk [tilespmem:v8+s16+$0x0], $0xffff;
	v0 =	vadd.f32 v10, v0;
	v10 =	vmul.f32 v38, v37  }
0x28d: {  	v3 =	vadd.f32 v62, v3;
	v2 =	vadd.f32 v5, v2;
	v5 =	vmul.f32 v31, v30;
	v19 =	vld.idx.msk [tilespmem:v60+s18+$0x0], $0xffff  }
0x28e: {  	v1 =	vadd.f32 v63, v1;
	v0 =	vadd.f32 v10, v0;
	v10 =	vmul.f32 v42, v25;
	v7 =	vld.idx.msk [tilespmem:v7+s18+$0x0], $0xffff  }
0x28f: {  	v6 =	vmul.f32 v6, v11;
	v3 =	vadd.f32 v5, v3;
	v5 =	vmul.f32 v40, v20  }
0x290: {  	v9 =	vmul.f32 v53, v9;
	v2 =	vadd.f32 v10, v2;
	v1 =	vadd.f32 v22, v1  }
0x291: {  	v4 =	vmul.f32 v4, v55;
	v0 =	vadd.f32 v5, v0;
	v3 =	vadd.f32 v6, v3  }
0x292: {  	v2 =	vadd.f32 v9, v2;
	v5 =	vmul.f32 v14, v59;
	v6 =	vmul.f32 v21, v16  }
0x293: {  	v1 =	vadd.f32 v4, v1;
	v4 =	vmul.f32 v19, v12;
	v7 =	vmul.f32 v7, v8  }
0x294: {  	v0 =	vadd.f32 v5, v0;
	v3 =	vadd.f32 v6, v3  }
0x295: {  	v2 =	vadd.f32 v4, v2;
	v1 =	vadd.f32 v7, v1  }
0x296: {  	p2 =	sne.s32 s25, $0xF0  }
.Ltmp7:
0x297: {  	v0 =	vadd.f32 v3, v0;
	v1 =	vadd.f32 v1, v2;
	(pc) =	sbr.rel @p2 .LBB2_11-.Ltmp7, $4  }
0x298: {  	_ = 	snop  }
0x299: {  	v11 =	vld [tilespmem:$0x1FFF0];
	v0 =	vadd.f32 v1, v0  }
0x29a: {  	s31 =	rddreg [dreg:$0x16];
	vm10 =	vmmov vm12;
	v9 =	vld [tilespmem:$0x1FFE0]  }
0x29b: {  	s25 =	sadd.s32 $0x10, s25;
	s0 =	sadd.s32 $0x10, s31;
	vm9 =	vmmov vm11;
	v10 =	vimm.s32 $0x0;
	v8 =	vld [tilespmem:$0x1FFD0];
	v6 =	vimm.s32 $0x200;
	[tilespmem:s31+$0x0] =	vst v0  }
.Ltmp8:
0x29c: {  	(pc) =	sbr.rel @!p1 .LBB2_13-.Ltmp8, $1  }
0x29d: {  	_ =	sdelay $0x3  }
0x29e: {  	s0 =	rddreg [dreg:$0xc]  }
0x29f: {  	s1 =	rddreg [dreg:$0x11]  }
0x2a0: {  	s29 =	rddreg [dreg:$0x6];
	s0 =	sadd.s32 s1, s0  }
0x2a1: {  	s30 =	simm.s32 $0x0;
	s2 =	simm.s32 $0x1EC00;
	s0 =	sshrl.u32 s0, $0x3  }
.Ltmp9:
0x2a2: {  	s31 =	simm.s32 $0x8;
	s0 =	sadd.s32 s29, s0;
	(pc) =	sbr.rel @p0 .LBB2_23-.Ltmp9, $4  }
0x2a3: {  	[hbm4b:s0+s30] =	stream.linear.scatter [tilespmem:s2], [sflag:$0x8], $0x100, $0x38;
	[tilespmem:$0x1ED00] =	vst v63  }
0x2a4: {  	_ =	swait.ge [sflag:s31], $0x100  }
0x2a5: {  	[sflag:s31] =	ssyncset.done $0x0  }
0x2a6: {  	[sflag:s31] =	ssyncadd.s32 $0xFFFFFF00  }
.Ltmp10:
0x2a7: {  	(pc) =	sbr.rel .LBB2_16-.Ltmp10, $3  }
0x2a8: {  	_ =	sdelay $0x1  }
0x2a9: {  	s0 =	rddreg [dreg:$0x14]  }
0x2aa: {  	s3 =	simm.s32 $0xEC00;
	s9 =	sadd.s32 $0x2, s0  }
.LBB2_13:
0x2ab: {  	s0 =	simm.s32 $0x0  }
0x2ac: {  	s1 =	rddreg [dreg:$0xd];
	s2 =	simm.s32 $0x1EC00;
	s31 =	simm.s32 $0x8  }
0x2ad: {  	[hbm4b:s1+s0] =	stream.linear.scatter [tilespmem:s2], [sflag:$0x8], $0x100, $0x38;
	[tilespmem:$0x1ED00] =	vst v63  }
0x2ae: {  	_ =	swait.ge [sflag:s31], $0x100  }
0x2af: {  	[sflag:s31] =	ssyncset.done $0x0  }
0x2b0: {  	s9 =	simm.s32 $0x2;
	s3 =	simm.s32 $0xEC00;
	[sflag:s31] =	ssyncadd.s32 $0xFFFFFF00  }
.LBB2_16:
0x2b1: {  	s0 =	simm.s32 $0x3;
	s2 =	simm.s32 $0x80;
	s30 =	simm.s32 $0x10C00  }
0x2b2: {  	s31 =	sshll.u32 s9, $0x8;
	s25 =	simm.s32 $0x0;
	_ =	swait.ge [sflag:s0], $0x4000  }
0x2b3: {  	s16 =	simm.s32 $0x12C00;
	[sflag:s0] =	ssyncset.done $0x0;
	s4 =	rddreg [dreg:$0x11]  }
0x2b4: {  	v0 =	vlaneseq.u32;
	s1 =	rddreg [dreg:$0x5];
	[sflag:s0] =	ssyncadd.s32 $0xFFFFC000;
	s28 =	sadd.s32 $0x800, s4  }
0x2b5: {  	v0 =	vor.u32 s31, v0;
	[tilespmem:s3], [sflag:$0x2] =	stream.indirect.gather [hbm4b:s1+s2], $0x40, s28, s2, $0xb8;
	[tilespmem:$0x1ED00] =	vst v63  }
0x2b6: {  	[dreg:$0x13] =	wrdreg s31;
	[tilespmem:$0x1FCC0] =	vst v0;
	s29 =	sadd.s32 $0x880, s4;
	s0 =	simm.s32 $0x1EC00  }
0x2b7: {  	vm15 =	vcmask $0x2724;
	vm13 =	vcmask $0x2F2C;
	vm14 =	vcmask $0x3734;
	[tilespmem:s30], [sflag:$0x2] =	stream.indirect.gather [hbm4b:s1+s2], $0x40, s29, s2, $0xb8;
	[tilespmem:$0x1ED00] =	vst v63  }
.LBB2_17:
0x2b8: {  	v0 =	vld [tilespmem:$0x1FCC0];
	_ =	sdelay $0x4  }
0x2b9: {  	v7 =	vor.u32 s25, v0  }
0x2ba: {  	v0 =	vadd.s32 $0xFFFFFE00, v7  }
0x2bb: {  	(v2sf) =	vpush v0, $0xD;
	_ =	sdelay $0x1  }
0x2bc: {  	(v2sf) =	vpush v0, $0xC;
	_ =	sdelay $0x1  }
0x2bd: {  	(v2sf) =	vpush v0, $0xE;
	_ =	sdelay $0x1  }
0x2be: {  	(v2sf) =	vpush v0, $0xF;
	_ =	sdelay $0x1  }
0x2bf: {  	(v2sf) =	vpush v0, $0x9;
	_ =	sdelay $0x1  }
0x2c0: {  	(v2sf) =	vpush v0, $0x8;
	_ =	sdelay $0x1  }
0x2c1: {  	(v2sf) =	vpush v0, $0xA;
	_ =	sdelay $0x1  }
0x2c2: {  	(v2sf) =	vpush v0, $0xB  }
0x2c3: {  	s21 =	spop (v2sf)  }
0x2c4: {  	[dreg:$0x17] =	wrdreg s0;
	(v2sf) =	vpush v0, $0x0;
	s1 =	smulhi.u32 $0x66666667, s21;
	s0 =	sshra.s32 s21, $0x1F  }
0x2c5: {  	(v2sf) =	vpush v0, $0x1;
	s2 =	spop (v2sf);
	s0 =	smul.u32 $0x66666667, s0  }
0x2c6: {  	s3 =	smulhi.u32 $0x66666667, s2;
	s2 =	sshra.s32 s2, $0x1F  }
0x2c7: {  	s4 =	spop (v2sf);
	s2 =	smul.u32 $0x66666667, s2  }
0x2c8: {  	(v2sf) =	vpush v0, $0x2;
	s6 =	smulhi.u32 $0x66666667, s4;
	s4 =	sshra.s32 s4, $0x1F  }
0x2c9: {  	(v2sf) =	vpush v0, $0x3;
	s5 =	spop (v2sf);
	s4 =	smul.u32 $0x66666667, s4  }
0x2ca: {  	(v2sf) =	vpush v0, $0x4;
	s9 =	smulhi.u32 $0x66666667, s5;
	s5 =	sshra.s32 s5, $0x1F  }
0x2cb: {  	(v2sf) =	vpush v0, $0x5;
	s7 =	spop (v2sf);
	s5 =	smul.u32 $0x66666667, s5  }
0x2cc: {  	(v2sf) =	vpush v0, $0x6;
	s11 =	smulhi.u32 $0x66666667, s7;
	s7 =	sshra.s32 s7, $0x1F  }
0x2cd: {  	(v2sf) =	vpush v0, $0x7;
	s8 =	spop (v2sf);
	s7 =	smul.u32 $0x66666667, s7  }
0x2ce: {  	s17 =	smulhi.u32 $0x66666667, s8;
	s8 =	sshra.s32 s8, $0x1F  }
0x2cf: {  	s10 =	spop (v2sf);
	s8 =	smul.u32 $0x66666667, s8  }
0x2d0: {  	s21 =	smulhi.u32 $0x66666667, s10;
	s10 =	sshra.s32 s10, $0x1F  }
0x2d1: {  	s31 =	sadd.s32 s2, s3;
	s12 =	spop (v2sf);
	s29 =	smul.u32 $0x66666667, s10  }
0x2d2: {  	s26 =	sadd.s32 s5, s9;
	s13 =	smulhi.u32 $0x66666667, s12;
	s12 =	sshra.s32 s12, $0x1F  }
0x2d3: {  	s14 =	spop (v2sf);
	s10 =	sadd.s32 s0, s1;
	s0 =	smul.u32 $0x66666667, s12  }
0x2d4: {  	s15 =	spop (v2sf);
	s1 =	smulhi.u32 $0x66666667, s14;
	s22 =	sshra.s32 s14, $0x1F  }
0x2d5: {  	s3 =	sshrl.u32 s10, $0x1F;
	s14 =	sshrl.u32 s31, $0x1F;
	s2 =	smul.u32 $0x66666667, s22  }
0x2d6: {  	s12 =	sadd.s32 s4, s6;
	s4 =	smulhi.u32 $0x66666667, s15;
	s23 =	sshra.s32 s15, $0x1F  }
0x2d7: {  	s19 =	spop (v2sf);
	s15 =	sshrl.u32 s12, $0x1F;
	s5 =	smul.u32 $0x66666667, s23  }
0x2d8: {  	s22 =	sadd.s32 s7, s11;
	s20 =	spop (v2sf);
	s6 =	smulhi.u32 $0x66666667, s19  }
0x2d9: {  	s11 =	sshra.s32 s19, $0x1F;
	s23 =	sadd.s32 s8, s17;
	s24 =	spop (v2sf)  }
0x2da: {  	s9 =	sadd.s32 s0, s13;
	s7 =	smul.u32 $0x66666667, s11;
	s30 =	spop (v2sf)  }
0x2db: {  	s8 =	smulhi.u32 $0x66666667, s20;
	s20 =	sshra.s32 s20, $0x1F;
	s28 =	spop (v2sf)  }
0x2dc: {  	s11 =	sadd.s32 s29, s21;
	s0 =	smul.u32 $0x66666667, s20;
	s21 =	spop (v2sf)  }
0x2dd: {  	s1 =	sadd.s32 s2, s1;
	s2 =	smulhi.u32 $0x66666667, s21;
	s13 =	sshra.s32 s21, $0x1F  }
0x2de: {  	s19 =	sshrl.u32 s26, $0x1F;
	s4 =	sadd.s32 s5, s4;
	s5 =	smul.u32 $0x66666667, s13  }
0x2df: {  	s17 =	sshrl.u32 s22, $0x1F;
	s29 =	smulhi.u32 $0x66666667, s24;
	s20 =	sshra.s32 s24, $0x1F  }
0x2e0: {  	s24 =	sshra.s32 s1, $0x3;
	s13 =	smul.u32 $0x66666667, s20;
	s20 =	sadd.s32 s5, s2  }
0x2e1: {  	v1 =	vmov s14;
	s6 =	sadd.s32 s7, s6;
	s0 =	sadd.s32 s0, s8;
	s5 =	sshra.s32 s20, $0x1F  }
0x2e2: {  	v1 =	vsel vm0, s3, v1;
	s8 =	sshrl.u32 s9, $0x1F;
	s3 =	smulhi.u32 $0x66666667, s30;
	s21 =	sshrl.u32 s23, $0x1F;
	v17 =	vmov s5  }
0x2e3: {  	v1 =	vsel vm1, s15, v1;
	s7 =	sadd.s32 s13, s29;
	s29 =	sshrl.u32 s1, $0x1F;
	s1 =	sshra.s32 s1, $0x1F;
	v0 =	vsel vm3, s24, v17  }
0x2e4: {  	v1 =	vsel vm2, s19, v1;
	s14 =	sshra.s32 s30, $0x1F;
	s30 =	sshra.s32 s28, $0x1F;
	v3 =	vmov s21;
	s24 =	sshra.s32 s4, $0x3;
	v0 =	vsel vm9, s1, v0  }
0x2e5: {  	v3 =	vsel vm0, s17, v3;
	s2 =	sshrl.u32 s11, $0x1F;
	v2 =	vmov s29;
	s5 =	sshrl.u32 s4, $0x1F;
	s4 =	sshra.s32 s4, $0x1F;
	v0 =	vsel vm0, s24, v0  }
0x2e6: {  	s15 =	sshra.s32 s6, $0x3;
	s19 =	sshrl.u32 s0, $0x1F;
	s21 =	smul.u32 $0x66666667, s30;
	v3 =	vsel vm1, s2, v3;
	v2 =	vnsel vm3, $0x0, v2;
	v0 =	vsel vm10, s4, v0  }
0x2e7: {  	s13 =	smul.u32 $0x66666667, s14;
	s29 =	sshrl.u32 s6, $0x1F;
	s6 =	sshra.s32 s6, $0x1F;
	v2 =	vsel vm0, s5, v2;
	vm9 =	vcmask $0x1714;
	v0 =	vsel vm1, s15, v0  }
0x2e8: {  	v3 =	vsel vm2, s8, v3;
	s8 =	sshra.s32 s23, $0x3;
	s5 =	smulhi.u32 $0x66666667, s28;
	s28 =	sshra.s32 s0, $0x3;
	v2 =	vsel vm1, s29, v2;
	v0 =	vsel vm9, s6, v0  }
0x2e9: {  	s0 =	sshra.s32 s0, $0x1F;
	s1 =	sadd.s32 s13, s3;
	v2 =	vsel vm2, s19, v2;
	s24 =	sshrl.u32 s7, $0x1F;
	vm9 =	vcmask $0x1F1C;
	v0 =	vsel vm2, s28, v0  }
0x2ea: {  	v1 =	vcombine.low v3, v1;
	s29 =	sshrl.u32 s1, $0x1F;
	s30 =	sadd.s32 s21, s5;
	s5 =	sshra.s32 s7, $0x3;
	v2 =	vsel vm4, s24, v2;
	v0 =	vsel vm9, s0, v0  }
0x2eb: {  	v4 =	vmov s8;
	s13 =	sshra.s32 s7, $0x1F;
	s4 =	sshrl.u32 s30, $0x1F;
	v2 =	vsel vm5, s29, v2;
	s6 =	sshra.s32 s31, $0x3;
	v0 =	vsel vm4, s5, v0  }
0x2ec: {  	s14 =	sshra.s32 s10, $0x3;
	s17 =	sshra.s32 s1, $0x3;
	s15 =	sshra.s32 s22, $0x3;
	v2 =	vsel vm6, s4, v2;
	v18 =	vmov s6;
	v0 =	vsel vm15, s13, v0  }
0x2ed: {  	s19 =	sshra.s32 s12, $0x3;
	s21 =	sshra.s32 s11, $0x3;
	s22 =	sshra.s32 s1, $0x1F;
	v4 =	vsel vm0, s15, v4;
	v3 =	vsel vm0, s14, v18;
	v0 =	vsel vm5, s17, v0  }
0x2ee: {  	s23 =	sshra.s32 s26, $0x3;
	s24 =	sshra.s32 s9, $0x3;
	s26 =	sshra.s32 s30, $0x3;
	v4 =	vsel vm1, s21, v4;
	v3 =	vsel vm1, s19, v3;
	v0 =	vsel vm13, s22, v0  }
0x2ef: {  	s29 =	sshra.s32 s30, $0x1F;
	s28 =	sshrl.u32 s20, $0x1F;
	v4 =	vsel vm2, s24, v4;
	v3 =	vsel vm2, s23, v3;
	v0 =	vsel vm6, s26, v0  }
0x2f0: {  	s30 =	sshra.s32 s20, $0x3;
	v2 =	vsel vm7, s28, v2;
	v3 =	vcombine.low v4, v3;
	v0 =	vsel vm14, s29, v0  }
0x2f1: {  	v1 =	vperm.xlane v1, v8;
	v2 =	vperm.xlane v2, v9;
	v0 =	vsel vm7, s30, v0  }
0x2f2: {  	v3 =	vperm.xlane v3, v8;
	v0 =	vperm.xlane v0, v9;
	_ =	sdelay $0x1  }
0x2f3: {  	v1 =	vsel vm8, v2, v1;
	v0 =	vsel vm8, v0, v3  }
0x2f4: {  	v0 =	vadd.s32 v1, v0  }
0x2f5: {  	v1 =	vmul.u32 $0xFFFFFFEC, v0  }
0x2f6: {  	v20 =	vmov s25;
	v19 =	vsub.s32 $0x200, v7  }
0x2f7: {  	vm10 =	vne.s32 v1, v19;
	v1 =	vshll.u32 v20, $0x6  }
0x2f8: {  	vm9 =	vlt.u32 v7, $0x201;
	v8 =	vor.u32 v11, v1  }
0x2f9: {  	vm9 =	vmand vm9, vm10;
	v4 =	vor.u32 $0x3, v8  }
0x2fa: {  	v21 =	vsel vm9, $0xFFFFFFFF, v10  }
0x2fb: {  	vm9 =	vgt.u32 v6, v7;
	v0 =	vadd.s32 v21, v0  }
0x2fc: {  	v0 =	vsel vm9, v7, v0  }
0x2fd: {  	v7 =	vshll.u32 v0, $0x6  }
0x2fe: {  	v30 =	vld.idx.msk [tilespmem:v4+s16+$0x0], $0xffff;
	v4 =	vor.u32 $0x5, v7;
	_ =	sdelay $0x4  }
0x2ff: {  	v13 =	vld.idx.msk [tilespmem:v4+s18+$0x0], $0xffff;
	v4 =	vor.u32 $0x8, v8;
	_ =	sdelay $0x2  }
0x300: {  	v24 =	vor.u32 $0x2, v8  }
0x301: {  	v10 =	vor.u32 $0x7, v7  }
0x302: {  	v31 =	vld.idx.msk [tilespmem:v4+s16+$0x0], $0xffff;
	v4 =	vor.u32 $0xA, v7;
	_ =	sdelay $0x2  }
0x303: {  	v25 =	vor.u32 $0x2, v7;
	v2 =	vld.idx.msk [tilespmem:v24+s16+$0x0], $0xffff  }
0x304: {  	v20 =	vld.idx.msk [tilespmem:v10+s18+$0x0], $0xffff;
	v10 =	vor.u32 $0xA, v8  }
0x305: {  	v24 =	vld.idx.msk [tilespmem:v4+s18+$0x0], $0xffff;
	v4 =	vor.u32 $0xD, v8  }
0x306: {  	v22 =	vor.u32 $0x1, v8  }
0x307: {  	v5 =	vor.u32 $0x4, v7  }
0x308: {  	v11 =	vor.u32 $0x8, v7;
	v28 =	vld.idx.msk [tilespmem:v25+s18+$0x0], $0xffff  }
0x309: {  	v34 =	vld.idx.msk [tilespmem:v10+s16+$0x0], $0xffff;
	v10 =	vor.u32 $0xC, v7  }
0x30a: {  	v38 =	vld.idx.msk [tilespmem:v4+s16+$0x0], $0xffff;
	v4 =	vor.u32 $0xF, v7  }
0x30b: {  	v0 =	vld.idx.msk [tilespmem:v22+s16+$0x0], $0xffff  }
0x30c: {  	v15 =	vld.idx.msk [tilespmem:v5+s18+$0x0], $0xffff;
	v5 =	vor.u32 $0x7, v8  }
0x30d: {  	v22 =	vld.idx.msk [tilespmem:v11+s18+$0x0], $0xffff;
	v11 =	vor.u32 $0xB, v8  }
0x30e: {  	[tilespmem:$0x1FB70] =	vst v28;
	v28 =	vld.idx.msk [tilespmem:v10+s18+$0x0], $0xffff;
	v10 =	vor.u32 $0xF, v8  }
0x30f: {  	v48 =	vld.idx.msk [tilespmem:v4+s18+$0x0], $0xffff;
	v4 =	vor.u32 $0x12, v8  }
0x310: {  	v23 =	vor.u32 $0x1, v7  }
0x311: {  	v45 =	vld.idx.msk [tilespmem:v5+s16+$0x0], $0xffff;
	v5 =	vor.u32 $0x9, v7  }
0x312: {  	v35 =	vld.idx.msk [tilespmem:v11+s16+$0x0], $0xffff;
	v11 =	vor.u32 $0xD, v7  }
0x313: {  	v41 =	vld.idx.msk [tilespmem:v10+s16+$0x0], $0xffff;
	v10 =	vor.u32 $0x11, v7  }
0x314: {  	v55 =	vld.idx.msk [tilespmem:v4+s16+$0x0], $0xffff;
	v4 =	vor.u32 $0x14, v7  }
0x315: {  	v21 =	vld.idx.msk [tilespmem:v23+s18+$0x0], $0xffff  }
0x316: {  	v23 =	vld.idx.msk [tilespmem:v5+s18+$0x0], $0xffff;
	v5 =	vor.u32 $0xC, v8  }
0x317: {  	v46 =	vld.idx.msk [tilespmem:v11+s18+$0x0], $0xffff;
	v11 =	vor.u32 $0x10, v8  }
0x318: {  	v50 =	vld.idx.msk [tilespmem:v10+s18+$0x0], $0xffff;
	v10 =	vor.u32 $0x14, v8  }
0x319: {  	v53 =	vld.idx.msk [tilespmem:v4+s18+$0x0], $0xffff;
	v4 =	vor.u32 $0x17, v8;
	_ =	sdelay $0x1  }
0x31a: {  	v37 =	vld.idx.msk [tilespmem:v5+s16+$0x0], $0xffff;
	v5 =	vor.u32 $0xE, v7  }
0x31b: {  	v42 =	vld.idx.msk [tilespmem:v11+s16+$0x0], $0xffff;
	v11 =	vor.u32 $0x12, v7  }
0x31c: {  	v12 =	vor.u32 $0x9, v8;
	v58 =	vld.idx.msk [tilespmem:v10+s16+$0x0], $0xffff  }
0x31d: {  	v62 =	vld.idx.msk [tilespmem:v4+s16+$0x0], $0xffff;
	v4 =	vor.u32 $0x19, v7  }
0x31e: {  	v43 =	vor.u32 $0x13, v8  }
0x31f: {  	v47 =	vld.idx.msk [tilespmem:v5+s18+$0x0], $0xffff;
	v5 =	vor.u32 $0x11, v8  }
0x320: {  	v51 =	vld.idx.msk [tilespmem:v11+s18+$0x0], $0xffff;
	v11 =	vor.u32 $0x15, v8  }
0x321: {  	v36 =	vor.u32 $0xE, v8;
	v32 =	vld.idx.msk [tilespmem:v12+s16+$0x0], $0xffff  }
0x322: {  	[tilespmem:$0x1FC60] =	vst v58;
	v58 =	vld.idx.msk [tilespmem:v4+s18+$0x0], $0xffff;
	v4 =	vor.u32 $0x1C, v8  }
0x323: {  	v26 =	vor.u32 $0x3, v7;
	v56 =	vld.idx.msk [tilespmem:v43+s16+$0x0], $0xffff  }
0x324: {  	v54 =	vld.idx.msk [tilespmem:v5+s16+$0x0], $0xffff;
	v5 =	vor.u32 $0x13, v7  }
0x325: {  	v59 =	vld.idx.msk [tilespmem:v11+s16+$0x0], $0xffff;
	v11 =	vor.u32 $0x17, v7  }
0x326: {  	v63 =	vor.u32 $0x1A, v7;
	v39 =	vld.idx.msk [tilespmem:v36+s16+$0x0], $0xffff  }
0x327: {  	v36 =	vld.idx.msk [tilespmem:v4+s16+$0x0], $0xffff;
	v4 =	vor.u32 $0x1E, v7  }
0x328: {  	v1 =	vor.u32 $0x1F, v7;
	[tilespmem:$0x1FB50] =	vst v0;
	v0 =	vld.idx.msk [tilespmem:v26+s18+$0x0], $0xffff  }
0x329: {  	[tilespmem:$0x1FB60] =	vst v2;
	v2 =	vor.u32 $0x22, v8;
	v52 =	vld.idx.msk [tilespmem:v5+s18+$0x0], $0xffff  }
0x32a: {  	[tilespmem:$0x1FC50] =	vst v56;
	v5 =	vor.u32 $0x16, v8;
	v56 =	vld.idx.msk [tilespmem:v11+s18+$0x0], $0xffff  }
0x32b: {  	[tilespmem:$0x1FC70] =	vst v59;
	v11 =	vor.u32 $0x1A, v8;
	v59 =	vld.idx.msk [tilespmem:v63+s18+$0x0], $0xffff  }
0x32c: {  	v63 =	vld.idx.msk [tilespmem:v4+s18+$0x0], $0xffff;
	v4 =	vor.u32 $0x21, v8  }
0x32d: {  	v43 =	vor.u32 $0x23, v8;
	[tilespmem:$0x1FB80] =	vst v30;
	v30 =	vld.idx.msk [tilespmem:v1+s18+$0x0], $0xffff  }
0x32e: {  	v12 =	vld.idx.msk [tilespmem:v2+s16+$0x0], $0xffff  }
0x32f: {  	v61 =	vld.idx.msk [tilespmem:v5+s16+$0x0], $0xffff  }
0x330: {  	[tilespmem:$0x1FBC0] =	vst v34;
	v34 =	vld.idx.msk [tilespmem:v11+s16+$0x0], $0xffff;
	v11 =	vor.u32 $0x1C, v7  }
0x331: {  	[tilespmem:$0x1FC10] =	vst v41;
	v41 =	vld.idx.msk [tilespmem:v4+s16+$0x0], $0xffff;
	v4 =	vor.u32 $0x23, v7  }
0x332: {  	v17 =	vld.idx.msk [tilespmem:v43+s16+$0x0], $0xffff  }
0x333: {  	v2 =	vld.idx.msk [tilespmem:v7+s18+$0x0], $0xffff  }
0x334: {  	v6 =	vor.u32 $0x6, v8;
	[tilespmem:$0x1FCA0] =	vst v12;
	v12 =	vld [tilespmem:$0x1FB50]  }
0x335: {  	v1 =	vor.u32 $0x25, v7;
	[tilespmem:$0x1FC80] =	vst v61;
	v61 =	vld.idx.msk [tilespmem:v11+s18+$0x0], $0xffff  }
0x336: {  	v43 =	vld.idx.msk [tilespmem:v4+s18+$0x0], $0xffff  }
0x337: {  	v11 =	vor.u32 $0x1F, v8;
	v4 =	vld.idx.msk [tilespmem:v8+s16+$0x0], $0xffff  }
0x338: {  	[tilespmem:$0x1FB90] =	vst v0;
	v0 =	vor.u32 $0x1D, v8  }
0x339: {  	v44 =	vld.idx.msk [tilespmem:v6+s16+$0x0], $0xffff  }
0x33a: {  	[tilespmem:$0x1FCB0] =	vst v17;
	v17 =	vld.idx.msk [tilespmem:v1+s18+$0x0], $0xffff  }
0x33b: {  	v27 =	vor.u32 $0x4, v8;
	v1 =	vld [tilespmem:$0x1FB60]  }
0x33c: {  	[tilespmem:$0x1FC00] =	vst v39;
	v39 =	vld.idx.msk [tilespmem:v11+s16+$0x0], $0xffff;
	v11 =	vor.u32 $0x21, v7;
	v2 =	vmul.f32 v2, v4;
	v4 =	vmul.f32 v21, v12  }
0x33d: {  	v6 =	vor.u32 $0x27, v8;
	[tilespmem:$0x1FBE0] =	vst v37;
	v37 =	vld.idx.msk [tilespmem:v0+s16+$0x0], $0xffff  }
0x33e: {  	v0 =	vadd.f32 $0.0e+00, v4;
	v4 =	vld [tilespmem:$0x1FB70];
	_ =	sdelay $0x1  }
0x33f: {  	v16 =	vld.idx.msk [tilespmem:v27+s16+$0x0], $0xffff  }
0x340: {  	v25 =	vld.idx.msk [tilespmem:v11+s18+$0x0], $0xffff  }
0x341: {  	v29 =	vor.u32 $0x5, v8;
	v11 =	vld.idx.msk [tilespmem:v6+s16+$0x0], $0xffff  }
0x342: {  	v57 =	vor.u32 $0x15, v7;
	v6 =	vmul.f32 v4, v1;
	v1 =	vld [tilespmem:$0x1FB80]  }
0x343: {  	[tilespmem:$0x1FBA0] =	vst v31;
	v5 =	vor.u32 $0x18, v7;
	v4 =	vld [tilespmem:$0x1FB90]  }
0x344: {  	v20 =	vmul.f32 v20, v45;
	v45 =	vld [tilespmem:$0x1FBA0]  }
0x345: {  	v9 =	vor.u32 $0x6, v7  }
0x346: {  	v33 =	vor.u32 $0xB, v7;
	v14 =	vld.idx.msk [tilespmem:v29+s16+$0x0], $0xffff  }
0x347: {  	[tilespmem:$0x1FC30] =	vst v54;
	v54 =	vld.idx.msk [tilespmem:v57+s18+$0x0], $0xffff  }
0x348: {  	v57 =	vld.idx.msk [tilespmem:v5+s18+$0x0], $0xffff;
	v5 =	vor.u32 $0x1B, v8;
	v1 =	vmul.f32 v4, v1  }
0x349: {  	v15 =	vmul.f32 v15, v16;
	v22 =	vmul.f32 v22, v45;
	v45 =	vld [tilespmem:$0x1FBC0]  }
0x34a: {  	v19 =	vld.idx.msk [tilespmem:v9+s18+$0x0], $0xffff;
	v10 =	vor.u32 $0x16, v7;
	v16 =	vadd.f32 $0.0e+00, v2;
	v1 =	vadd.f32 $0.0e+00, v1  }
0x34b: {  	v27 =	vld.idx.msk [tilespmem:v33+s18+$0x0], $0xffff;
	[tilespmem:$0x1FBB0] =	vst v32  }
0x34c: {  	v16 =	vadd.f32 v15, v16;
	v1 =	vadd.f32 v20, v1;
	v20 =	vld [tilespmem:$0x1FBB0]  }
0x34d: {  	[tilespmem:$0x1FBD0] =	vst v35;
	v35 =	vld.idx.msk [tilespmem:v5+s16+$0x0], $0xffff;
	v5 =	vor.u32 $0x1D, v7  }
0x34e: {  	[tilespmem:$0x1FBF0] =	vst v38;
	v16 =	vadd.f32 v22, v16;
	v22 =	vmul.f32 v24, v45;
	v24 =	vld [tilespmem:$0x1FBD0]  }
0x34f: {  	v13 =	vmul.f32 v13, v14;
	[tilespmem:$0x1FC40] =	vst v55;
	v55 =	vld.idx.msk [tilespmem:v10+s18+$0x0], $0xffff;
	v10 =	vor.u32 $0x19, v8  }
0x350: {  	v45 =	vld [tilespmem:$0x1FBF0]  }
0x351: {  	v40 =	vor.u32 $0x10, v7;
	v13 =	vadd.f32 v13, v0;
	v20 =	vmul.f32 v23, v20  }
0x352: {  	[tilespmem:$0x1FC90] =	vst v62;
	v62 =	vld.idx.msk [tilespmem:v5+s18+$0x0], $0xffff;
	v5 =	vor.u32 $0x20, v8  }
0x353: {  	v60 =	vor.u32 $0x18, v8;
	v13 =	vadd.f32 v20, v13;
	v20 =	vmul.f32 v27, v24;
	v27 =	vld [tilespmem:$0x1FBE0]  }
0x354: {  	v33 =	vld.idx.msk [tilespmem:v10+s16+$0x0], $0xffff;
	v10 =	vor.u32 $0x1B, v7;
	v15 =	vmul.f32 v19, v44;
	v19 =	vadd.f32 $0.0e+00, v6  }
0x355: {  	v1 =	vadd.f32 v20, v1;
	v20 =	vmul.f32 v46, v45;
	v46 =	vld [tilespmem:$0x1FC00]  }
0x356: {  	v49 =	vld.idx.msk [tilespmem:v40+s18+$0x0], $0xffff;
	v19 =	vadd.f32 v15, v19  }
0x357: {  	v40 =	vld.idx.msk [tilespmem:v5+s16+$0x0], $0xffff;
	v5 =	vor.u32 $0x22, v7  }
0x358: {  	v32 =	vld.idx.msk [tilespmem:v60+s16+$0x0], $0xffff;
	v19 =	vadd.f32 v22, v19;
	v22 =	vmul.f32 v28, v27  }
0x359: {  	v60 =	vld.idx.msk [tilespmem:v10+s18+$0x0], $0xffff;
	v10 =	vor.u32 $0x1E, v8  }
0x35a: {  	v16 =	vadd.f32 v22, v16;
	v22 =	vmul.f32 v47, v46;
	v47 =	vld [tilespmem:$0x1FC10]  }
0x35b: {  	v18 =	vor.u32 $0x24, v7  }
0x35c: {  	[tilespmem:$0x1FC20] =	vst v42;
	v42 =	vld.idx.msk [tilespmem:v5+s18+$0x0], $0xffff;
	v5 =	vor.u32 $0x24, v8  }
0x35d: {  	v29 =	vor.u32 $0x25, v8  }
0x35e: {  	v38 =	vld.idx.msk [tilespmem:v10+s16+$0x0], $0xffff;
	v10 =	vor.u32 $0x20, v7  }
0x35f: {  	v13 =	vadd.f32 v20, v13;
	v20 =	vmul.f32 v48, v47;
	v48 =	vld [tilespmem:$0x1FC20]  }
0x360: {  	v3 =	vor.u32 $0x26, v8;
	v18 =	vld.idx.msk [tilespmem:v18+s18+$0x0], $0xffff  }
0x361: {  	v26 =	vld.idx.msk [tilespmem:v5+s16+$0x0], $0xffff;
	v5 =	vor.u32 $0x26, v7  }
0x362: {  	v9 =	vor.u32 $0x27, v7;
	v29 =	vld.idx.msk [tilespmem:v29+s16+$0x0], $0xffff  }
0x363: {  	v31 =	vld.idx.msk [tilespmem:v10+s18+$0x0], $0xffff;
	v10 =	vor.u32 $0x28, v8  }
0x364: {  	v19 =	vadd.f32 v22, v19;
	v22 =	vmul.f32 v49, v48;
	v49 =	vld [tilespmem:$0x1FC30]  }
0x365: {  	v14 =	vor.u32 $0x29, v8;
	v21 =	vld.idx.msk [tilespmem:v3+s16+$0x0], $0xffff  }
0x366: {  	v2 =	vor.u32 $0x29, v7;
	v12 =	vld.idx.msk [tilespmem:v5+s18+$0x0], $0xffff  }
0x367: {  	v3 =	vor.u32 $0x28, v7;
	v5 =	vld.idx.msk [tilespmem:v9+s18+$0x0], $0xffff  }
0x368: {  	v0 =	vld.idx.msk [tilespmem:v10+s16+$0x0], $0xffff;
	v4 =	vor.u32 $0x2A, v8  }
0x369: {  	v1 =	vadd.f32 v20, v1;
	v20 =	vmul.f32 v50, v49;
	v50 =	vld [tilespmem:$0x1FC40]  }
0x36a: {  	v10 =	vor.u32 $0x2A, v7;
	v9 =	vld.idx.msk [tilespmem:v14+s16+$0x0], $0xffff  }
0x36b: {  	v14 =	vld.idx.msk [tilespmem:v2+s18+$0x0], $0xffff;
	v2 =	vor.u32 $0x2C, v8  }
0x36c: {  	v6 =	vld.idx.msk [tilespmem:v3+s18+$0x0], $0xffff;
	v3 =	vor.u32 $0x2B, v8  }
0x36d: {  	v15 =	vld.idx.msk [tilespmem:v4+s16+$0x0], $0xffff;
	v4 =	vor.u32 $0x2C, v7  }
0x36e: {  	v16 =	vadd.f32 v22, v16;
	v22 =	vmul.f32 v51, v50;
	v51 =	vld [tilespmem:$0x1FC50]  }
0x36f: {  	v10 =	vld.idx.msk [tilespmem:v10+s18+$0x0], $0xffff;
	v23 =	vor.u32 $0x2D, v8  }
0x370: {  	v44 =	vor.u32 $0x2B, v7;
	v2 =	vld.idx.msk [tilespmem:v2+s16+$0x0], $0xffff  }
0x371: {  	v3 =	vld.idx.msk [tilespmem:v3+s16+$0x0], $0xffff;
	v24 =	vor.u32 $0x2D, v7  }
0x372: {  	v4 =	vld.idx.msk [tilespmem:v4+s18+$0x0], $0xffff;
	v45 =	vor.u32 $0x2F, v8  }
0x373: {  	v13 =	vadd.f32 v20, v13;
	v20 =	vmul.f32 v52, v51;
	v52 =	vld [tilespmem:$0x1FC60]  }
0x374: {  	v23 =	vld.idx.msk [tilespmem:v23+s16+$0x0], $0xffff;
	v28 =	vor.u32 $0x2E, v8  }
0x375: {  	v27 =	vld.idx.msk [tilespmem:v44+s18+$0x0], $0xffff;
	v44 =	vor.u32 $0x2E, v7  }
0x376: {  	v24 =	vld.idx.msk [tilespmem:v24+s18+$0x0], $0xffff;
	v46 =	vor.u32 $0x2F, v7  }
0x377: {  	v45 =	vld.idx.msk [tilespmem:v45+s16+$0x0], $0xffff;
	v47 =	vor.u32 $0x30, v8  }
0x378: {  	v19 =	vadd.f32 v22, v19;
	v22 =	vmul.f32 v53, v52;
	v53 =	vld [tilespmem:$0x1FC70]  }
0x379: {  	v28 =	vld.idx.msk [tilespmem:v28+s16+$0x0], $0xffff;
	v51 =	vor.u32 $0x32, v8  }
0x37a: {  	v44 =	vld.idx.msk [tilespmem:v44+s18+$0x0], $0xffff;
	v48 =	vor.u32 $0x30, v7  }
0x37b: {  	v46 =	vld.idx.msk [tilespmem:v46+s18+$0x0], $0xffff;
	v49 =	vor.u32 $0x31, v8  }
0x37c: {  	v47 =	vld.idx.msk [tilespmem:v47+s16+$0x0], $0xffff;
	v50 =	vor.u32 $0x31, v7  }
0x37d: {  	v1 =	vadd.f32 v20, v1;
	v52 =	vor.u32 $0x32, v7;
	v20 =	vmul.f32 v54, v53;
	v54 =	vld [tilespmem:$0x1FC80]  }
0x37e: {  	v58 =	vmul.f32 v58, v33;
	v33 =	vld.idx.msk [tilespmem:v51+s16+$0x0], $0xffff;
	v51 =	vor.u32 $0x34, v7  }
0x37f: {  	v57 =	vmul.f32 v57, v32;
	v48 =	vld.idx.msk [tilespmem:v48+s18+$0x0], $0xffff;
	v16 =	vadd.f32 v22, v16  }
0x380: {  	v59 =	vmul.f32 v59, v34;
	v49 =	vld.idx.msk [tilespmem:v49+s16+$0x0], $0xffff;
	v53 =	vor.u32 $0x33, v8  }
0x381: {  	v32 =	vld.idx.msk [tilespmem:v50+s18+$0x0], $0xffff;
	v50 =	vor.u32 $0x34, v8;
	v16 =	vadd.f32 v57, v16;
	v13 =	vadd.f32 v20, v13  }
0x382: {  	v57 =	vmul.f32 v61, v36;
	v34 =	vld.idx.msk [tilespmem:v52+s18+$0x0], $0xffff;
	v52 =	vor.u32 $0x35, v8;
	v22 =	vmul.f32 v55, v54  }
0x383: {  	v61 =	vmul.f32 v63, v38;
	v38 =	vld.idx.msk [tilespmem:v51+s18+$0x0], $0xffff;
	v13 =	vadd.f32 v58, v13;
	v58 =	vor.u32 $0x36, v8  }
0x384: {  	v55 =	vld [tilespmem:$0x1FC90];
	v54 =	vor.u32 $0x33, v7;
	v19 =	vadd.f32 v22, v19  }
0x385: {  	v60 =	vmul.f32 v60, v35;
	v35 =	vld.idx.msk [tilespmem:v53+s16+$0x0], $0xffff;
	v53 =	vor.u32 $0x35, v7  }
0x386: {  	v19 =	vadd.f32 v59, v19;
	v59 =	vmul.f32 v62, v37;
	v37 =	vld.idx.msk [tilespmem:v50+s16+$0x0], $0xffff  }
0x387: {  	v62 =	vmul.f32 v30, v39;
	v30 =	vld.idx.msk [tilespmem:v52+s16+$0x0], $0xffff  }
0x388: {  	v16 =	vadd.f32 v57, v16;
	v57 =	vmul.f32 v25, v41;
	v41 =	vor.u32 $0x3B, v8;
	v25 =	vld.idx.msk [tilespmem:v58+s16+$0x0], $0xffff  }
0x389: {  	v17 =	vmul.f32 v17, v29;
	v58 =	vor.u32 $0x38, v7;
	v36 =	vld.idx.msk [tilespmem:v54+s18+$0x0], $0xffff  }
0x38a: {  	v39 =	vor.u32 $0x3A, v7;
	v20 =	vmul.f32 v56, v55;
	v55 =	vmul.f32 v31, v40;
	v31 =	vld.idx.msk [tilespmem:v53+s18+$0x0], $0xffff  }
0x38b: {  	v18 =	vmul.f32 v18, v26;
	v50 =	vor.u32 $0x3B, v7;
	v13 =	vadd.f32 v59, v13;
	v59 =	vld [tilespmem:$0x1FCA0]  }
0x38c: {  	v12 =	vmul.f32 v12, v21;
	v51 =	vor.u32 $0x37, v8;
	v19 =	vadd.f32 v61, v19;
	v61 =	vld [tilespmem:$0x1FCB0]  }
0x38d: {  	v54 =	vor.u32 $0x3D, v8;
	v1 =	vadd.f32 v20, v1;
	v16 =	vadd.f32 v55, v16;
	v55 =	vld.idx.msk [tilespmem:v41+s16+$0x0], $0xffff  }
0x38e: {  	v5 =	vmul.f32 v5, v11;
	v0 =	vmul.f32 v6, v0;
	v63 =	vor.u32 $0x37, v7;
	v40 =	vld.idx.msk [tilespmem:v58+s18+$0x0], $0xffff  }
0x38f: {  	v10 =	vmul.f32 v10, v15;
	v1 =	vadd.f32 v60, v1;
	v60 =	vor.u32 $0x36, v7;
	v53 =	vld.idx.msk [tilespmem:v39+s18+$0x0], $0xffff  }
0x390: {  	v2 =	vmul.f32 v4, v2;
	v56 =	vor.u32 $0x38, v8;
	v16 =	vadd.f32 v18, v16;
	v4 =	vld.idx.msk [tilespmem:v50+s18+$0x0], $0xffff  }
0x391: {  	v52 =	vor.u32 $0x3C, v7;
	v22 =	vmul.f32 v42, v59;
	v20 =	vmul.f32 v43, v61;
	v43 =	vld.idx.msk [tilespmem:v51+s16+$0x0], $0xffff  }
0x392: {  	v1 =	vadd.f32 v62, v1;
	v62 =	vor.u32 $0x39, v7;
	v0 =	vadd.f32 v0, v16;
	v16 =	vld.idx.msk [tilespmem:v54+s16+$0x0], $0xffff  }
0x393: {  	v13 =	vadd.f32 v57, v13;
	v51 =	vor.u32 $0x3C, v8;
	v19 =	vadd.f32 v22, v19;
	v22 =	vld.idx.msk [tilespmem:v63+s18+$0x0], $0xffff  }
0x394: {  	v3 =	vmul.f32 v27, v3;
	v1 =	vadd.f32 v20, v1;
	v42 =	vld.idx.msk [tilespmem:v60+s18+$0x0], $0xffff;
	v60 =	vor.u32 $0x39, v8  }
0x395: {  	v57 =	vor.u32 $0x3E, v8;
	v58 =	vmul.f32 v24, v23;
	v13 =	vadd.f32 v17, v13;
	v20 =	vld.idx.msk [tilespmem:v56+s16+$0x0], $0xffff  }
0x396: {  	v63 =	vor.u32 $0x3A, v8;
	v1 =	vadd.f32 v5, v1;
	v5 =	vmul.f32 v14, v9;
	v14 =	vld.idx.msk [tilespmem:v52+s18+$0x0], $0xffff  }
0x397: {  	v61 =	vmul.f32 v44, v28;
	v56 =	vor.u32 $0x3D, v7;
	v12 =	vadd.f32 v12, v19;
	v6 =	vld.idx.msk [tilespmem:v62+s18+$0x0], $0xffff  }
0x398: {  	v0 =	vadd.f32 v2, v0;
	v8 =	vor.u32 $0x3F, v8;
	v59 =	vld.idx.msk [tilespmem:v51+s16+$0x0], $0xffff;
	v5 =	vadd.f32 v5, v13  }
0x399: {  	v10 =	vadd.f32 v10, v12;
	v1 =	vadd.f32 v3, v1;
	v11 =	vld.idx.msk [tilespmem:v60+s16+$0x0], $0xffff;
	v60 =	vor.u32 $0x3E, v7  }
0x39a: {  	v12 =	vld.idx.msk [tilespmem:v57+s16+$0x0], $0xffff;
	v3 =	vadd.f32 v58, v5;
	v5 =	vmul.f32 v46, v45;
	v7 =	vor.u32 $0x3F, v7  }
0x39b: {  	v62 =	vmul.f32 v32, v49;
	v9 =	vld.idx.msk [tilespmem:v63+s16+$0x0], $0xffff;
	v2 =	vadd.f32 v61, v10;
	v10 =	vmul.f32 v48, v47  }
0x39c: {  	v21 =	vld.idx.msk [tilespmem:v56+s18+$0x0], $0xffff;
	v63 =	vmul.f32 v36, v35;
	v1 =	vadd.f32 v5, v1;
	v5 =	vmul.f32 v34, v33  }
0x39d: {  	v22 =	vmul.f32 v22, v43;
	v8 =	vld.idx.msk [tilespmem:v8+s16+$0x0], $0xffff;
	v0 =	vadd.f32 v10, v0;
	v10 =	vmul.f32 v38, v37  }
0x39e: {  	v3 =	vadd.f32 v62, v3;
	v2 =	vadd.f32 v5, v2;
	v5 =	vmul.f32 v31, v30;
	v19 =	vld.idx.msk [tilespmem:v60+s18+$0x0], $0xffff  }
0x39f: {  	v1 =	vadd.f32 v63, v1;
	v0 =	vadd.f32 v10, v0;
	v10 =	vmul.f32 v42, v25;
	v7 =	vld.idx.msk [tilespmem:v7+s18+$0x0], $0xffff  }
0x3a0: {  	v6 =	vmul.f32 v6, v11;
	v3 =	vadd.f32 v5, v3;
	v5 =	vmul.f32 v40, v20  }
0x3a1: {  	v9 =	vmul.f32 v53, v9;
	v2 =	vadd.f32 v10, v2;
	v1 =	vadd.f32 v22, v1  }
0x3a2: {  	v4 =	vmul.f32 v4, v55;
	v0 =	vadd.f32 v5, v0;
	v3 =	vadd.f32 v6, v3  }
0x3a3: {  	v2 =	vadd.f32 v9, v2;
	v5 =	vmul.f32 v14, v59;
	v6 =	vmul.f32 v21, v16  }
0x3a4: {  	v1 =	vadd.f32 v4, v1;
	v4 =	vmul.f32 v19, v12;
	v7 =	vmul.f32 v7, v8  }
0x3a5: {  	v0 =	vadd.f32 v5, v0;
	v3 =	vadd.f32 v6, v3  }
0x3a6: {  	v2 =	vadd.f32 v4, v2;
	v1 =	vadd.f32 v7, v1  }
0x3a7: {  	p0 =	sne.s32 s25, $0xF0  }
.Ltmp11:
0x3a8: {  	v0 =	vadd.f32 v3, v0;
	v1 =	vadd.f32 v1, v2;
	(pc) =	sbr.rel @p0 .LBB2_17-.Ltmp11, $4  }
0x3a9: {  	_ = 	snop  }
0x3aa: {  	v11 =	vld [tilespmem:$0x1FFF0];
	v0 =	vadd.f32 v1, v0  }
0x3ab: {  	s31 =	rddreg [dreg:$0x17];
	vm10 =	vmmov vm12;
	v9 =	vld [tilespmem:$0x1FFE0]  }
0x3ac: {  	s25 =	sadd.s32 $0x10, s25;
	s0 =	sadd.s32 $0x10, s31;
	vm9 =	vmmov vm11;
	v10 =	vimm.s32 $0x0;
	v8 =	vld [tilespmem:$0x1FFD0];
	v6 =	vimm.s32 $0x200;
	[tilespmem:s31+$0x0] =	vst v0  }
0x3ad: {  	s0 =	rddreg [dreg:$0x4]  }
0x3ae: {  	s4 =	rddreg [dreg:$0x11]  }
0x3af: {  	s0 =	sadd.s32 s0, s4  }
0x3b0: {  	s1 =	rddreg [dreg:$0x6];
	s26 =	simm.s32 $0x0;
	s0 =	sshrl.u32 s0, $0x3  }
0x3b1: {  	s2 =	simm.s32 $0x1EC00;
	s28 =	simm.s32 $0x8;
	s0 =	sadd.s32 s1, s0  }
0x3b2: {  	[hbm4b:s0+s26] =	stream.linear.scatter [tilespmem:s2], [sflag:$0x8], $0x100, $0x38;
	[tilespmem:$0x1ED00] =	vst v63  }
0x3b3: {  	_ =	swait.ge [sflag:s28], $0x100  }
0x3b4: {  	[sflag:s28] =	ssyncset.done $0x0  }
0x3b5: {  	s29 =	simm.s32 $0x4;
	[sflag:s28] =	ssyncadd.s32 $0xFFFFFF00  }
0x3b6: {  	_ =	swait.ge [sflag:s29], $0x4000  }
0x3b7: {  	[sflag:s29] =	ssyncset.done $0x0;
	s30 =	rddreg [dreg:$0x10]  }
0x3b8: {  	s3 =	rddreg [dreg:$0x5];
	[sflag:s29] =	ssyncadd.s32 $0xFFFFC000;
	p0 =	sgt.u32 s30, $0x6  }
0x3b9: {  	s0 =	sadd.s32 @!p0 $0x900, s4;
	s1 =	simm.s32 @!p0 $0x80;
	s2 =	simm.s32 @!p0 $0x12C00  }
0x3ba: {  	[tilespmem:s2], [sflag:$0x3] =	stream.indirect.gather @!p0 [hbm4b:s3+s1], $0x40, s0, s1, $0xb8;
	[tilespmem:$0x1ED00] =	vst v63  }
0x3bb: {  	v0 =	vlaneseq.u32;
	s31 =	sadd.s32 $0x300, s4;
	s0 =	sadd.s32 @!p0 $0x980, s4;
	s2 =	simm.s32 @!p0 $0x14C00  }
0x3bc: {  	v0 =	vor.u32 s31, v0;
	[tilespmem:s2], [sflag:$0x3] =	stream.indirect.gather @!p0 [hbm4b:s3+s1], $0x40, s0, s1, $0xb8;
	[tilespmem:$0x1ED00] =	vst v63  }
0x3bd: {  	s25 =	simm.s32 $0x0;
	s16 =	simm.s32 $0x16C00;
	[tilespmem:$0x1FB40] =	vst v0;
	s0 =	simm.s32 $0x1EC00  }
.LBB2_19:
0x3be: {  	v0 =	vld [tilespmem:$0x1FB40];
	_ =	sdelay $0x4  }
0x3bf: {  	v7 =	vor.u32 s25, v0  }
0x3c0: {  	v0 =	vadd.s32 $0xFFFFFE00, v7  }
0x3c1: {  	(v2sf) =	vpush v0, $0xD;
	_ =	sdelay $0x1  }
0x3c2: {  	(v2sf) =	vpush v0, $0xC;
	_ =	sdelay $0x1  }
0x3c3: {  	(v2sf) =	vpush v0, $0xE;
	_ =	sdelay $0x1  }
0x3c4: {  	(v2sf) =	vpush v0, $0xF;
	_ =	sdelay $0x1  }
0x3c5: {  	(v2sf) =	vpush v0, $0x9;
	_ =	sdelay $0x1  }
0x3c6: {  	(v2sf) =	vpush v0, $0x8;
	_ =	sdelay $0x1  }
0x3c7: {  	(v2sf) =	vpush v0, $0xA;
	_ =	sdelay $0x1  }
0x3c8: {  	(v2sf) =	vpush v0, $0xB  }
0x3c9: {  	s21 =	spop (v2sf)  }
0x3ca: {  	[dreg:$0x18] =	wrdreg s0;
	(v2sf) =	vpush v0, $0x0;
	s1 =	smulhi.u32 $0x66666667, s21;
	s0 =	sshra.s32 s21, $0x1F  }
0x3cb: {  	(v2sf) =	vpush v0, $0x1;
	s2 =	spop (v2sf);
	s0 =	smul.u32 $0x66666667, s0  }
0x3cc: {  	s3 =	smulhi.u32 $0x66666667, s2;
	s2 =	sshra.s32 s2, $0x1F  }
0x3cd: {  	s4 =	spop (v2sf);
	s2 =	smul.u32 $0x66666667, s2  }
0x3ce: {  	(v2sf) =	vpush v0, $0x2;
	s6 =	smulhi.u32 $0x66666667, s4;
	s4 =	sshra.s32 s4, $0x1F  }
0x3cf: {  	(v2sf) =	vpush v0, $0x3;
	s5 =	spop (v2sf);
	s4 =	smul.u32 $0x66666667, s4  }
0x3d0: {  	(v2sf) =	vpush v0, $0x4;
	s9 =	smulhi.u32 $0x66666667, s5;
	s5 =	sshra.s32 s5, $0x1F  }
0x3d1: {  	(v2sf) =	vpush v0, $0x5;
	s7 =	spop (v2sf);
	s5 =	smul.u32 $0x66666667, s5  }
0x3d2: {  	(v2sf) =	vpush v0, $0x6;
	s11 =	smulhi.u32 $0x66666667, s7;
	s7 =	sshra.s32 s7, $0x1F  }
0x3d3: {  	(v2sf) =	vpush v0, $0x7;
	s8 =	spop (v2sf);
	s7 =	smul.u32 $0x66666667, s7  }
0x3d4: {  	s15 =	smulhi.u32 $0x66666667, s8;
	s8 =	sshra.s32 s8, $0x1F  }
0x3d5: {  	s10 =	spop (v2sf);
	s8 =	smul.u32 $0x66666667, s8  }
0x3d6: {  	s20 =	smulhi.u32 $0x66666667, s10;
	s10 =	sshra.s32 s10, $0x1F  }
0x3d7: {  	s31 =	sadd.s32 s2, s3;
	s12 =	spop (v2sf);
	s24 =	smul.u32 $0x66666667, s10  }
0x3d8: {  	s26 =	sadd.s32 s5, s9;
	s30 =	smulhi.u32 $0x66666667, s12;
	s12 =	sshra.s32 s12, $0x1F  }
0x3d9: {  	s13 =	spop (v2sf);
	s10 =	sadd.s32 s0, s1;
	s0 =	smul.u32 $0x66666667, s12  }
0x3da: {  	s14 =	spop (v2sf);
	s1 =	smulhi.u32 $0x66666667, s13;
	s22 =	sshra.s32 s13, $0x1F  }
0x3db: {  	s3 =	sshrl.u32 s10, $0x1F;
	s13 =	sshrl.u32 s31, $0x1F;
	s2 =	smul.u32 $0x66666667, s22  }
0x3dc: {  	s12 =	sadd.s32 s4, s6;
	s4 =	smulhi.u32 $0x66666667, s14;
	s23 =	sshra.s32 s14, $0x1F  }
0x3dd: {  	s17 =	spop (v2sf);
	s14 =	sshrl.u32 s12, $0x1F;
	s5 =	smul.u32 $0x66666667, s23  }
0x3de: {  	s22 =	sadd.s32 s7, s11;
	s19 =	spop (v2sf);
	s6 =	smulhi.u32 $0x66666667, s17  }
0x3df: {  	s11 =	sshra.s32 s17, $0x1F;
	s23 =	sadd.s32 s8, s15;
	s21 =	spop (v2sf)  }
0x3e0: {  	s7 =	smul.u32 $0x66666667, s11;
	s11 =	sadd.s32 s24, s20;
	s29 =	spop (v2sf)  }
0x3e1: {  	s8 =	smulhi.u32 $0x66666667, s19;
	s24 =	sshra.s32 s19, $0x1F;
	s28 =	spop (v2sf)  }
0x3e2: {  	s9 =	sadd.s32 s0, s30;
	s0 =	smul.u32 $0x66666667, s24;
	s19 =	spop (v2sf)  }
0x3e3: {  	s1 =	sadd.s32 s2, s1;
	s2 =	smulhi.u32 $0x66666667, s19;
	s15 =	sshra.s32 s19, $0x1F  }
0x3e4: {  	s17 =	sshrl.u32 s26, $0x1F;
	s4 =	sadd.s32 s5, s4;
	s20 =	smul.u32 $0x66666667, s15  }
0x3e5: {  	s24 =	smulhi.u32 $0x66666667, s21;
	s30 =	sshra.s32 s21, $0x1F;
	s21 =	sshrl.u32 s23, $0x1F  }
0x3e6: {  	s6 =	sadd.s32 s7, s6;
	s15 =	smul.u32 $0x66666667, s30;
	s20 =	sadd.s32 s20, s2  }
0x3e7: {  	v1 =	vmov s13;
	s0 =	sadd.s32 s0, s8;
	s8 =	sshrl.u32 s9, $0x1F;
	s5 =	sshra.s32 s20, $0x1F  }
0x3e8: {  	v1 =	vsel vm0, s3, v1;
	s3 =	smulhi.u32 $0x66666667, s29;
	s7 =	sadd.s32 s15, s24;
	s15 =	sshra.s32 s1, $0x3;
	v17 =	vmov s5  }
0x3e9: {  	v1 =	vsel vm1, s14, v1;
	s19 =	sshrl.u32 s22, $0x1F;
	s24 =	sshrl.u32 s1, $0x1F;
	s1 =	sshra.s32 s1, $0x1F;
	v0 =	vsel vm3, s15, v17  }
0x3ea: {  	v3 =	vmov s21;
	s30 =	sshrl.u32 s4, $0x1F;
	s2 =	sshrl.u32 s11, $0x1F;
	v2 =	vmov s24;
	s24 =	sshra.s32 s4, $0x3;
	v0 =	vsel vm9, s1, v0  }
0x3eb: {  	v1 =	vsel vm2, s17, v1;
	v3 =	vsel vm0, s19, v3;
	s4 =	sshra.s32 s4, $0x1F;
	s5 =	smulhi.u32 $0x66666667, s28;
	s15 =	sshra.s32 s29, $0x1F;
	v0 =	vsel vm0, s24, v0  }
0x3ec: {  	s17 =	sshrl.u32 s0, $0x1F;
	v3 =	vsel vm1, s2, v3;
	v2 =	vnsel vm3, $0x0, v2;
	s13 =	smul.u32 $0x66666667, s15;
	s15 =	sshra.s32 s6, $0x3;
	v0 =	vsel vm10, s4, v0  }
0x3ed: {  	s29 =	sshrl.u32 s6, $0x1F;
	v2 =	vsel vm0, s30, v2;
	s30 =	sshra.s32 s28, $0x1F;
	s6 =	sshra.s32 s6, $0x1F;
	vm9 =	vcmask $0x1714;
	v0 =	vsel vm1, s15, v0  }
0x3ee: {  	v3 =	vsel vm2, s8, v3;
	s8 =	sshra.s32 s23, $0x3;
	s28 =	sshra.s32 s0, $0x3;
	v2 =	vsel vm1, s29, v2;
	s21 =	smul.u32 $0x66666667, s30;
	v0 =	vsel vm9, s6, v0  }
0x3ef: {  	s0 =	sshra.s32 s0, $0x1F;
	v2 =	vsel vm2, s17, v2;
	s24 =	sshrl.u32 s7, $0x1F;
	s1 =	sadd.s32 s13, s3;
	vm9 =	vcmask $0x1F1C;
	v0 =	vsel vm2, s28, v0  }
0x3f0: {  	v1 =	vcombine.low v3, v1;
	v2 =	vsel vm4, s24, v2;
	s30 =	sadd.s32 s21, s5;
	s5 =	sshra.s32 s7, $0x3;
	s29 =	sshrl.u32 s1, $0x1F;
	v0 =	vsel vm9, s0, v0  }
0x3f1: {  	v4 =	vmov s8;
	s13 =	sshra.s32 s7, $0x1F;
	s15 =	sshra.s32 s22, $0x3;
	v2 =	vsel vm5, s29, v2;
	s6 =	sshra.s32 s31, $0x3;
	v0 =	vsel vm4, s5, v0  }
0x3f2: {  	s14 =	sshra.s32 s10, $0x3;
	s4 =	sshrl.u32 s30, $0x1F;
	s17 =	sshra.s32 s1, $0x3;
	v4 =	vsel vm0, s15, v4;
	v18 =	vmov s6;
	v0 =	vsel vm15, s13, v0  }
0x3f3: {  	s19 =	sshra.s32 s12, $0x3;
	s21 =	sshra.s32 s11, $0x3;
	s22 =	sshra.s32 s1, $0x1F;
	v2 =	vsel vm6, s4, v2;
	v3 =	vsel vm0, s14, v18;
	v0 =	vsel vm5, s17, v0  }
0x3f4: {  	s23 =	sshra.s32 s26, $0x3;
	s24 =	sshra.s32 s9, $0x3;
	s26 =	sshra.s32 s30, $0x3;
	v4 =	vsel vm1, s21, v4;
	v3 =	vsel vm1, s19, v3;
	v0 =	vsel vm13, s22, v0  }
0x3f5: {  	s29 =	sshra.s32 s30, $0x1F;
	s28 =	sshrl.u32 s20, $0x1F;
	v4 =	vsel vm2, s24, v4;
	v3 =	vsel vm2, s23, v3;
	v0 =	vsel vm6, s26, v0  }
0x3f6: {  	s30 =	sshra.s32 s20, $0x3;
	v2 =	vsel vm7, s28, v2;
	v3 =	vcombine.low v4, v3;
	v0 =	vsel vm14, s29, v0  }
0x3f7: {  	v1 =	vperm.xlane v1, v8;
	v2 =	vperm.xlane v2, v9;
	v0 =	vsel vm7, s30, v0  }
0x3f8: {  	v3 =	vperm.xlane v3, v8;
	v0 =	vperm.xlane v0, v9;
	_ =	sdelay $0x1  }
0x3f9: {  	v1 =	vsel vm8, v2, v1;
	v0 =	vsel vm8, v0, v3  }
0x3fa: {  	v0 =	vadd.s32 v1, v0  }
0x3fb: {  	v1 =	vmul.u32 $0xFFFFFFEC, v0  }
0x3fc: {  	v20 =	vmov s25;
	v19 =	vsub.s32 $0x200, v7  }
0x3fd: {  	vm10 =	vne.s32 v1, v19;
	v1 =	vshll.u32 v20, $0x6  }
0x3fe: {  	vm9 =	vlt.u32 v7, $0x201;
	v8 =	vor.u32 v11, v1  }
0x3ff: {  	vm9 =	vmand vm9, vm10;
	v4 =	vor.u32 $0x3, v8  }
0x400: {  	v21 =	vsel vm9, $0xFFFFFFFF, v10  }
0x401: {  	vm9 =	vgt.u32 v6, v7;
	v0 =	vadd.s32 v21, v0  }
0x402: {  	v0 =	vsel vm9, v7, v0  }
0x403: {  	v7 =	vshll.u32 v0, $0x6  }
0x404: {  	v30 =	vld.idx.msk [tilespmem:v4+s16+$0x0], $0xffff;
	v4 =	vor.u32 $0x5, v7;
	_ =	sdelay $0x4  }
0x405: {  	v13 =	vld.idx.msk [tilespmem:v4+s18+$0x0], $0xffff;
	v4 =	vor.u32 $0x8, v8;
	_ =	sdelay $0x2  }
0x406: {  	v24 =	vor.u32 $0x2, v8  }
0x407: {  	v10 =	vor.u32 $0x7, v7  }
0x408: {  	v31 =	vld.idx.msk [tilespmem:v4+s16+$0x0], $0xffff;
	v4 =	vor.u32 $0xA, v7;
	_ =	sdelay $0x2  }
0x409: {  	v25 =	vor.u32 $0x2, v7;
	v2 =	vld.idx.msk [tilespmem:v24+s16+$0x0], $0xffff  }
0x40a: {  	v20 =	vld.idx.msk [tilespmem:v10+s18+$0x0], $0xffff;
	v10 =	vor.u32 $0xA, v8  }
0x40b: {  	v24 =	vld.idx.msk [tilespmem:v4+s18+$0x0], $0xffff;
	v4 =	vor.u32 $0xD, v8  }
0x40c: {  	v22 =	vor.u32 $0x1, v8  }
0x40d: {  	v5 =	vor.u32 $0x4, v7  }
0x40e: {  	v11 =	vor.u32 $0x8, v7;
	v28 =	vld.idx.msk [tilespmem:v25+s18+$0x0], $0xffff  }
0x40f: {  	v34 =	vld.idx.msk [tilespmem:v10+s16+$0x0], $0xffff;
	v10 =	vor.u32 $0xC, v7  }
0x410: {  	v38 =	vld.idx.msk [tilespmem:v4+s16+$0x0], $0xffff;
	v4 =	vor.u32 $0xF, v7  }
0x411: {  	v0 =	vld.idx.msk [tilespmem:v22+s16+$0x0], $0xffff  }
0x412: {  	v15 =	vld.idx.msk [tilespmem:v5+s18+$0x0], $0xffff;
	v5 =	vor.u32 $0x7, v8  }
0x413: {  	v22 =	vld.idx.msk [tilespmem:v11+s18+$0x0], $0xffff;
	v11 =	vor.u32 $0xB, v8  }
0x414: {  	[tilespmem:$0x1F9F0] =	vst v28;
	v28 =	vld.idx.msk [tilespmem:v10+s18+$0x0], $0xffff;
	v10 =	vor.u32 $0xF, v8  }
0x415: {  	v48 =	vld.idx.msk [tilespmem:v4+s18+$0x0], $0xffff;
	v4 =	vor.u32 $0x12, v8  }
0x416: {  	v23 =	vor.u32 $0x1, v7  }
0x417: {  	v45 =	vld.idx.msk [tilespmem:v5+s16+$0x0], $0xffff;
	v5 =	vor.u32 $0x9, v7  }
0x418: {  	v35 =	vld.idx.msk [tilespmem:v11+s16+$0x0], $0xffff;
	v11 =	vor.u32 $0xD, v7  }
0x419: {  	v41 =	vld.idx.msk [tilespmem:v10+s16+$0x0], $0xffff;
	v10 =	vor.u32 $0x11, v7  }
0x41a: {  	v55 =	vld.idx.msk [tilespmem:v4+s16+$0x0], $0xffff;
	v4 =	vor.u32 $0x14, v7  }
0x41b: {  	v21 =	vld.idx.msk [tilespmem:v23+s18+$0x0], $0xffff  }
0x41c: {  	v23 =	vld.idx.msk [tilespmem:v5+s18+$0x0], $0xffff;
	v5 =	vor.u32 $0xC, v8  }
0x41d: {  	v46 =	vld.idx.msk [tilespmem:v11+s18+$0x0], $0xffff;
	v11 =	vor.u32 $0x10, v8  }
0x41e: {  	v50 =	vld.idx.msk [tilespmem:v10+s18+$0x0], $0xffff;
	v10 =	vor.u32 $0x14, v8  }
0x41f: {  	v53 =	vld.idx.msk [tilespmem:v4+s18+$0x0], $0xffff;
	v4 =	vor.u32 $0x17, v8;
	_ =	sdelay $0x1  }
0x420: {  	v37 =	vld.idx.msk [tilespmem:v5+s16+$0x0], $0xffff;
	v5 =	vor.u32 $0xE, v7  }
0x421: {  	v42 =	vld.idx.msk [tilespmem:v11+s16+$0x0], $0xffff;
	v11 =	vor.u32 $0x12, v7  }
0x422: {  	v12 =	vor.u32 $0x9, v8;
	v58 =	vld.idx.msk [tilespmem:v10+s16+$0x0], $0xffff  }
0x423: {  	v62 =	vld.idx.msk [tilespmem:v4+s16+$0x0], $0xffff;
	v4 =	vor.u32 $0x19, v7  }
0x424: {  	v43 =	vor.u32 $0x13, v8  }
0x425: {  	v47 =	vld.idx.msk [tilespmem:v5+s18+$0x0], $0xffff;
	v5 =	vor.u32 $0x11, v8  }
0x426: {  	v51 =	vld.idx.msk [tilespmem:v11+s18+$0x0], $0xffff;
	v11 =	vor.u32 $0x15, v8  }
0x427: {  	v36 =	vor.u32 $0xE, v8;
	v32 =	vld.idx.msk [tilespmem:v12+s16+$0x0], $0xffff  }
0x428: {  	[tilespmem:$0x1FAE0] =	vst v58;
	v58 =	vld.idx.msk [tilespmem:v4+s18+$0x0], $0xffff;
	v4 =	vor.u32 $0x1C, v8  }
0x429: {  	v26 =	vor.u32 $0x3, v7;
	v56 =	vld.idx.msk [tilespmem:v43+s16+$0x0], $0xffff  }
0x42a: {  	v54 =	vld.idx.msk [tilespmem:v5+s16+$0x0], $0xffff;
	v5 =	vor.u32 $0x13, v7  }
0x42b: {  	v59 =	vld.idx.msk [tilespmem:v11+s16+$0x0], $0xffff;
	v11 =	vor.u32 $0x17, v7  }
0x42c: {  	v63 =	vor.u32 $0x1A, v7;
	v39 =	vld.idx.msk [tilespmem:v36+s16+$0x0], $0xffff  }
0x42d: {  	v36 =	vld.idx.msk [tilespmem:v4+s16+$0x0], $0xffff;
	v4 =	vor.u32 $0x1E, v7  }
0x42e: {  	v1 =	vor.u32 $0x1F, v7;
	[tilespmem:$0x1F9D0] =	vst v0;
	v0 =	vld.idx.msk [tilespmem:v26+s18+$0x0], $0xffff  }
0x42f: {  	[tilespmem:$0x1F9E0] =	vst v2;
	v2 =	vor.u32 $0x22, v8;
	v52 =	vld.idx.msk [tilespmem:v5+s18+$0x0], $0xffff  }
0x430: {  	[tilespmem:$0x1FAD0] =	vst v56;
	v5 =	vor.u32 $0x16, v8;
	v56 =	vld.idx.msk [tilespmem:v11+s18+$0x0], $0xffff  }
0x431: {  	[tilespmem:$0x1FAF0] =	vst v59;
	v11 =	vor.u32 $0x1A, v8;
	v59 =	vld.idx.msk [tilespmem:v63+s18+$0x0], $0xffff  }
0x432: {  	v63 =	vld.idx.msk [tilespmem:v4+s18+$0x0], $0xffff;
	v4 =	vor.u32 $0x21, v8  }
0x433: {  	v43 =	vor.u32 $0x23, v8;
	[tilespmem:$0x1FA00] =	vst v30;
	v30 =	vld.idx.msk [tilespmem:v1+s18+$0x0], $0xffff  }
0x434: {  	v12 =	vld.idx.msk [tilespmem:v2+s16+$0x0], $0xffff  }
0x435: {  	v61 =	vld.idx.msk [tilespmem:v5+s16+$0x0], $0xffff  }
0x436: {  	[tilespmem:$0x1FA40] =	vst v34;
	v34 =	vld.idx.msk [tilespmem:v11+s16+$0x0], $0xffff;
	v11 =	vor.u32 $0x1C, v7  }
0x437: {  	[tilespmem:$0x1FA90] =	vst v41;
	v41 =	vld.idx.msk [tilespmem:v4+s16+$0x0], $0xffff;
	v4 =	vor.u32 $0x23, v7  }
0x438: {  	v17 =	vld.idx.msk [tilespmem:v43+s16+$0x0], $0xffff  }
0x439: {  	v2 =	vld.idx.msk [tilespmem:v7+s18+$0x0], $0xffff  }
0x43a: {  	v6 =	vor.u32 $0x6, v8;
	[tilespmem:$0x1FB20] =	vst v12;
	v12 =	vld [tilespmem:$0x1F9D0]  }
0x43b: {  	v1 =	vor.u32 $0x25, v7;
	[tilespmem:$0x1FB00] =	vst v61;
	v61 =	vld.idx.msk [tilespmem:v11+s18+$0x0], $0xffff  }
0x43c: {  	v43 =	vld.idx.msk [tilespmem:v4+s18+$0x0], $0xffff  }
0x43d: {  	v11 =	vor.u32 $0x1F, v8;
	v4 =	vld.idx.msk [tilespmem:v8+s16+$0x0], $0xffff  }
0x43e: {  	[tilespmem:$0x1FA10] =	vst v0;
	v0 =	vor.u32 $0x1D, v8  }
0x43f: {  	v44 =	vld.idx.msk [tilespmem:v6+s16+$0x0], $0xffff  }
0x440: {  	[tilespmem:$0x1FB30] =	vst v17;
	v17 =	vld.idx.msk [tilespmem:v1+s18+$0x0], $0xffff  }
0x441: {  	v27 =	vor.u32 $0x4, v8;
	v1 =	vld [tilespmem:$0x1F9E0]  }
0x442: {  	[tilespmem:$0x1FA80] =	vst v39;
	v39 =	vld.idx.msk [tilespmem:v11+s16+$0x0], $0xffff;
	v11 =	vor.u32 $0x21, v7;
	v2 =	vmul.f32 v2, v4;
	v4 =	vmul.f32 v21, v12  }
0x443: {  	v6 =	vor.u32 $0x27, v8;
	[tilespmem:$0x1FA60] =	vst v37;
	v37 =	vld.idx.msk [tilespmem:v0+s16+$0x0], $0xffff  }
0x444: {  	v0 =	vadd.f32 $0.0e+00, v4;
	v4 =	vld [tilespmem:$0x1F9F0];
	_ =	sdelay $0x1  }
0x445: {  	v16 =	vld.idx.msk [tilespmem:v27+s16+$0x0], $0xffff  }
0x446: {  	v25 =	vld.idx.msk [tilespmem:v11+s18+$0x0], $0xffff  }
0x447: {  	v29 =	vor.u32 $0x5, v8;
	v11 =	vld.idx.msk [tilespmem:v6+s16+$0x0], $0xffff  }
0x448: {  	v57 =	vor.u32 $0x15, v7;
	v6 =	vmul.f32 v4, v1;
	v1 =	vld [tilespmem:$0x1FA00]  }
0x449: {  	[tilespmem:$0x1FA20] =	vst v31;
	v5 =	vor.u32 $0x18, v7;
	v4 =	vld [tilespmem:$0x1FA10]  }
0x44a: {  	v20 =	vmul.f32 v20, v45;
	v45 =	vld [tilespmem:$0x1FA20]  }
0x44b: {  	v9 =	vor.u32 $0x6, v7  }
0x44c: {  	v33 =	vor.u32 $0xB, v7;
	v14 =	vld.idx.msk [tilespmem:v29+s16+$0x0], $0xffff  }
0x44d: {  	[tilespmem:$0x1FAB0] =	vst v54;
	v54 =	vld.idx.msk [tilespmem:v57+s18+$0x0], $0xffff  }
0x44e: {  	v57 =	vld.idx.msk [tilespmem:v5+s18+$0x0], $0xffff;
	v5 =	vor.u32 $0x1B, v8;
	v1 =	vmul.f32 v4, v1  }
0x44f: {  	v15 =	vmul.f32 v15, v16;
	v22 =	vmul.f32 v22, v45;
	v45 =	vld [tilespmem:$0x1FA40]  }
0x450: {  	v19 =	vld.idx.msk [tilespmem:v9+s18+$0x0], $0xffff;
	v10 =	vor.u32 $0x16, v7;
	v16 =	vadd.f32 $0.0e+00, v2;
	v1 =	vadd.f32 $0.0e+00, v1  }
0x451: {  	v27 =	vld.idx.msk [tilespmem:v33+s18+$0x0], $0xffff;
	[tilespmem:$0x1FA30] =	vst v32  }
0x452: {  	v16 =	vadd.f32 v15, v16;
	v1 =	vadd.f32 v20, v1;
	v20 =	vld [tilespmem:$0x1FA30]  }
0x453: {  	[tilespmem:$0x1FA50] =	vst v35;
	v35 =	vld.idx.msk [tilespmem:v5+s16+$0x0], $0xffff;
	v5 =	vor.u32 $0x1D, v7  }
0x454: {  	[tilespmem:$0x1FA70] =	vst v38;
	v16 =	vadd.f32 v22, v16;
	v22 =	vmul.f32 v24, v45;
	v24 =	vld [tilespmem:$0x1FA50]  }
0x455: {  	v13 =	vmul.f32 v13, v14;
	[tilespmem:$0x1FAC0] =	vst v55;
	v55 =	vld.idx.msk [tilespmem:v10+s18+$0x0], $0xffff;
	v10 =	vor.u32 $0x19, v8  }
0x456: {  	v45 =	vld [tilespmem:$0x1FA70]  }
0x457: {  	v40 =	vor.u32 $0x10, v7;
	v13 =	vadd.f32 v13, v0;
	v20 =	vmul.f32 v23, v20  }
0x458: {  	[tilespmem:$0x1FB10] =	vst v62;
	v62 =	vld.idx.msk [tilespmem:v5+s18+$0x0], $0xffff;
	v5 =	vor.u32 $0x20, v8  }
0x459: {  	v60 =	vor.u32 $0x18, v8;
	v13 =	vadd.f32 v20, v13;
	v20 =	vmul.f32 v27, v24;
	v27 =	vld [tilespmem:$0x1FA60]  }
0x45a: {  	v33 =	vld.idx.msk [tilespmem:v10+s16+$0x0], $0xffff;
	v10 =	vor.u32 $0x1B, v7;
	v15 =	vmul.f32 v19, v44;
	v19 =	vadd.f32 $0.0e+00, v6  }
0x45b: {  	v1 =	vadd.f32 v20, v1;
	v20 =	vmul.f32 v46, v45;
	v46 =	vld [tilespmem:$0x1FA80]  }
0x45c: {  	v49 =	vld.idx.msk [tilespmem:v40+s18+$0x0], $0xffff;
	v19 =	vadd.f32 v15, v19  }
0x45d: {  	v40 =	vld.idx.msk [tilespmem:v5+s16+$0x0], $0xffff;
	v5 =	vor.u32 $0x22, v7  }
0x45e: {  	v32 =	vld.idx.msk [tilespmem:v60+s16+$0x0], $0xffff;
	v19 =	vadd.f32 v22, v19;
	v22 =	vmul.f32 v28, v27  }
0x45f: {  	v60 =	vld.idx.msk [tilespmem:v10+s18+$0x0], $0xffff;
	v10 =	vor.u32 $0x1E, v8  }
0x460: {  	v16 =	vadd.f32 v22, v16;
	v22 =	vmul.f32 v47, v46;
	v47 =	vld [tilespmem:$0x1FA90]  }
0x461: {  	v18 =	vor.u32 $0x24, v7  }
0x462: {  	[tilespmem:$0x1FAA0] =	vst v42;
	v42 =	vld.idx.msk [tilespmem:v5+s18+$0x0], $0xffff;
	v5 =	vor.u32 $0x24, v8  }
0x463: {  	v29 =	vor.u32 $0x25, v8  }
0x464: {  	v38 =	vld.idx.msk [tilespmem:v10+s16+$0x0], $0xffff;
	v10 =	vor.u32 $0x20, v7  }
0x465: {  	v13 =	vadd.f32 v20, v13;
	v20 =	vmul.f32 v48, v47;
	v48 =	vld [tilespmem:$0x1FAA0]  }
0x466: {  	v3 =	vor.u32 $0x26, v8;
	v18 =	vld.idx.msk [tilespmem:v18+s18+$0x0], $0xffff  }
0x467: {  	v26 =	vld.idx.msk [tilespmem:v5+s16+$0x0], $0xffff;
	v5 =	vor.u32 $0x26, v7  }
0x468: {  	v9 =	vor.u32 $0x27, v7;
	v29 =	vld.idx.msk [tilespmem:v29+s16+$0x0], $0xffff  }
0x469: {  	v31 =	vld.idx.msk [tilespmem:v10+s18+$0x0], $0xffff;
	v10 =	vor.u32 $0x28, v8  }
0x46a: {  	v19 =	vadd.f32 v22, v19;
	v22 =	vmul.f32 v49, v48;
	v49 =	vld [tilespmem:$0x1FAB0]  }
0x46b: {  	v14 =	vor.u32 $0x29, v8;
	v21 =	vld.idx.msk [tilespmem:v3+s16+$0x0], $0xffff  }
0x46c: {  	v2 =	vor.u32 $0x29, v7;
	v12 =	vld.idx.msk [tilespmem:v5+s18+$0x0], $0xffff  }
0x46d: {  	v3 =	vor.u32 $0x28, v7;
	v5 =	vld.idx.msk [tilespmem:v9+s18+$0x0], $0xffff  }
0x46e: {  	v0 =	vld.idx.msk [tilespmem:v10+s16+$0x0], $0xffff;
	v4 =	vor.u32 $0x2A, v8  }
0x46f: {  	v1 =	vadd.f32 v20, v1;
	v20 =	vmul.f32 v50, v49;
	v50 =	vld [tilespmem:$0x1FAC0]  }
0x470: {  	v10 =	vor.u32 $0x2A, v7;
	v9 =	vld.idx.msk [tilespmem:v14+s16+$0x0], $0xffff  }
0x471: {  	v14 =	vld.idx.msk [tilespmem:v2+s18+$0x0], $0xffff;
	v2 =	vor.u32 $0x2C, v8  }
0x472: {  	v6 =	vld.idx.msk [tilespmem:v3+s18+$0x0], $0xffff;
	v3 =	vor.u32 $0x2B, v8  }
0x473: {  	v15 =	vld.idx.msk [tilespmem:v4+s16+$0x0], $0xffff;
	v4 =	vor.u32 $0x2C, v7  }
0x474: {  	v16 =	vadd.f32 v22, v16;
	v22 =	vmul.f32 v51, v50;
	v51 =	vld [tilespmem:$0x1FAD0]  }
0x475: {  	v10 =	vld.idx.msk [tilespmem:v10+s18+$0x0], $0xffff;
	v23 =	vor.u32 $0x2D, v8  }
0x476: {  	v44 =	vor.u32 $0x2B, v7;
	v2 =	vld.idx.msk [tilespmem:v2+s16+$0x0], $0xffff  }
0x477: {  	v3 =	vld.idx.msk [tilespmem:v3+s16+$0x0], $0xffff;
	v24 =	vor.u32 $0x2D, v7  }
0x478: {  	v4 =	vld.idx.msk [tilespmem:v4+s18+$0x0], $0xffff;
	v45 =	vor.u32 $0x2F, v8  }
0x479: {  	v13 =	vadd.f32 v20, v13;
	v20 =	vmul.f32 v52, v51;
	v52 =	vld [tilespmem:$0x1FAE0]  }
0x47a: {  	v23 =	vld.idx.msk [tilespmem:v23+s16+$0x0], $0xffff;
	v28 =	vor.u32 $0x2E, v8  }
0x47b: {  	v27 =	vld.idx.msk [tilespmem:v44+s18+$0x0], $0xffff;
	v44 =	vor.u32 $0x2E, v7  }
0x47c: {  	v24 =	vld.idx.msk [tilespmem:v24+s18+$0x0], $0xffff;
	v46 =	vor.u32 $0x2F, v7  }
0x47d: {  	v45 =	vld.idx.msk [tilespmem:v45+s16+$0x0], $0xffff;
	v47 =	vor.u32 $0x30, v8  }
0x47e: {  	v19 =	vadd.f32 v22, v19;
	v22 =	vmul.f32 v53, v52;
	v53 =	vld [tilespmem:$0x1FAF0]  }
0x47f: {  	v28 =	vld.idx.msk [tilespmem:v28+s16+$0x0], $0xffff;
	v51 =	vor.u32 $0x32, v8  }
0x480: {  	v44 =	vld.idx.msk [tilespmem:v44+s18+$0x0], $0xffff;
	v48 =	vor.u32 $0x30, v7  }
0x481: {  	v46 =	vld.idx.msk [tilespmem:v46+s18+$0x0], $0xffff;
	v49 =	vor.u32 $0x31, v8  }
0x482: {  	v47 =	vld.idx.msk [tilespmem:v47+s16+$0x0], $0xffff;
	v50 =	vor.u32 $0x31, v7  }
0x483: {  	v1 =	vadd.f32 v20, v1;
	v52 =	vor.u32 $0x32, v7;
	v20 =	vmul.f32 v54, v53;
	v54 =	vld [tilespmem:$0x1FB00]  }
0x484: {  	v58 =	vmul.f32 v58, v33;
	v33 =	vld.idx.msk [tilespmem:v51+s16+$0x0], $0xffff;
	v51 =	vor.u32 $0x34, v7  }
0x485: {  	v57 =	vmul.f32 v57, v32;
	v48 =	vld.idx.msk [tilespmem:v48+s18+$0x0], $0xffff;
	v16 =	vadd.f32 v22, v16  }
0x486: {  	v59 =	vmul.f32 v59, v34;
	v49 =	vld.idx.msk [tilespmem:v49+s16+$0x0], $0xffff;
	v53 =	vor.u32 $0x33, v8  }
0x487: {  	v32 =	vld.idx.msk [tilespmem:v50+s18+$0x0], $0xffff;
	v50 =	vor.u32 $0x34, v8;
	v16 =	vadd.f32 v57, v16;
	v13 =	vadd.f32 v20, v13  }
0x488: {  	v57 =	vmul.f32 v61, v36;
	v34 =	vld.idx.msk [tilespmem:v52+s18+$0x0], $0xffff;
	v52 =	vor.u32 $0x35, v8;
	v22 =	vmul.f32 v55, v54  }
0x489: {  	v61 =	vmul.f32 v63, v38;
	v38 =	vld.idx.msk [tilespmem:v51+s18+$0x0], $0xffff;
	v13 =	vadd.f32 v58, v13;
	v58 =	vor.u32 $0x36, v8  }
0x48a: {  	v55 =	vld [tilespmem:$0x1FB10];
	v54 =	vor.u32 $0x33, v7;
	v19 =	vadd.f32 v22, v19  }
0x48b: {  	v60 =	vmul.f32 v60, v35;
	v35 =	vld.idx.msk [tilespmem:v53+s16+$0x0], $0xffff;
	v53 =	vor.u32 $0x35, v7  }
0x48c: {  	v19 =	vadd.f32 v59, v19;
	v59 =	vmul.f32 v62, v37;
	v37 =	vld.idx.msk [tilespmem:v50+s16+$0x0], $0xffff  }
0x48d: {  	v62 =	vmul.f32 v30, v39;
	v30 =	vld.idx.msk [tilespmem:v52+s16+$0x0], $0xffff  }
0x48e: {  	v16 =	vadd.f32 v57, v16;
	v57 =	vmul.f32 v25, v41;
	v41 =	vor.u32 $0x3B, v8;
	v25 =	vld.idx.msk [tilespmem:v58+s16+$0x0], $0xffff  }
0x48f: {  	v17 =	vmul.f32 v17, v29;
	v58 =	vor.u32 $0x38, v7;
	v36 =	vld.idx.msk [tilespmem:v54+s18+$0x0], $0xffff  }
0x490: {  	v39 =	vor.u32 $0x3A, v7;
	v20 =	vmul.f32 v56, v55;
	v55 =	vmul.f32 v31, v40;
	v31 =	vld.idx.msk [tilespmem:v53+s18+$0x0], $0xffff  }
0x491: {  	v18 =	vmul.f32 v18, v26;
	v50 =	vor.u32 $0x3B, v7;
	v13 =	vadd.f32 v59, v13;
	v59 =	vld [tilespmem:$0x1FB20]  }
0x492: {  	v12 =	vmul.f32 v12, v21;
	v51 =	vor.u32 $0x37, v8;
	v19 =	vadd.f32 v61, v19;
	v61 =	vld [tilespmem:$0x1FB30]  }
0x493: {  	v54 =	vor.u32 $0x3D, v8;
	v1 =	vadd.f32 v20, v1;
	v16 =	vadd.f32 v55, v16;
	v55 =	vld.idx.msk [tilespmem:v41+s16+$0x0], $0xffff  }
0x494: {  	v5 =	vmul.f32 v5, v11;
	v0 =	vmul.f32 v6, v0;
	v63 =	vor.u32 $0x37, v7;
	v40 =	vld.idx.msk [tilespmem:v58+s18+$0x0], $0xffff  }
0x495: {  	v10 =	vmul.f32 v10, v15;
	v1 =	vadd.f32 v60, v1;
	v60 =	vor.u32 $0x36, v7;
	v53 =	vld.idx.msk [tilespmem:v39+s18+$0x0], $0xffff  }
0x496: {  	v2 =	vmul.f32 v4, v2;
	v56 =	vor.u32 $0x38, v8;
	v16 =	vadd.f32 v18, v16;
	v4 =	vld.idx.msk [tilespmem:v50+s18+$0x0], $0xffff  }
0x497: {  	v52 =	vor.u32 $0x3C, v7;
	v22 =	vmul.f32 v42, v59;
	v20 =	vmul.f32 v43, v61;
	v43 =	vld.idx.msk [tilespmem:v51+s16+$0x0], $0xffff  }
0x498: {  	v1 =	vadd.f32 v62, v1;
	v62 =	vor.u32 $0x39, v7;
	v0 =	vadd.f32 v0, v16;
	v16 =	vld.idx.msk [tilespmem:v54+s16+$0x0], $0xffff  }
0x499: {  	v13 =	vadd.f32 v57, v13;
	v51 =	vor.u32 $0x3C, v8;
	v19 =	vadd.f32 v22, v19;
	v22 =	vld.idx.msk [tilespmem:v63+s18+$0x0], $0xffff  }
0x49a: {  	v3 =	vmul.f32 v27, v3;
	v1 =	vadd.f32 v20, v1;
	v42 =	vld.idx.msk [tilespmem:v60+s18+$0x0], $0xffff;
	v60 =	vor.u32 $0x39, v8  }
0x49b: {  	v57 =	vor.u32 $0x3E, v8;
	v58 =	vmul.f32 v24, v23;
	v13 =	vadd.f32 v17, v13;
	v20 =	vld.idx.msk [tilespmem:v56+s16+$0x0], $0xffff  }
0x49c: {  	v63 =	vor.u32 $0x3A, v8;
	v1 =	vadd.f32 v5, v1;
	v5 =	vmul.f32 v14, v9;
	v14 =	vld.idx.msk [tilespmem:v52+s18+$0x0], $0xffff  }
0x49d: {  	v61 =	vmul.f32 v44, v28;
	v56 =	vor.u32 $0x3D, v7;
	v12 =	vadd.f32 v12, v19;
	v6 =	vld.idx.msk [tilespmem:v62+s18+$0x0], $0xffff  }
0x49e: {  	v0 =	vadd.f32 v2, v0;
	v8 =	vor.u32 $0x3F, v8;
	v59 =	vld.idx.msk [tilespmem:v51+s16+$0x0], $0xffff;
	v5 =	vadd.f32 v5, v13  }
0x49f: {  	v10 =	vadd.f32 v10, v12;
	v1 =	vadd.f32 v3, v1;
	v11 =	vld.idx.msk [tilespmem:v60+s16+$0x0], $0xffff;
	v60 =	vor.u32 $0x3E, v7  }
0x4a0: {  	v12 =	vld.idx.msk [tilespmem:v57+s16+$0x0], $0xffff;
	v3 =	vadd.f32 v58, v5;
	v5 =	vmul.f32 v46, v45;
	v7 =	vor.u32 $0x3F, v7  }
0x4a1: {  	v62 =	vmul.f32 v32, v49;
	v9 =	vld.idx.msk [tilespmem:v63+s16+$0x0], $0xffff;
	v2 =	vadd.f32 v61, v10;
	v10 =	vmul.f32 v48, v47  }
0x4a2: {  	v21 =	vld.idx.msk [tilespmem:v56+s18+$0x0], $0xffff;
	v63 =	vmul.f32 v36, v35;
	v1 =	vadd.f32 v5, v1;
	v5 =	vmul.f32 v34, v33  }
0x4a3: {  	v22 =	vmul.f32 v22, v43;
	v8 =	vld.idx.msk [tilespmem:v8+s16+$0x0], $0xffff;
	v0 =	vadd.f32 v10, v0;
	v10 =	vmul.f32 v38, v37  }
0x4a4: {  	v3 =	vadd.f32 v62, v3;
	v2 =	vadd.f32 v5, v2;
	v5 =	vmul.f32 v31, v30;
	v19 =	vld.idx.msk [tilespmem:v60+s18+$0x0], $0xffff  }
0x4a5: {  	v1 =	vadd.f32 v63, v1;
	v0 =	vadd.f32 v10, v0;
	v10 =	vmul.f32 v42, v25;
	v7 =	vld.idx.msk [tilespmem:v7+s18+$0x0], $0xffff  }
0x4a6: {  	v6 =	vmul.f32 v6, v11;
	v3 =	vadd.f32 v5, v3;
	v5 =	vmul.f32 v40, v20  }
0x4a7: {  	v9 =	vmul.f32 v53, v9;
	v2 =	vadd.f32 v10, v2;
	v1 =	vadd.f32 v22, v1  }
0x4a8: {  	v4 =	vmul.f32 v4, v55;
	v0 =	vadd.f32 v5, v0;
	v3 =	vadd.f32 v6, v3  }
0x4a9: {  	v2 =	vadd.f32 v9, v2;
	v5 =	vmul.f32 v14, v59;
	v6 =	vmul.f32 v21, v16  }
0x4aa: {  	v1 =	vadd.f32 v4, v1;
	v4 =	vmul.f32 v19, v12;
	v7 =	vmul.f32 v7, v8  }
0x4ab: {  	v0 =	vadd.f32 v5, v0;
	v3 =	vadd.f32 v6, v3  }
0x4ac: {  	v2 =	vadd.f32 v4, v2;
	v1 =	vadd.f32 v7, v1  }
0x4ad: {  	p1 =	sne.s32 s25, $0xF0  }
.Ltmp12:
0x4ae: {  	v0 =	vadd.f32 v3, v0;
	v1 =	vadd.f32 v1, v2;
	(pc) =	sbr.rel @p1 .LBB2_19-.Ltmp12, $4  }
0x4af: {  	_ = 	snop  }
0x4b0: {  	v11 =	vld [tilespmem:$0x1FFF0];
	v0 =	vadd.f32 v1, v0  }
0x4b1: {  	s31 =	rddreg [dreg:$0x18];
	vm10 =	vmmov vm12;
	v9 =	vld [tilespmem:$0x1FFE0]  }
0x4b2: {  	s25 =	sadd.s32 $0x10, s25;
	s0 =	sadd.s32 $0x10, s31;
	vm9 =	vmmov vm11;
	v10 =	vimm.s32 $0x0;
	v8 =	vld [tilespmem:$0x1FFD0];
	v6 =	vimm.s32 $0x200;
	[tilespmem:s31+$0x0] =	vst v0  }
0x4b3: {  	s0 =	rddreg [dreg:$0x4]  }
0x4b4: {  	s1 =	rddreg [dreg:$0x12]  }
0x4b5: {  	s0 =	sadd.s32 s0, s1  }
0x4b6: {  	s26 =	rddreg [dreg:$0x6];
	s28 =	simm.s32 $0x0;
	s0 =	sshrl.u32 s0, $0x3  }
0x4b7: {  	s2 =	simm.s32 $0x1EC00;
	s29 =	simm.s32 $0x8;
	s0 =	sadd.s32 s26, s0  }
0x4b8: {  	[hbm4b:s0+s28] =	stream.linear.scatter [tilespmem:s2], [sflag:$0x8], $0x100, $0x38;
	[tilespmem:$0x1ED00] =	vst v63  }
0x4b9: {  	_ =	swait.ge [sflag:s29], $0x100  }
0x4ba: {  	[sflag:s29] =	ssyncset.done $0x0  }
0x4bb: {  	s30 =	simm.s32 $0x5;
	[sflag:s29] =	ssyncadd.s32 $0xFFFFFF00  }
0x4bc: {  	s1 =	simm.s32 @!p0 $0x80;
	_ =	swait.ge [sflag:s30], $0x4000  }
0x4bd: {  	s2 =	simm.s32 @!p0 $0x16C00;
	[sflag:s30] =	ssyncset.done $0x0;
	s4 =	rddreg [dreg:$0x11]  }
0x4be: {  	s3 =	rddreg [dreg:$0x5];
	[sflag:s30] =	ssyncadd.s32 $0xFFFFC000;
	s0 =	sadd.s32 @!p0 $0xA00, s4  }
0x4bf: {  	[tilespmem:s2], [sflag:$0x4] =	stream.indirect.gather @!p0 [hbm4b:s3+s1], $0x40, s0, s1, $0xb8;
	[tilespmem:$0x1ED00] =	vst v63  }
0x4c0: {  	v0 =	vlaneseq.u32;
	s31 =	sadd.s32 $0x400, s4;
	s0 =	sadd.s32 @!p0 $0xA80, s4;
	s2 =	simm.s32 @!p0 $0x18C00  }
0x4c1: {  	v0 =	vor.u32 s31, v0;
	[tilespmem:s2], [sflag:$0x4] =	stream.indirect.gather @!p0 [hbm4b:s3+s1], $0x40, s0, s1, $0xb8;
	[tilespmem:$0x1ED00] =	vst v63  }
0x4c2: {  	s7 =	simm.s32 $0x0;
	s8 =	simm.s32 $0x1AC00;
	[tilespmem:$0x1F9C0] =	vst v0;
	s0 =	simm.s32 $0x1EC00  }
.LBB2_21:
0x4c3: {  	v0 =	vld [tilespmem:$0x1F9C0];
	_ =	sdelay $0x4  }
0x4c4: {  	v7 =	vor.u32 s7, v0  }
0x4c5: {  	v0 =	vadd.s32 $0xFFFFFE00, v7  }
0x4c6: {  	(v2sf) =	vpush v0, $0xD;
	_ =	sdelay $0x1  }
0x4c7: {  	(v2sf) =	vpush v0, $0xC;
	_ =	sdelay $0x1  }
0x4c8: {  	(v2sf) =	vpush v0, $0xE;
	_ =	sdelay $0x1  }
0x4c9: {  	(v2sf) =	vpush v0, $0xF;
	_ =	sdelay $0x1  }
0x4ca: {  	(v2sf) =	vpush v0, $0x9;
	_ =	sdelay $0x1  }
0x4cb: {  	(v2sf) =	vpush v0, $0x8;
	_ =	sdelay $0x1  }
0x4cc: {  	(v2sf) =	vpush v0, $0xA;
	_ =	sdelay $0x1  }
0x4cd: {  	(v2sf) =	vpush v0, $0xB  }
0x4ce: {  	s11 =	spop (v2sf)  }
0x4cf: {  	[dreg:$0x19] =	wrdreg s0;
	(v2sf) =	vpush v0, $0x0;
	s1 =	smulhi.u32 $0x66666667, s11;
	s0 =	sshra.s32 s11, $0x1F  }
0x4d0: {  	s2 =	spop (v2sf);
	s0 =	smul.u32 $0x66666667, s0  }
0x4d1: {  	(v2sf) =	vpush v0, $0x1;
	s3 =	smulhi.u32 $0x66666667, s2;
	s2 =	sshra.s32 s2, $0x1F  }
0x4d2: {  	(v2sf) =	vpush v0, $0x2;
	s4 =	spop (v2sf);
	s2 =	smul.u32 $0x66666667, s2  }
0x4d3: {  	s6 =	smulhi.u32 $0x66666667, s4;
	s4 =	sshra.s32 s4, $0x1F  }
0x4d4: {  	(v2sf) =	vpush v0, $0x3;
	s5 =	spop (v2sf);
	s4 =	smul.u32 $0x66666667, s4  }
0x4d5: {  	(v2sf) =	vpush v0, $0x4;
	s11 =	smulhi.u32 $0x66666667, s5;
	s5 =	sshra.s32 s5, $0x1F  }
0x4d6: {  	(v2sf) =	vpush v0, $0x5;
	s9 =	spop (v2sf);
	s5 =	smul.u32 $0x66666667, s5  }
0x4d7: {  	(v2sf) =	vpush v0, $0x6;
	s13 =	smulhi.u32 $0x66666667, s9;
	s9 =	sshra.s32 s9, $0x1F  }
0x4d8: {  	(v2sf) =	vpush v0, $0x7;
	s10 =	spop (v2sf);
	s9 =	smul.u32 $0x66666667, s9  }
0x4d9: {  	s17 =	smulhi.u32 $0x66666667, s10;
	s10 =	sshra.s32 s10, $0x1F  }
0x4da: {  	s12 =	spop (v2sf);
	s20 =	smul.u32 $0x66666667, s10  }
0x4db: {  	s24 =	smulhi.u32 $0x66666667, s12;
	s12 =	sshra.s32 s12, $0x1F  }
0x4dc: {  	s25 =	sadd.s32 s2, s3;
	s14 =	spop (v2sf);
	s29 =	smul.u32 $0x66666667, s12  }
0x4dd: {  	s10 =	sadd.s32 s0, s1;
	s31 =	smulhi.u32 $0x66666667, s14;
	s14 =	sshra.s32 s14, $0x1F  }
0x4de: {  	s15 =	spop (v2sf);
	s3 =	sshrl.u32 s10, $0x1F;
	s0 =	smul.u32 $0x66666667, s14  }
0x4df: {  	s12 =	sadd.s32 s4, s6;
	s1 =	smulhi.u32 $0x66666667, s15;
	s22 =	sshra.s32 s15, $0x1F  }
0x4e0: {  	s16 =	spop (v2sf);
	s14 =	sshrl.u32 s25, $0x1F;
	s2 =	smul.u32 $0x66666667, s22  }
0x4e1: {  	s15 =	sshrl.u32 s12, $0x1F;
	s19 =	spop (v2sf);
	s4 =	smulhi.u32 $0x66666667, s16  }
0x4e2: {  	s23 =	sshra.s32 s16, $0x1F;
	s16 =	sadd.s32 s5, s11;
	s22 =	sadd.s32 s9, s13  }
0x4e3: {  	s11 =	sadd.s32 s29, s24;
	s21 =	spop (v2sf);
	s5 =	smul.u32 $0x66666667, s23  }
0x4e4: {  	s6 =	smulhi.u32 $0x66666667, s19;
	s19 =	sshra.s32 s19, $0x1F;
	s28 =	spop (v2sf)  }
0x4e5: {  	s23 =	sadd.s32 s20, s17;
	s17 =	smul.u32 $0x66666667, s19;
	s30 =	spop (v2sf)  }
0x4e6: {  	s19 =	smulhi.u32 $0x66666667, s21;
	s21 =	sshra.s32 s21, $0x1F;
	s26 =	spop (v2sf)  }
0x4e7: {  	s9 =	sadd.s32 s0, s31;
	s0 =	smul.u32 $0x66666667, s21;
	s24 =	spop (v2sf)  }
0x4e8: {  	v1 =	vmov s14;
	s1 =	sadd.s32 s2, s1;
	s2 =	smulhi.u32 $0x66666667, s24;
	s20 =	sshra.s32 s24, $0x1F  }
0x4e9: {  	s13 =	sshrl.u32 s16, $0x1F;
	v1 =	vsel vm0, s3, v1;
	s4 =	sadd.s32 s5, s4;
	s5 =	smul.u32 $0x66666667, s20  }
0x4ea: {  	v1 =	vsel vm1, s15, v1;
	s21 =	sshrl.u32 s22, $0x1F;
	s29 =	smulhi.u32 $0x66666667, s28;
	s31 =	sshra.s32 s28, $0x1F  }
0x4eb: {  	v1 =	vsel vm2, s13, v1;
	s13 =	sshra.s32 s23, $0x3;
	s28 =	smul.u32 $0x66666667, s31;
	s20 =	sadd.s32 s5, s2  }
0x4ec: {  	s6 =	sadd.s32 s17, s6;
	s0 =	sadd.s32 s0, s19;
	s5 =	sshra.s32 s20, $0x1F  }
0x4ed: {  	s19 =	sshrl.u32 s9, $0x1F;
	s17 =	sadd.s32 s28, s29;
	s28 =	sshra.s32 s1, $0x3;
	v17 =	vmov s5  }
0x4ee: {  	s29 =	sshrl.u32 s1, $0x1F;
	s1 =	sshra.s32 s1, $0x1F;
	s3 =	smulhi.u32 $0x66666667, s30;
	v0 =	vsel vm3, s28, v17  }
0x4ef: {  	v4 =	vmov s13;
	s31 =	sshra.s32 s30, $0x1F;
	s24 =	sshrl.u32 s23, $0x1F;
	s28 =	sshra.s32 s4, $0x3;
	v0 =	vsel vm9, s1, v0  }
0x4f0: {  	v2 =	vmov s29;
	s29 =	sshrl.u32 s6, $0x1F;
	v3 =	vmov s24;
	s5 =	sshrl.u32 s4, $0x1F;
	s4 =	sshra.s32 s4, $0x1F;
	v0 =	vsel vm0, s28, v0  }
0x4f1: {  	s14 =	smul.u32 $0x66666667, s31;
	s30 =	sshra.s32 s26, $0x1F;
	s31 =	sshra.s32 s6, $0x3;
	v2 =	vnsel vm3, $0x0, v2;
	v3 =	vsel vm0, s21, v3;
	v0 =	vsel vm10, s4, v0  }
0x4f2: {  	s6 =	sshra.s32 s6, $0x1F;
	s24 =	smul.u32 $0x66666667, s30;
	s2 =	sshrl.u32 s11, $0x1F;
	v2 =	vsel vm0, s5, v2;
	vm9 =	vcmask $0x1714;
	v0 =	vsel vm1, s31, v0  }
0x4f3: {  	s15 =	sshrl.u32 s0, $0x1F;
	v3 =	vsel vm1, s2, v3;
	s5 =	smulhi.u32 $0x66666667, s26;
	v2 =	vsel vm1, s29, v2;
	s29 =	sshra.s32 s0, $0x3;
	v0 =	vsel vm9, s6, v0  }
0x4f4: {  	s26 =	sadd.s32 s14, s3;
	s0 =	sshra.s32 s0, $0x1F;
	v2 =	vsel vm2, s15, v2;
	s28 =	sshrl.u32 s17, $0x1F;
	vm9 =	vcmask $0x1F1C;
	v0 =	vsel vm2, s29, v0  }
0x4f5: {  	v3 =	vsel vm2, s19, v3;
	s30 =	sshrl.u32 s26, $0x1F;
	v2 =	vsel vm4, s28, v2;
	s31 =	sadd.s32 s24, s5;
	s5 =	sshra.s32 s17, $0x3;
	v0 =	vsel vm9, s0, v0  }
0x4f6: {  	v1 =	vcombine.low v3, v1;
	s14 =	sshra.s32 s17, $0x1F;
	v2 =	vsel vm5, s30, v2;
	s17 =	sshra.s32 s22, $0x3;
	s6 =	sshra.s32 s25, $0x3;
	v0 =	vsel vm4, s5, v0  }
0x4f7: {  	s19 =	sshra.s32 s26, $0x3;
	s15 =	sshra.s32 s10, $0x3;
	s4 =	sshrl.u32 s31, $0x1F;
	v4 =	vsel vm0, s17, v4;
	v18 =	vmov s6;
	v0 =	vsel vm15, s14, v0  }
0x4f8: {  	s21 =	sshra.s32 s12, $0x3;
	s23 =	sshra.s32 s26, $0x1F;
	s22 =	sshra.s32 s11, $0x3;
	v2 =	vsel vm6, s4, v2;
	v3 =	vsel vm0, s15, v18;
	v0 =	vsel vm5, s19, v0  }
0x4f9: {  	s24 =	sshra.s32 s16, $0x3;
	s25 =	sshra.s32 s9, $0x3;
	s26 =	sshra.s32 s31, $0x3;
	v4 =	vsel vm1, s22, v4;
	v3 =	vsel vm1, s21, v3;
	v0 =	vsel vm13, s23, v0  }
0x4fa: {  	s28 =	sshrl.u32 s20, $0x1F;
	s29 =	sshra.s32 s31, $0x1F;
	v4 =	vsel vm2, s25, v4;
	v3 =	vsel vm2, s24, v3;
	v0 =	vsel vm6, s26, v0  }
0x4fb: {  	s30 =	sshra.s32 s20, $0x3;
	v2 =	vsel vm7, s28, v2;
	v3 =	vcombine.low v4, v3;
	v0 =	vsel vm14, s29, v0  }
0x4fc: {  	v1 =	vperm.xlane v1, v8;
	v2 =	vperm.xlane v2, v9;
	v0 =	vsel vm7, s30, v0  }
0x4fd: {  	v3 =	vperm.xlane v3, v8;
	v0 =	vperm.xlane v0, v9;
	_ =	sdelay $0x1  }
0x4fe: {  	v1 =	vsel vm8, v2, v1;
	v0 =	vsel vm8, v0, v3  }
0x4ff: {  	v0 =	vadd.s32 v1, v0  }
0x500: {  	v1 =	vmul.u32 $0xFFFFFFEC, v0  }
0x501: {  	v20 =	vmov s7;
	v19 =	vsub.s32 $0x200, v7  }
0x502: {  	vm10 =	vne.s32 v1, v19;
	v1 =	vshll.u32 v20, $0x6  }
0x503: {  	vm9 =	vlt.u32 v7, $0x201;
	v8 =	vor.u32 v11, v1  }
0x504: {  	vm9 =	vmand vm9, vm10;
	v4 =	vor.u32 $0x3, v8  }
0x505: {  	v21 =	vsel vm9, $0xFFFFFFFF, v10  }
0x506: {  	vm9 =	vgt.u32 v6, v7;
	v0 =	vadd.s32 v21, v0  }
0x507: {  	v0 =	vsel vm9, v7, v0  }
0x508: {  	v7 =	vshll.u32 v0, $0x6  }
0x509: {  	v30 =	vld.idx.msk [tilespmem:v4+s8+$0x0], $0xffff;
	v4 =	vor.u32 $0x5, v7;
	_ =	sdelay $0x4  }
0x50a: {  	v13 =	vld.idx.msk [tilespmem:v4+s18+$0x0], $0xffff;
	v4 =	vor.u32 $0x8, v8;
	_ =	sdelay $0x2  }
0x50b: {  	v24 =	vor.u32 $0x2, v8  }
0x50c: {  	v10 =	vor.u32 $0x7, v7  }
0x50d: {  	v31 =	vld.idx.msk [tilespmem:v4+s8+$0x0], $0xffff;
	v4 =	vor.u32 $0xA, v7;
	_ =	sdelay $0x2  }
0x50e: {  	v25 =	vor.u32 $0x2, v7;
	v2 =	vld.idx.msk [tilespmem:v24+s8+$0x0], $0xffff  }
0x50f: {  	v20 =	vld.idx.msk [tilespmem:v10+s18+$0x0], $0xffff;
	v10 =	vor.u32 $0xA, v8  }
0x510: {  	v24 =	vld.idx.msk [tilespmem:v4+s18+$0x0], $0xffff;
	v4 =	vor.u32 $0xD, v8  }
0x511: {  	v22 =	vor.u32 $0x1, v8  }
0x512: {  	v5 =	vor.u32 $0x4, v7  }
0x513: {  	v11 =	vor.u32 $0x8, v7;
	v28 =	vld.idx.msk [tilespmem:v25+s18+$0x0], $0xffff  }
0x514: {  	v34 =	vld.idx.msk [tilespmem:v10+s8+$0x0], $0xffff;
	v10 =	vor.u32 $0xC, v7  }
0x515: {  	v38 =	vld.idx.msk [tilespmem:v4+s8+$0x0], $0xffff;
	v4 =	vor.u32 $0xF, v7  }
0x516: {  	v0 =	vld.idx.msk [tilespmem:v22+s8+$0x0], $0xffff  }
0x517: {  	v15 =	vld.idx.msk [tilespmem:v5+s18+$0x0], $0xffff;
	v5 =	vor.u32 $0x7, v8  }
0x518: {  	v22 =	vld.idx.msk [tilespmem:v11+s18+$0x0], $0xffff;
	v11 =	vor.u32 $0xB, v8  }
0x519: {  	[tilespmem:$0x1F870] =	vst v28;
	v28 =	vld.idx.msk [tilespmem:v10+s18+$0x0], $0xffff;
	v10 =	vor.u32 $0xF, v8  }
0x51a: {  	v48 =	vld.idx.msk [tilespmem:v4+s18+$0x0], $0xffff;
	v4 =	vor.u32 $0x12, v8  }
0x51b: {  	v23 =	vor.u32 $0x1, v7  }
0x51c: {  	v45 =	vld.idx.msk [tilespmem:v5+s8+$0x0], $0xffff;
	v5 =	vor.u32 $0x9, v7  }
0x51d: {  	v35 =	vld.idx.msk [tilespmem:v11+s8+$0x0], $0xffff;
	v11 =	vor.u32 $0xD, v7  }
0x51e: {  	v41 =	vld.idx.msk [tilespmem:v10+s8+$0x0], $0xffff;
	v10 =	vor.u32 $0x11, v7  }
0x51f: {  	v55 =	vld.idx.msk [tilespmem:v4+s8+$0x0], $0xffff;
	v4 =	vor.u32 $0x14, v7  }
0x520: {  	v21 =	vld.idx.msk [tilespmem:v23+s18+$0x0], $0xffff  }
0x521: {  	v23 =	vld.idx.msk [tilespmem:v5+s18+$0x0], $0xffff;
	v5 =	vor.u32 $0xC, v8  }
0x522: {  	v46 =	vld.idx.msk [tilespmem:v11+s18+$0x0], $0xffff;
	v11 =	vor.u32 $0x10, v8  }
0x523: {  	v50 =	vld.idx.msk [tilespmem:v10+s18+$0x0], $0xffff;
	v10 =	vor.u32 $0x14, v8  }
0x524: {  	v53 =	vld.idx.msk [tilespmem:v4+s18+$0x0], $0xffff;
	v4 =	vor.u32 $0x17, v8;
	_ =	sdelay $0x1  }
0x525: {  	v37 =	vld.idx.msk [tilespmem:v5+s8+$0x0], $0xffff;
	v5 =	vor.u32 $0xE, v7  }
0x526: {  	v42 =	vld.idx.msk [tilespmem:v11+s8+$0x0], $0xffff;
	v11 =	vor.u32 $0x12, v7  }
0x527: {  	v12 =	vor.u32 $0x9, v8;
	v58 =	vld.idx.msk [tilespmem:v10+s8+$0x0], $0xffff  }
0x528: {  	v62 =	vld.idx.msk [tilespmem:v4+s8+$0x0], $0xffff;
	v4 =	vor.u32 $0x19, v7  }
0x529: {  	v43 =	vor.u32 $0x13, v8  }
0x52a: {  	v47 =	vld.idx.msk [tilespmem:v5+s18+$0x0], $0xffff;
	v5 =	vor.u32 $0x11, v8  }
0x52b: {  	v51 =	vld.idx.msk [tilespmem:v11+s18+$0x0], $0xffff;
	v11 =	vor.u32 $0x15, v8  }
0x52c: {  	v36 =	vor.u32 $0xE, v8;
	v32 =	vld.idx.msk [tilespmem:v12+s8+$0x0], $0xffff  }
0x52d: {  	[tilespmem:$0x1F960] =	vst v58;
	v58 =	vld.idx.msk [tilespmem:v4+s18+$0x0], $0xffff;
	v4 =	vor.u32 $0x1C, v8  }
0x52e: {  	v26 =	vor.u32 $0x3, v7;
	v56 =	vld.idx.msk [tilespmem:v43+s8+$0x0], $0xffff  }
0x52f: {  	v54 =	vld.idx.msk [tilespmem:v5+s8+$0x0], $0xffff;
	v5 =	vor.u32 $0x13, v7  }
0x530: {  	v59 =	vld.idx.msk [tilespmem:v11+s8+$0x0], $0xffff;
	v11 =	vor.u32 $0x17, v7  }
0x531: {  	v63 =	vor.u32 $0x1A, v7;
	v39 =	vld.idx.msk [tilespmem:v36+s8+$0x0], $0xffff  }
0x532: {  	v36 =	vld.idx.msk [tilespmem:v4+s8+$0x0], $0xffff;
	v4 =	vor.u32 $0x1E, v7  }
0x533: {  	v1 =	vor.u32 $0x1F, v7;
	[tilespmem:$0x1F850] =	vst v0;
	v0 =	vld.idx.msk [tilespmem:v26+s18+$0x0], $0xffff  }
0x534: {  	[tilespmem:$0x1F860] =	vst v2;
	v2 =	vor.u32 $0x22, v8;
	v52 =	vld.idx.msk [tilespmem:v5+s18+$0x0], $0xffff  }
0x535: {  	[tilespmem:$0x1F950] =	vst v56;
	v5 =	vor.u32 $0x16, v8;
	v56 =	vld.idx.msk [tilespmem:v11+s18+$0x0], $0xffff  }
0x536: {  	[tilespmem:$0x1F970] =	vst v59;
	v11 =	vor.u32 $0x1A, v8;
	v59 =	vld.idx.msk [tilespmem:v63+s18+$0x0], $0xffff  }
0x537: {  	v63 =	vld.idx.msk [tilespmem:v4+s18+$0x0], $0xffff;
	v4 =	vor.u32 $0x21, v8  }
0x538: {  	v43 =	vor.u32 $0x23, v8;
	[tilespmem:$0x1F880] =	vst v30;
	v30 =	vld.idx.msk [tilespmem:v1+s18+$0x0], $0xffff  }
0x539: {  	v12 =	vld.idx.msk [tilespmem:v2+s8+$0x0], $0xffff  }
0x53a: {  	v61 =	vld.idx.msk [tilespmem:v5+s8+$0x0], $0xffff  }
0x53b: {  	[tilespmem:$0x1F8C0] =	vst v34;
	v34 =	vld.idx.msk [tilespmem:v11+s8+$0x0], $0xffff;
	v11 =	vor.u32 $0x1C, v7  }
0x53c: {  	[tilespmem:$0x1F910] =	vst v41;
	v41 =	vld.idx.msk [tilespmem:v4+s8+$0x0], $0xffff;
	v4 =	vor.u32 $0x23, v7  }
0x53d: {  	v17 =	vld.idx.msk [tilespmem:v43+s8+$0x0], $0xffff  }
0x53e: {  	v2 =	vld.idx.msk [tilespmem:v7+s18+$0x0], $0xffff  }
0x53f: {  	v6 =	vor.u32 $0x6, v8;
	[tilespmem:$0x1F9A0] =	vst v12;
	v12 =	vld [tilespmem:$0x1F850]  }
0x540: {  	v1 =	vor.u32 $0x25, v7;
	[tilespmem:$0x1F980] =	vst v61;
	v61 =	vld.idx.msk [tilespmem:v11+s18+$0x0], $0xffff  }
0x541: {  	v43 =	vld.idx.msk [tilespmem:v4+s18+$0x0], $0xffff  }
0x542: {  	v11 =	vor.u32 $0x1F, v8;
	v4 =	vld.idx.msk [tilespmem:v8+s8+$0x0], $0xffff  }
0x543: {  	[tilespmem:$0x1F890] =	vst v0;
	v0 =	vor.u32 $0x1D, v8  }
0x544: {  	v44 =	vld.idx.msk [tilespmem:v6+s8+$0x0], $0xffff  }
0x545: {  	[tilespmem:$0x1F9B0] =	vst v17;
	v17 =	vld.idx.msk [tilespmem:v1+s18+$0x0], $0xffff  }
0x546: {  	v27 =	vor.u32 $0x4, v8;
	v1 =	vld [tilespmem:$0x1F860]  }
0x547: {  	[tilespmem:$0x1F900] =	vst v39;
	v39 =	vld.idx.msk [tilespmem:v11+s8+$0x0], $0xffff;
	v11 =	vor.u32 $0x21, v7;
	v2 =	vmul.f32 v2, v4;
	v4 =	vmul.f32 v21, v12  }
0x548: {  	v6 =	vor.u32 $0x27, v8;
	[tilespmem:$0x1F8E0] =	vst v37;
	v37 =	vld.idx.msk [tilespmem:v0+s8+$0x0], $0xffff  }
0x549: {  	v0 =	vadd.f32 $0.0e+00, v4;
	v4 =	vld [tilespmem:$0x1F870];
	_ =	sdelay $0x1  }
0x54a: {  	v16 =	vld.idx.msk [tilespmem:v27+s8+$0x0], $0xffff  }
0x54b: {  	v25 =	vld.idx.msk [tilespmem:v11+s18+$0x0], $0xffff  }
0x54c: {  	v29 =	vor.u32 $0x5, v8;
	v11 =	vld.idx.msk [tilespmem:v6+s8+$0x0], $0xffff  }
0x54d: {  	v57 =	vor.u32 $0x15, v7;
	v6 =	vmul.f32 v4, v1;
	v1 =	vld [tilespmem:$0x1F880]  }
0x54e: {  	[tilespmem:$0x1F8A0] =	vst v31;
	v5 =	vor.u32 $0x18, v7;
	v4 =	vld [tilespmem:$0x1F890]  }
0x54f: {  	v20 =	vmul.f32 v20, v45;
	v45 =	vld [tilespmem:$0x1F8A0]  }
0x550: {  	v9 =	vor.u32 $0x6, v7  }
0x551: {  	v33 =	vor.u32 $0xB, v7;
	v14 =	vld.idx.msk [tilespmem:v29+s8+$0x0], $0xffff  }
0x552: {  	[tilespmem:$0x1F930] =	vst v54;
	v54 =	vld.idx.msk [tilespmem:v57+s18+$0x0], $0xffff  }
0x553: {  	v57 =	vld.idx.msk [tilespmem:v5+s18+$0x0], $0xffff;
	v5 =	vor.u32 $0x1B, v8;
	v1 =	vmul.f32 v4, v1  }
0x554: {  	v15 =	vmul.f32 v15, v16;
	v22 =	vmul.f32 v22, v45;
	v45 =	vld [tilespmem:$0x1F8C0]  }
0x555: {  	v19 =	vld.idx.msk [tilespmem:v9+s18+$0x0], $0xffff;
	v10 =	vor.u32 $0x16, v7;
	v16 =	vadd.f32 $0.0e+00, v2;
	v1 =	vadd.f32 $0.0e+00, v1  }
0x556: {  	v27 =	vld.idx.msk [tilespmem:v33+s18+$0x0], $0xffff;
	[tilespmem:$0x1F8B0] =	vst v32  }
0x557: {  	v16 =	vadd.f32 v15, v16;
	v1 =	vadd.f32 v20, v1;
	v20 =	vld [tilespmem:$0x1F8B0]  }
0x558: {  	[tilespmem:$0x1F8D0] =	vst v35;
	v35 =	vld.idx.msk [tilespmem:v5+s8+$0x0], $0xffff;
	v5 =	vor.u32 $0x1D, v7  }
0x559: {  	[tilespmem:$0x1F8F0] =	vst v38;
	v16 =	vadd.f32 v22, v16;
	v22 =	vmul.f32 v24, v45;
	v24 =	vld [tilespmem:$0x1F8D0]  }
0x55a: {  	v13 =	vmul.f32 v13, v14;
	[tilespmem:$0x1F940] =	vst v55;
	v55 =	vld.idx.msk [tilespmem:v10+s18+$0x0], $0xffff;
	v10 =	vor.u32 $0x19, v8  }
0x55b: {  	v45 =	vld [tilespmem:$0x1F8F0]  }
0x55c: {  	v40 =	vor.u32 $0x10, v7;
	v13 =	vadd.f32 v13, v0;
	v20 =	vmul.f32 v23, v20  }
0x55d: {  	[tilespmem:$0x1F990] =	vst v62;
	v62 =	vld.idx.msk [tilespmem:v5+s18+$0x0], $0xffff;
	v5 =	vor.u32 $0x20, v8  }
0x55e: {  	v60 =	vor.u32 $0x18, v8;
	v13 =	vadd.f32 v20, v13;
	v20 =	vmul.f32 v27, v24;
	v27 =	vld [tilespmem:$0x1F8E0]  }
0x55f: {  	v33 =	vld.idx.msk [tilespmem:v10+s8+$0x0], $0xffff;
	v10 =	vor.u32 $0x1B, v7;
	v15 =	vmul.f32 v19, v44;
	v19 =	vadd.f32 $0.0e+00, v6  }
0x560: {  	v1 =	vadd.f32 v20, v1;
	v20 =	vmul.f32 v46, v45;
	v46 =	vld [tilespmem:$0x1F900]  }
0x561: {  	v49 =	vld.idx.msk [tilespmem:v40+s18+$0x0], $0xffff;
	v19 =	vadd.f32 v15, v19  }
0x562: {  	v40 =	vld.idx.msk [tilespmem:v5+s8+$0x0], $0xffff;
	v5 =	vor.u32 $0x22, v7  }
0x563: {  	v32 =	vld.idx.msk [tilespmem:v60+s8+$0x0], $0xffff;
	v19 =	vadd.f32 v22, v19;
	v22 =	vmul.f32 v28, v27  }
0x564: {  	v60 =	vld.idx.msk [tilespmem:v10+s18+$0x0], $0xffff;
	v10 =	vor.u32 $0x1E, v8  }
0x565: {  	v16 =	vadd.f32 v22, v16;
	v22 =	vmul.f32 v47, v46;
	v47 =	vld [tilespmem:$0x1F910]  }
0x566: {  	v18 =	vor.u32 $0x24, v7  }
0x567: {  	[tilespmem:$0x1F920] =	vst v42;
	v42 =	vld.idx.msk [tilespmem:v5+s18+$0x0], $0xffff;
	v5 =	vor.u32 $0x24, v8  }
0x568: {  	v29 =	vor.u32 $0x25, v8  }
0x569: {  	v38 =	vld.idx.msk [tilespmem:v10+s8+$0x0], $0xffff;
	v10 =	vor.u32 $0x20, v7  }
0x56a: {  	v13 =	vadd.f32 v20, v13;
	v20 =	vmul.f32 v48, v47;
	v48 =	vld [tilespmem:$0x1F920]  }
0x56b: {  	v3 =	vor.u32 $0x26, v8;
	v18 =	vld.idx.msk [tilespmem:v18+s18+$0x0], $0xffff  }
0x56c: {  	v26 =	vld.idx.msk [tilespmem:v5+s8+$0x0], $0xffff;
	v5 =	vor.u32 $0x26, v7  }
0x56d: {  	v9 =	vor.u32 $0x27, v7;
	v29 =	vld.idx.msk [tilespmem:v29+s8+$0x0], $0xffff  }
0x56e: {  	v31 =	vld.idx.msk [tilespmem:v10+s18+$0x0], $0xffff;
	v10 =	vor.u32 $0x28, v8  }
0x56f: {  	v19 =	vadd.f32 v22, v19;
	v22 =	vmul.f32 v49, v48;
	v49 =	vld [tilespmem:$0x1F930]  }
0x570: {  	v14 =	vor.u32 $0x29, v8;
	v21 =	vld.idx.msk [tilespmem:v3+s8+$0x0], $0xffff  }
0x571: {  	v2 =	vor.u32 $0x29, v7;
	v12 =	vld.idx.msk [tilespmem:v5+s18+$0x0], $0xffff  }
0x572: {  	v3 =	vor.u32 $0x28, v7;
	v5 =	vld.idx.msk [tilespmem:v9+s18+$0x0], $0xffff  }
0x573: {  	v0 =	vld.idx.msk [tilespmem:v10+s8+$0x0], $0xffff;
	v4 =	vor.u32 $0x2A, v8  }
0x574: {  	v1 =	vadd.f32 v20, v1;
	v20 =	vmul.f32 v50, v49;
	v50 =	vld [tilespmem:$0x1F940]  }
0x575: {  	v10 =	vor.u32 $0x2A, v7;
	v9 =	vld.idx.msk [tilespmem:v14+s8+$0x0], $0xffff  }
0x576: {  	v14 =	vld.idx.msk [tilespmem:v2+s18+$0x0], $0xffff;
	v2 =	vor.u32 $0x2C, v8  }
0x577: {  	v6 =	vld.idx.msk [tilespmem:v3+s18+$0x0], $0xffff;
	v3 =	vor.u32 $0x2B, v8  }
0x578: {  	v15 =	vld.idx.msk [tilespmem:v4+s8+$0x0], $0xffff;
	v4 =	vor.u32 $0x2C, v7  }
0x579: {  	v16 =	vadd.f32 v22, v16;
	v22 =	vmul.f32 v51, v50;
	v51 =	vld [tilespmem:$0x1F950]  }
0x57a: {  	v10 =	vld.idx.msk [tilespmem:v10+s18+$0x0], $0xffff;
	v23 =	vor.u32 $0x2D, v8  }
0x57b: {  	v44 =	vor.u32 $0x2B, v7;
	v2 =	vld.idx.msk [tilespmem:v2+s8+$0x0], $0xffff  }
0x57c: {  	v3 =	vld.idx.msk [tilespmem:v3+s8+$0x0], $0xffff;
	v24 =	vor.u32 $0x2D, v7  }
0x57d: {  	v4 =	vld.idx.msk [tilespmem:v4+s18+$0x0], $0xffff;
	v45 =	vor.u32 $0x2F, v8  }
0x57e: {  	v13 =	vadd.f32 v20, v13;
	v20 =	vmul.f32 v52, v51;
	v52 =	vld [tilespmem:$0x1F960]  }
0x57f: {  	v23 =	vld.idx.msk [tilespmem:v23+s8+$0x0], $0xffff;
	v28 =	vor.u32 $0x2E, v8  }
0x580: {  	v27 =	vld.idx.msk [tilespmem:v44+s18+$0x0], $0xffff;
	v44 =	vor.u32 $0x2E, v7  }
0x581: {  	v24 =	vld.idx.msk [tilespmem:v24+s18+$0x0], $0xffff;
	v46 =	vor.u32 $0x2F, v7  }
0x582: {  	v45 =	vld.idx.msk [tilespmem:v45+s8+$0x0], $0xffff;
	v47 =	vor.u32 $0x30, v8  }
0x583: {  	v19 =	vadd.f32 v22, v19;
	v22 =	vmul.f32 v53, v52;
	v53 =	vld [tilespmem:$0x1F970]  }
0x584: {  	v28 =	vld.idx.msk [tilespmem:v28+s8+$0x0], $0xffff;
	v51 =	vor.u32 $0x32, v8  }
0x585: {  	v44 =	vld.idx.msk [tilespmem:v44+s18+$0x0], $0xffff;
	v48 =	vor.u32 $0x30, v7  }
0x586: {  	v46 =	vld.idx.msk [tilespmem:v46+s18+$0x0], $0xffff;
	v49 =	vor.u32 $0x31, v8  }
0x587: {  	v47 =	vld.idx.msk [tilespmem:v47+s8+$0x0], $0xffff;
	v50 =	vor.u32 $0x31, v7  }
0x588: {  	v1 =	vadd.f32 v20, v1;
	v52 =	vor.u32 $0x32, v7;
	v20 =	vmul.f32 v54, v53;
	v54 =	vld [tilespmem:$0x1F980]  }
0x589: {  	v58 =	vmul.f32 v58, v33;
	v33 =	vld.idx.msk [tilespmem:v51+s8+$0x0], $0xffff;
	v51 =	vor.u32 $0x34, v7  }
0x58a: {  	v57 =	vmul.f32 v57, v32;
	v48 =	vld.idx.msk [tilespmem:v48+s18+$0x0], $0xffff;
	v16 =	vadd.f32 v22, v16  }
0x58b: {  	v59 =	vmul.f32 v59, v34;
	v49 =	vld.idx.msk [tilespmem:v49+s8+$0x0], $0xffff;
	v53 =	vor.u32 $0x33, v8  }
0x58c: {  	v32 =	vld.idx.msk [tilespmem:v50+s18+$0x0], $0xffff;
	v50 =	vor.u32 $0x34, v8;
	v16 =	vadd.f32 v57, v16;
	v13 =	vadd.f32 v20, v13  }
0x58d: {  	v57 =	vmul.f32 v61, v36;
	v34 =	vld.idx.msk [tilespmem:v52+s18+$0x0], $0xffff;
	v52 =	vor.u32 $0x35, v8;
	v22 =	vmul.f32 v55, v54  }
0x58e: {  	v61 =	vmul.f32 v63, v38;
	v38 =	vld.idx.msk [tilespmem:v51+s18+$0x0], $0xffff;
	v13 =	vadd.f32 v58, v13;
	v58 =	vor.u32 $0x36, v8  }
0x58f: {  	v55 =	vld [tilespmem:$0x1F990];
	v54 =	vor.u32 $0x33, v7;
	v19 =	vadd.f32 v22, v19  }
0x590: {  	v60 =	vmul.f32 v60, v35;
	v35 =	vld.idx.msk [tilespmem:v53+s8+$0x0], $0xffff;
	v53 =	vor.u32 $0x35, v7  }
0x591: {  	v19 =	vadd.f32 v59, v19;
	v59 =	vmul.f32 v62, v37;
	v37 =	vld.idx.msk [tilespmem:v50+s8+$0x0], $0xffff  }
0x592: {  	v62 =	vmul.f32 v30, v39;
	v30 =	vld.idx.msk [tilespmem:v52+s8+$0x0], $0xffff  }
0x593: {  	v16 =	vadd.f32 v57, v16;
	v57 =	vmul.f32 v25, v41;
	v41 =	vor.u32 $0x3B, v8;
	v25 =	vld.idx.msk [tilespmem:v58+s8+$0x0], $0xffff  }
0x594: {  	v17 =	vmul.f32 v17, v29;
	v58 =	vor.u32 $0x38, v7;
	v36 =	vld.idx.msk [tilespmem:v54+s18+$0x0], $0xffff  }
0x595: {  	v39 =	vor.u32 $0x3A, v7;
	v20 =	vmul.f32 v56, v55;
	v55 =	vmul.f32 v31, v40;
	v31 =	vld.idx.msk [tilespmem:v53+s18+$0x0], $0xffff  }
0x596: {  	v18 =	vmul.f32 v18, v26;
	v50 =	vor.u32 $0x3B, v7;
	v13 =	vadd.f32 v59, v13;
	v59 =	vld [tilespmem:$0x1F9A0]  }
0x597: {  	v12 =	vmul.f32 v12, v21;
	v51 =	vor.u32 $0x37, v8;
	v19 =	vadd.f32 v61, v19;
	v61 =	vld [tilespmem:$0x1F9B0]  }
0x598: {  	v54 =	vor.u32 $0x3D, v8;
	v1 =	vadd.f32 v20, v1;
	v16 =	vadd.f32 v55, v16;
	v55 =	vld.idx.msk [tilespmem:v41+s8+$0x0], $0xffff  }
0x599: {  	v5 =	vmul.f32 v5, v11;
	v0 =	vmul.f32 v6, v0;
	v63 =	vor.u32 $0x37, v7;
	v40 =	vld.idx.msk [tilespmem:v58+s18+$0x0], $0xffff  }
0x59a: {  	v10 =	vmul.f32 v10, v15;
	v1 =	vadd.f32 v60, v1;
	v60 =	vor.u32 $0x36, v7;
	v53 =	vld.idx.msk [tilespmem:v39+s18+$0x0], $0xffff  }
0x59b: {  	v2 =	vmul.f32 v4, v2;
	v56 =	vor.u32 $0x38, v8;
	v16 =	vadd.f32 v18, v16;
	v4 =	vld.idx.msk [tilespmem:v50+s18+$0x0], $0xffff  }
0x59c: {  	v52 =	vor.u32 $0x3C, v7;
	v22 =	vmul.f32 v42, v59;
	v20 =	vmul.f32 v43, v61;
	v43 =	vld.idx.msk [tilespmem:v51+s8+$0x0], $0xffff  }
0x59d: {  	v1 =	vadd.f32 v62, v1;
	v62 =	vor.u32 $0x39, v7;
	v0 =	vadd.f32 v0, v16;
	v16 =	vld.idx.msk [tilespmem:v54+s8+$0x0], $0xffff  }
0x59e: {  	v13 =	vadd.f32 v57, v13;
	v51 =	vor.u32 $0x3C, v8;
	v19 =	vadd.f32 v22, v19;
	v22 =	vld.idx.msk [tilespmem:v63+s18+$0x0], $0xffff  }
0x59f: {  	v3 =	vmul.f32 v27, v3;
	v1 =	vadd.f32 v20, v1;
	v42 =	vld.idx.msk [tilespmem:v60+s18+$0x0], $0xffff;
	v60 =	vor.u32 $0x39, v8  }
0x5a0: {  	v57 =	vor.u32 $0x3E, v8;
	v58 =	vmul.f32 v24, v23;
	v13 =	vadd.f32 v17, v13;
	v20 =	vld.idx.msk [tilespmem:v56+s8+$0x0], $0xffff  }
0x5a1: {  	v63 =	vor.u32 $0x3A, v8;
	v1 =	vadd.f32 v5, v1;
	v5 =	vmul.f32 v14, v9;
	v14 =	vld.idx.msk [tilespmem:v52+s18+$0x0], $0xffff  }
0x5a2: {  	v61 =	vmul.f32 v44, v28;
	v56 =	vor.u32 $0x3D, v7;
	v12 =	vadd.f32 v12, v19;
	v6 =	vld.idx.msk [tilespmem:v62+s18+$0x0], $0xffff  }
0x5a3: {  	v0 =	vadd.f32 v2, v0;
	v8 =	vor.u32 $0x3F, v8;
	v59 =	vld.idx.msk [tilespmem:v51+s8+$0x0], $0xffff;
	v5 =	vadd.f32 v5, v13  }
0x5a4: {  	v10 =	vadd.f32 v10, v12;
	v1 =	vadd.f32 v3, v1;
	v11 =	vld.idx.msk [tilespmem:v60+s8+$0x0], $0xffff;
	v60 =	vor.u32 $0x3E, v7  }
0x5a5: {  	v12 =	vld.idx.msk [tilespmem:v57+s8+$0x0], $0xffff;
	v3 =	vadd.f32 v58, v5;
	v5 =	vmul.f32 v46, v45;
	v7 =	vor.u32 $0x3F, v7  }
0x5a6: {  	v62 =	vmul.f32 v32, v49;
	v9 =	vld.idx.msk [tilespmem:v63+s8+$0x0], $0xffff;
	v2 =	vadd.f32 v61, v10;
	v10 =	vmul.f32 v48, v47  }
0x5a7: {  	v21 =	vld.idx.msk [tilespmem:v56+s18+$0x0], $0xffff;
	v63 =	vmul.f32 v36, v35;
	v1 =	vadd.f32 v5, v1;
	v5 =	vmul.f32 v34, v33  }
0x5a8: {  	v22 =	vmul.f32 v22, v43;
	v8 =	vld.idx.msk [tilespmem:v8+s8+$0x0], $0xffff;
	v0 =	vadd.f32 v10, v0;
	v10 =	vmul.f32 v38, v37  }
0x5a9: {  	v3 =	vadd.f32 v62, v3;
	v2 =	vadd.f32 v5, v2;
	v5 =	vmul.f32 v31, v30;
	v19 =	vld.idx.msk [tilespmem:v60+s18+$0x0], $0xffff  }
0x5aa: {  	v1 =	vadd.f32 v63, v1;
	v0 =	vadd.f32 v10, v0;
	v10 =	vmul.f32 v42, v25;
	v7 =	vld.idx.msk [tilespmem:v7+s18+$0x0], $0xffff  }
0x5ab: {  	v6 =	vmul.f32 v6, v11;
	v3 =	vadd.f32 v5, v3;
	v5 =	vmul.f32 v40, v20  }
0x5ac: {  	v9 =	vmul.f32 v53, v9;
	v2 =	vadd.f32 v10, v2;
	v1 =	vadd.f32 v22, v1  }
0x5ad: {  	v4 =	vmul.f32 v4, v55;
	v0 =	vadd.f32 v5, v0;
	v3 =	vadd.f32 v6, v3  }
0x5ae: {  	v2 =	vadd.f32 v9, v2;
	v5 =	vmul.f32 v14, v59;
	v6 =	vmul.f32 v21, v16  }
0x5af: {  	v1 =	vadd.f32 v4, v1;
	v4 =	vmul.f32 v19, v12;
	v7 =	vmul.f32 v7, v8  }
0x5b0: {  	v0 =	vadd.f32 v5, v0;
	v3 =	vadd.f32 v6, v3  }
0x5b1: {  	v2 =	vadd.f32 v4, v2;
	v1 =	vadd.f32 v7, v1  }
0x5b2: {  	p0 =	sne.s32 s7, $0xF0  }
.Ltmp13:
0x5b3: {  	v0 =	vadd.f32 v3, v0;
	v1 =	vadd.f32 v1, v2;
	(pc) =	sbr.rel @p0 .LBB2_21-.Ltmp13, $4  }
0x5b4: {  	_ = 	snop  }
0x5b5: {  	v11 =	vld [tilespmem:$0x1FFF0];
	v0 =	vadd.f32 v1, v0  }
0x5b6: {  	s31 =	rddreg [dreg:$0x19];
	vm10 =	vmmov vm12;
	v9 =	vld [tilespmem:$0x1FFE0]  }
0x5b7: {  	s7 =	sadd.s32 $0x10, s7;
	s0 =	sadd.s32 $0x10, s31;
	vm9 =	vmmov vm11;
	v10 =	vimm.s32 $0x0;
	v8 =	vld [tilespmem:$0x1FFD0];
	v6 =	vimm.s32 $0x200;
	[tilespmem:s31+$0x0] =	vst v0  }
0x5b8: {  	s0 =	rddreg [dreg:$0x4]  }
0x5b9: {  	s1 =	rddreg [dreg:$0x13]  }
0x5ba: {  	s0 =	sadd.s32 s0, s1  }
0x5bb: {  	s28 =	rddreg [dreg:$0x6];
	s29 =	simm.s32 $0x0;
	s0 =	sshrl.u32 s0, $0x3  }
0x5bc: {  	s2 =	simm.s32 $0x1EC00;
	s30 =	simm.s32 $0x7;
	s0 =	sadd.s32 s28, s0  }
0x5bd: {  	[hbm4b:s0+s29] =	stream.linear.scatter [tilespmem:s2], [sflag:$0x7], $0x100, $0x38;
	[tilespmem:$0x1ED00] =	vst v63  }
0x5be: {  	_ =	swait.ge [sflag:s30], $0x100  }
0x5bf: {  	s31 =	rddreg [dreg:$0x10]  }
0x5c0: {  	s1 =	sadd.s32 $0x1, s31  }
0x5c1: {  	p0 =	sne.s32 s1, $0x9  }
.Ltmp14:
0x5c2: {  	_ = 	snop;
	(pc) =	sbr.rel @p0 .LBB2_4-.Ltmp14, $4  }
.Ltmp15:
0x5c3: {  	_ = 	snop;
	(pc) =	sbr.rel @!p0 .LBB2_23-.Ltmp15, $4  }
0x5c4: {  	_ = 	snop  }
0x5c5: {  	[sflag:s30] =	ssyncset.done $0x0  }
0x5c6: {  	[sflag:s30] =	ssyncadd.s32 $0xFFFFFF00;
	[dreg:$0x10] =	wrdreg s1  }
0x5c7: {  	_ = 	snop  }
.LBB2_24:
0x5c8: {  	_ =	sfence.sel $0x180000  }
0x5c9: {  	[bflag:$0x0] =	sbarrier.arrive $0xFFFF  }
0x5ca: {  	_ =	strace $0x90000047  }
0x5cb: {  	s0 =	stileid.u32;
	[bflag:$0x2] =	sbarrier.arrive $0xFFFF  }
0x5cc: {  	p0 =	sne.s32 s0, $0x0;
	s0 =	rddreg [dreg:$0x3]  }
0x5cd: {  	s0 =	sadd.s32 @!p0 $0x100000, s0  }
0x5ce: {  	[sflag:s0] =	ssyncadd.tile.s32 @!p0 $0x1;
	_ =	shalt  }
.Lfunc_end2:
_tile_overlayer_lowered:
.L_overlay_start_2:
0x5cf: {  	(tag) =	ssettag $0x2  }
0x5d0: {  	s0 =	rddreg [dreg:$0x0];
	s2 =	stileid.u32  }
0x5d1: {  	s1 =	rddreg [dreg:$0x1];
	p0 =	sne.s32 s2, $0x0  }
0x5d2: {  	s3 =	rddreg [dreg:$0x2];
	[bflag:$0x3] =	sbarrier.arrive $0xFFFF;
	s2 =	simm.s32 @!p0 $0x1C07  }
0x5d3: {  	[timem:s3], [sflag:s2] =	dma.local @!p0 [hbm:s0], s1  }
0x5d4: {  	s0 =	simm.s32 @!p0 $0x7  }
0x5d5: {  	_ =	swait.ge @!p0 [sflag:s0], s1  }
0x5d6: {  	s1 =	ssub.s32 @!p0 $0x0, s1;
	[sflag:s0] =	ssyncset.done @!p0 $0x0  }
0x5d7: {  	[sflag:s0] =	ssyncadd.s32 @!p0 s1  }
0x5d8: {  	[bflag:$0x3] =	sbarrier.arrive $0xFFFF  }
0x5d9: {  	_ =	shalt  }

</sc_bundles>
